<compile_context>
chip_gen: v7x
topology: tpu7x:2x2x1
jax: 0.10.2.dev20260603
libtpu: 0.0.44.dev20260713+nightly
codegen_flags: <defaults>
</compile_context>

<pallas_src>
import functools

import jax
import jax.numpy as jnp
from jax import lax
from jax.experimental import pallas as pl
from jax.experimental.pallas import tpu as pltpu
from jax.experimental.pallas import tpu_sc as plsc

N = 10000
E = 320000
FN = 128
FE = 16
H = 64

NC = 2
NS = 16
NW = NC * NS
CHUNK = 128
NBUF = 4
K = (-(-E // (NW * CHUNK)) + NBUF - 1) // NBUF * NBUF
E_PAD = NW * K * CHUNK
N_ACC = 10240
RPT = N_ACC // NS
DUMMY = N


def _sc_mesh():
    return plsc.VectorSubcoreMesh(core_axis_name="c", subcore_axis_name="s",
                                  num_cores=NC, num_subcores=NS)


_SC_PARAMS = pltpu.CompilerParams(use_tc_tiling_on_sc=False)


def _zero_rows(ref, nrows, ncols):
    def body(i, _):
        for cth in range(ncols // 16):
            ref[i, pl.ds(cth * 16, 16)] = jnp.zeros((16,), jnp.float32)
        return 0
    lax.fori_loop(0, nrows, body, 0)


@functools.lru_cache(maxsize=None)
def _build_sc():
    interpret = False

    @functools.partial(
        pl.kernel,
        out_type=jax.ShapeDtypeStruct((NC, N_ACC, 16), jnp.float32),
        mesh=_sc_mesh(),
        scratch_types=[
            pltpu.VMEM((K, CHUNK), jnp.int32),
            pltpu.VMEM((CHUNK, 16), jnp.float32),
            pltpu.VMEM((RPT, 16), jnp.float32),
            pltpu.VMEM_SHARED((N_ACC, 16), jnp.float32),
            pltpu.SemaphoreType.DMA,
        ],
        compiler_params=_SC_PARAMS,
        interpret=interpret,
    )
    def deg_kernel(dst_hbm, out_hbm, dst_v, ones_v, stage_v, accum, sem):
        c = lax.axis_index("c")
        s = lax.axis_index("s")
        w = c * NS + s
        base = s * RPT

        def fill_ones(i, _):
            ones_v[i, :] = jnp.ones((16,), jnp.float32)
            return 0
        lax.fori_loop(0, CHUNK, fill_ones, 0)
        _zero_rows(stage_v, RPT, 16)

        pltpu.sync_copy(dst_hbm.at[w], dst_v)
        pltpu.sync_copy(stage_v, accum.at[pl.ds(base, RPT)])
        plsc.subcore_barrier()

        def body(j, _):
            pltpu.async_copy(ones_v, accum.at[dst_v.at[j]], sem, add=True)
            return 0
        lax.fori_loop(0, K, body, 0)

        def drain(j, _):
            pltpu.make_async_copy(ones_v, accum.at[dst_v.at[j]], sem).wait()
            return 0
        lax.fori_loop(0, K, drain, 0)

        plsc.subcore_barrier()
        pltpu.sync_copy(accum.at[pl.ds(base, RPT)], stage_v)
        pltpu.sync_copy(stage_v, out_hbm.at[c, pl.ds(base, RPT)])

    @functools.partial(
        pl.kernel,
        out_type=jax.ShapeDtypeStruct((NC, N_ACC, H), jnp.float32),
        mesh=_sc_mesh(),
        scratch_types=[
            pltpu.VMEM((K, CHUNK), jnp.int32),
            pltpu.VMEM((K, CHUNK), jnp.int32),
            pltpu.VMEM((NBUF, CHUNK, H), jnp.float32),
            pltpu.VMEM((CHUNK, H), jnp.float32),
            pltpu.VMEM_SHARED((N_ACC, H), jnp.float32),
            pltpu.SemaphoreType.DMA((NBUF,)),
            pltpu.SemaphoreType.DMA((NBUF,)),
        ],
        compiler_params=_SC_PARAMS,
        interpret=interpret,
    )
    def scatter_kernel(y_hbm, src_hbm, dst_hbm, out_hbm,
                       src_v, dst_v, rows_v, stage_v, accum, gsem, ssem):
        c = lax.axis_index("c")
        s = lax.axis_index("s")
        w = c * NS + s
        base = s * RPT

        _zero_rows(stage_v, CHUNK, H)
        pltpu.sync_copy(src_hbm.at[w], src_v)
        pltpu.sync_copy(dst_hbm.at[w], dst_v)
        for r in range(RPT // CHUNK):
            pltpu.sync_copy(stage_v, accum.at[pl.ds(base + r * CHUNK, CHUNK)])
        plsc.subcore_barrier()

        for b in range(NBUF):
            pltpu.async_copy(y_hbm.at[src_v.at[b]], rows_v.at[b], gsem.at[b])

        def body(jj, _):
            for b in range(NBUF):
                j = jj + b
                pltpu.make_async_copy(
                    y_hbm.at[src_v.at[j]], rows_v.at[b], gsem.at[b]).wait()
                pltpu.async_copy(
                    rows_v.at[b], accum.at[dst_v.at[j]], ssem.at[b], add=True)
            for b in range(NBUF):
                j = jj + b
                pltpu.make_async_copy(
                    rows_v.at[b], accum.at[dst_v.at[j]], ssem.at[b]).wait()

                @pl.when(j + NBUF < K)
                def _():
                    pltpu.async_copy(
                        y_hbm.at[src_v.at[j + NBUF]], rows_v.at[b], gsem.at[b])
            return 0
        lax.fori_loop(0, K // NBUF, lambda i, cc: body(i * NBUF, cc), 0)

        plsc.subcore_barrier()
        for r in range(RPT // CHUNK):
            pltpu.sync_copy(accum.at[pl.ds(base + r * CHUNK, CHUNK)], stage_v)
            pltpu.sync_copy(stage_v, out_hbm.at[c, pl.ds(base + r * CHUNK, CHUNK)])

    GBUF = 2

    @functools.partial(
        pl.kernel,
        out_type=jax.ShapeDtypeStruct((E_PAD, 2 * H), jnp.float32),
        mesh=_sc_mesh(),
        scratch_types=[
            pltpu.VMEM((K, CHUNK), jnp.int32),
            pltpu.VMEM((K, CHUNK), jnp.int32),
            pltpu.VMEM((GBUF, CHUNK, H), jnp.float32),
            pltpu.VMEM((GBUF, CHUNK, H), jnp.float32),
            pltpu.VMEM((GBUF, CHUNK, 2 * H), jnp.float32),
            pltpu.SemaphoreType.DMA((GBUF,)),
            pltpu.SemaphoreType.DMA((GBUF,)),
            pltpu.SemaphoreType.DMA((GBUF,)),
        ],
        compiler_params=_SC_PARAMS,
        interpret=interpret,
    )
    def gather_kernel(p_hbm, q_hbm, src_hbm, dst_hbm, outpq_hbm,
                      src_v, dst_v, bufp_v, bufq_v, outbuf_v, gpsem, gqsem, wsem):
        c = lax.axis_index("c")
        s = lax.axis_index("s")
        w = c * NS + s
        ebase = w * K * CHUNK

        pltpu.sync_copy(src_hbm.at[w], src_v)
        pltpu.sync_copy(dst_hbm.at[w], dst_v)

        for b in range(GBUF):
            pltpu.async_copy(p_hbm.at[src_v.at[b]], bufp_v.at[b], gpsem.at[b])
            pltpu.async_copy(q_hbm.at[dst_v.at[b]], bufq_v.at[b], gqsem.at[b])

        def body(jj, _):
            for b in range(GBUF):
                j = jj + b
                off = ebase + j * CHUNK

                @pl.when(j >= GBUF)
                def _():
                    pltpu.make_async_copy(
                        outbuf_v.at[b], outpq_hbm.at[pl.ds(ebase, CHUNK)],
                        wsem.at[b]).wait()

                pltpu.make_async_copy(
                    p_hbm.at[src_v.at[j]], bufp_v.at[b], gpsem.at[b]).wait()
                pltpu.make_async_copy(
                    q_hbm.at[dst_v.at[j]], bufq_v.at[b], gqsem.at[b]).wait()

                def asm(r, _):
                    for c4 in range(H // 16):
                        outbuf_v[b, r, pl.ds(c4 * 16, 16)] = \
                            bufp_v[b, r, pl.ds(c4 * 16, 16)]
                        outbuf_v[b, r, pl.ds(H + c4 * 16, 16)] = \
                            bufq_v[b, r, pl.ds(c4 * 16, 16)]
                    return 0
                lax.fori_loop(0, CHUNK, asm, 0)

                pltpu.async_copy(
                    outbuf_v.at[b], outpq_hbm.at[pl.ds(off, CHUNK)], wsem.at[b])

                @pl.when(j + GBUF < K)
                def _():
                    pltpu.async_copy(
                        p_hbm.at[src_v.at[j + GBUF]], bufp_v.at[b], gpsem.at[b])
                    pltpu.async_copy(
                        q_hbm.at[dst_v.at[j + GBUF]], bufq_v.at[b], gqsem.at[b])
            return 0
        lax.fori_loop(0, K // GBUF, lambda i, cc: body(i * GBUF, cc), 0)

        for b in range(GBUF):
            pltpu.make_async_copy(
                outbuf_v.at[b], outpq_hbm.at[pl.ds(ebase, CHUNK)], wsem.at[b]).wait()

    return dict(deg=deg_kernel, scatter=scatter_kernel, gather=gather_kernel)


@functools.lru_cache(maxsize=None)
def _build_tc(interpret: bool = False):

    def _mm(a, b):
        return jnp.dot(a, b, preferred_element_type=jnp.float32)

    BLK_N = 1000
    BLK_E = 2560

    def tc_a_body(x_ref, w1_ref, d0_ref, d1_ref, y_ref, dinv_ref):
        dinv = lax.rsqrt(d0_ref[...] + d1_ref[...] + 1.0)
        y_ref[...] = _mm(x_ref[...], w1_ref[...]) * dinv
        dinv_ref[...] = dinv

    tc_a = pl.pallas_call(
        tc_a_body,
        grid=(N // BLK_N,),
        in_specs=[
            pl.BlockSpec((BLK_N, FN), lambda i: (i, 0)),
            pl.BlockSpec((FN, H), lambda i: (0, 0)),
            pl.BlockSpec((BLK_N, 1), lambda i: (i, 0)),
            pl.BlockSpec((BLK_N, 1), lambda i: (i, 0)),
        ],
        out_specs=[
            pl.BlockSpec((BLK_N, H), lambda i: (i, 0)),
            pl.BlockSpec((BLK_N, 1), lambda i: (i, 0)),
        ],
        out_shape=[
            jax.ShapeDtypeStruct((N, H), jnp.float32),
            jax.ShapeDtypeStruct((N, 1), jnp.float32),
        ],
        interpret=interpret,
    )

    def tc_layer_body(a0_ref, a1_ref, yp_ref, dinv_ref, b_ref, w_ref, y_ref):
        h = jnp.maximum(
            (a0_ref[...] + a1_ref[...] + yp_ref[...]) * dinv_ref[...] + b_ref[...],
            0.0)
        y_ref[...] = _mm(h, w_ref[...]) * dinv_ref[...]

    tc_layer = pl.pallas_call(
        tc_layer_body,
        grid=(N // BLK_N,),
        in_specs=[
            pl.BlockSpec((BLK_N, H), lambda i: (i, 0)),
            pl.BlockSpec((BLK_N, H), lambda i: (i, 0)),
            pl.BlockSpec((BLK_N, H), lambda i: (i, 0)),
            pl.BlockSpec((BLK_N, 1), lambda i: (i, 0)),
            pl.BlockSpec((1, H), lambda i: (0, 0)),
            pl.BlockSpec((H, H), lambda i: (0, 0)),
        ],
        out_specs=pl.BlockSpec((BLK_N, H), lambda i: (i, 0)),
        out_shape=jax.ShapeDtypeStruct((N, H), jnp.float32),
        interpret=interpret,
    )

    def tc_final_body(a0_ref, a1_ref, yp_ref, dinv_ref, b_ref, wa_ref, wb_ref,
                      p_ref, q_ref):
        h = jnp.maximum(
            (a0_ref[...] + a1_ref[...] + yp_ref[...]) * dinv_ref[...] + b_ref[...],
            0.0)
        p_ref[...] = _mm(h, wa_ref[...])
        q_ref[...] = _mm(h, wb_ref[...])

    tc_final = pl.pallas_call(
        tc_final_body,
        grid=(N // BLK_N,),
        in_specs=[
            pl.BlockSpec((BLK_N, H), lambda i: (i, 0)),
            pl.BlockSpec((BLK_N, H), lambda i: (i, 0)),
            pl.BlockSpec((BLK_N, H), lambda i: (i, 0)),
            pl.BlockSpec((BLK_N, 1), lambda i: (i, 0)),
            pl.BlockSpec((1, H), lambda i: (0, 0)),
            pl.BlockSpec((H, H), lambda i: (0, 0)),
            pl.BlockSpec((H, H), lambda i: (0, 0)),
        ],
        out_specs=[
            pl.BlockSpec((BLK_N, H), lambda i: (i, 0)),
            pl.BlockSpec((BLK_N, H), lambda i: (i, 0)),
        ],
        out_shape=[
            jax.ShapeDtypeStruct((N, H), jnp.float32),
            jax.ShapeDtypeStruct((N, H), jnp.float32),
        ],
        interpret=interpret,
    )

    def tc_edge_body(pq_ref, ea_ref, we1_ref, be1_ref, we2_ref, be2_ref,
                     wc1c_ref, bc1_ref, wc2_ref, bc2_ref, wc3_ref, bc3_ref,
                     out_ref):
        e1 = jnp.maximum(_mm(ea_ref[...], we1_ref[...]) + be1_ref[...], 0.0)
        wfold = _mm(we2_ref[...], wc1c_ref[...])
        bfold = _mm(be2_ref[...], wc1c_ref[...]) + bc1_ref[...]
        g = _mm(e1, wfold) + bfold
        z1 = jnp.maximum(pq_ref[:, :H] + pq_ref[:, H:] + g, 0.0)
        z2 = jnp.maximum(_mm(z1, wc2_ref[...]) + bc2_ref[...], 0.0)
        z3 = _mm(z2, wc3_ref[...]) + bc3_ref[...]
        m = jnp.max(z3, axis=1, keepdims=True)
        lse = m + jnp.log(jnp.sum(jnp.exp(z3 - m), axis=1, keepdims=True))
        out_ref[...] = jnp.swapaxes(z3 - lse, 0, 1)

    LAST_EA = E // BLK_E - 1
    tc_edge = pl.pallas_call(
        tc_edge_body,
        grid=(E_PAD // BLK_E,),
        in_specs=[
            pl.BlockSpec((BLK_E, 2 * H), lambda i: (i, 0)),
            pl.BlockSpec((BLK_E, FE), lambda i: (jnp.minimum(i, LAST_EA), 0)),
            pl.BlockSpec((FE, H), lambda i: (0, 0)),
            pl.BlockSpec((1, H), lambda i: (0, 0)),
            pl.BlockSpec((H, H), lambda i: (0, 0)),
            pl.BlockSpec((1, H), lambda i: (0, 0)),
            pl.BlockSpec((H, H), lambda i: (0, 0)),
            pl.BlockSpec((1, H), lambda i: (0, 0)),
            pl.BlockSpec((H, H // 2), lambda i: (0, 0)),
            pl.BlockSpec((1, H // 2), lambda i: (0, 0)),
            pl.BlockSpec((H // 2, 2), lambda i: (0, 0)),
            pl.BlockSpec((1, 2), lambda i: (0, 0)),
        ],
        out_specs=pl.BlockSpec((2, BLK_E), lambda i: (0, i)),
        out_shape=jax.ShapeDtypeStruct((2, E_PAD), jnp.float32),
        interpret=interpret,
    )

    return dict(tc_a=tc_a, tc_layer=tc_layer, tc_final=tc_final,
                tc_edge=tc_edge)


def kernel(x, edge_index, edge_attr, W1, b1, W2, b2, W3, b3,
           We1, be1, We2, be2, Wc1, bc1, Wc2, bc2, Wc3, bc3):
    k = dict(_build_sc())
    k.update(_build_tc(False))
    ei = edge_index.astype(jnp.int32)
    src, dst = ei[0], ei[1]
    pad = E_PAD - E
    ar = jnp.arange(pad, dtype=jnp.int32)
    pad_lo = ar % jnp.int32(256)
    pad_hi = DUMMY + ar % jnp.int32(N_ACC - N)
    def slab(v):
        return v.reshape(NW, K, CHUNK)
    src_p = slab(jnp.concatenate([src, pad_lo]))
    dst_p = slab(jnp.concatenate([dst, pad_hi]))
    dst_g = slab(jnp.concatenate([dst, pad_lo]))

    degp = k["deg"](dst_p)
    d0 = degp[0, :N, 0:1]
    d1 = degp[1, :N, 0:1]

    y1, dinv = k["tc_a"](x, W1, d0, d1)
    agg = k["scatter"](y1, src_p, dst_p)
    y2 = k["tc_layer"](agg[0, :N], agg[1, :N], y1, dinv, b1.reshape(1, H), W2)
    agg = k["scatter"](y2, src_p, dst_p)
    y3 = k["tc_layer"](agg[0, :N], agg[1, :N], y2, dinv, b2.reshape(1, H), W3)
    agg = k["scatter"](y3, src_p, dst_p)
    P, Q = k["tc_final"](agg[0, :N], agg[1, :N], y3, dinv, b3.reshape(1, H),
                         Wc1[:H], Wc1[H:2 * H])
    Pq = k["gather"](P, Q, src_p, dst_g)
    out = k["tc_edge"](Pq, edge_attr,
                       We1, be1.reshape(1, H), We2, be2.reshape(1, H),
                       Wc1[2 * H:], bc1.reshape(1, H),
                       Wc2, bc2.reshape(1, H // 2), Wc3, bc3.reshape(1, 2))
    return out[:, :E].T

# --- scband reference (transcript-rebuilt; emitter-appended) ---
"""Pipeline reference for scband-tspgnn-81853486727223 (READ-ONLY COPY).

The authoritative reference and input builder live on the scoring server;
editing this copy changes nothing except your own understanding.
"""

import jax, jax.numpy as jnp
import numpy as np

N = 10000
E = 320000
F_NODE = 128
F_EDGE = 16
H = 64


def _lin(key, fan_in, fan_out):
    return jax.random.normal(key, (fan_in, fan_out), jnp.float32) * (1.0 / np.sqrt(fan_in))


def gcn_conv(x, W, b, src, dst, n):
    # PyG GCNConv: add self-loops, symmetric normalization, linear transform, scatter-add aggregate
    xw = x @ W
    loops = jnp.arange(n)
    s = jnp.concatenate([src, loops])
    d = jnp.concatenate([dst, loops])
    ones = jnp.ones(s.shape[0], dtype=x.dtype)
    deg = jnp.zeros((n,), x.dtype).at[d].add(ones)
    dinv = jnp.where(deg > 0, deg ** -0.5, 0.0)
    norm = dinv[s] * dinv[d]
    msgs = xw[s] * norm[:, None]
    out = jnp.zeros((n, xw.shape[1]), x.dtype).at[d].add(msgs)
    return out + b


def setup_inputs(seed: int = 0) -> dict:
    key = jax.random.key(seed)
    ks = jax.random.split(key, 24)
    x = jax.random.normal(ks[0], (N, F_NODE), jnp.float32)
    edge_index = jax.random.randint(ks[1], (2, E), 0, N, dtype=jnp.int64)
    edge_attr = jax.random.normal(ks[2], (E, F_EDGE), jnp.float32)
    return {
        "x": x,
        "edge_index": edge_index,
        "edge_attr": edge_attr,
        "W1": _lin(ks[3], F_NODE, H), "b1": jnp.zeros((H,), jnp.float32),
        "W2": _lin(ks[4], H, H), "b2": jnp.zeros((H,), jnp.float32),
        "W3": _lin(ks[5], H, H), "b3": jnp.zeros((H,), jnp.float32),
        "We1": _lin(ks[6], F_EDGE, H), "be1": jnp.zeros((H,), jnp.float32),
        "We2": _lin(ks[7], H, H), "be2": jnp.zeros((H,), jnp.float32),
        "Wc1": _lin(ks[8], 3 * H, H), "bc1": jnp.zeros((H,), jnp.float32),
        "Wc2": _lin(ks[9], H, H // 2), "bc2": jnp.zeros((H // 2,), jnp.float32),
        "Wc3": _lin(ks[10], H // 2, 2), "bc3": jnp.zeros((2,), jnp.float32),
    }


def reference(x, edge_index, edge_attr, W1, b1, W2, b2, W3, b3,
              We1, be1, We2, be2, Wc1, bc1, Wc2, bc2, Wc3, bc3):
    n = x.shape[0]
    src = edge_index[0]
    dst = edge_index[1]
    # 3 GCN layers (dropout is identity in eval mode)
    h = jax.nn.relu(gcn_conv(x, W1, b1, src, dst, n))
    h = jax.nn.relu(gcn_conv(h, W2, b2, src, dst, n))
    h = jax.nn.relu(gcn_conv(h, W3, b3, src, dst, n))
    # edge encoder
    ef = jax.nn.relu(edge_attr @ We1 + be1) @ We2 + be2
    # edge classifier on [h_i, h_j, ef]
    comb = jnp.concatenate([h[src], h[dst], ef], axis=1)
    z = jax.nn.relu(comb @ Wc1 + bc1)
    z = jax.nn.relu(z @ Wc2 + bc2)
    z = z @ Wc3 + bc3
    return jax.nn.log_softmax(z, axis=1)

if __name__ == "__main__":
    import jax
    _d = setup_inputs()
    print(jax.jit(kernel)(*tuple(_d.values())))

</pallas_src>

<mosaic_0001>
#map = affine_map<(d0, d1) -> (0, 0)>
#map1 = affine_map<(d0, d1) -> (0, 0, 0)>
module attributes {stable_mosaic.version = 14 : i64} {
  func.func @scatter_kernel(%arg0: i32, %arg1: i32, %arg2: memref<10000x64xf32, #tpu.memory_space<hbm>>, %arg3: memref<32x80x128xi32, #tpu.memory_space<hbm>>, %arg4: memref<32x80x128xi32, #tpu.memory_space<hbm>>, %arg5: memref<2x10240x64xf32, #tpu.memory_space<hbm>>, %arg6: memref<80x128xi32, #tpu.memory_space<vmem>>, %arg7: memref<80x128xi32, #tpu.memory_space<vmem>>, %arg8: memref<4x128x64xf32, #tpu.memory_space<vmem>>, %arg9: memref<128x64xf32, #tpu.memory_space<vmem>>, %arg10: memref<10240x64xf32, #tpu.memory_space<vmem_shared>>, %arg11: memref<4x!tpu.dma_semaphore, #tpu.memory_space<semaphore_mem>>, %arg12: memref<4x!tpu.dma_semaphore, #tpu.memory_space<semaphore_mem>>) attributes {dimension_semantics = [#tpu.dimension_semantics<core_parallel>, #tpu.dimension_semantics<subcore_parallel>], iteration_bounds = array<i64: 2, 16>, scalar_prefetch = 0 : i64, scratch_operands = 7 : i64, tpu.core_type = #tpu.core_type<sc_vector_subcore>, window_params = [{transform_indices = #map}, {transform_indices = #map1}, {transform_indices = #map1}, {transform_indices = #map1}]} {
    %mul3A = arith.constant 16 : i32
    %mul3A_0 = arith.muli %arg0, %mul3A : i32
    %add3A = arith.addi %mul3A_0, %arg1 : i32
    %mul3A_1 = arith.constant 640 : i32
    %mul3A_2 = arith.muli %arg1, %mul3A_1 : i32
    %scan3A = arith.constant 0 : i32
    %scan3A_3 = arith.constant 0 : i32
    %scan3A_4 = arith.constant 128 : i32
    %scan3A_5 = arith.addi %scan3A_3, %scan3A_4 : i32
    %scan3A_6 = arith.constant 1 : i32
    %scan3A_7 = scf.for %scan3A_106 = %scan3A_3 to %scan3A_5 step %scan3A_6 iter_args(%scan3A_107 = %scan3A) -> (i32)  : i32 {
      %broadcast_in_dim3A = arith.constant 0.000000e+00 : f32
      %broadcast_in_dim3A_108 = vector.broadcast %broadcast_in_dim3A : f32 to vector<16xf32>
      %swap3A = arith.index_cast %scan3A_106 : i32 to index
      %swap3A_109 = arith.constant 0 : index
      %swap3A_110 = tpu.vector_load %arg9[%swap3A, %swap3A_109] {strides = array<i32>} : memref<128x64xf32, #tpu.memory_space<vmem>>, vector<1x16xf32>,
      %swap3A_111 = vector.shape_cast %swap3A_110 : vector<1x16xf32> to vector<16xf32>
      %swap3A_112 = vector.shape_cast %broadcast_in_dim3A_108 : vector<16xf32> to vector<1x16xf32>
      tpu.vector_store %arg9[%swap3A, %swap3A_109], %swap3A_112 {strides = array<i32>} : memref<128x64xf32, #tpu.memory_space<vmem>>, vector<1x16xf32>,
      %broadcast_in_dim3A_113 = arith.constant 0.000000e+00 : f32
      %broadcast_in_dim3A_114 = vector.broadcast %broadcast_in_dim3A_113 : f32 to vector<16xf32>
      %swap3A_115 = arith.index_cast %scan3A_106 : i32 to index
      %swap3A_116 = arith.constant 16 : index
      %swap3A_117 = tpu.vector_load %arg9[%swap3A_115, %swap3A_116] {strides = array<i32>} : memref<128x64xf32, #tpu.memory_space<vmem>>, vector<1x16xf32>,
      %swap3A_118 = vector.shape_cast %swap3A_117 : vector<1x16xf32> to vector<16xf32>
      %swap3A_119 = vector.shape_cast %broadcast_in_dim3A_114 : vector<16xf32> to vector<1x16xf32>
      tpu.vector_store %arg9[%swap3A_115, %swap3A_116], %swap3A_119 {strides = array<i32>} : memref<128x64xf32, #tpu.memory_space<vmem>>, vector<1x16xf32>,
      %broadcast_in_dim3A_120 = arith.constant 0.000000e+00 : f32
      %broadcast_in_dim3A_121 = vector.broadcast %broadcast_in_dim3A_120 : f32 to vector<16xf32>
      %swap3A_122 = arith.index_cast %scan3A_106 : i32 to index
      %swap3A_123 = arith.constant 32 : index
      %swap3A_124 = tpu.vector_load %arg9[%swap3A_122, %swap3A_123] {strides = array<i32>} : memref<128x64xf32, #tpu.memory_space<vmem>>, vector<1x16xf32>,
      %swap3A_125 = vector.shape_cast %swap3A_124 : vector<1x16xf32> to vector<16xf32>
      %swap3A_126 = vector.shape_cast %broadcast_in_dim3A_121 : vector<16xf32> to vector<1x16xf32>
      tpu.vector_store %arg9[%swap3A_122, %swap3A_123], %swap3A_126 {strides = array<i32>} : memref<128x64xf32, #tpu.memory_space<vmem>>, vector<1x16xf32>,
      %broadcast_in_dim3A_127 = arith.constant 0.000000e+00 : f32
      %broadcast_in_dim3A_128 = vector.broadcast %broadcast_in_dim3A_127 : f32 to vector<16xf32>
      %swap3A_129 = arith.index_cast %scan3A_106 : i32 to index
      %swap3A_130 = arith.constant 48 : index
      %swap3A_131 = tpu.vector_load %arg9[%swap3A_129, %swap3A_130] {strides = array<i32>} : memref<128x64xf32, #tpu.memory_space<vmem>>, vector<1x16xf32>,
      %swap3A_132 = vector.shape_cast %swap3A_131 : vector<1x16xf32> to vector<16xf32>
      %swap3A_133 = vector.shape_cast %broadcast_in_dim3A_128 : vector<16xf32> to vector<1x16xf32>
      tpu.vector_store %arg9[%swap3A_129, %swap3A_130], %swap3A_133 {strides = array<i32>} : memref<128x64xf32, #tpu.memory_space<vmem>>, vector<1x16xf32>,
      %scan3A_134 = arith.constant 0 : i32
      scf.yield %scan3A_134 : i32
    }
    %scan3A_8 = arith.constant 128 : i32
    "tpu.region"() ({
      %run_scoped3A = tpu.sem_alloc : memref<!tpu.dma_semaphore, #tpu.memory_space<semaphore_mem>>
      %dma_start3A_106 = arith.constant 0 : i32
      %dma_start3A_107 = arith.constant 0 : i32
      %dma_start3A_108 = tpu.memref_slice %arg3[%add3A, %dma_start3A_106, %dma_start3A_107] : memref<32x80x128xi32, #tpu.memory_space<hbm>> -> memref<1x80x128xi32, #tpu.memory_space<hbm>>
      %dma_start3A_109 = tpu.memref_squeeze %dma_start3A_108 : memref<1x80x128xi32, #tpu.memory_space<hbm>> -> memref<80x128xi32, #tpu.memory_space<hbm>>
      %dma_start3A_110 = arith.constant 0 : i32
      %dma_start3A_111 = arith.constant 0 : i32
      %dma_start3A_112 = tpu.memref_slice %arg3[%add3A, %dma_start3A_110, %dma_start3A_111] : memref<32x80x128xi32, #tpu.memory_space<hbm>> -> memref<1x80x128xi32, #tpu.memory_space<hbm>>
      %dma_start3A_113 = tpu.memref_squeeze %dma_start3A_112 : memref<1x80x128xi32, #tpu.memory_space<hbm>> -> memref<80x128xi32, #tpu.memory_space<hbm>>
      tpu.enqueue_dma source(%dma_start3A_113 : memref<80x128xi32, #tpu.memory_space<hbm>>) target(%arg6 : memref<80x128xi32, #tpu.memory_space<vmem>>) target_semaphore(%run_scoped3A : memref<!tpu.dma_semaphore, #tpu.memory_space<semaphore_mem>>)
      %dma_wait3A = arith.constant 0 : i32
      %dma_wait3A_114 = arith.constant 0 : i32
      %dma_wait3A_115 = tpu.memref_slice %arg3[%add3A, %dma_wait3A, %dma_wait3A_114] : memref<32x80x128xi32, #tpu.memory_space<hbm>> -> memref<1x80x128xi32, #tpu.memory_space<hbm>>
      %dma_wait3A_116 = tpu.memref_squeeze %dma_wait3A_115 : memref<1x80x128xi32, #tpu.memory_space<hbm>> -> memref<80x128xi32, #tpu.memory_space<hbm>>
      %dma_wait3A_117 = arith.constant 0 : i32
      %dma_wait3A_118 = arith.constant 0 : i32
      %dma_wait3A_119 = tpu.memref_slice %arg3[%add3A, %dma_wait3A_117, %dma_wait3A_118] : memref<32x80x128xi32, #tpu.memory_space<hbm>> -> memref<1x80x128xi32, #tpu.memory_space<hbm>>
      %dma_wait3A_120 = tpu.memref_squeeze %dma_wait3A_119 : memref<1x80x128xi32, #tpu.memory_space<hbm>> -> memref<80x128xi32, #tpu.memory_space<hbm>>
      tpu.wait_dma2 semaphore(%run_scoped3A : memref<!tpu.dma_semaphore, #tpu.memory_space<semaphore_mem>>) src(%dma_wait3A_120 : memref<80x128xi32, #tpu.memory_space<hbm>>) dst(%arg6 : memref<80x128xi32, #tpu.memory_space<vmem>>)
      tpu.yield
    }) : () -> ()
    "tpu.region"() ({
      %run_scoped3A = tpu.sem_alloc : memref<!tpu.dma_semaphore, #tpu.memory_space<semaphore_mem>>
      %dma_start3A_106 = arith.constant 0 : i32
      %dma_start3A_107 = arith.constant 0 : i32
      %dma_start3A_108 = tpu.memref_slice %arg4[%add3A, %dma_start3A_106, %dma_start3A_107] : memref<32x80x128xi32, #tpu.memory_space<hbm>> -> memref<1x80x128xi32, #tpu.memory_space<hbm>>
      %dma_start3A_109 = tpu.memref_squeeze %dma_start3A_108 : memref<1x80x128xi32, #tpu.memory_space<hbm>> -> memref<80x128xi32, #tpu.memory_space<hbm>>
      %dma_start3A_110 = arith.constant 0 : i32
      %dma_start3A_111 = arith.constant 0 : i32
      %dma_start3A_112 = tpu.memref_slice %arg4[%add3A, %dma_start3A_110, %dma_start3A_111] : memref<32x80x128xi32, #tpu.memory_space<hbm>> -> memref<1x80x128xi32, #tpu.memory_space<hbm>>
      %dma_start3A_113 = tpu.memref_squeeze %dma_start3A_112 : memref<1x80x128xi32, #tpu.memory_space<hbm>> -> memref<80x128xi32, #tpu.memory_space<hbm>>
      tpu.enqueue_dma source(%dma_start3A_113 : memref<80x128xi32, #tpu.memory_space<hbm>>) target(%arg7 : memref<80x128xi32, #tpu.memory_space<vmem>>) target_semaphore(%run_scoped3A : memref<!tpu.dma_semaphore, #tpu.memory_space<semaphore_mem>>)
      %dma_wait3A = arith.constant 0 : i32
      %dma_wait3A_114 = arith.constant 0 : i32
      %dma_wait3A_115 = tpu.memref_slice %arg4[%add3A, %dma_wait3A, %dma_wait3A_114] : memref<32x80x128xi32, #tpu.memory_space<hbm>> -> memref<1x80x128xi32, #tpu.memory_space<hbm>>
      %dma_wait3A_116 = tpu.memref_squeeze %dma_wait3A_115 : memref<1x80x128xi32, #tpu.memory_space<hbm>> -> memref<80x128xi32, #tpu.memory_space<hbm>>
      %dma_wait3A_117 = arith.constant 0 : i32
      %dma_wait3A_118 = arith.constant 0 : i32
      %dma_wait3A_119 = tpu.memref_slice %arg4[%add3A, %dma_wait3A_117, %dma_wait3A_118] : memref<32x80x128xi32, #tpu.memory_space<hbm>> -> memref<1x80x128xi32, #tpu.memory_space<hbm>>
      %dma_wait3A_120 = tpu.memref_squeeze %dma_wait3A_119 : memref<1x80x128xi32, #tpu.memory_space<hbm>> -> memref<80x128xi32, #tpu.memory_space<hbm>>
      tpu.wait_dma2 semaphore(%run_scoped3A : memref<!tpu.dma_semaphore, #tpu.memory_space<semaphore_mem>>) src(%dma_wait3A_120 : memref<80x128xi32, #tpu.memory_space<hbm>>) dst(%arg7 : memref<80x128xi32, #tpu.memory_space<vmem>>)
      tpu.yield
    }) : () -> ()
    %add3A_9 = arith.constant 0 : i32
    %add3A_10 = arith.addi %mul3A_2, %add3A_9 : i32
    "tpu.region"() ({
      %run_scoped3A = tpu.sem_alloc : memref<!tpu.dma_semaphore, #tpu.memory_space<semaphore_mem>>
      %dma_start3A_106 = arith.constant 0 : i32
      %dma_start3A_107 = tpu.memref_slice %arg10[%add3A_10, %dma_start3A_106] : memref<10240x64xf32, #tpu.memory_space<vmem_shared>> -> memref<128x64xf32, #tpu.memory_space<vmem_shared>>
      %dma_start3A_108 = arith.constant 0 : i32
      %dma_start3A_109 = tpu.memref_slice %arg10[%add3A_10, %dma_start3A_108] : memref<10240x64xf32, #tpu.memory_space<vmem_shared>> -> memref<128x64xf32, #tpu.memory_space<vmem_shared>>
      tpu.enqueue_dma source(%arg9 : memref<128x64xf32, #tpu.memory_space<vmem>>) target(%dma_start3A_109 : memref<128x64xf32, #tpu.memory_space<vmem_shared>>) target_semaphore(%run_scoped3A : memref<!tpu.dma_semaphore, #tpu.memory_space<semaphore_mem>>)
      %dma_wait3A = arith.constant 0 : i32
      %dma_wait3A_110 = tpu.memref_slice %arg10[%add3A_10, %dma_wait3A] : memref<10240x64xf32, #tpu.memory_space<vmem_shared>> -> memref<128x64xf32, #tpu.memory_space<vmem_shared>>
      %dma_wait3A_111 = arith.constant 0 : i32
      %dma_wait3A_112 = tpu.memref_slice %arg10[%add3A_10, %dma_wait3A_111] : memref<10240x64xf32, #tpu.memory_space<vmem_shared>> -> memref<128x64xf32, #tpu.memory_space<vmem_shared>>
      tpu.wait_dma2 semaphore(%run_scoped3A : memref<!tpu.dma_semaphore, #tpu.memory_space<semaphore_mem>>) src(%arg9 : memref<128x64xf32, #tpu.memory_space<vmem>>) dst(%dma_wait3A_112 : memref<128x64xf32, #tpu.memory_space<vmem_shared>>)
      tpu.yield
    }) : () -> ()
    %add3A_11 = arith.constant 128 : i32
    %add3A_12 = arith.addi %mul3A_2, %add3A_11 : i32
    "tpu.region"() ({
      %run_scoped3A = tpu.sem_alloc : memref<!tpu.dma_semaphore, #tpu.memory_space<semaphore_mem>>
      %dma_start3A_106 = arith.constant 0 : i32
      %dma_start3A_107 = tpu.memref_slice %arg10[%add3A_12, %dma_start3A_106] : memref<10240x64xf32, #tpu.memory_space<vmem_shared>> -> memref<128x64xf32, #tpu.memory_space<vmem_shared>>
      %dma_start3A_108 = arith.constant 0 : i32
      %dma_start3A_109 = tpu.memref_slice %arg10[%add3A_12, %dma_start3A_108] : memref<10240x64xf32, #tpu.memory_space<vmem_shared>> -> memref<128x64xf32, #tpu.memory_space<vmem_shared>>
      tpu.enqueue_dma source(%arg9 : memref<128x64xf32, #tpu.memory_space<vmem>>) target(%dma_start3A_109 : memref<128x64xf32, #tpu.memory_space<vmem_shared>>) target_semaphore(%run_scoped3A : memref<!tpu.dma_semaphore, #tpu.memory_space<semaphore_mem>>)
      %dma_wait3A = arith.constant 0 : i32
      %dma_wait3A_110 = tpu.memref_slice %arg10[%add3A_12, %dma_wait3A] : memref<10240x64xf32, #tpu.memory_space<vmem_shared>> -> memref<128x64xf32, #tpu.memory_space<vmem_shared>>
      %dma_wait3A_111 = arith.constant 0 : i32
      %dma_wait3A_112 = tpu.memref_slice %arg10[%add3A_12, %dma_wait3A_111] : memref<10240x64xf32, #tpu.memory_space<vmem_shared>> -> memref<128x64xf32, #tpu.memory_space<vmem_shared>>
      tpu.wait_dma2 semaphore(%run_scoped3A : memref<!tpu.dma_semaphore, #tpu.memory_space<semaphore_mem>>) src(%arg9 : memref<128x64xf32, #tpu.memory_space<vmem>>) dst(%dma_wait3A_112 : memref<128x64xf32, #tpu.memory_space<vmem_shared>>)
      tpu.yield
    }) : () -> ()
    %add3A_13 = arith.constant 256 : i32
    %add3A_14 = arith.addi %mul3A_2, %add3A_13 : i32
    "tpu.region"() ({
      %run_scoped3A = tpu.sem_alloc : memref<!tpu.dma_semaphore, #tpu.memory_space<semaphore_mem>>
      %dma_start3A_106 = arith.constant 0 : i32
      %dma_start3A_107 = tpu.memref_slice %arg10[%add3A_14, %dma_start3A_106] : memref<10240x64xf32, #tpu.memory_space<vmem_shared>> -> memref<128x64xf32, #tpu.memory_space<vmem_shared>>
      %dma_start3A_108 = arith.constant 0 : i32
      %dma_start3A_109 = tpu.memref_slice %arg10[%add3A_14, %dma_start3A_108] : memref<10240x64xf32, #tpu.memory_space<vmem_shared>> -> memref<128x64xf32, #tpu.memory_space<vmem_shared>>
      tpu.enqueue_dma source(%arg9 : memref<128x64xf32, #tpu.memory_space<vmem>>) target(%dma_start3A_109 : memref<128x64xf32, #tpu.memory_space<vmem_shared>>) target_semaphore(%run_scoped3A : memref<!tpu.dma_semaphore, #tpu.memory_space<semaphore_mem>>)
      %dma_wait3A = arith.constant 0 : i32
      %dma_wait3A_110 = tpu.memref_slice %arg10[%add3A_14, %dma_wait3A] : memref<10240x64xf32, #tpu.memory_space<vmem_shared>> -> memref<128x64xf32, #tpu.memory_space<vmem_shared>>
      %dma_wait3A_111 = arith.constant 0 : i32
      %dma_wait3A_112 = tpu.memref_slice %arg10[%add3A_14, %dma_wait3A_111] : memref<10240x64xf32, #tpu.memory_space<vmem_shared>> -> memref<128x64xf32, #tpu.memory_space<vmem_shared>>
      tpu.wait_dma2 semaphore(%run_scoped3A : memref<!tpu.dma_semaphore, #tpu.memory_space<semaphore_mem>>) src(%arg9 : memref<128x64xf32, #tpu.memory_space<vmem>>) dst(%dma_wait3A_112 : memref<128x64xf32, #tpu.memory_space<vmem_shared>>)
      tpu.yield
    }) : () -> ()
    %add3A_15 = arith.constant 384 : i32
    %add3A_16 = arith.addi %mul3A_2, %add3A_15 : i32
    "tpu.region"() ({
      %run_scoped3A = tpu.sem_alloc : memref<!tpu.dma_semaphore, #tpu.memory_space<semaphore_mem>>
      %dma_start3A_106 = arith.constant 0 : i32
      %dma_start3A_107 = tpu.memref_slice %arg10[%add3A_16, %dma_start3A_106] : memref<10240x64xf32, #tpu.memory_space<vmem_shared>> -> memref<128x64xf32, #tpu.memory_space<vmem_shared>>
      %dma_start3A_108 = arith.constant 0 : i32
      %dma_start3A_109 = tpu.memref_slice %arg10[%add3A_16, %dma_start3A_108] : memref<10240x64xf32, #tpu.memory_space<vmem_shared>> -> memref<128x64xf32, #tpu.memory_space<vmem_shared>>
      tpu.enqueue_dma source(%arg9 : memref<128x64xf32, #tpu.memory_space<vmem>>) target(%dma_start3A_109 : memref<128x64xf32, #tpu.memory_space<vmem_shared>>) target_semaphore(%run_scoped3A : memref<!tpu.dma_semaphore, #tpu.memory_space<semaphore_mem>>)
      %dma_wait3A = arith.constant 0 : i32
      %dma_wait3A_110 = tpu.memref_slice %arg10[%add3A_16, %dma_wait3A] : memref<10240x64xf32, #tpu.memory_space<vmem_shared>> -> memref<128x64xf32, #tpu.memory_space<vmem_shared>>
      %dma_wait3A_111 = arith.constant 0 : i32
      %dma_wait3A_112 = tpu.memref_slice %arg10[%add3A_16, %dma_wait3A_111] : memref<10240x64xf32, #tpu.memory_space<vmem_shared>> -> memref<128x64xf32, #tpu.memory_space<vmem_shared>>
      tpu.wait_dma2 semaphore(%run_scoped3A : memref<!tpu.dma_semaphore, #tpu.memory_space<semaphore_mem>>) src(%arg9 : memref<128x64xf32, #tpu.memory_space<vmem>>) dst(%dma_wait3A_112 : memref<128x64xf32, #tpu.memory_space<vmem_shared>>)
      tpu.yield
    }) : () -> ()
    %add3A_17 = arith.constant 512 : i32
    %add3A_18 = arith.addi %mul3A_2, %add3A_17 : i32
    "tpu.region"() ({
      %run_scoped3A = tpu.sem_alloc : memref<!tpu.dma_semaphore, #tpu.memory_space<semaphore_mem>>
      %dma_start3A_106 = arith.constant 0 : i32
      %dma_start3A_107 = tpu.memref_slice %arg10[%add3A_18, %dma_start3A_106] : memref<10240x64xf32, #tpu.memory_space<vmem_shared>> -> memref<128x64xf32, #tpu.memory_space<vmem_shared>>
      %dma_start3A_108 = arith.constant 0 : i32
      %dma_start3A_109 = tpu.memref_slice %arg10[%add3A_18, %dma_start3A_108] : memref<10240x64xf32, #tpu.memory_space<vmem_shared>> -> memref<128x64xf32, #tpu.memory_space<vmem_shared>>
      tpu.enqueue_dma source(%arg9 : memref<128x64xf32, #tpu.memory_space<vmem>>) target(%dma_start3A_109 : memref<128x64xf32, #tpu.memory_space<vmem_shared>>) target_semaphore(%run_scoped3A : memref<!tpu.dma_semaphore, #tpu.memory_space<semaphore_mem>>)
      %dma_wait3A = arith.constant 0 : i32
      %dma_wait3A_110 = tpu.memref_slice %arg10[%add3A_18, %dma_wait3A] : memref<10240x64xf32, #tpu.memory_space<vmem_shared>> -> memref<128x64xf32, #tpu.memory_space<vmem_shared>>
      %dma_wait3A_111 = arith.constant 0 : i32
      %dma_wait3A_112 = tpu.memref_slice %arg10[%add3A_18, %dma_wait3A_111] : memref<10240x64xf32, #tpu.memory_space<vmem_shared>> -> memref<128x64xf32, #tpu.memory_space<vmem_shared>>
      tpu.wait_dma2 semaphore(%run_scoped3A : memref<!tpu.dma_semaphore, #tpu.memory_space<semaphore_mem>>) src(%arg9 : memref<128x64xf32, #tpu.memory_space<vmem>>) dst(%dma_wait3A_112 : memref<128x64xf32, #tpu.memory_space<vmem_shared>>)
      tpu.yield
    }) : () -> ()
    %barrier3A = arith.constant 0 : index
    tpu.barrier barrier_id(%barrier3A)
    %dma_start3A = arith.constant 0 : i32
    %dma_start3A_19 = arith.constant 0 : i32
    %dma_start3A_20 = arith.constant 0 : i32
    %dma_start3A_21 = arith.constant 0 : i32
    %dma_start3A_22 = arith.constant 0 : i32
    %dma_start3A_23 = tpu.memref_slice %arg8[%dma_start3A_19, %dma_start3A_21, %dma_start3A_22] : memref<4x128x64xf32, #tpu.memory_space<vmem>> -> memref<1x128x64xf32, #tpu.memory_space<vmem>>
    %dma_start3A_24 = tpu.memref_squeeze %dma_start3A_23 : memref<1x128x64xf32, #tpu.memory_space<vmem>> -> memref<128x64xf32, #tpu.memory_space<vmem>>
    %dma_start3A_25 = arith.constant 0 : i32
    %dma_start3A_26 = tpu.memref_slice %arg6[%dma_start3A, %dma_start3A_25] : memref<80x128xi32, #tpu.memory_space<vmem>> -> memref<1x128xi32, #tpu.memory_space<vmem>>
    %dma_start3A_27 = tpu.memref_squeeze %dma_start3A_26 : memref<1x128xi32, #tpu.memory_space<vmem>> -> memref<128xi32, #tpu.memory_space<vmem>>
    %dma_start3A_28 = arith.constant 0 : i32
    %dma_start3A_29 = arith.constant 0 : i32
    %dma_start3A_30 = tpu.memref_slice %arg2[%dma_start3A_28, %dma_start3A_29] : memref<10000x64xf32, #tpu.memory_space<hbm>> -> memref<10000x64xf32, #tpu.memory_space<hbm>>
    %dma_start3A_31 = tpu.memref_slice %arg11[%dma_start3A_20] : memref<4x!tpu.dma_semaphore, #tpu.memory_space<semaphore_mem>> -> memref<1x!tpu.dma_semaphore, #tpu.memory_space<semaphore_mem>>
    %dma_start3A_32 = tpu.memref_squeeze %dma_start3A_31 : memref<1x!tpu.dma_semaphore, #tpu.memory_space<semaphore_mem>> -> memref<!tpu.dma_semaphore, #tpu.memory_space<semaphore_mem>>
    tpu.enqueue_indirect_dma source(%dma_start3A_30 : memref<10000x64xf32, #tpu.memory_space<hbm>>) target(%dma_start3A_24 : memref<128x64xf32, #tpu.memory_space<vmem>>) offsets(%dma_start3A_27 : memref<128xi32, #tpu.memory_space<vmem>>) semaphore(%dma_start3A_32 : memref<!tpu.dma_semaphore, #tpu.memory_space<semaphore_mem>>)
    %dma_start3A_33 = arith.constant 1 : i32
    %dma_start3A_34 = arith.constant 1 : i32
    %dma_start3A_35 = arith.constant 1 : i32
    %dma_start3A_36 = arith.constant 0 : i32
    %dma_start3A_37 = arith.constant 0 : i32
    %dma_start3A_38 = tpu.memref_slice %arg8[%dma_start3A_34, %dma_start3A_36, %dma_start3A_37] : memref<4x128x64xf32, #tpu.memory_space<vmem>> -> memref<1x128x64xf32, #tpu.memory_space<vmem>>
    %dma_start3A_39 = tpu.memref_squeeze %dma_start3A_38 : memref<1x128x64xf32, #tpu.memory_space<vmem>> -> memref<128x64xf32, #tpu.memory_space<vmem>>
    %dma_start3A_40 = arith.constant 0 : i32
    %dma_start3A_41 = tpu.memref_slice %arg6[%dma_start3A_33, %dma_start3A_40] : memref<80x128xi32, #tpu.memory_space<vmem>> -> memref<1x128xi32, #tpu.memory_space<vmem>>
    %dma_start3A_42 = tpu.memref_squeeze %dma_start3A_41 : memref<1x128xi32, #tpu.memory_space<vmem>> -> memref<128xi32, #tpu.memory_space<vmem>>
    %dma_start3A_43 = arith.constant 0 : i32
    %dma_start3A_44 = arith.constant 0 : i32
    %dma_start3A_45 = tpu.memref_slice %arg2[%dma_start3A_43, %dma_start3A_44] : memref<10000x64xf32, #tpu.memory_space<hbm>> -> memref<10000x64xf32, #tpu.memory_space<hbm>>
    %dma_start3A_46 = tpu.memref_slice %arg11[%dma_start3A_35] : memref<4x!tpu.dma_semaphore, #tpu.memory_space<semaphore_mem>> -> memref<1x!tpu.dma_semaphore, #tpu.memory_space<semaphore_mem>>
    %dma_start3A_47 = tpu.memref_squeeze %dma_start3A_46 : memref<1x!tpu.dma_semaphore, #tpu.memory_space<semaphore_mem>> -> memref<!tpu.dma_semaphore, #tpu.memory_space<semaphore_mem>>
    tpu.enqueue_indirect_dma source(%dma_start3A_45 : memref<10000x64xf32, #tpu.memory_space<hbm>>) target(%dma_start3A_39 : memref<128x64xf32, #tpu.memory_space<vmem>>) offsets(%dma_start3A_42 : memref<128xi32, #tpu.memory_space<vmem>>) semaphore(%dma_start3A_47 : memref<!tpu.dma_semaphore, #tpu.memory_space<semaphore_mem>>)
    %dma_start3A_48 = arith.constant 2 : i32
    %dma_start3A_49 = arith.constant 2 : i32
    %dma_start3A_50 = arith.constant 2 : i32
    %dma_start3A_51 = arith.constant 0 : i32
    %dma_start3A_52 = arith.constant 0 : i32
    %dma_start3A_53 = tpu.memref_slice %arg8[%dma_start3A_49, %dma_start3A_51, %dma_start3A_52] : memref<4x128x64xf32, #tpu.memory_space<vmem>> -> memref<1x128x64xf32, #tpu.memory_space<vmem>>
    %dma_start3A_54 = tpu.memref_squeeze %dma_start3A_53 : memref<1x128x64xf32, #tpu.memory_space<vmem>> -> memref<128x64xf32, #tpu.memory_space<vmem>>
    %dma_start3A_55 = arith.constant 0 : i32
    %dma_start3A_56 = tpu.memref_slice %arg6[%dma_start3A_48, %dma_start3A_55] : memref<80x128xi32, #tpu.memory_space<vmem>> -> memref<1x128xi32, #tpu.memory_space<vmem>>
    %dma_start3A_57 = tpu.memref_squeeze %dma_start3A_56 : memref<1x128xi32, #tpu.memory_space<vmem>> -> memref<128xi32, #tpu.memory_space<vmem>>
    %dma_start3A_58 = arith.constant 0 : i32
    %dma_start3A_59 = arith.constant 0 : i32
    %dma_start3A_60 = tpu.memref_slice %arg2[%dma_start3A_58, %dma_start3A_59] : memref<10000x64xf32, #tpu.memory_space<hbm>> -> memref<10000x64xf32, #tpu.memory_space<hbm>>
    %dma_start3A_61 = tpu.memref_slice %arg11[%dma_start3A_50] : memref<4x!tpu.dma_semaphore, #tpu.memory_space<semaphore_mem>> -> memref<1x!tpu.dma_semaphore, #tpu.memory_space<semaphore_mem>>
    %dma_start3A_62 = tpu.memref_squeeze %dma_start3A_61 : memref<1x!tpu.dma_semaphore, #tpu.memory_space<semaphore_mem>> -> memref<!tpu.dma_semaphore, #tpu.memory_space<semaphore_mem>>
    tpu.enqueue_indirect_dma source(%dma_start3A_60 : memref<10000x64xf32, #tpu.memory_space<hbm>>) target(%dma_start3A_54 : memref<128x64xf32, #tpu.memory_space<vmem>>) offsets(%dma_start3A_57 : memref<128xi32, #tpu.memory_space<vmem>>) semaphore(%dma_start3A_62 : memref<!tpu.dma_semaphore, #tpu.memory_space<semaphore_mem>>)
    %dma_start3A_63 = arith.constant 3 : i32
    %dma_start3A_64 = arith.constant 3 : i32
    %dma_start3A_65 = arith.constant 3 : i32
    %dma_start3A_66 = arith.constant 0 : i32
    %dma_start3A_67 = arith.constant 0 : i32
    %dma_start3A_68 = tpu.memref_slice %arg8[%dma_start3A_64, %dma_start3A_66, %dma_start3A_67] : memref<4x128x64xf32, #tpu.memory_space<vmem>> -> memref<1x128x64xf32, #tpu.memory_space<vmem>>
    %dma_start3A_69 = tpu.memref_squeeze %dma_start3A_68 : memref<1x128x64xf32, #tpu.memory_space<vmem>> -> memref<128x64xf32, #tpu.memory_space<vmem>>
    %dma_start3A_70 = arith.constant 0 : i32
    %dma_start3A_71 = tpu.memref_slice %arg6[%dma_start3A_63, %dma_start3A_70] : memref<80x128xi32, #tpu.memory_space<vmem>> -> memref<1x128xi32, #tpu.memory_space<vmem>>
    %dma_start3A_72 = tpu.memref_squeeze %dma_start3A_71 : memref<1x128xi32, #tpu.memory_space<vmem>> -> memref<128xi32, #tpu.memory_space<vmem>>
    %dma_start3A_73 = arith.constant 0 : i32
    %dma_start3A_74 = arith.constant 0 : i32
    %dma_start3A_75 = tpu.memref_slice %arg2[%dma_start3A_73, %dma_start3A_74] : memref<10000x64xf32, #tpu.memory_space<hbm>> -> memref<10000x64xf32, #tpu.memory_space<hbm>>
    %dma_start3A_76 = tpu.memref_slice %arg11[%dma_start3A_65] : memref<4x!tpu.dma_semaphore, #tpu.memory_space<semaphore_mem>> -> memref<1x!tpu.dma_semaphore, #tpu.memory_space<semaphore_mem>>
    %dma_start3A_77 = tpu.memref_squeeze %dma_start3A_76 : memref<1x!tpu.dma_semaphore, #tpu.memory_space<semaphore_mem>> -> memref<!tpu.dma_semaphore, #tpu.memory_space<semaphore_mem>>
    tpu.enqueue_indirect_dma source(%dma_start3A_75 : memref<10000x64xf32, #tpu.memory_space<hbm>>) target(%dma_start3A_69 : memref<128x64xf32, #tpu.memory_space<vmem>>) offsets(%dma_start3A_72 : memref<128xi32, #tpu.memory_space<vmem>>) semaphore(%dma_start3A_77 : memref<!tpu.dma_semaphore, #tpu.memory_space<semaphore_mem>>)
    %scan3A_78 = arith.constant 0 : i32
    %scan3A_79 = arith.constant 0 : i32
    %scan3A_80 = arith.constant 20 : i32
    %scan3A_81 = arith.addi %scan3A_79, %scan3A_80 : i32
    %scan3A_82 = arith.constant 1 : i32
    %scan3A_83 = scf.for %scan3A_106 = %scan3A_79 to %scan3A_81 step %scan3A_82 iter_args(%scan3A_107 = %scan3A_78) -> (i32)  : i32 {
      %mul3A_108 = arith.constant 4 : i32
      %mul3A_109 = arith.muli %scan3A_106, %mul3A_108 : i32
      %add3A_110 = arith.constant 0 : i32
      %add3A_111 = arith.addi %mul3A_109, %add3A_110 : i32
      %dma_wait3A = arith.constant 0 : i32
      %dma_wait3A_112 = arith.constant 0 : i32
      %dma_wait3A_113 = arith.constant 0 : i32
      %dma_wait3A_114 = arith.constant 0 : i32
      %dma_wait3A_115 = tpu.memref_slice %arg8[%dma_wait3A, %dma_wait3A_113, %dma_wait3A_114] : memref<4x128x64xf32, #tpu.memory_space<vmem>> -> memref<1x128x64xf32, #tpu.memory_space<vmem>>
      %dma_wait3A_116 = tpu.memref_squeeze %dma_wait3A_115 : memref<1x128x64xf32, #tpu.memory_space<vmem>> -> memref<128x64xf32, #tpu.memory_space<vmem>>
      %dma_wait3A_117 = arith.constant 0 : i32
      %dma_wait3A_118 = tpu.memref_slice %arg6[%add3A_111, %dma_wait3A_117] : memref<80x128xi32, #tpu.memory_space<vmem>> -> memref<1x128xi32, #tpu.memory_space<vmem>>
      %dma_wait3A_119 = tpu.memref_squeeze %dma_wait3A_118 : memref<1x128xi32, #tpu.memory_space<vmem>> -> memref<128xi32, #tpu.memory_space<vmem>>
      %dma_wait3A_120 = arith.constant 0 : i32
      %dma_wait3A_121 = arith.constant 0 : i32
      %dma_wait3A_122 = tpu.memref_slice %arg2[%dma_wait3A_120, %dma_wait3A_121] : memref<10000x64xf32, #tpu.memory_space<hbm>> -> memref<10000x64xf32, #tpu.memory_space<hbm>>
      %dma_wait3A_123 = tpu.memref_slice %arg11[%dma_wait3A_112] : memref<4x!tpu.dma_semaphore, #tpu.memory_space<semaphore_mem>> -> memref<1x!tpu.dma_semaphore, #tpu.memory_space<semaphore_mem>>
      %dma_wait3A_124 = tpu.memref_squeeze %dma_wait3A_123 : memref<1x!tpu.dma_semaphore, #tpu.memory_space<semaphore_mem>> -> memref<!tpu.dma_semaphore, #tpu.memory_space<semaphore_mem>>
      tpu.wait_indirect_dma semaphore(%dma_wait3A_124 : memref<!tpu.dma_semaphore, #tpu.memory_space<semaphore_mem>>) src(%dma_wait3A_122 : memref<10000x64xf32, #tpu.memory_space<hbm>>) dst(%dma_wait3A_116 : memref<128x64xf32, #tpu.memory_space<vmem>>)
      %dma_start3A_125 = arith.constant 0 : i32
      %dma_start3A_126 = arith.constant 0 : i32
      %dma_start3A_127 = arith.constant 0 : i32
      %dma_start3A_128 = arith.constant 0 : i32
      %dma_start3A_129 = tpu.memref_slice %arg8[%dma_start3A_125, %dma_start3A_127, %dma_start3A_128] : memref<4x128x64xf32, #tpu.memory_space<vmem>> -> memref<1x128x64xf32, #tpu.memory_space<vmem>>
      %dma_start3A_130 = tpu.memref_squeeze %dma_start3A_129 : memref<1x128x64xf32, #tpu.memory_space<vmem>> -> memref<128x64xf32, #tpu.memory_space<vmem>>
      %dma_start3A_131 = arith.constant 0 : i32
      %dma_start3A_132 = tpu.memref_slice %arg7[%add3A_111, %dma_start3A_131] : memref<80x128xi32, #tpu.memory_space<vmem>> -> memref<1x128xi32, #tpu.memory_space<vmem>>
      %dma_start3A_133 = tpu.memref_squeeze %dma_start3A_132 : memref<1x128xi32, #tpu.memory_space<vmem>> -> memref<128xi32, #tpu.memory_space<vmem>>
      %dma_start3A_134 = arith.constant 0 : i32
      %dma_start3A_135 = arith.constant 0 : i32
      %dma_start3A_136 = tpu.memref_slice %arg10[%dma_start3A_134, %dma_start3A_135] : memref<10240x64xf32, #tpu.memory_space<vmem_shared>> -> memref<10240x64xf32, #tpu.memory_space<vmem_shared>>
      %dma_start3A_137 = tpu.memref_slice %arg12[%dma_start3A_126] : memref<4x!tpu.dma_semaphore, #tpu.memory_space<semaphore_mem>> -> memref<1x!tpu.dma_semaphore, #tpu.memory_space<semaphore_mem>>
      %dma_start3A_138 = tpu.memref_squeeze %dma_start3A_137 : memref<1x!tpu.dma_semaphore, #tpu.memory_space<semaphore_mem>> -> memref<!tpu.dma_semaphore, #tpu.memory_space<semaphore_mem>>
      tpu.enqueue_indirect_dma source(%dma_start3A_130 : memref<128x64xf32, #tpu.memory_space<vmem>>) target(%dma_start3A_136 : memref<10240x64xf32, #tpu.memory_space<vmem_shared>>) offsets(%dma_start3A_133 : memref<128xi32, #tpu.memory_space<vmem>>) semaphore(%dma_start3A_138 : memref<!tpu.dma_semaphore, #tpu.memory_space<semaphore_mem>>) {add = true}
      %add3A_139 = arith.constant 1 : i32
      %add3A_140 = arith.addi %mul3A_109, %add3A_139 : i32
      %dma_wait3A_141 = arith.constant 1 : i32
      %dma_wait3A_142 = arith.constant 1 : i32
      %dma_wait3A_143 = arith.constant 0 : i32
      %dma_wait3A_144 = arith.constant 0 : i32
      %dma_wait3A_145 = tpu.memref_slice %arg8[%dma_wait3A_141, %dma_wait3A_143, %dma_wait3A_144] : memref<4x128x64xf32, #tpu.memory_space<vmem>> -> memref<1x128x64xf32, #tpu.memory_space<vmem>>
      %dma_wait3A_146 = tpu.memref_squeeze %dma_wait3A_145 : memref<1x128x64xf32, #tpu.memory_space<vmem>> -> memref<128x64xf32, #tpu.memory_space<vmem>>
      %dma_wait3A_147 = arith.constant 0 : i32
      %dma_wait3A_148 = tpu.memref_slice %arg6[%add3A_140, %dma_wait3A_147] : memref<80x128xi32, #tpu.memory_space<vmem>> -> memref<1x128xi32, #tpu.memory_space<vmem>>
      %dma_wait3A_149 = tpu.memref_squeeze %dma_wait3A_148 : memref<1x128xi32, #tpu.memory_space<vmem>> -> memref<128xi32, #tpu.memory_space<vmem>>
      %dma_wait3A_150 = arith.constant 0 : i32
      %dma_wait3A_151 = arith.constant 0 : i32
      %dma_wait3A_152 = tpu.memref_slice %arg2[%dma_wait3A_150, %dma_wait3A_151] : memref<10000x64xf32, #tpu.memory_space<hbm>> -> memref<10000x64xf32, #tpu.memory_space<hbm>>
      %dma_wait3A_153 = tpu.memref_slice %arg11[%dma_wait3A_142] : memref<4x!tpu.dma_semaphore, #tpu.memory_space<semaphore_mem>> -> memref<1x!tpu.dma_semaphore, #tpu.memory_space<semaphore_mem>>
      %dma_wait3A_154 = tpu.memref_squeeze %dma_wait3A_153 : memref<1x!tpu.dma_semaphore, #tpu.memory_space<semaphore_mem>> -> memref<!tpu.dma_semaphore, #tpu.memory_space<semaphore_mem>>
      tpu.wait_indirect_dma semaphore(%dma_wait3A_154 : memref<!tpu.dma_semaphore, #tpu.memory_space<semaphore_mem>>) src(%dma_wait3A_152 : memref<10000x64xf32, #tpu.memory_space<hbm>>) dst(%dma_wait3A_146 : memref<128x64xf32, #tpu.memory_space<vmem>>)
      %dma_start3A_155 = arith.constant 1 : i32
      %dma_start3A_156 = arith.constant 1 : i32
      %dma_start3A_157 = arith.constant 0 : i32
      %dma_start3A_158 = arith.constant 0 : i32
      %dma_start3A_159 = tpu.memref_slice %arg8[%dma_start3A_155, %dma_start3A_157, %dma_start3A_158] : memref<4x128x64xf32, #tpu.memory_space<vmem>> -> memref<1x128x64xf32, #tpu.memory_space<vmem>>
      %dma_start3A_160 = tpu.memref_squeeze %dma_start3A_159 : memref<1x128x64xf32, #tpu.memory_space<vmem>> -> memref<128x64xf32, #tpu.memory_space<vmem>>
      %dma_start3A_161 = arith.constant 0 : i32
      %dma_start3A_162 = tpu.memref_slice %arg7[%add3A_140, %dma_start3A_161] : memref<80x128xi32, #tpu.memory_space<vmem>> -> memref<1x128xi32, #tpu.memory_space<vmem>>
      %dma_start3A_163 = tpu.memref_squeeze %dma_start3A_162 : memref<1x128xi32, #tpu.memory_space<vmem>> -> memref<128xi32, #tpu.memory_space<vmem>>
      %dma_start3A_164 = arith.constant 0 : i32
      %dma_start3A_165 = arith.constant 0 : i32
      %dma_start3A_166 = tpu.memref_slice %arg10[%dma_start3A_164, %dma_start3A_165] : memref<10240x64xf32, #tpu.memory_space<vmem_shared>> -> memref<10240x64xf32, #tpu.memory_space<vmem_shared>>
      %dma_start3A_167 = tpu.memref_slice %arg12[%dma_start3A_156] : memref<4x!tpu.dma_semaphore, #tpu.memory_space<semaphore_mem>> -> memref<1x!tpu.dma_semaphore, #tpu.memory_space<semaphore_mem>>
      %dma_start3A_168 = tpu.memref_squeeze %dma_start3A_167 : memref<1x!tpu.dma_semaphore, #tpu.memory_space<semaphore_mem>> -> memref<!tpu.dma_semaphore, #tpu.memory_space<semaphore_mem>>
      tpu.enqueue_indirect_dma source(%dma_start3A_160 : memref<128x64xf32, #tpu.memory_space<vmem>>) target(%dma_start3A_166 : memref<10240x64xf32, #tpu.memory_space<vmem_shared>>) offsets(%dma_start3A_163 : memref<128xi32, #tpu.memory_space<vmem>>) semaphore(%dma_start3A_168 : memref<!tpu.dma_semaphore, #tpu.memory_space<semaphore_mem>>) {add = true}
      %add3A_169 = arith.constant 2 : i32
      %add3A_170 = arith.addi %mul3A_109, %add3A_169 : i32
      %dma_wait3A_171 = arith.constant 2 : i32
      %dma_wait3A_172 = arith.constant 2 : i32
      %dma_wait3A_173 = arith.constant 0 : i32
      %dma_wait3A_174 = arith.constant 0 : i32
      %dma_wait3A_175 = tpu.memref_slice %arg8[%dma_wait3A_171, %dma_wait3A_173, %dma_wait3A_174] : memref<4x128x64xf32, #tpu.memory_space<vmem>> -> memref<1x128x64xf32, #tpu.memory_space<vmem>>
      %dma_wait3A_176 = tpu.memref_squeeze %dma_wait3A_175 : memref<1x128x64xf32, #tpu.memory_space<vmem>> -> memref<128x64xf32, #tpu.memory_space<vmem>>
      %dma_wait3A_177 = arith.constant 0 : i32
      %dma_wait3A_178 = tpu.memref_slice %arg6[%add3A_170, %dma_wait3A_177] : memref<80x128xi32, #tpu.memory_space<vmem>> -> memref<1x128xi32, #tpu.memory_space<vmem>>
      %dma_wait3A_179 = tpu.memref_squeeze %dma_wait3A_178 : memref<1x128xi32, #tpu.memory_space<vmem>> -> memref<128xi32, #tpu.memory_space<vmem>>
      %dma_wait3A_180 = arith.constant 0 : i32
      %dma_wait3A_181 = arith.constant 0 : i32
      %dma_wait3A_182 = tpu.memref_slice %arg2[%dma_wait3A_180, %dma_wait3A_181] : memref<10000x64xf32, #tpu.memory_space<hbm>> -> memref<10000x64xf32, #tpu.memory_space<hbm>>
      %dma_wait3A_183 = tpu.memref_slice %arg11[%dma_wait3A_172] : memref<4x!tpu.dma_semaphore, #tpu.memory_space<semaphore_mem>> -> memref<1x!tpu.dma_semaphore, #tpu.memory_space<semaphore_mem>>
      %dma_wait3A_184 = tpu.memref_squeeze %dma_wait3A_183 : memref<1x!tpu.dma_semaphore, #tpu.memory_space<semaphore_mem>> -> memref<!tpu.dma_semaphore, #tpu.memory_space<semaphore_mem>>
      tpu.wait_indirect_dma semaphore(%dma_wait3A_184 : memref<!tpu.dma_semaphore, #tpu.memory_space<semaphore_mem>>) src(%dma_wait3A_182 : memref<10000x64xf32, #tpu.memory_space<hbm>>) dst(%dma_wait3A_176 : memref<128x64xf32, #tpu.memory_space<vmem>>)
      %dma_start3A_185 = arith.constant 2 : i32
      %dma_start3A_186 = arith.constant 2 : i32
      %dma_start3A_187 = arith.constant 0 : i32
      %dma_start3A_188 = arith.constant 0 : i32
      %dma_start3A_189 = tpu.memref_slice %arg8[%dma_start3A_185, %dma_start3A_187, %dma_start3A_188] : memref<4x128x64xf32, #tpu.memory_space<vmem>> -> memref<1x128x64xf32, #tpu.memory_space<vmem>>
      %dma_start3A_190 = tpu.memref_squeeze %dma_start3A_189 : memref<1x128x64xf32, #tpu.memory_space<vmem>> -> memref<128x64xf32, #tpu.memory_space<vmem>>
      %dma_start3A_191 = arith.constant 0 : i32
      %dma_start3A_192 = tpu.memref_slice %arg7[%add3A_170, %dma_start3A_191] : memref<80x128xi32, #tpu.memory_space<vmem>> -> memref<1x128xi32, #tpu.memory_space<vmem>>
      %dma_start3A_193 = tpu.memref_squeeze %dma_start3A_192 : memref<1x128xi32, #tpu.memory_space<vmem>> -> memref<128xi32, #tpu.memory_space<vmem>>
      %dma_start3A_194 = arith.constant 0 : i32
      %dma_start3A_195 = arith.constant 0 : i32
      %dma_start3A_196 = tpu.memref_slice %arg10[%dma_start3A_194, %dma_start3A_195] : memref<10240x64xf32, #tpu.memory_space<vmem_shared>> -> memref<10240x64xf32, #tpu.memory_space<vmem_shared>>
      %dma_start3A_197 = tpu.memref_slice %arg12[%dma_start3A_186] : memref<4x!tpu.dma_semaphore, #tpu.memory_space<semaphore_mem>> -> memref<1x!tpu.dma_semaphore, #tpu.memory_space<semaphore_mem>>
      %dma_start3A_198 = tpu.memref_squeeze %dma_start3A_197 : memref<1x!tpu.dma_semaphore, #tpu.memory_space<semaphore_mem>> -> memref<!tpu.dma_semaphore, #tpu.memory_space<semaphore_mem>>
      tpu.enqueue_indirect_dma source(%dma_start3A_190 : memref<128x64xf32, #tpu.memory_space<vmem>>) target(%dma_start3A_196 : memref<10240x64xf32, #tpu.memory_space<vmem_shared>>) offsets(%dma_start3A_193 : memref<128xi32, #tpu.memory_space<vmem>>) semaphore(%dma_start3A_198 : memref<!tpu.dma_semaphore, #tpu.memory_space<semaphore_mem>>) {add = true}
      %add3A_199 = arith.constant 3 : i32
      %add3A_200 = arith.addi %mul3A_109, %add3A_199 : i32
      %dma_wait3A_201 = arith.constant 3 : i32
      %dma_wait3A_202 = arith.constant 3 : i32
      %dma_wait3A_203 = arith.constant 0 : i32
      %dma_wait3A_204 = arith.constant 0 : i32
      %dma_wait3A_205 = tpu.memref_slice %arg8[%dma_wait3A_201, %dma_wait3A_203, %dma_wait3A_204] : memref<4x128x64xf32, #tpu.memory_space<vmem>> -> memref<1x128x64xf32, #tpu.memory_space<vmem>>
      %dma_wait3A_206 = tpu.memref_squeeze %dma_wait3A_205 : memref<1x128x64xf32, #tpu.memory_space<vmem>> -> memref<128x64xf32, #tpu.memory_space<vmem>>
      %dma_wait3A_207 = arith.constant 0 : i32
      %dma_wait3A_208 = tpu.memref_slice %arg6[%add3A_200, %dma_wait3A_207] : memref<80x128xi32, #tpu.memory_space<vmem>> -> memref<1x128xi32, #tpu.memory_space<vmem>>
      %dma_wait3A_209 = tpu.memref_squeeze %dma_wait3A_208 : memref<1x128xi32, #tpu.memory_space<vmem>> -> memref<128xi32, #tpu.memory_space<vmem>>
      %dma_wait3A_210 = arith.constant 0 : i32
      %dma_wait3A_211 = arith.constant 0 : i32
      %dma_wait3A_212 = tpu.memref_slice %arg2[%dma_wait3A_210, %dma_wait3A_211] : memref<10000x64xf32, #tpu.memory_space<hbm>> -> memref<10000x64xf32, #tpu.memory_space<hbm>>
      %dma_wait3A_213 = tpu.memref_slice %arg11[%dma_wait3A_202] : memref<4x!tpu.dma_semaphore, #tpu.memory_space<semaphore_mem>> -> memref<1x!tpu.dma_semaphore, #tpu.memory_space<semaphore_mem>>
      %dma_wait3A_214 = tpu.memref_squeeze %dma_wait3A_213 : memref<1x!tpu.dma_semaphore, #tpu.memory_space<semaphore_mem>> -> memref<!tpu.dma_semaphore, #tpu.memory_space<semaphore_mem>>
      tpu.wait_indirect_dma semaphore(%dma_wait3A_214 : memref<!tpu.dma_semaphore, #tpu.memory_space<semaphore_mem>>) src(%dma_wait3A_212 : memref<10000x64xf32, #tpu.memory_space<hbm>>) dst(%dma_wait3A_206 : memref<128x64xf32, #tpu.memory_space<vmem>>)
      %dma_start3A_215 = arith.constant 3 : i32
      %dma_start3A_216 = arith.constant 3 : i32
      %dma_start3A_217 = arith.constant 0 : i32
      %dma_start3A_218 = arith.constant 0 : i32
      %dma_start3A_219 = tpu.memref_slice %arg8[%dma_start3A_215, %dma_start3A_217, %dma_start3A_218] : memref<4x128x64xf32, #tpu.memory_space<vmem>> -> memref<1x128x64xf32, #tpu.memory_space<vmem>>
      %dma_start3A_220 = tpu.memref_squeeze %dma_start3A_219 : memref<1x128x64xf32, #tpu.memory_space<vmem>> -> memref<128x64xf32, #tpu.memory_space<vmem>>
      %dma_start3A_221 = arith.constant 0 : i32
      %dma_start3A_222 = tpu.memref_slice %arg7[%add3A_200, %dma_start3A_221] : memref<80x128xi32, #tpu.memory_space<vmem>> -> memref<1x128xi32, #tpu.memory_space<vmem>>
      %dma_start3A_223 = tpu.memref_squeeze %dma_start3A_222 : memref<1x128xi32, #tpu.memory_space<vmem>> -> memref<128xi32, #tpu.memory_space<vmem>>
      %dma_start3A_224 = arith.constant 0 : i32
      %dma_start3A_225 = arith.constant 0 : i32
      %dma_start3A_226 = tpu.memref_slice %arg10[%dma_start3A_224, %dma_start3A_225] : memref<10240x64xf32, #tpu.memory_space<vmem_shared>> -> memref<10240x64xf32, #tpu.memory_space<vmem_shared>>
      %dma_start3A_227 = tpu.memref_slice %arg12[%dma_start3A_216] : memref<4x!tpu.dma_semaphore, #tpu.memory_space<semaphore_mem>> -> memref<1x!tpu.dma_semaphore, #tpu.memory_space<semaphore_mem>>
      %dma_start3A_228 = tpu.memref_squeeze %dma_start3A_227 : memref<1x!tpu.dma_semaphore, #tpu.memory_space<semaphore_mem>> -> memref<!tpu.dma_semaphore, #tpu.memory_space<semaphore_mem>>
      tpu.enqueue_indirect_dma source(%dma_start3A_220 : memref<128x64xf32, #tpu.memory_space<vmem>>) target(%dma_start3A_226 : memref<10240x64xf32, #tpu.memory_space<vmem_shared>>) offsets(%dma_start3A_223 : memref<128xi32, #tpu.memory_space<vmem>>) semaphore(%dma_start3A_228 : memref<!tpu.dma_semaphore, #tpu.memory_space<semaphore_mem>>) {add = true}
      %add3A_229 = arith.constant 0 : i32
      %add3A_230 = arith.addi %mul3A_109, %add3A_229 : i32
      %dma_wait3A_231 = arith.constant 0 : i32
      %dma_wait3A_232 = arith.constant 0 : i32
      %dma_wait3A_233 = arith.constant 0 : i32
      %dma_wait3A_234 = arith.constant 0 : i32
      %dma_wait3A_235 = tpu.memref_slice %arg8[%dma_wait3A_231, %dma_wait3A_233, %dma_wait3A_234] : memref<4x128x64xf32, #tpu.memory_space<vmem>> -> memref<1x128x64xf32, #tpu.memory_space<vmem>>
      %dma_wait3A_236 = tpu.memref_squeeze %dma_wait3A_235 : memref<1x128x64xf32, #tpu.memory_space<vmem>> -> memref<128x64xf32, #tpu.memory_space<vmem>>
      %dma_wait3A_237 = arith.constant 0 : i32
      %dma_wait3A_238 = tpu.memref_slice %arg7[%add3A_230, %dma_wait3A_237] : memref<80x128xi32, #tpu.memory_space<vmem>> -> memref<1x128xi32, #tpu.memory_space<vmem>>
      %dma_wait3A_239 = tpu.memref_squeeze %dma_wait3A_238 : memref<1x128xi32, #tpu.memory_space<vmem>> -> memref<128xi32, #tpu.memory_space<vmem>>
      %dma_wait3A_240 = arith.constant 0 : i32
      %dma_wait3A_241 = arith.constant 0 : i32
      %dma_wait3A_242 = tpu.memref_slice %arg10[%dma_wait3A_240, %dma_wait3A_241] : memref<10240x64xf32, #tpu.memory_space<vmem_shared>> -> memref<10240x64xf32, #tpu.memory_space<vmem_shared>>
      %dma_wait3A_243 = tpu.memref_slice %arg12[%dma_wait3A_232] : memref<4x!tpu.dma_semaphore, #tpu.memory_space<semaphore_mem>> -> memref<1x!tpu.dma_semaphore, #tpu.memory_space<semaphore_mem>>
      %dma_wait3A_244 = tpu.memref_squeeze %dma_wait3A_243 : memref<1x!tpu.dma_semaphore, #tpu.memory_space<semaphore_mem>> -> memref<!tpu.dma_semaphore, #tpu.memory_space<semaphore_mem>>
      tpu.wait_indirect_dma semaphore(%dma_wait3A_244 : memref<!tpu.dma_semaphore, #tpu.memory_space<semaphore_mem>>) src(%dma_wait3A_236 : memref<128x64xf32, #tpu.memory_space<vmem>>) dst(%dma_wait3A_242 : memref<10240x64xf32, #tpu.memory_space<vmem_shared>>)
      %add3A_245 = arith.constant 4 : i32
      %add3A_246 = arith.addi %add3A_230, %add3A_245 : i32
      %lt3A = arith.constant 80 : i32
      %lt3A_247 = arith.cmpi slt, %add3A_246, %lt3A : i32
      %convert_element_type3A = arith.extui %lt3A_247 : i1 to i32
      %cond3A = arith.constant 0 : i32
      %cond3A_248 = arith.cmpi ne, %convert_element_type3A, %cond3A : i32
      scf.if %cond3A_248 {
        %add3A_319 = arith.constant 4 : i32
        %add3A_320 = arith.addi %add3A_230, %add3A_319 : i32
        %dma_start3A_321 = arith.constant 0 : i32
        %dma_start3A_322 = arith.constant 0 : i32
        %dma_start3A_323 = arith.constant 0 : i32
        %dma_start3A_324 = arith.constant 0 : i32
        %dma_start3A_325 = tpu.memref_slice %arg8[%dma_start3A_321, %dma_start3A_323, %dma_start3A_324] : memref<4x128x64xf32, #tpu.memory_space<vmem>> -> memref<1x128x64xf32, #tpu.memory_space<vmem>>
        %dma_start3A_326 = tpu.memref_squeeze %dma_start3A_325 : memref<1x128x64xf32, #tpu.memory_space<vmem>> -> memref<128x64xf32, #tpu.memory_space<vmem>>
        %dma_start3A_327 = arith.constant 0 : i32
        %dma_start3A_328 = tpu.memref_slice %arg6[%add3A_320, %dma_start3A_327] : memref<80x128xi32, #tpu.memory_space<vmem>> -> memref<1x128xi32, #tpu.memory_space<vmem>>
        %dma_start3A_329 = tpu.memref_squeeze %dma_start3A_328 : memref<1x128xi32, #tpu.memory_space<vmem>> -> memref<128xi32, #tpu.memory_space<vmem>>
        %dma_start3A_330 = arith.constant 0 : i32
        %dma_start3A_331 = arith.constant 0 : i32
        %dma_start3A_332 = tpu.memref_slice %arg2[%dma_start3A_330, %dma_start3A_331] : memref<10000x64xf32, #tpu.memory_space<hbm>> -> memref<10000x64xf32, #tpu.memory_space<hbm>>
        %dma_start3A_333 = tpu.memref_slice %arg11[%dma_start3A_322] : memref<4x!tpu.dma_semaphore, #tpu.memory_space<semaphore_mem>> -> memref<1x!tpu.dma_semaphore, #tpu.memory_space<semaphore_mem>>
        %dma_start3A_334 = tpu.memref_squeeze %dma_start3A_333 : memref<1x!tpu.dma_semaphore, #tpu.memory_space<semaphore_mem>> -> memref<!tpu.dma_semaphore, #tpu.memory_space<semaphore_mem>>
        tpu.enqueue_indirect_dma source(%dma_start3A_332 : memref<10000x64xf32, #tpu.memory_space<hbm>>) target(%dma_start3A_326 : memref<128x64xf32, #tpu.memory_space<vmem>>) offsets(%dma_start3A_329 : memref<128xi32, #tpu.memory_space<vmem>>) semaphore(%dma_start3A_334 : memref<!tpu.dma_semaphore, #tpu.memory_space<semaphore_mem>>)
      } else {
      }
      %add3A_249 = arith.constant 1 : i32
      %add3A_250 = arith.addi %mul3A_109, %add3A_249 : i32
      %dma_wait3A_251 = arith.constant 1 : i32
      %dma_wait3A_252 = arith.constant 1 : i32
      %dma_wait3A_253 = arith.constant 0 : i32
      %dma_wait3A_254 = arith.constant 0 : i32
      %dma_wait3A_255 = tpu.memref_slice %arg8[%dma_wait3A_251, %dma_wait3A_253, %dma_wait3A_254] : memref<4x128x64xf32, #tpu.memory_space<vmem>> -> memref<1x128x64xf32, #tpu.memory_space<vmem>>
      %dma_wait3A_256 = tpu.memref_squeeze %dma_wait3A_255 : memref<1x128x64xf32, #tpu.memory_space<vmem>> -> memref<128x64xf32, #tpu.memory_space<vmem>>
      %dma_wait3A_257 = arith.constant 0 : i32
      %dma_wait3A_258 = tpu.memref_slice %arg7[%add3A_250, %dma_wait3A_257] : memref<80x128xi32, #tpu.memory_space<vmem>> -> memref<1x128xi32, #tpu.memory_space<vmem>>
      %dma_wait3A_259 = tpu.memref_squeeze %dma_wait3A_258 : memref<1x128xi32, #tpu.memory_space<vmem>> -> memref<128xi32, #tpu.memory_space<vmem>>
      %dma_wait3A_260 = arith.constant 0 : i32
      %dma_wait3A_261 = arith.constant 0 : i32
      %dma_wait3A_262 = tpu.memref_slice %arg10[%dma_wait3A_260, %dma_wait3A_261] : memref<10240x64xf32, #tpu.memory_space<vmem_shared>> -> memref<10240x64xf32, #tpu.memory_space<vmem_shared>>
      %dma_wait3A_263 = tpu.memref_slice %arg12[%dma_wait3A_252] : memref<4x!tpu.dma_semaphore, #tpu.memory_space<semaphore_mem>> -> memref<1x!tpu.dma_semaphore, #tpu.memory_space<semaphore_mem>>
      %dma_wait3A_264 = tpu.memref_squeeze %dma_wait3A_263 : memref<1x!tpu.dma_semaphore, #tpu.memory_space<semaphore_mem>> -> memref<!tpu.dma_semaphore, #tpu.memory_space<semaphore_mem>>
      tpu.wait_indirect_dma semaphore(%dma_wait3A_264 : memref<!tpu.dma_semaphore, #tpu.memory_space<semaphore_mem>>) src(%dma_wait3A_256 : memref<128x64xf32, #tpu.memory_space<vmem>>) dst(%dma_wait3A_262 : memref<10240x64xf32, #tpu.memory_space<vmem_shared>>)
      %add3A_265 = arith.constant 4 : i32
      %add3A_266 = arith.addi %add3A_250, %add3A_265 : i32
      %lt3A_267 = arith.constant 80 : i32
      %lt3A_268 = arith.cmpi slt, %add3A_266, %lt3A_267 : i32
      %convert_element_type3A_269 = arith.extui %lt3A_268 : i1 to i32
      %cond3A_270 = arith.constant 0 : i32
      %cond3A_271 = arith.cmpi ne, %convert_element_type3A_269, %cond3A_270 : i32
      scf.if %cond3A_271 {
        %add3A_319 = arith.constant 4 : i32
        %add3A_320 = arith.addi %add3A_250, %add3A_319 : i32
        %dma_start3A_321 = arith.constant 1 : i32
        %dma_start3A_322 = arith.constant 1 : i32
        %dma_start3A_323 = arith.constant 0 : i32
        %dma_start3A_324 = arith.constant 0 : i32
        %dma_start3A_325 = tpu.memref_slice %arg8[%dma_start3A_321, %dma_start3A_323, %dma_start3A_324] : memref<4x128x64xf32, #tpu.memory_space<vmem>> -> memref<1x128x64xf32, #tpu.memory_space<vmem>>
        %dma_start3A_326 = tpu.memref_squeeze %dma_start3A_325 : memref<1x128x64xf32, #tpu.memory_space<vmem>> -> memref<128x64xf32, #tpu.memory_space<vmem>>
        %dma_start3A_327 = arith.constant 0 : i32
        %dma_start3A_328 = tpu.memref_slice %arg6[%add3A_320, %dma_start3A_327] : memref<80x128xi32, #tpu.memory_space<vmem>> -> memref<1x128xi32, #tpu.memory_space<vmem>>
        %dma_start3A_329 = tpu.memref_squeeze %dma_start3A_328 : memref<1x128xi32, #tpu.memory_space<vmem>> -> memref<128xi32, #tpu.memory_space<vmem>>
        %dma_start3A_330 = arith.constant 0 : i32
        %dma_start3A_331 = arith.constant 0 : i32
        %dma_start3A_332 = tpu.memref_slice %arg2[%dma_start3A_330, %dma_start3A_331] : memref<10000x64xf32, #tpu.memory_space<hbm>> -> memref<10000x64xf32, #tpu.memory_space<hbm>>
        %dma_start3A_333 = tpu.memref_slice %arg11[%dma_start3A_322] : memref<4x!tpu.dma_semaphore, #tpu.memory_space<semaphore_mem>> -> memref<1x!tpu.dma_semaphore, #tpu.memory_space<semaphore_mem>>
        %dma_start3A_334 = tpu.memref_squeeze %dma_start3A_333 : memref<1x!tpu.dma_semaphore, #tpu.memory_space<semaphore_mem>> -> memref<!tpu.dma_semaphore, #tpu.memory_space<semaphore_mem>>
        tpu.enqueue_indirect_dma source(%dma_start3A_332 : memref<10000x64xf32, #tpu.memory_space<hbm>>) target(%dma_start3A_326 : memref<128x64xf32, #tpu.memory_space<vmem>>) offsets(%dma_start3A_329 : memref<128xi32, #tpu.memory_space<vmem>>) semaphore(%dma_start3A_334 : memref<!tpu.dma_semaphore, #tpu.memory_space<semaphore_mem>>)
      } else {
      }
      %add3A_272 = arith.constant 2 : i32
      %add3A_273 = arith.addi %mul3A_109, %add3A_272 : i32
      %dma_wait3A_274 = arith.constant 2 : i32
      %dma_wait3A_275 = arith.constant 2 : i32
      %dma_wait3A_276 = arith.constant 0 : i32
      %dma_wait3A_277 = arith.constant 0 : i32
      %dma_wait3A_278 = tpu.memref_slice %arg8[%dma_wait3A_274, %dma_wait3A_276, %dma_wait3A_277] : memref<4x128x64xf32, #tpu.memory_space<vmem>> -> memref<1x128x64xf32, #tpu.memory_space<vmem>>
      %dma_wait3A_279 = tpu.memref_squeeze %dma_wait3A_278 : memref<1x128x64xf32, #tpu.memory_space<vmem>> -> memref<128x64xf32, #tpu.memory_space<vmem>>
      %dma_wait3A_280 = arith.constant 0 : i32
      %dma_wait3A_281 = tpu.memref_slice %arg7[%add3A_273, %dma_wait3A_280] : memref<80x128xi32, #tpu.memory_space<vmem>> -> memref<1x128xi32, #tpu.memory_space<vmem>>
      %dma_wait3A_282 = tpu.memref_squeeze %dma_wait3A_281 : memref<1x128xi32, #tpu.memory_space<vmem>> -> memref<128xi32, #tpu.memory_space<vmem>>
      %dma_wait3A_283 = arith.constant 0 : i32
      %dma_wait3A_284 = arith.constant 0 : i32
      %dma_wait3A_285 = tpu.memref_slice %arg10[%dma_wait3A_283, %dma_wait3A_284] : memref<10240x64xf32, #tpu.memory_space<vmem_shared>> -> memref<10240x64xf32, #tpu.memory_space<vmem_shared>>
      %dma_wait3A_286 = tpu.memref_slice %arg12[%dma_wait3A_275] : memref<4x!tpu.dma_semaphore, #tpu.memory_space<semaphore_mem>> -> memref<1x!tpu.dma_semaphore, #tpu.memory_space<semaphore_mem>>
      %dma_wait3A_287 = tpu.memref_squeeze %dma_wait3A_286 : memref<1x!tpu.dma_semaphore, #tpu.memory_space<semaphore_mem>> -> memref<!tpu.dma_semaphore, #tpu.memory_space<semaphore_mem>>
      tpu.wait_indirect_dma semaphore(%dma_wait3A_287 : memref<!tpu.dma_semaphore, #tpu.memory_space<semaphore_mem>>) src(%dma_wait3A_279 : memref<128x64xf32, #tpu.memory_space<vmem>>) dst(%dma_wait3A_285 : memref<10240x64xf32, #tpu.memory_space<vmem_shared>>)
      %add3A_288 = arith.constant 4 : i32
      %add3A_289 = arith.addi %add3A_273, %add3A_288 : i32
      %lt3A_290 = arith.constant 80 : i32
      %lt3A_291 = arith.cmpi slt, %add3A_289, %lt3A_290 : i32
      %convert_element_type3A_292 = arith.extui %lt3A_291 : i1 to i32
      %cond3A_293 = arith.constant 0 : i32
      %cond3A_294 = arith.cmpi ne, %convert_element_type3A_292, %cond3A_293 : i32
      scf.if %cond3A_294 {
        %add3A_319 = arith.constant 4 : i32
        %add3A_320 = arith.addi %add3A_273, %add3A_319 : i32
        %dma_start3A_321 = arith.constant 2 : i32
        %dma_start3A_322 = arith.constant 2 : i32
        %dma_start3A_323 = arith.constant 0 : i32
        %dma_start3A_324 = arith.constant 0 : i32
        %dma_start3A_325 = tpu.memref_slice %arg8[%dma_start3A_321, %dma_start3A_323, %dma_start3A_324] : memref<4x128x64xf32, #tpu.memory_space<vmem>> -> memref<1x128x64xf32, #tpu.memory_space<vmem>>
        %dma_start3A_326 = tpu.memref_squeeze %dma_start3A_325 : memref<1x128x64xf32, #tpu.memory_space<vmem>> -> memref<128x64xf32, #tpu.memory_space<vmem>>
        %dma_start3A_327 = arith.constant 0 : i32
        %dma_start3A_328 = tpu.memref_slice %arg6[%add3A_320, %dma_start3A_327] : memref<80x128xi32, #tpu.memory_space<vmem>> -> memref<1x128xi32, #tpu.memory_space<vmem>>
        %dma_start3A_329 = tpu.memref_squeeze %dma_start3A_328 : memref<1x128xi32, #tpu.memory_space<vmem>> -> memref<128xi32, #tpu.memory_space<vmem>>
        %dma_start3A_330 = arith.constant 0 : i32
        %dma_start3A_331 = arith.constant 0 : i32
        %dma_start3A_332 = tpu.memref_slice %arg2[%dma_start3A_330, %dma_start3A_331] : memref<10000x64xf32, #tpu.memory_space<hbm>> -> memref<10000x64xf32, #tpu.memory_space<hbm>>
        %dma_start3A_333 = tpu.memref_slice %arg11[%dma_start3A_322] : memref<4x!tpu.dma_semaphore, #tpu.memory_space<semaphore_mem>> -> memref<1x!tpu.dma_semaphore, #tpu.memory_space<semaphore_mem>>
        %dma_start3A_334 = tpu.memref_squeeze %dma_start3A_333 : memref<1x!tpu.dma_semaphore, #tpu.memory_space<semaphore_mem>> -> memref<!tpu.dma_semaphore, #tpu.memory_space<semaphore_mem>>
        tpu.enqueue_indirect_dma source(%dma_start3A_332 : memref<10000x64xf32, #tpu.memory_space<hbm>>) target(%dma_start3A_326 : memref<128x64xf32, #tpu.memory_space<vmem>>) offsets(%dma_start3A_329 : memref<128xi32, #tpu.memory_space<vmem>>) semaphore(%dma_start3A_334 : memref<!tpu.dma_semaphore, #tpu.memory_space<semaphore_mem>>)
      } else {
      }
      %add3A_295 = arith.constant 3 : i32
      %add3A_296 = arith.addi %mul3A_109, %add3A_295 : i32
      %dma_wait3A_297 = arith.constant 3 : i32
      %dma_wait3A_298 = arith.constant 3 : i32
      %dma_wait3A_299 = arith.constant 0 : i32
      %dma_wait3A_300 = arith.constant 0 : i32
      %dma_wait3A_301 = tpu.memref_slice %arg8[%dma_wait3A_297, %dma_wait3A_299, %dma_wait3A_300] : memref<4x128x64xf32, #tpu.memory_space<vmem>> -> memref<1x128x64xf32, #tpu.memory_space<vmem>>
      %dma_wait3A_302 = tpu.memref_squeeze %dma_wait3A_301 : memref<1x128x64xf32, #tpu.memory_space<vmem>> -> memref<128x64xf32, #tpu.memory_space<vmem>>
      %dma_wait3A_303 = arith.constant 0 : i32
      %dma_wait3A_304 = tpu.memref_slice %arg7[%add3A_296, %dma_wait3A_303] : memref<80x128xi32, #tpu.memory_space<vmem>> -> memref<1x128xi32, #tpu.memory_space<vmem>>
      %dma_wait3A_305 = tpu.memref_squeeze %dma_wait3A_304 : memref<1x128xi32, #tpu.memory_space<vmem>> -> memref<128xi32, #tpu.memory_space<vmem>>
      %dma_wait3A_306 = arith.constant 0 : i32
      %dma_wait3A_307 = arith.constant 0 : i32
      %dma_wait3A_308 = tpu.memref_slice %arg10[%dma_wait3A_306, %dma_wait3A_307] : memref<10240x64xf32, #tpu.memory_space<vmem_shared>> -> memref<10240x64xf32, #tpu.memory_space<vmem_shared>>
      %dma_wait3A_309 = tpu.memref_slice %arg12[%dma_wait3A_298] : memref<4x!tpu.dma_semaphore, #tpu.memory_space<semaphore_mem>> -> memref<1x!tpu.dma_semaphore, #tpu.memory_space<semaphore_mem>>
      %dma_wait3A_310 = tpu.memref_squeeze %dma_wait3A_309 : memref<1x!tpu.dma_semaphore, #tpu.memory_space<semaphore_mem>> -> memref<!tpu.dma_semaphore, #tpu.memory_space<semaphore_mem>>
      tpu.wait_indirect_dma semaphore(%dma_wait3A_310 : memref<!tpu.dma_semaphore, #tpu.memory_space<semaphore_mem>>) src(%dma_wait3A_302 : memref<128x64xf32, #tpu.memory_space<vmem>>) dst(%dma_wait3A_308 : memref<10240x64xf32, #tpu.memory_space<vmem_shared>>)
      %add3A_311 = arith.constant 4 : i32
      %add3A_312 = arith.addi %add3A_296, %add3A_311 : i32
      %lt3A_313 = arith.constant 80 : i32
      %lt3A_314 = arith.cmpi slt, %add3A_312, %lt3A_313 : i32
      %convert_element_type3A_315 = arith.extui %lt3A_314 : i1 to i32
      %cond3A_316 = arith.constant 0 : i32
      %cond3A_317 = arith.cmpi ne, %convert_element_type3A_315, %cond3A_316 : i32
      scf.if %cond3A_317 {
        %add3A_319 = arith.constant 4 : i32
        %add3A_320 = arith.addi %add3A_296, %add3A_319 : i32
        %dma_start3A_321 = arith.constant 3 : i32
        %dma_start3A_322 = arith.constant 3 : i32
        %dma_start3A_323 = arith.constant 0 : i32
        %dma_start3A_324 = arith.constant 0 : i32
        %dma_start3A_325 = tpu.memref_slice %arg8[%dma_start3A_321, %dma_start3A_323, %dma_start3A_324] : memref<4x128x64xf32, #tpu.memory_space<vmem>> -> memref<1x128x64xf32, #tpu.memory_space<vmem>>
        %dma_start3A_326 = tpu.memref_squeeze %dma_start3A_325 : memref<1x128x64xf32, #tpu.memory_space<vmem>> -> memref<128x64xf32, #tpu.memory_space<vmem>>
        %dma_start3A_327 = arith.constant 0 : i32
        %dma_start3A_328 = tpu.memref_slice %arg6[%add3A_320, %dma_start3A_327] : memref<80x128xi32, #tpu.memory_space<vmem>> -> memref<1x128xi32, #tpu.memory_space<vmem>>
        %dma_start3A_329 = tpu.memref_squeeze %dma_start3A_328 : memref<1x128xi32, #tpu.memory_space<vmem>> -> memref<128xi32, #tpu.memory_space<vmem>>
        %dma_start3A_330 = arith.constant 0 : i32
        %dma_start3A_331 = arith.constant 0 : i32
        %dma_start3A_332 = tpu.memref_slice %arg2[%dma_start3A_330, %dma_start3A_331] : memref<10000x64xf32, #tpu.memory_space<hbm>> -> memref<10000x64xf32, #tpu.memory_space<hbm>>
        %dma_start3A_333 = tpu.memref_slice %arg11[%dma_start3A_322] : memref<4x!tpu.dma_semaphore, #tpu.memory_space<semaphore_mem>> -> memref<1x!tpu.dma_semaphore, #tpu.memory_space<semaphore_mem>>
        %dma_start3A_334 = tpu.memref_squeeze %dma_start3A_333 : memref<1x!tpu.dma_semaphore, #tpu.memory_space<semaphore_mem>> -> memref<!tpu.dma_semaphore, #tpu.memory_space<semaphore_mem>>
        tpu.enqueue_indirect_dma source(%dma_start3A_332 : memref<10000x64xf32, #tpu.memory_space<hbm>>) target(%dma_start3A_326 : memref<128x64xf32, #tpu.memory_space<vmem>>) offsets(%dma_start3A_329 : memref<128xi32, #tpu.memory_space<vmem>>) semaphore(%dma_start3A_334 : memref<!tpu.dma_semaphore, #tpu.memory_space<semaphore_mem>>)
      } else {
      }
      %scan3A_318 = arith.constant 0 : i32
      scf.yield %scan3A_318 : i32
    }
    %scan3A_84 = arith.constant 20 : i32
    %barrier3A_85 = arith.constant 0 : index
    tpu.barrier barrier_id(%barrier3A_85)
    %add3A_86 = arith.constant 0 : i32
    %add3A_87 = arith.addi %mul3A_2, %add3A_86 : i32
    "tpu.region"() ({
      %run_scoped3A = tpu.sem_alloc : memref<!tpu.dma_semaphore, #tpu.memory_space<semaphore_mem>>
      %dma_start3A_106 = arith.constant 0 : i32
      %dma_start3A_107 = tpu.memref_slice %arg10[%add3A_87, %dma_start3A_106] : memref<10240x64xf32, #tpu.memory_space<vmem_shared>> -> memref<128x64xf32, #tpu.memory_space<vmem_shared>>
      %dma_start3A_108 = arith.constant 0 : i32
      %dma_start3A_109 = tpu.memref_slice %arg10[%add3A_87, %dma_start3A_108] : memref<10240x64xf32, #tpu.memory_space<vmem_shared>> -> memref<128x64xf32, #tpu.memory_space<vmem_shared>>
      tpu.enqueue_dma source(%dma_start3A_109 : memref<128x64xf32, #tpu.memory_space<vmem_shared>>) target(%arg9 : memref<128x64xf32, #tpu.memory_space<vmem>>) target_semaphore(%run_scoped3A : memref<!tpu.dma_semaphore, #tpu.memory_space<semaphore_mem>>)
      %dma_wait3A = arith.constant 0 : i32
      %dma_wait3A_110 = tpu.memref_slice %arg10[%add3A_87, %dma_wait3A] : memref<10240x64xf32, #tpu.memory_space<vmem_shared>> -> memref<128x64xf32, #tpu.memory_space<vmem_shared>>
      %dma_wait3A_111 = arith.constant 0 : i32
      %dma_wait3A_112 = tpu.memref_slice %arg10[%add3A_87, %dma_wait3A_111] : memref<10240x64xf32, #tpu.memory_space<vmem_shared>> -> memref<128x64xf32, #tpu.memory_space<vmem_shared>>
      tpu.wait_dma2 semaphore(%run_scoped3A : memref<!tpu.dma_semaphore, #tpu.memory_space<semaphore_mem>>) src(%dma_wait3A_112 : memref<128x64xf32, #tpu.memory_space<vmem_shared>>) dst(%arg9 : memref<128x64xf32, #tpu.memory_space<vmem>>)
      tpu.yield
    }) : () -> ()
    %add3A_88 = arith.constant 0 : i32
    %add3A_89 = arith.addi %mul3A_2, %add3A_88 : i32
    "tpu.region"() ({
      %run_scoped3A = tpu.sem_alloc : memref<!tpu.dma_semaphore, #tpu.memory_space<semaphore_mem>>
      %dma_start3A_106 = arith.constant 0 : i32
      %dma_start3A_107 = tpu.memref_slice %arg5[%arg0, %add3A_89, %dma_start3A_106] : memref<2x10240x64xf32, #tpu.memory_space<hbm>> -> memref<1x128x64xf32, #tpu.memory_space<hbm>>
      %dma_start3A_108 = tpu.memref_squeeze %dma_start3A_107 : memref<1x128x64xf32, #tpu.memory_space<hbm>> -> memref<128x64xf32, #tpu.memory_space<hbm>>
      %dma_start3A_109 = arith.constant 0 : i32
      %dma_start3A_110 = tpu.memref_slice %arg5[%arg0, %add3A_89, %dma_start3A_109] : memref<2x10240x64xf32, #tpu.memory_space<hbm>> -> memref<1x128x64xf32, #tpu.memory_space<hbm>>
      %dma_start3A_111 = tpu.memref_squeeze %dma_start3A_110 : memref<1x128x64xf32, #tpu.memory_space<hbm>> -> memref<128x64xf32, #tpu.memory_space<hbm>>
      tpu.enqueue_dma source(%arg9 : memref<128x64xf32, #tpu.memory_space<vmem>>) target(%dma_start3A_111 : memref<128x64xf32, #tpu.memory_space<hbm>>) target_semaphore(%run_scoped3A : memref<!tpu.dma_semaphore, #tpu.memory_space<semaphore_mem>>)
      %dma_wait3A = arith.constant 0 : i32
      %dma_wait3A_112 = tpu.memref_slice %arg5[%arg0, %add3A_89, %dma_wait3A] : memref<2x10240x64xf32, #tpu.memory_space<hbm>> -> memref<1x128x64xf32, #tpu.memory_space<hbm>>
      %dma_wait3A_113 = tpu.memref_squeeze %dma_wait3A_112 : memref<1x128x64xf32, #tpu.memory_space<hbm>> -> memref<128x64xf32, #tpu.memory_space<hbm>>
      %dma_wait3A_114 = arith.constant 0 : i32
      %dma_wait3A_115 = tpu.memref_slice %arg5[%arg0, %add3A_89, %dma_wait3A_114] : memref<2x10240x64xf32, #tpu.memory_space<hbm>> -> memref<1x128x64xf32, #tpu.memory_space<hbm>>
      %dma_wait3A_116 = tpu.memref_squeeze %dma_wait3A_115 : memref<1x128x64xf32, #tpu.memory_space<hbm>> -> memref<128x64xf32, #tpu.memory_space<hbm>>
      tpu.wait_dma2 semaphore(%run_scoped3A : memref<!tpu.dma_semaphore, #tpu.memory_space<semaphore_mem>>) src(%arg9 : memref<128x64xf32, #tpu.memory_space<vmem>>) dst(%dma_wait3A_116 : memref<128x64xf32, #tpu.memory_space<hbm>>)
      tpu.yield
    }) : () -> ()
    %add3A_90 = arith.constant 128 : i32
    %add3A_91 = arith.addi %mul3A_2, %add3A_90 : i32
    "tpu.region"() ({
      %run_scoped3A = tpu.sem_alloc : memref<!tpu.dma_semaphore, #tpu.memory_space<semaphore_mem>>
      %dma_start3A_106 = arith.constant 0 : i32
      %dma_start3A_107 = tpu.memref_slice %arg10[%add3A_91, %dma_start3A_106] : memref<10240x64xf32, #tpu.memory_space<vmem_shared>> -> memref<128x64xf32, #tpu.memory_space<vmem_shared>>
      %dma_start3A_108 = arith.constant 0 : i32
      %dma_start3A_109 = tpu.memref_slice %arg10[%add3A_91, %dma_start3A_108] : memref<10240x64xf32, #tpu.memory_space<vmem_shared>> -> memref<128x64xf32, #tpu.memory_space<vmem_shared>>
      tpu.enqueue_dma source(%dma_start3A_109 : memref<128x64xf32, #tpu.memory_space<vmem_shared>>) target(%arg9 : memref<128x64xf32, #tpu.memory_space<vmem>>) target_semaphore(%run_scoped3A : memref<!tpu.dma_semaphore, #tpu.memory_space<semaphore_mem>>)
      %dma_wait3A = arith.constant 0 : i32
      %dma_wait3A_110 = tpu.memref_slice %arg10[%add3A_91, %dma_wait3A] : memref<10240x64xf32, #tpu.memory_space<vmem_shared>> -> memref<128x64xf32, #tpu.memory_space<vmem_shared>>
      %dma_wait3A_111 = arith.constant 0 : i32
      %dma_wait3A_112 = tpu.memref_slice %arg10[%add3A_91, %dma_wait3A_111] : memref<10240x64xf32, #tpu.memory_space<vmem_shared>> -> memref<128x64xf32, #tpu.memory_space<vmem_shared>>
      tpu.wait_dma2 semaphore(%run_scoped3A : memref<!tpu.dma_semaphore, #tpu.memory_space<semaphore_mem>>) src(%dma_wait3A_112 : memref<128x64xf32, #tpu.memory_space<vmem_shared>>) dst(%arg9 : memref<128x64xf32, #tpu.memory_space<vmem>>)
      tpu.yield
    }) : () -> ()
    %add3A_92 = arith.constant 128 : i32
    %add3A_93 = arith.addi %mul3A_2, %add3A_92 : i32
    "tpu.region"() ({
      %run_scoped3A = tpu.sem_alloc : memref<!tpu.dma_semaphore, #tpu.memory_space<semaphore_mem>>
      %dma_start3A_106 = arith.constant 0 : i32
      %dma_start3A_107 = tpu.memref_slice %arg5[%arg0, %add3A_93, %dma_start3A_106] : memref<2x10240x64xf32, #tpu.memory_space<hbm>> -> memref<1x128x64xf32, #tpu.memory_space<hbm>>
      %dma_start3A_108 = tpu.memref_squeeze %dma_start3A_107 : memref<1x128x64xf32, #tpu.memory_space<hbm>> -> memref<128x64xf32, #tpu.memory_space<hbm>>
      %dma_start3A_109 = arith.constant 0 : i32
      %dma_start3A_110 = tpu.memref_slice %arg5[%arg0, %add3A_93, %dma_start3A_109] : memref<2x10240x64xf32, #tpu.memory_space<hbm>> -> memref<1x128x64xf32, #tpu.memory_space<hbm>>
      %dma_start3A_111 = tpu.memref_squeeze %dma_start3A_110 : memref<1x128x64xf32, #tpu.memory_space<hbm>> -> memref<128x64xf32, #tpu.memory_space<hbm>>
      tpu.enqueue_dma source(%arg9 : memref<128x64xf32, #tpu.memory_space<vmem>>) target(%dma_start3A_111 : memref<128x64xf32, #tpu.memory_space<hbm>>) target_semaphore(%run_scoped3A : memref<!tpu.dma_semaphore, #tpu.memory_space<semaphore_mem>>)
      %dma_wait3A = arith.constant 0 : i32
      %dma_wait3A_112 = tpu.memref_slice %arg5[%arg0, %add3A_93, %dma_wait3A] : memref<2x10240x64xf32, #tpu.memory_space<hbm>> -> memref<1x128x64xf32, #tpu.memory_space<hbm>>
      %dma_wait3A_113 = tpu.memref_squeeze %dma_wait3A_112 : memref<1x128x64xf32, #tpu.memory_space<hbm>> -> memref<128x64xf32, #tpu.memory_space<hbm>>
      %dma_wait3A_114 = arith.constant 0 : i32
      %dma_wait3A_115 = tpu.memref_slice %arg5[%arg0, %add3A_93, %dma_wait3A_114] : memref<2x10240x64xf32, #tpu.memory_space<hbm>> -> memref<1x128x64xf32, #tpu.memory_space<hbm>>
      %dma_wait3A_116 = tpu.memref_squeeze %dma_wait3A_115 : memref<1x128x64xf32, #tpu.memory_space<hbm>> -> memref<128x64xf32, #tpu.memory_space<hbm>>
      tpu.wait_dma2 semaphore(%run_scoped3A : memref<!tpu.dma_semaphore, #tpu.memory_space<semaphore_mem>>) src(%arg9 : memref<128x64xf32, #tpu.memory_space<vmem>>) dst(%dma_wait3A_116 : memref<128x64xf32, #tpu.memory_space<hbm>>)
      tpu.yield
    }) : () -> ()
    %add3A_94 = arith.constant 256 : i32
    %add3A_95 = arith.addi %mul3A_2, %add3A_94 : i32
    "tpu.region"() ({
      %run_scoped3A = tpu.sem_alloc : memref<!tpu.dma_semaphore, #tpu.memory_space<semaphore_mem>>
      %dma_start3A_106 = arith.constant 0 : i32
      %dma_start3A_107 = tpu.memref_slice %arg10[%add3A_95, %dma_start3A_106] : memref<10240x64xf32, #tpu.memory_space<vmem_shared>> -> memref<128x64xf32, #tpu.memory_space<vmem_shared>>
      %dma_start3A_108 = arith.constant 0 : i32
      %dma_start3A_109 = tpu.memref_slice %arg10[%add3A_95, %dma_start3A_108] : memref<10240x64xf32, #tpu.memory_space<vmem_shared>> -> memref<128x64xf32, #tpu.memory_space<vmem_shared>>
      tpu.enqueue_dma source(%dma_start3A_109 : memref<128x64xf32, #tpu.memory_space<vmem_shared>>) target(%arg9 : memref<128x64xf32, #tpu.memory_space<vmem>>) target_semaphore(%run_scoped3A : memref<!tpu.dma_semaphore, #tpu.memory_space<semaphore_mem>>)
      %dma_wait3A = arith.constant 0 : i32
      %dma_wait3A_110 = tpu.memref_slice %arg10[%add3A_95, %dma_wait3A] : memref<10240x64xf32, #tpu.memory_space<vmem_shared>> -> memref<128x64xf32, #tpu.memory_space<vmem_shared>>
      %dma_wait3A_111 = arith.constant 0 : i32
      %dma_wait3A_112 = tpu.memref_slice %arg10[%add3A_95, %dma_wait3A_111] : memref<10240x64xf32, #tpu.memory_space<vmem_shared>> -> memref<128x64xf32, #tpu.memory_space<vmem_shared>>
      tpu.wait_dma2 semaphore(%run_scoped3A : memref<!tpu.dma_semaphore, #tpu.memory_space<semaphore_mem>>) src(%dma_wait3A_112 : memref<128x64xf32, #tpu.memory_space<vmem_shared>>) dst(%arg9 : memref<128x64xf32, #tpu.memory_space<vmem>>)
      tpu.yield
    }) : () -> ()
    %add3A_96 = arith.constant 256 : i32
    %add3A_97 = arith.addi %mul3A_2, %add3A_96 : i32
    "tpu.region"() ({
      %run_scoped3A = tpu.sem_alloc : memref<!tpu.dma_semaphore, #tpu.memory_space<semaphore_mem>>
      %dma_start3A_106 = arith.constant 0 : i32
      %dma_start3A_107 = tpu.memref_slice %arg5[%arg0, %add3A_97, %dma_start3A_106] : memref<2x10240x64xf32, #tpu.memory_space<hbm>> -> memref<1x128x64xf32, #tpu.memory_space<hbm>>
      %dma_start3A_108 = tpu.memref_squeeze %dma_start3A_107 : memref<1x128x64xf32, #tpu.memory_space<hbm>> -> memref<128x64xf32, #tpu.memory_space<hbm>>
      %dma_start3A_109 = arith.constant 0 : i32
      %dma_start3A_110 = tpu.memref_slice %arg5[%arg0, %add3A_97, %dma_start3A_109] : memref<2x10240x64xf32, #tpu.memory_space<hbm>> -> memref<1x128x64xf32, #tpu.memory_space<hbm>>
      %dma_start3A_111 = tpu.memref_squeeze %dma_start3A_110 : memref<1x128x64xf32, #tpu.memory_space<hbm>> -> memref<128x64xf32, #tpu.memory_space<hbm>>
      tpu.enqueue_dma source(%arg9 : memref<128x64xf32, #tpu.memory_space<vmem>>) target(%dma_start3A_111 : memref<128x64xf32, #tpu.memory_space<hbm>>) target_semaphore(%run_scoped3A : memref<!tpu.dma_semaphore, #tpu.memory_space<semaphore_mem>>)
      %dma_wait3A = arith.constant 0 : i32
      %dma_wait3A_112 = tpu.memref_slice %arg5[%arg0, %add3A_97, %dma_wait3A] : memref<2x10240x64xf32, #tpu.memory_space<hbm>> -> memref<1x128x64xf32, #tpu.memory_space<hbm>>
      %dma_wait3A_113 = tpu.memref_squeeze %dma_wait3A_112 : memref<1x128x64xf32, #tpu.memory_space<hbm>> -> memref<128x64xf32, #tpu.memory_space<hbm>>
      %dma_wait3A_114 = arith.constant 0 : i32
      %dma_wait3A_115 = tpu.memref_slice %arg5[%arg0, %add3A_97, %dma_wait3A_114] : memref<2x10240x64xf32, #tpu.memory_space<hbm>> -> memref<1x128x64xf32, #tpu.memory_space<hbm>>
      %dma_wait3A_116 = tpu.memref_squeeze %dma_wait3A_115 : memref<1x128x64xf32, #tpu.memory_space<hbm>> -> memref<128x64xf32, #tpu.memory_space<hbm>>
      tpu.wait_dma2 semaphore(%run_scoped3A : memref<!tpu.dma_semaphore, #tpu.memory_space<semaphore_mem>>) src(%arg9 : memref<128x64xf32, #tpu.memory_space<vmem>>) dst(%dma_wait3A_116 : memref<128x64xf32, #tpu.memory_space<hbm>>)
      tpu.yield
    }) : () -> ()
    %add3A_98 = arith.constant 384 : i32
    %add3A_99 = arith.addi %mul3A_2, %add3A_98 : i32
    "tpu.region"() ({
      %run_scoped3A = tpu.sem_alloc : memref<!tpu.dma_semaphore, #tpu.memory_space<semaphore_mem>>
      %dma_start3A_106 = arith.constant 0 : i32
      %dma_start3A_107 = tpu.memref_slice %arg10[%add3A_99, %dma_start3A_106] : memref<10240x64xf32, #tpu.memory_space<vmem_shared>> -> memref<128x64xf32, #tpu.memory_space<vmem_shared>>
      %dma_start3A_108 = arith.constant 0 : i32
      %dma_start3A_109 = tpu.memref_slice %arg10[%add3A_99, %dma_start3A_108] : memref<10240x64xf32, #tpu.memory_space<vmem_shared>> -> memref<128x64xf32, #tpu.memory_space<vmem_shared>>
      tpu.enqueue_dma source(%dma_start3A_109 : memref<128x64xf32, #tpu.memory_space<vmem_shared>>) target(%arg9 : memref<128x64xf32, #tpu.memory_space<vmem>>) target_semaphore(%run_scoped3A : memref<!tpu.dma_semaphore, #tpu.memory_space<semaphore_mem>>)
      %dma_wait3A = arith.constant 0 : i32
      %dma_wait3A_110 = tpu.memref_slice %arg10[%add3A_99, %dma_wait3A] : memref<10240x64xf32, #tpu.memory_space<vmem_shared>> -> memref<128x64xf32, #tpu.memory_space<vmem_shared>>
      %dma_wait3A_111 = arith.constant 0 : i32
      %dma_wait3A_112 = tpu.memref_slice %arg10[%add3A_99, %dma_wait3A_111] : memref<10240x64xf32, #tpu.memory_space<vmem_shared>> -> memref<128x64xf32, #tpu.memory_space<vmem_shared>>
      tpu.wait_dma2 semaphore(%run_scoped3A : memref<!tpu.dma_semaphore, #tpu.memory_space<semaphore_mem>>) src(%dma_wait3A_112 : memref<128x64xf32, #tpu.memory_space<vmem_shared>>) dst(%arg9 : memref<128x64xf32, #tpu.memory_space<vmem>>)
      tpu.yield
    }) : () -> ()
    %add3A_100 = arith.constant 384 : i32
    %add3A_101 = arith.addi %mul3A_2, %add3A_100 : i32
    "tpu.region"() ({
      %run_scoped3A = tpu.sem_alloc : memref<!tpu.dma_semaphore, #tpu.memory_space<semaphore_mem>>
      %dma_start3A_106 = arith.constant 0 : i32
      %dma_start3A_107 = tpu.memref_slice %arg5[%arg0, %add3A_101, %dma_start3A_106] : memref<2x10240x64xf32, #tpu.memory_space<hbm>> -> memref<1x128x64xf32, #tpu.memory_space<hbm>>
      %dma_start3A_108 = tpu.memref_squeeze %dma_start3A_107 : memref<1x128x64xf32, #tpu.memory_space<hbm>> -> memref<128x64xf32, #tpu.memory_space<hbm>>
      %dma_start3A_109 = arith.constant 0 : i32
      %dma_start3A_110 = tpu.memref_slice %arg5[%arg0, %add3A_101, %dma_start3A_109] : memref<2x10240x64xf32, #tpu.memory_space<hbm>> -> memref<1x128x64xf32, #tpu.memory_space<hbm>>
      %dma_start3A_111 = tpu.memref_squeeze %dma_start3A_110 : memref<1x128x64xf32, #tpu.memory_space<hbm>> -> memref<128x64xf32, #tpu.memory_space<hbm>>
      tpu.enqueue_dma source(%arg9 : memref<128x64xf32, #tpu.memory_space<vmem>>) target(%dma_start3A_111 : memref<128x64xf32, #tpu.memory_space<hbm>>) target_semaphore(%run_scoped3A : memref<!tpu.dma_semaphore, #tpu.memory_space<semaphore_mem>>)
      %dma_wait3A = arith.constant 0 : i32
      %dma_wait3A_112 = tpu.memref_slice %arg5[%arg0, %add3A_101, %dma_wait3A] : memref<2x10240x64xf32, #tpu.memory_space<hbm>> -> memref<1x128x64xf32, #tpu.memory_space<hbm>>
      %dma_wait3A_113 = tpu.memref_squeeze %dma_wait3A_112 : memref<1x128x64xf32, #tpu.memory_space<hbm>> -> memref<128x64xf32, #tpu.memory_space<hbm>>
      %dma_wait3A_114 = arith.constant 0 : i32
      %dma_wait3A_115 = tpu.memref_slice %arg5[%arg0, %add3A_101, %dma_wait3A_114] : memref<2x10240x64xf32, #tpu.memory_space<hbm>> -> memref<1x128x64xf32, #tpu.memory_space<hbm>>
      %dma_wait3A_116 = tpu.memref_squeeze %dma_wait3A_115 : memref<1x128x64xf32, #tpu.memory_space<hbm>> -> memref<128x64xf32, #tpu.memory_space<hbm>>
      tpu.wait_dma2 semaphore(%run_scoped3A : memref<!tpu.dma_semaphore, #tpu.memory_space<semaphore_mem>>) src(%arg9 : memref<128x64xf32, #tpu.memory_space<vmem>>) dst(%dma_wait3A_116 : memref<128x64xf32, #tpu.memory_space<hbm>>)
      tpu.yield
    }) : () -> ()
    %add3A_102 = arith.constant 512 : i32
    %add3A_103 = arith.addi %mul3A_2, %add3A_102 : i32
    "tpu.region"() ({
      %run_scoped3A = tpu.sem_alloc : memref<!tpu.dma_semaphore, #tpu.memory_space<semaphore_mem>>
      %dma_start3A_106 = arith.constant 0 : i32
      %dma_start3A_107 = tpu.memref_slice %arg10[%add3A_103, %dma_start3A_106] : memref<10240x64xf32, #tpu.memory_space<vmem_shared>> -> memref<128x64xf32, #tpu.memory_space<vmem_shared>>
      %dma_start3A_108 = arith.constant 0 : i32
      %dma_start3A_109 = tpu.memref_slice %arg10[%add3A_103, %dma_start3A_108] : memref<10240x64xf32, #tpu.memory_space<vmem_shared>> -> memref<128x64xf32, #tpu.memory_space<vmem_shared>>
      tpu.enqueue_dma source(%dma_start3A_109 : memref<128x64xf32, #tpu.memory_space<vmem_shared>>) target(%arg9 : memref<128x64xf32, #tpu.memory_space<vmem>>) target_semaphore(%run_scoped3A : memref<!tpu.dma_semaphore, #tpu.memory_space<semaphore_mem>>)
      %dma_wait3A = arith.constant 0 : i32
      %dma_wait3A_110 = tpu.memref_slice %arg10[%add3A_103, %dma_wait3A] : memref<10240x64xf32, #tpu.memory_space<vmem_shared>> -> memref<128x64xf32, #tpu.memory_space<vmem_shared>>
      %dma_wait3A_111 = arith.constant 0 : i32
      %dma_wait3A_112 = tpu.memref_slice %arg10[%add3A_103, %dma_wait3A_111] : memref<10240x64xf32, #tpu.memory_space<vmem_shared>> -> memref<128x64xf32, #tpu.memory_space<vmem_shared>>
      tpu.wait_dma2 semaphore(%run_scoped3A : memref<!tpu.dma_semaphore, #tpu.memory_space<semaphore_mem>>) src(%dma_wait3A_112 : memref<128x64xf32, #tpu.memory_space<vmem_shared>>) dst(%arg9 : memref<128x64xf32, #tpu.memory_space<vmem>>)
      tpu.yield
    }) : () -> ()
    %add3A_104 = arith.constant 512 : i32
    %add3A_105 = arith.addi %mul3A_2, %add3A_104 : i32
    "tpu.region"() ({
      %run_scoped3A = tpu.sem_alloc : memref<!tpu.dma_semaphore, #tpu.memory_space<semaphore_mem>>
      %dma_start3A_106 = arith.constant 0 : i32
      %dma_start3A_107 = tpu.memref_slice %arg5[%arg0, %add3A_105, %dma_start3A_106] : memref<2x10240x64xf32, #tpu.memory_space<hbm>> -> memref<1x128x64xf32, #tpu.memory_space<hbm>>
      %dma_start3A_108 = tpu.memref_squeeze %dma_start3A_107 : memref<1x128x64xf32, #tpu.memory_space<hbm>> -> memref<128x64xf32, #tpu.memory_space<hbm>>
      %dma_start3A_109 = arith.constant 0 : i32
      %dma_start3A_110 = tpu.memref_slice %arg5[%arg0, %add3A_105, %dma_start3A_109] : memref<2x10240x64xf32, #tpu.memory_space<hbm>> -> memref<1x128x64xf32, #tpu.memory_space<hbm>>
      %dma_start3A_111 = tpu.memref_squeeze %dma_start3A_110 : memref<1x128x64xf32, #tpu.memory_space<hbm>> -> memref<128x64xf32, #tpu.memory_space<hbm>>
      tpu.enqueue_dma source(%arg9 : memref<128x64xf32, #tpu.memory_space<vmem>>) target(%dma_start3A_111 : memref<128x64xf32, #tpu.memory_space<hbm>>) target_semaphore(%run_scoped3A : memref<!tpu.dma_semaphore, #tpu.memory_space<semaphore_mem>>)
      %dma_wait3A = arith.constant 0 : i32
      %dma_wait3A_112 = tpu.memref_slice %arg5[%arg0, %add3A_105, %dma_wait3A] : memref<2x10240x64xf32, #tpu.memory_space<hbm>> -> memref<1x128x64xf32, #tpu.memory_space<hbm>>
      %dma_wait3A_113 = tpu.memref_squeeze %dma_wait3A_112 : memref<1x128x64xf32, #tpu.memory_space<hbm>> -> memref<128x64xf32, #tpu.memory_space<hbm>>
      %dma_wait3A_114 = arith.constant 0 : i32
      %dma_wait3A_115 = tpu.memref_slice %arg5[%arg0, %add3A_105, %dma_wait3A_114] : memref<2x10240x64xf32, #tpu.memory_space<hbm>> -> memref<1x128x64xf32, #tpu.memory_space<hbm>>
      %dma_wait3A_116 = tpu.memref_squeeze %dma_wait3A_115 : memref<1x128x64xf32, #tpu.memory_space<hbm>> -> memref<128x64xf32, #tpu.memory_space<hbm>>
      tpu.wait_dma2 semaphore(%run_scoped3A : memref<!tpu.dma_semaphore, #tpu.memory_space<semaphore_mem>>) src(%arg9 : memref<128x64xf32, #tpu.memory_space<vmem>>) dst(%dma_wait3A_116 : memref<128x64xf32, #tpu.memory_space<hbm>>)
      tpu.yield
    }) : () -> ()
    return
  }
}

#map = affine_map<(d0, d1) -> (0, 0)>
#map1 = affine_map<(d0, d1) -> (0, 0, 0)>
module attributes {stable_mosaic.version = 14 : i64} {
  func.func @scatter_kernel(%arg0: i32, %arg1: i32, %arg2: memref<10000x64xf32, #tpu.memory_space<hbm>>, %arg3: memref<32x80x128xi32, #tpu.memory_space<hbm>>, %arg4: memref<32x80x128xi32, #tpu.memory_space<hbm>>, %arg5: memref<2x10240x64xf32, #tpu.memory_space<hbm>>, %arg6: memref<80x128xi32, #tpu.memory_space<vmem>>, %arg7: memref<80x128xi32, #tpu.memory_space<vmem>>, %arg8: memref<4x128x64xf32, #tpu.memory_space<vmem>>, %arg9: memref<128x64xf32, #tpu.memory_space<vmem>>, %arg10: memref<10240x64xf32, #tpu.memory_space<vmem_shared>>, %arg11: memref<4x!tpu.dma_semaphore, #tpu.memory_space<semaphore_mem>>, %arg12: memref<4x!tpu.dma_semaphore, #tpu.memory_space<semaphore_mem>>) attributes {dimension_semantics = [#tpu.dimension_semantics<core_parallel>, #tpu.dimension_semantics<subcore_parallel>], iteration_bounds = array<i64: 2, 16>, scalar_prefetch = 0 : i64, scratch_operands = 7 : i64, tpu.core_type = #tpu.core_type<sc_vector_subcore>, window_params = [{transform_indices = #map}, {transform_indices = #map1}, {transform_indices = #map1}, {transform_indices = #map1}]} {
    %mul3A = arith.constant 16 : i32
    %mul3A_0 = arith.muli %arg0, %mul3A : i32
    %add3A = arith.addi %mul3A_0, %arg1 : i32
    %mul3A_1 = arith.constant 640 : i32
    %mul3A_2 = arith.muli %arg1, %mul3A_1 : i32
    %scan3A = arith.constant 0 : i32
    %scan3A_3 = arith.constant 0 : i32
    %scan3A_4 = arith.constant 128 : i32
    %scan3A_5 = arith.addi %scan3A_3, %scan3A_4 : i32
    %scan3A_6 = arith.constant 1 : i32
    %scan3A_7 = scf.for %scan3A_106 = %scan3A_3 to %scan3A_5 step %scan3A_6 iter_args(%scan3A_107 = %scan3A) -> (i32)  : i32 {
      %broadcast_in_dim3A = arith.constant 0.000000e+00 : f32
      %broadcast_in_dim3A_108 = vector.broadcast %broadcast_in_dim3A : f32 to vector<16xf32>
      %swap3A = arith.index_cast %scan3A_106 : i32 to index
      %swap3A_109 = arith.constant 0 : index
      %swap3A_110 = tpu.vector_load %arg9[%swap3A, %swap3A_109] {strides = array<i32>} : memref<128x64xf32, #tpu.memory_space<vmem>>, vector<1x16xf32>,
      %swap3A_111 = vector.shape_cast %swap3A_110 : vector<1x16xf32> to vector<16xf32>
      %swap3A_112 = vector.shape_cast %broadcast_in_dim3A_108 : vector<16xf32> to vector<1x16xf32>
      tpu.vector_store %arg9[%swap3A, %swap3A_109], %swap3A_112 {strides = array<i32>} : memref<128x64xf32, #tpu.memory_space<vmem>>, vector<1x16xf32>,
      %broadcast_in_dim3A_113 = arith.constant 0.000000e+00 : f32
      %broadcast_in_dim3A_114 = vector.broadcast %broadcast_in_dim3A_113 : f32 to vector<16xf32>
      %swap3A_115 = arith.index_cast %scan3A_106 : i32 to index
      %swap3A_116 = arith.constant 16 : index
      %swap3A_117 = tpu.vector_load %arg9[%swap3A_115, %swap3A_116] {strides = array<i32>} : memref<128x64xf32, #tpu.memory_space<vmem>>, vector<1x16xf32>,
      %swap3A_118 = vector.shape_cast %swap3A_117 : vector<1x16xf32> to vector<16xf32>
      %swap3A_119 = vector.shape_cast %broadcast_in_dim3A_114 : vector<16xf32> to vector<1x16xf32>
      tpu.vector_store %arg9[%swap3A_115, %swap3A_116], %swap3A_119 {strides = array<i32>} : memref<128x64xf32, #tpu.memory_space<vmem>>, vector<1x16xf32>,
      %broadcast_in_dim3A_120 = arith.constant 0.000000e+00 : f32
      %broadcast_in_dim3A_121 = vector.broadcast %broadcast_in_dim3A_120 : f32 to vector<16xf32>
      %swap3A_122 = arith.index_cast %scan3A_106 : i32 to index
      %swap3A_123 = arith.constant 32 : index
      %swap3A_124 = tpu.vector_load %arg9[%swap3A_122, %swap3A_123] {strides = array<i32>} : memref<128x64xf32, #tpu.memory_space<vmem>>, vector<1x16xf32>,
      %swap3A_125 = vector.shape_cast %swap3A_124 : vector<1x16xf32> to vector<16xf32>
      %swap3A_126 = vector.shape_cast %broadcast_in_dim3A_121 : vector<16xf32> to vector<1x16xf32>
      tpu.vector_store %arg9[%swap3A_122, %swap3A_123], %swap3A_126 {strides = array<i32>} : memref<128x64xf32, #tpu.memory_space<vmem>>, vector<1x16xf32>,
      %broadcast_in_dim3A_127 = arith.constant 0.000000e+00 : f32
      %broadcast_in_dim3A_128 = vector.broadcast %broadcast_in_dim3A_127 : f32 to vector<16xf32>
      %swap3A_129 = arith.index_cast %scan3A_106 : i32 to index
      %swap3A_130 = arith.constant 48 : index
      %swap3A_131 = tpu.vector_load %arg9[%swap3A_129, %swap3A_130] {strides = array<i32>} : memref<128x64xf32, #tpu.memory_space<vmem>>, vector<1x16xf32>,
      %swap3A_132 = vector.shape_cast %swap3A_131 : vector<1x16xf32> to vector<16xf32>
      %swap3A_133 = vector.shape_cast %broadcast_in_dim3A_128 : vector<16xf32> to vector<1x16xf32>
      tpu.vector_store %arg9[%swap3A_129, %swap3A_130], %swap3A_133 {strides = array<i32>} : memref<128x64xf32, #tpu.memory_space<vmem>>, vector<1x16xf32>,
      %scan3A_134 = arith.constant 0 : i32
      scf.yield %scan3A_134 : i32
    }
    %scan3A_8 = arith.constant 128 : i32
    "tpu.region"() ({
      %run_scoped3A = tpu.sem_alloc : memref<!tpu.dma_semaphore, #tpu.memory_space<semaphore_mem>>
      %dma_start3A_106 = arith.constant 0 : i32
      %dma_start3A_107 = arith.constant 0 : i32
      %dma_start3A_108 = tpu.memref_slice %arg3[%add3A, %dma_start3A_106, %dma_start3A_107] : memref<32x80x128xi32, #tpu.memory_space<hbm>> -> memref<1x80x128xi32, #tpu.memory_space<hbm>>
      %dma_start3A_109 = tpu.memref_squeeze %dma_start3A_108 : memref<1x80x128xi32, #tpu.memory_space<hbm>> -> memref<80x128xi32, #tpu.memory_space<hbm>>
      %dma_start3A_110 = arith.constant 0 : i32
      %dma_start3A_111 = arith.constant 0 : i32
      %dma_start3A_112 = tpu.memref_slice %arg3[%add3A, %dma_start3A_110, %dma_start3A_111] : memref<32x80x128xi32, #tpu.memory_space<hbm>> -> memref<1x80x128xi32, #tpu.memory_space<hbm>>
      %dma_start3A_113 = tpu.memref_squeeze %dma_start3A_112 : memref<1x80x128xi32, #tpu.memory_space<hbm>> -> memref<80x128xi32, #tpu.memory_space<hbm>>
      tpu.enqueue_dma source(%dma_start3A_113 : memref<80x128xi32, #tpu.memory_space<hbm>>) target(%arg6 : memref<80x128xi32, #tpu.memory_space<vmem>>) target_semaphore(%run_scoped3A : memref<!tpu.dma_semaphore, #tpu.memory_space<semaphore_mem>>)
      %dma_wait3A = arith.constant 0 : i32
      %dma_wait3A_114 = arith.constant 0 : i32
      %dma_wait3A_115 = tpu.memref_slice %arg3[%add3A, %dma_wait3A, %dma_wait3A_114] : memref<32x80x128xi32, #tpu.memory_space<hbm>> -> memref<1x80x128xi32, #tpu.memory_space<hbm>>
      %dma_wait3A_116 = tpu.memref_squeeze %dma_wait3A_115 : memref<1x80x128xi32, #tpu.memory_space<hbm>> -> memref<80x128xi32, #tpu.memory_space<hbm>>
      %dma_wait3A_117 = arith.constant 0 : i32
      %dma_wait3A_118 = arith.constant 0 : i32
      %dma_wait3A_119 = tpu.memref_slice %arg3[%add3A, %dma_wait3A_117, %dma_wait3A_118] : memref<32x80x128xi32, #tpu.memory_space<hbm>> -> memref<1x80x128xi32, #tpu.memory_space<hbm>>
      %dma_wait3A_120 = tpu.memref_squeeze %dma_wait3A_119 : memref<1x80x128xi32, #tpu.memory_space<hbm>> -> memref<80x128xi32, #tpu.memory_space<hbm>>
      tpu.wait_dma2 semaphore(%run_scoped3A : memref<!tpu.dma_semaphore, #tpu.memory_space<semaphore_mem>>) src(%dma_wait3A_120 : memref<80x128xi32, #tpu.memory_space<hbm>>) dst(%arg6 : memref<80x128xi32, #tpu.memory_space<vmem>>)
      tpu.yield
    }) : () -> ()
    "tpu.region"() ({
      %run_scoped3A = tpu.sem_alloc : memref<!tpu.dma_semaphore, #tpu.memory_space<semaphore_mem>>
      %dma_start3A_106 = arith.constant 0 : i32
      %dma_start3A_107 = arith.constant 0 : i32
      %dma_start3A_108 = tpu.memref_slice %arg4[%add3A, %dma_start3A_106, %dma_start3A_107] : memref<32x80x128xi32, #tpu.memory_space<hbm>> -> memref<1x80x128xi32, #tpu.memory_space<hbm>>
      %dma_start3A_109 = tpu.memref_squeeze %dma_start3A_108 : memref<1x80x128xi32, #tpu.memory_space<hbm>> -> memref<80x128xi32, #tpu.memory_space<hbm>>
      %dma_start3A_110 = arith.constant 0 : i32
      %dma_start3A_111 = arith.constant 0 : i32
      %dma_start3A_112 = tpu.memref_slice %arg4[%add3A, %dma_start3A_110, %dma_start3A_111] : memref<32x80x128xi32, #tpu.memory_space<hbm>> -> memref<1x80x128xi32, #tpu.memory_space<hbm>>
      %dma_start3A_113 = tpu.memref_squeeze %dma_start3A_112 : memref<1x80x128xi32, #tpu.memory_space<hbm>> -> memref<80x128xi32, #tpu.memory_space<hbm>>
      tpu.enqueue_dma source(%dma_start3A_113 : memref<80x128xi32, #tpu.memory_space<hbm>>) target(%arg7 : memref<80x128xi32, #tpu.memory_space<vmem>>) target_semaphore(%run_scoped3A : memref<!tpu.dma_semaphore, #tpu.memory_space<semaphore_mem>>)
      %dma_wait3A = arith.constant 0 : i32
      %dma_wait3A_114 = arith.constant 0 : i32
      %dma_wait3A_115 = tpu.memref_slice %arg4[%add3A, %dma_wait3A, %dma_wait3A_114] : memref<32x80x128xi32, #tpu.memory_space<hbm>> -> memref<1x80x128xi32, #tpu.memory_space<hbm>>
      %dma_wait3A_116 = tpu.memref_squeeze %dma_wait3A_115 : memref<1x80x128xi32, #tpu.memory_space<hbm>> -> memref<80x128xi32, #tpu.memory_space<hbm>>
      %dma_wait3A_117 = arith.constant 0 : i32
      %dma_wait3A_118 = arith.constant 0 : i32
      %dma_wait3A_119 = tpu.memref_slice %arg4[%add3A, %dma_wait3A_117, %dma_wait3A_118] : memref<32x80x128xi32, #tpu.memory_space<hbm>> -> memref<1x80x128xi32, #tpu.memory_space<hbm>>
      %dma_wait3A_120 = tpu.memref_squeeze %dma_wait3A_119 : memref<1x80x128xi32, #tpu.memory_space<hbm>> -> memref<80x128xi32, #tpu.memory_space<hbm>>
      tpu.wait_dma2 semaphore(%run_scoped3A : memref<!tpu.dma_semaphore, #tpu.memory_space<semaphore_mem>>) src(%dma_wait3A_120 : memref<80x128xi32, #tpu.memory_space<hbm>>) dst(%arg7 : memref<80x128xi32, #tpu.memory_space<vmem>>)
      tpu.yield
    }) : () -> ()
    %add3A_9 = arith.constant 0 : i32
    %add3A_10 = arith.addi %mul3A_2, %add3A_9 : i32
    "tpu.region"() ({
      %run_scoped3A = tpu.sem_alloc : memref<!tpu.dma_semaphore, #tpu.memory_space<semaphore_mem>>
      %dma_start3A_106 = arith.constant 0 : i32
      %dma_start3A_107 = tpu.memref_slice %arg10[%add3A_10, %dma_start3A_106] : memref<10240x64xf32, #tpu.memory_space<vmem_shared>> -> memref<128x64xf32, #tpu.memory_space<vmem_shared>>
      %dma_start3A_108 = arith.constant 0 : i32
      %dma_start3A_109 = tpu.memref_slice %arg10[%add3A_10, %dma_start3A_108] : memref<10240x64xf32, #tpu.memory_space<vmem_shared>> -> memref<128x64xf32, #tpu.memory_space<vmem_shared>>
      tpu.enqueue_dma source(%arg9 : memref<128x64xf32, #tpu.memory_space<vmem>>) target(%dma_start3A_109 : memref<128x64xf32, #tpu.memory_space<vmem_shared>>) target_semaphore(%run_scoped3A : memref<!tpu.dma_semaphore, #tpu.memory_space<semaphore_mem>>)
      %dma_wait3A = arith.constant 0 : i32
      %dma_wait3A_110 = tpu.memref_slice %arg10[%add3A_10, %dma_wait3A] : memref<10240x64xf32, #tpu.memory_space<vmem_shared>> -> memref<128x64xf32, #tpu.memory_space<vmem_shared>>
      %dma_wait3A_111 = arith.constant 0 : i32
      %dma_wait3A_112 = tpu.memref_slice %arg10[%add3A_10, %dma_wait3A_111] : memref<10240x64xf32, #tpu.memory_space<vmem_shared>> -> memref<128x64xf32, #tpu.memory_space<vmem_shared>>
      tpu.wait_dma2 semaphore(%run_scoped3A : memref<!tpu.dma_semaphore, #tpu.memory_space<semaphore_mem>>) src(%arg9 : memref<128x64xf32, #tpu.memory_space<vmem>>) dst(%dma_wait3A_112 : memref<128x64xf32, #tpu.memory_space<vmem_shared>>)
      tpu.yield
    }) : () -> ()
    %add3A_11 = arith.constant 128 : i32
    %add3A_12 = arith.addi %mul3A_2, %add3A_11 : i32
    "tpu.region"() ({
      %run_scoped3A = tpu.sem_alloc : memref<!tpu.dma_semaphore, #tpu.memory_space<semaphore_mem>>
      %dma_start3A_106 = arith.constant 0 : i32
      %dma_start3A_107 = tpu.memref_slice %arg10[%add3A_12, %dma_start3A_106] : memref<10240x64xf32, #tpu.memory_space<vmem_shared>> -> memref<128x64xf32, #tpu.memory_space<vmem_shared>>
      %dma_start3A_108 = arith.constant 0 : i32
      %dma_start3A_109 = tpu.memref_slice %arg10[%add3A_12, %dma_start3A_108] : memref<10240x64xf32, #tpu.memory_space<vmem_shared>> -> memref<128x64xf32, #tpu.memory_space<vmem_shared>>
      tpu.enqueue_dma source(%arg9 : memref<128x64xf32, #tpu.memory_space<vmem>>) target(%dma_start3A_109 : memref<128x64xf32, #tpu.memory_space<vmem_shared>>) target_semaphore(%run_scoped3A : memref<!tpu.dma_semaphore, #tpu.memory_space<semaphore_mem>>)
      %dma_wait3A = arith.constant 0 : i32
      %dma_wait3A_110 = tpu.memref_slice %arg10[%add3A_12, %dma_wait3A] : memref<10240x64xf32, #tpu.memory_space<vmem_shared>> -> memref<128x64xf32, #tpu.memory_space<vmem_shared>>
      %dma_wait3A_111 = arith.constant 0 : i32
      %dma_wait3A_112 = tpu.memref_slice %arg10[%add3A_12, %dma_wait3A_111] : memref<10240x64xf32, #tpu.memory_space<vmem_shared>> -> memref<128x64xf32, #tpu.memory_space<vmem_shared>>
      tpu.wait_dma2 semaphore(%run_scoped3A : memref<!tpu.dma_semaphore, #tpu.memory_space<semaphore_mem>>) src(%arg9 : memref<128x64xf32, #tpu.memory_space<vmem>>) dst(%dma_wait3A_112 : memref<128x64xf32, #tpu.memory_space<vmem_shared>>)
      tpu.yield
    }) : () -> ()
    %add3A_13 = arith.constant 256 : i32
    %add3A_14 = arith.addi %mul3A_2, %add3A_13 : i32
    "tpu.region"() ({
      %run_scoped3A = tpu.sem_alloc : memref<!tpu.dma_semaphore, #tpu.memory_space<semaphore_mem>>
      %dma_start3A_106 = arith.constant 0 : i32
      %dma_start3A_107 = tpu.memref_slice %arg10[%add3A_14, %dma_start3A_106] : memref<10240x64xf32, #tpu.memory_space<vmem_shared>> -> memref<128x64xf32, #tpu.memory_space<vmem_shared>>
      %dma_start3A_108 = arith.constant 0 : i32
      %dma_start3A_109 = tpu.memref_slice %arg10[%add3A_14, %dma_start3A_108] : memref<10240x64xf32, #tpu.memory_space<vmem_shared>> -> memref<128x64xf32, #tpu.memory_space<vmem_shared>>
      tpu.enqueue_dma source(%arg9 : memref<128x64xf32, #tpu.memory_space<vmem>>) target(%dma_start3A_109 : memref<128x64xf32, #tpu.memory_space<vmem_shared>>) target_semaphore(%run_scoped3A : memref<!tpu.dma_semaphore, #tpu.memory_space<semaphore_mem>>)
      %dma_wait3A = arith.constant 0 : i32
      %dma_wait3A_110 = tpu.memref_slice %arg10[%add3A_14, %dma_wait3A] : memref<10240x64xf32, #tpu.memory_space<vmem_shared>> -> memref<128x64xf32, #tpu.memory_space<vmem_shared>>
      %dma_wait3A_111 = arith.constant 0 : i32
      %dma_wait3A_112 = tpu.memref_slice %arg10[%add3A_14, %dma_wait3A_111] : memref<10240x64xf32, #tpu.memory_space<vmem_shared>> -> memref<128x64xf32, #tpu.memory_space<vmem_shared>>
      tpu.wait_dma2 semaphore(%run_scoped3A : memref<!tpu.dma_semaphore, #tpu.memory_space<semaphore_mem>>) src(%arg9 : memref<128x64xf32, #tpu.memory_space<vmem>>) dst(%dma_wait3A_112 : memref<128x64xf32, #tpu.memory_space<vmem_shared>>)
      tpu.yield
    }) : () -> ()
    %add3A_15 = arith.constant 384 : i32
    %add3A_16 = arith.addi %mul3A_2, %add3A_15 : i32
    "tpu.region"() ({
      %run_scoped3A = tpu.sem_alloc : memref<!tpu.dma_semaphore, #tpu.memory_space<semaphore_mem>>
      %dma_start3A_106 = arith.constant 0 : i32
      %dma_start3A_107 = tpu.memref_slice %arg10[%add3A_16, %dma_start3A_106] : memref<10240x64xf32, #tpu.memory_space<vmem_shared>> -> memref<128x64xf32, #tpu.memory_space<vmem_shared>>
      %dma_start3A_108 = arith.constant 0 : i32
      %dma_start3A_109 = tpu.memref_slice %arg10[%add3A_16, %dma_start3A_108] : memref<10240x64xf32, #tpu.memory_space<vmem_shared>> -> memref<128x64xf32, #tpu.memory_space<vmem_shared>>
      tpu.enqueue_dma source(%arg9 : memref<128x64xf32, #tpu.memory_space<vmem>>) target(%dma_start3A_109 : memref<128x64xf32, #tpu.memory_space<vmem_shared>>) target_semaphore(%run_scoped3A : memref<!tpu.dma_semaphore, #tpu.memory_space<semaphore_mem>>)
      %dma_wait3A = arith.constant 0 : i32
      %dma_wait3A_110 = tpu.memref_slice %arg10[%add3A_16, %dma_wait3A] : memref<10240x64xf32, #tpu.memory_space<vmem_shared>> -> memref<128x64xf32, #tpu.memory_space<vmem_shared>>
      %dma_wait3A_111 = arith.constant 0 : i32
      %dma_wait3A_112 = tpu.memref_slice %arg10[%add3A_16, %dma_wait3A_111] : memref<10240x64xf32, #tpu.memory_space<vmem_shared>> -> memref<128x64xf32, #tpu.memory_space<vmem_shared>>
      tpu.wait_dma2 semaphore(%run_scoped3A : memref<!tpu.dma_semaphore, #tpu.memory_space<semaphore_mem>>) src(%arg9 : memref<128x64xf32, #tpu.memory_space<vmem>>) dst(%dma_wait3A_112 : memref<128x64xf32, #tpu.memory_space<vmem_shared>>)
      tpu.yield
    }) : () -> ()
    %add3A_17 = arith.constant 512 : i32
    %add3A_18 = arith.addi %mul3A_2, %add3A_17 : i32
    "tpu.region"() ({
      %run_scoped3A = tpu.sem_alloc : memref<!tpu.dma_semaphore, #tpu.memory_space<semaphore_mem>>
      %dma_start3A_106 = arith.constant 0 : i32
      %dma_start3A_107 = tpu.memref_slice %arg10[%add3A_18, %dma_start3A_106] : memref<10240x64xf32, #tpu.memory_space<vmem_shared>> -> memref<128x64xf32, #tpu.memory_space<vmem_shared>>
      %dma_start3A_108 = arith.constant 0 : i32
      %dma_start3A_109 = tpu.memref_slice %arg10[%add3A_18, %dma_start3A_108] : memref<10240x64xf32, #tpu.memory_space<vmem_shared>> -> memref<128x64xf32, #tpu.memory_space<vmem_shared>>
      tpu.enqueue_dma source(%arg9 : memref<128x64xf32, #tpu.memory_space<vmem>>) target(%dma_start3A_109 : memref<128x64xf32, #tpu.memory_space<vmem_shared>>) target_semaphore(%run_scoped3A : memref<!tpu.dma_semaphore, #tpu.memory_space<semaphore_mem>>)
      %dma_wait3A = arith.constant 0 : i32
      %dma_wait3A_110 = tpu.memref_slice %arg10[%add3A_18, %dma_wait3A] : memref<10240x64xf32, #tpu.memory_space<vmem_shared>> -> memref<128x64xf32, #tpu.memory_space<vmem_shared>>
      %dma_wait3A_111 = arith.constant 0 : i32
      %dma_wait3A_112 = tpu.memref_slice %arg10[%add3A_18, %dma_wait3A_111] : memref<10240x64xf32, #tpu.memory_space<vmem_shared>> -> memref<128x64xf32, #tpu.memory_space<vmem_shared>>
      tpu.wait_dma2 semaphore(%run_scoped3A : memref<!tpu.dma_semaphore, #tpu.memory_space<semaphore_mem>>) src(%arg9 : memref<128x64xf32, #tpu.memory_space<vmem>>) dst(%dma_wait3A_112 : memref<128x64xf32, #tpu.memory_space<vmem_shared>>)
      tpu.yield
    }) : () -> ()
    %barrier3A = arith.constant 0 : index
    tpu.barrier barrier_id(%barrier3A)
    %dma_start3A = arith.constant 0 : i32
    %dma_start3A_19 = arith.constant 0 : i32
    %dma_start3A_20 = arith.constant 0 : i32
    %dma_start3A_21 = arith.constant 0 : i32
    %dma_start3A_22 = arith.constant 0 : i32
    %dma_start3A_23 = tpu.memref_slice %arg8[%dma_start3A_19, %dma_start3A_21, %dma_start3A_22] : memref<4x128x64xf32, #tpu.memory_space<vmem>> -> memref<1x128x64xf32, #tpu.memory_space<vmem>>
    %dma_start3A_24 = tpu.memref_squeeze %dma_start3A_23 : memref<1x128x64xf32, #tpu.memory_space<vmem>> -> memref<128x64xf32, #tpu.memory_space<vmem>>
    %dma_start3A_25 = arith.constant 0 : i32
    %dma_start3A_26 = tpu.memref_slice %arg6[%dma_start3A, %dma_start3A_25] : memref<80x128xi32, #tpu.memory_space<vmem>> -> memref<1x128xi32, #tpu.memory_space<vmem>>
    %dma_start3A_27 = tpu.memref_squeeze %dma_start3A_26 : memref<1x128xi32, #tpu.memory_space<vmem>> -> memref<128xi32, #tpu.memory_space<vmem>>
    %dma_start3A_28 = arith.constant 0 : i32
    %dma_start3A_29 = arith.constant 0 : i32
    %dma_start3A_30 = tpu.memref_slice %arg2[%dma_start3A_28, %dma_start3A_29] : memref<10000x64xf32, #tpu.memory_space<hbm>> -> memref<10000x64xf32, #tpu.memory_space<hbm>>
    %dma_start3A_31 = tpu.memref_slice %arg11[%dma_start3A_20] : memref<4x!tpu.dma_semaphore, #tpu.memory_space<semaphore_mem>> -> memref<1x!tpu.dma_semaphore, #tpu.memory_space<semaphore_mem>>
    %dma_start3A_32 = tpu.memref_squeeze %dma_start3A_31 : memref<1x!tpu.dma_semaphore, #tpu.memory_space<semaphore_mem>> -> memref<!tpu.dma_semaphore, #tpu.memory_space<semaphore_mem>>
    tpu.enqueue_indirect_dma source(%dma_start3A_30 : memref<10000x64xf32, #tpu.memory_space<hbm>>) target(%dma_start3A_24 : memref<128x64xf32, #tpu.memory_space<vmem>>) offsets(%dma_start3A_27 : memref<128xi32, #tpu.memory_space<vmem>>) semaphore(%dma_start3A_32 : memref<!tpu.dma_semaphore, #tpu.memory_space<semaphore_mem>>)
    %dma_start3A_33 = arith.constant 1 : i32
    %dma_start3A_34 = arith.constant 1 : i32
    %dma_start3A_35 = arith.constant 1 : i32
    %dma_start3A_36 = arith.constant 0 : i32
    %dma_start3A_37 = arith.constant 0 : i32
    %dma_start3A_38 = tpu.memref_slice %arg8[%dma_start3A_34, %dma_start3A_36, %dma_start3A_37] : memref<4x128x64xf32, #tpu.memory_space<vmem>> -> memref<1x128x64xf32, #tpu.memory_space<vmem>>
    %dma_start3A_39 = tpu.memref_squeeze %dma_start3A_38 : memref<1x128x64xf32, #tpu.memory_space<vmem>> -> memref<128x64xf32, #tpu.memory_space<vmem>>
    %dma_start3A_40 = arith.constant 0 : i32
    %dma_start3A_41 = tpu.memref_slice %arg6[%dma_start3A_33, %dma_start3A_40] : memref<80x128xi32, #tpu.memory_space<vmem>> -> memref<1x128xi32, #tpu.memory_space<vmem>>
    %dma_start3A_42 = tpu.memref_squeeze %dma_start3A_41 : memref<1x128xi32, #tpu.memory_space<vmem>> -> memref<128xi32, #tpu.memory_space<vmem>>
    %dma_start3A_43 = arith.constant 0 : i32
    %dma_start3A_44 = arith.constant 0 : i32
    %dma_start3A_45 = tpu.memref_slice %arg2[%dma_start3A_43, %dma_start3A_44] : memref<10000x64xf32, #tpu.memory_space<hbm>> -> memref<10000x64xf32, #tpu.memory_space<hbm>>
    %dma_start3A_46 = tpu.memref_slice %arg11[%dma_start3A_35] : memref<4x!tpu.dma_semaphore, #tpu.memory_space<semaphore_mem>> -> memref<1x!tpu.dma_semaphore, #tpu.memory_space<semaphore_mem>>
    %dma_start3A_47 = tpu.memref_squeeze %dma_start3A_46 : memref<1x!tpu.dma_semaphore, #tpu.memory_space<semaphore_mem>> -> memref<!tpu.dma_semaphore, #tpu.memory_space<semaphore_mem>>
    tpu.enqueue_indirect_dma source(%dma_start3A_45 : memref<10000x64xf32, #tpu.memory_space<hbm>>) target(%dma_start3A_39 : memref<128x64xf32, #tpu.memory_space<vmem>>) offsets(%dma_start3A_42 : memref<128xi32, #tpu.memory_space<vmem>>) semaphore(%dma_start3A_47 : memref<!tpu.dma_semaphore, #tpu.memory_space<semaphore_mem>>)
    %dma_start3A_48 = arith.constant 2 : i32
    %dma_start3A_49 = arith.constant 2 : i32
    %dma_start3A_50 = arith.constant 2 : i32
    %dma_start3A_51 = arith.constant 0 : i32
    %dma_start3A_52 = arith.constant 0 : i32
    %dma_start3A_53 = tpu.memref_slice %arg8[%dma_start3A_49, %dma_start3A_51, %dma_start3A_52] : memref<4x128x64xf32, #tpu.memory_space<vmem>> -> memref<1x128x64xf32, #tpu.memory_space<vmem>>
    %dma_start3A_54 = tpu.memref_squeeze %dma_start3A_53 : memref<1x128x64xf32, #tpu.memory_space<vmem>> -> memref<128x64xf32, #tpu.memory_space<vmem>>
    %dma_start3A_55 = arith.constant 0 : i32
    %dma_start3A_56 = tpu.memref_slice %arg6[%dma_start3A_48, %dma_start3A_55] : memref<80x128xi32, #tpu.memory_space<vmem>> -> memref<1x128xi32, #tpu.memory_space<vmem>>
    %dma_start3A_57 = tpu.memref_squeeze %dma_start3A_56 : memref<1x128xi32, #tpu.memory_space<vmem>> -> memref<128xi32, #tpu.memory_space<vmem>>
    %dma_start3A_58 = arith.constant 0 : i32
    %dma_start3A_59 = arith.constant 0 : i32
    %dma_start3A_60 = tpu.memref_slice %arg2[%dma_start3A_58, %dma_start3A_59] : memref<10000x64xf32, #tpu.memory_space<hbm>> -> memref<10000x64xf32, #tpu.memory_space<hbm>>
    %dma_start3A_61 = tpu.memref_slice %arg11[%dma_start3A_50] : memref<4x!tpu.dma_semaphore, #tpu.memory_space<semaphore_mem>> -> memref<1x!tpu.dma_semaphore, #tpu.memory_space<semaphore_mem>>
    %dma_start3A_62 = tpu.memref_squeeze %dma_start3A_61 : memref<1x!tpu.dma_semaphore, #tpu.memory_space<semaphore_mem>> -> memref<!tpu.dma_semaphore, #tpu.memory_space<semaphore_mem>>
    tpu.enqueue_indirect_dma source(%dma_start3A_60 : memref<10000x64xf32, #tpu.memory_space<hbm>>) target(%dma_start3A_54 : memref<128x64xf32, #tpu.memory_space<vmem>>) offsets(%dma_start3A_57 : memref<128xi32, #tpu.memory_space<vmem>>) semaphore(%dma_start3A_62 : memref<!tpu.dma_semaphore, #tpu.memory_space<semaphore_mem>>)
    %dma_start3A_63 = arith.constant 3 : i32
    %dma_start3A_64 = arith.constant 3 : i32
    %dma_start3A_65 = arith.constant 3 : i32
    %dma_start3A_66 = arith.constant 0 : i32
    %dma_start3A_67 = arith.constant 0 : i32
    %dma_start3A_68 = tpu.memref_slice %arg8[%dma_start3A_64, %dma_start3A_66, %dma_start3A_67] : memref<4x128x64xf32, #tpu.memory_space<vmem>> -> memref<1x128x64xf32, #tpu.memory_space<vmem>>
    %dma_start3A_69 = tpu.memref_squeeze %dma_start3A_68 : memref<1x128x64xf32, #tpu.memory_space<vmem>> -> memref<128x64xf32, #tpu.memory_space<vmem>>
    %dma_start3A_70 = arith.constant 0 : i32
    %dma_start3A_71 = tpu.memref_slice %arg6[%dma_start3A_63, %dma_start3A_70] : memref<80x128xi32, #tpu.memory_space<vmem>> -> memref<1x128xi32, #tpu.memory_space<vmem>>
    %dma_start3A_72 = tpu.memref_squeeze %dma_start3A_71 : memref<1x128xi32, #tpu.memory_space<vmem>> -> memref<128xi32, #tpu.memory_space<vmem>>
    %dma_start3A_73 = arith.constant 0 : i32
    %dma_start3A_74 = arith.constant 0 : i32
    %dma_start3A_75 = tpu.memref_slice %arg2[%dma_start3A_73, %dma_start3A_74] : memref<10000x64xf32, #tpu.memory_space<hbm>> -> memref<10000x64xf32, #tpu.memory_space<hbm>>
    %dma_start3A_76 = tpu.memref_slice %arg11[%dma_start3A_65] : memref<4x!tpu.dma_semaphore, #tpu.memory_space<semaphore_mem>> -> memref<1x!tpu.dma_semaphore, #tpu.memory_space<semaphore_mem>>
    %dma_start3A_77 = tpu.memref_squeeze %dma_start3A_76 : memref<1x!tpu.dma_semaphore, #tpu.memory_space<semaphore_mem>> -> memref<!tpu.dma_semaphore, #tpu.memory_space<semaphore_mem>>
    tpu.enqueue_indirect_dma source(%dma_start3A_75 : memref<10000x64xf32, #tpu.memory_space<hbm>>) target(%dma_start3A_69 : memref<128x64xf32, #tpu.memory_space<vmem>>) offsets(%dma_start3A_72 : memref<128xi32, #tpu.memory_space<vmem>>) semaphore(%dma_start3A_77 : memref<!tpu.dma_semaphore, #tpu.memory_space<semaphore_mem>>)
    %scan3A_78 = arith.constant 0 : i32
    %scan3A_79 = arith.constant 0 : i32
    %scan3A_80 = arith.constant 20 : i32
    %scan3A_81 = arith.addi %scan3A_79, %scan3A_80 : i32
    %scan3A_82 = arith.constant 1 : i32
    %scan3A_83 = scf.for %scan3A_106 = %scan3A_79 to %scan3A_81 step %scan3A_82 iter_args(%scan3A_107 = %scan3A_78) -> (i32)  : i32 {
      %mul3A_108 = arith.constant 4 : i32
      %mul3A_109 = arith.muli %scan3A_106, %mul3A_108 : i32
      %add3A_110 = arith.constant 0 : i32
      %add3A_111 = arith.addi %mul3A_109, %add3A_110 : i32
      %dma_wait3A = arith.constant 0 : i32
      %dma_wait3A_112 = arith.constant 0 : i32
      %dma_wait3A_113 = arith.constant 0 : i32
      %dma_wait3A_114 = arith.constant 0 : i32
      %dma_wait3A_115 = tpu.memref_slice %arg8[%dma_wait3A, %dma_wait3A_113, %dma_wait3A_114] : memref<4x128x64xf32, #tpu.memory_space<vmem>> -> memref<1x128x64xf32, #tpu.memory_space<vmem>>
      %dma_wait3A_116 = tpu.memref_squeeze %dma_wait3A_115 : memref<1x128x64xf32, #tpu.memory_space<vmem>> -> memref<128x64xf32, #tpu.memory_space<vmem>>
      %dma_wait3A_117 = arith.constant 0 : i32
      %dma_wait3A_118 = tpu.memref_slice %arg6[%add3A_111, %dma_wait3A_117] : memref<80x128xi32, #tpu.memory_space<vmem>> -> memref<1x128xi32, #tpu.memory_space<vmem>>
      %dma_wait3A_119 = tpu.memref_squeeze %dma_wait3A_118 : memref<1x128xi32, #tpu.memory_space<vmem>> -> memref<128xi32, #tpu.memory_space<vmem>>
      %dma_wait3A_120 = arith.constant 0 : i32
      %dma_wait3A_121 = arith.constant 0 : i32
      %dma_wait3A_122 = tpu.memref_slice %arg2[%dma_wait3A_120, %dma_wait3A_121] : memref<10000x64xf32, #tpu.memory_space<hbm>> -> memref<10000x64xf32, #tpu.memory_space<hbm>>
      %dma_wait3A_123 = tpu.memref_slice %arg11[%dma_wait3A_112] : memref<4x!tpu.dma_semaphore, #tpu.memory_space<semaphore_mem>> -> memref<1x!tpu.dma_semaphore, #tpu.memory_space<semaphore_mem>>
      %dma_wait3A_124 = tpu.memref_squeeze %dma_wait3A_123 : memref<1x!tpu.dma_semaphore, #tpu.memory_space<semaphore_mem>> -> memref<!tpu.dma_semaphore, #tpu.memory_space<semaphore_mem>>
      tpu.wait_indirect_dma semaphore(%dma_wait3A_124 : memref<!tpu.dma_semaphore, #tpu.memory_space<semaphore_mem>>) src(%dma_wait3A_122 : memref<10000x64xf32, #tpu.memory_space<hbm>>) dst(%dma_wait3A_116 : memref<128x64xf32, #tpu.memory_space<vmem>>)
      %dma_start3A_125 = arith.constant 0 : i32
      %dma_start3A_126 = arith.constant 0 : i32
      %dma_start3A_127 = arith.constant 0 : i32
      %dma_start3A_128 = arith.constant 0 : i32
      %dma_start3A_129 = tpu.memref_slice %arg8[%dma_start3A_125, %dma_start3A_127, %dma_start3A_128] : memref<4x128x64xf32, #tpu.memory_space<vmem>> -> memref<1x128x64xf32, #tpu.memory_space<vmem>>
      %dma_start3A_130 = tpu.memref_squeeze %dma_start3A_129 : memref<1x128x64xf32, #tpu.memory_space<vmem>> -> memref<128x64xf32, #tpu.memory_space<vmem>>
      %dma_start3A_131 = arith.constant 0 : i32
      %dma_start3A_132 = tpu.memref_slice %arg7[%add3A_111, %dma_start3A_131] : memref<80x128xi32, #tpu.memory_space<vmem>> -> memref<1x128xi32, #tpu.memory_space<vmem>>
      %dma_start3A_133 = tpu.memref_squeeze %dma_start3A_132 : memref<1x128xi32, #tpu.memory_space<vmem>> -> memref<128xi32, #tpu.memory_space<vmem>>
      %dma_start3A_134 = arith.constant 0 : i32
      %dma_start3A_135 = arith.constant 0 : i32
      %dma_start3A_136 = tpu.memref_slice %arg10[%dma_start3A_134, %dma_start3A_135] : memref<10240x64xf32, #tpu.memory_space<vmem_shared>> -> memref<10240x64xf32, #tpu.memory_space<vmem_shared>>
      %dma_start3A_137 = tpu.memref_slice %arg12[%dma_start3A_126] : memref<4x!tpu.dma_semaphore, #tpu.memory_space<semaphore_mem>> -> memref<1x!tpu.dma_semaphore, #tpu.memory_space<semaphore_mem>>
      %dma_start3A_138 = tpu.memref_squeeze %dma_start3A_137 : memref<1x!tpu.dma_semaphore, #tpu.memory_space<semaphore_mem>> -> memref<!tpu.dma_semaphore, #tpu.memory_space<semaphore_mem>>
      tpu.enqueue_indirect_dma source(%dma_start3A_130 : memref<128x64xf32, #tpu.memory_space<vmem>>) target(%dma_start3A_136 : memref<10240x64xf32, #tpu.memory_space<vmem_shared>>) offsets(%dma_start3A_133 : memref<128xi32, #tpu.memory_space<vmem>>) semaphore(%dma_start3A_138 : memref<!tpu.dma_semaphore, #tpu.memory_space<semaphore_mem>>) {add = true}
      %add3A_139 = arith.constant 1 : i32
      %add3A_140 = arith.addi %mul3A_109, %add3A_139 : i32
      %dma_wait3A_141 = arith.constant 1 : i32
      %dma_wait3A_142 = arith.constant 1 : i32
      %dma_wait3A_143 = arith.constant 0 : i32
      %dma_wait3A_144 = arith.constant 0 : i32
      %dma_wait3A_145 = tpu.memref_slice %arg8[%dma_wait3A_141, %dma_wait3A_143, %dma_wait3A_144] : memref<4x128x64xf32, #tpu.memory_space<vmem>> -> memref<1x128x64xf32, #tpu.memory_space<vmem>>
      %dma_wait3A_146 = tpu.memref_squeeze %dma_wait3A_145 : memref<1x128x64xf32, #tpu.memory_space<vmem>> -> memref<128x64xf32, #tpu.memory_space<vmem>>
      %dma_wait3A_147 = arith.constant 0 : i32
      %dma_wait3A_148 = tpu.memref_slice %arg6[%add3A_140, %dma_wait3A_147] : memref<80x128xi32, #tpu.memory_space<vmem>> -> memref<1x128xi32, #tpu.memory_space<vmem>>
      %dma_wait3A_149 = tpu.memref_squeeze %dma_wait3A_148 : memref<1x128xi32, #tpu.memory_space<vmem>> -> memref<128xi32, #tpu.memory_space<vmem>>
      %dma_wait3A_150 = arith.constant 0 : i32
      %dma_wait3A_151 = arith.constant 0 : i32
      %dma_wait3A_152 = tpu.memref_slice %arg2[%dma_wait3A_150, %dma_wait3A_151] : memref<10000x64xf32, #tpu.memory_space<hbm>> -> memref<10000x64xf32, #tpu.memory_space<hbm>>
      %dma_wait3A_153 = tpu.memref_slice %arg11[%dma_wait3A_142] : memref<4x!tpu.dma_semaphore, #tpu.memory_space<semaphore_mem>> -> memref<1x!tpu.dma_semaphore, #tpu.memory_space<semaphore_mem>>
      %dma_wait3A_154 = tpu.memref_squeeze %dma_wait3A_153 : memref<1x!tpu.dma_semaphore, #tpu.memory_space<semaphore_mem>> -> memref<!tpu.dma_semaphore, #tpu.memory_space<semaphore_mem>>
      tpu.wait_indirect_dma semaphore(%dma_wait3A_154 : memref<!tpu.dma_semaphore, #tpu.memory_space<semaphore_mem>>) src(%dma_wait3A_152 : memref<10000x64xf32, #tpu.memory_space<hbm>>) dst(%dma_wait3A_146 : memref<128x64xf32, #tpu.memory_space<vmem>>)
      %dma_start3A_155 = arith.constant 1 : i32
      %dma_start3A_156 = arith.constant 1 : i32
      %dma_start3A_157 = arith.constant 0 : i32
      %dma_start3A_158 = arith.constant 0 : i32
      %dma_start3A_159 = tpu.memref_slice %arg8[%dma_start3A_155, %dma_start3A_157, %dma_start3A_158] : memref<4x128x64xf32, #tpu.memory_space<vmem>> -> memref<1x128x64xf32, #tpu.memory_space<vmem>>
      %dma_start3A_160 = tpu.memref_squeeze %dma_start3A_159 : memref<1x128x64xf32, #tpu.memory_space<vmem>> -> memref<128x64xf32, #tpu.memory_space<vmem>>
      %dma_start3A_161 = arith.constant 0 : i32
      %dma_start3A_162 = tpu.memref_slice %arg7[%add3A_140, %dma_start3A_161] : memref<80x128xi32, #tpu.memory_space<vmem>> -> memref<1x128xi32, #tpu.memory_space<vmem>>
      %dma_start3A_163 = tpu.memref_squeeze %dma_start3A_162 : memref<1x128xi32, #tpu.memory_space<vmem>> -> memref<128xi32, #tpu.memory_space<vmem>>
      %dma_start3A_164 = arith.constant 0 : i32
      %dma_start3A_165 = arith.constant 0 : i32
      %dma_start3A_166 = tpu.memref_slice %arg10[%dma_start3A_164, %dma_start3A_165] : memref<10240x64xf32, #tpu.memory_space<vmem_shared>> -> memref<10240x64xf32, #tpu.memory_space<vmem_shared>>
      %dma_start3A_167 = tpu.memref_slice %arg12[%dma_start3A_156] : memref<4x!tpu.dma_semaphore, #tpu.memory_space<semaphore_mem>> -> memref<1x!tpu.dma_semaphore, #tpu.memory_space<semaphore_mem>>
      %dma_start3A_168 = tpu.memref_squeeze %dma_start3A_167 : memref<1x!tpu.dma_semaphore, #tpu.memory_space<semaphore_mem>> -> memref<!tpu.dma_semaphore, #tpu.memory_space<semaphore_mem>>
      tpu.enqueue_indirect_dma source(%dma_start3A_160 : memref<128x64xf32, #tpu.memory_space<vmem>>) target(%dma_start3A_166 : memref<10240x64xf32, #tpu.memory_space<vmem_shared>>) offsets(%dma_start3A_163 : memref<128xi32, #tpu.memory_space<vmem>>) semaphore(%dma_start3A_168 : memref<!tpu.dma_semaphore, #tpu.memory_space<semaphore_mem>>) {add = true}
      %add3A_169 = arith.constant 2 : i32
      %add3A_170 = arith.addi %mul3A_109, %add3A_169 : i32
      %dma_wait3A_171 = arith.constant 2 : i32
      %dma_wait3A_172 = arith.constant 2 : i32
      %dma_wait3A_173 = arith.constant 0 : i32
      %dma_wait3A_174 = arith.constant 0 : i32
      %dma_wait3A_175 = tpu.memref_slice %arg8[%dma_wait3A_171, %dma_wait3A_173, %dma_wait3A_174] : memref<4x128x64xf32, #tpu.memory_space<vmem>> -> memref<1x128x64xf32, #tpu.memory_space<vmem>>
      %dma_wait3A_176 = tpu.memref_squeeze %dma_wait3A_175 : memref<1x128x64xf32, #tpu.memory_space<vmem>> -> memref<128x64xf32, #tpu.memory_space<vmem>>
      %dma_wait3A_177 = arith.constant 0 : i32
      %dma_wait3A_178 = tpu.memref_slice %arg6[%add3A_170, %dma_wait3A_177] : memref<80x128xi32, #tpu.memory_space<vmem>> -> memref<1x128xi32, #tpu.memory_space<vmem>>
      %dma_wait3A_179 = tpu.memref_squeeze %dma_wait3A_178 : memref<1x128xi32, #tpu.memory_space<vmem>> -> memref<128xi32, #tpu.memory_space<vmem>>
      %dma_wait3A_180 = arith.constant 0 : i32
      %dma_wait3A_181 = arith.constant 0 : i32
      %dma_wait3A_182 = tpu.memref_slice %arg2[%dma_wait3A_180, %dma_wait3A_181] : memref<10000x64xf32, #tpu.memory_space<hbm>> -> memref<10000x64xf32, #tpu.memory_space<hbm>>
      %dma_wait3A_183 = tpu.memref_slice %arg11[%dma_wait3A_172] : memref<4x!tpu.dma_semaphore, #tpu.memory_space<semaphore_mem>> -> memref<1x!tpu.dma_semaphore, #tpu.memory_space<semaphore_mem>>
      %dma_wait3A_184 = tpu.memref_squeeze %dma_wait3A_183 : memref<1x!tpu.dma_semaphore, #tpu.memory_space<semaphore_mem>> -> memref<!tpu.dma_semaphore, #tpu.memory_space<semaphore_mem>>
      tpu.wait_indirect_dma semaphore(%dma_wait3A_184 : memref<!tpu.dma_semaphore, #tpu.memory_space<semaphore_mem>>) src(%dma_wait3A_182 : memref<10000x64xf32, #tpu.memory_space<hbm>>) dst(%dma_wait3A_176 : memref<128x64xf32, #tpu.memory_space<vmem>>)
      %dma_start3A_185 = arith.constant 2 : i32
      %dma_start3A_186 = arith.constant 2 : i32
      %dma_start3A_187 = arith.constant 0 : i32
      %dma_start3A_188 = arith.constant 0 : i32
      %dma_start3A_189 = tpu.memref_slice %arg8[%dma_start3A_185, %dma_start3A_187, %dma_start3A_188] : memref<4x128x64xf32, #tpu.memory_space<vmem>> -> memref<1x128x64xf32, #tpu.memory_space<vmem>>
      %dma_start3A_190 = tpu.memref_squeeze %dma_start3A_189 : memref<1x128x64xf32, #tpu.memory_space<vmem>> -> memref<128x64xf32, #tpu.memory_space<vmem>>
      %dma_start3A_191 = arith.constant 0 : i32
      %dma_start3A_192 = tpu.memref_slice %arg7[%add3A_170, %dma_start3A_191] : memref<80x128xi32, #tpu.memory_space<vmem>> -> memref<1x128xi32, #tpu.memory_space<vmem>>
      %dma_start3A_193 = tpu.memref_squeeze %dma_start3A_192 : memref<1x128xi32, #tpu.memory_space<vmem>> -> memref<128xi32, #tpu.memory_space<vmem>>
      %dma_start3A_194 = arith.constant 0 : i32
      %dma_start3A_195 = arith.constant 0 : i32
      %dma_start3A_196 = tpu.memref_slice %arg10[%dma_start3A_194, %dma_start3A_195] : memref<10240x64xf32, #tpu.memory_space<vmem_shared>> -> memref<10240x64xf32, #tpu.memory_space<vmem_shared>>
      %dma_start3A_197 = tpu.memref_slice %arg12[%dma_start3A_186] : memref<4x!tpu.dma_semaphore, #tpu.memory_space<semaphore_mem>> -> memref<1x!tpu.dma_semaphore, #tpu.memory_space<semaphore_mem>>
      %dma_start3A_198 = tpu.memref_squeeze %dma_start3A_197 : memref<1x!tpu.dma_semaphore, #tpu.memory_space<semaphore_mem>> -> memref<!tpu.dma_semaphore, #tpu.memory_space<semaphore_mem>>
      tpu.enqueue_indirect_dma source(%dma_start3A_190 : memref<128x64xf32, #tpu.memory_space<vmem>>) target(%dma_start3A_196 : memref<10240x64xf32, #tpu.memory_space<vmem_shared>>) offsets(%dma_start3A_193 : memref<128xi32, #tpu.memory_space<vmem>>) semaphore(%dma_start3A_198 : memref<!tpu.dma_semaphore, #tpu.memory_space<semaphore_mem>>) {add = true}
      %add3A_199 = arith.constant 3 : i32
      %add3A_200 = arith.addi %mul3A_109, %add3A_199 : i32
      %dma_wait3A_201 = arith.constant 3 : i32
      %dma_wait3A_202 = arith.constant 3 : i32
      %dma_wait3A_203 = arith.constant 0 : i32
      %dma_wait3A_204 = arith.constant 0 : i32
      %dma_wait3A_205 = tpu.memref_slice %arg8[%dma_wait3A_201, %dma_wait3A_203, %dma_wait3A_204] : memref<4x128x64xf32, #tpu.memory_space<vmem>> -> memref<1x128x64xf32, #tpu.memory_space<vmem>>
      %dma_wait3A_206 = tpu.memref_squeeze %dma_wait3A_205 : memref<1x128x64xf32, #tpu.memory_space<vmem>> -> memref<128x64xf32, #tpu.memory_space<vmem>>
      %dma_wait3A_207 = arith.constant 0 : i32
      %dma_wait3A_208 = tpu.memref_slice %arg6[%add3A_200, %dma_wait3A_207] : memref<80x128xi32, #tpu.memory_space<vmem>> -> memref<1x128xi32, #tpu.memory_space<vmem>>
      %dma_wait3A_209 = tpu.memref_squeeze %dma_wait3A_208 : memref<1x128xi32, #tpu.memory_space<vmem>> -> memref<128xi32, #tpu.memory_space<vmem>>
      %dma_wait3A_210 = arith.constant 0 : i32
      %dma_wait3A_211 = arith.constant 0 : i32
      %dma_wait3A_212 = tpu.memref_slice %arg2[%dma_wait3A_210, %dma_wait3A_211] : memref<10000x64xf32, #tpu.memory_space<hbm>> -> memref<10000x64xf32, #tpu.memory_space<hbm>>
      %dma_wait3A_213 = tpu.memref_slice %arg11[%dma_wait3A_202] : memref<4x!tpu.dma_semaphore, #tpu.memory_space<semaphore_mem>> -> memref<1x!tpu.dma_semaphore, #tpu.memory_space<semaphore_mem>>
      %dma_wait3A_214 = tpu.memref_squeeze %dma_wait3A_213 : memref<1x!tpu.dma_semaphore, #tpu.memory_space<semaphore_mem>> -> memref<!tpu.dma_semaphore, #tpu.memory_space<semaphore_mem>>
      tpu.wait_indirect_dma semaphore(%dma_wait3A_214 : memref<!tpu.dma_semaphore, #tpu.memory_space<semaphore_mem>>) src(%dma_wait3A_212 : memref<10000x64xf32, #tpu.memory_space<hbm>>) dst(%dma_wait3A_206 : memref<128x64xf32, #tpu.memory_space<vmem>>)
      %dma_start3A_215 = arith.constant 3 : i32
      %dma_start3A_216 = arith.constant 3 : i32
      %dma_start3A_217 = arith.constant 0 : i32
      %dma_start3A_218 = arith.constant 0 : i32
      %dma_start3A_219 = tpu.memref_slice %arg8[%dma_start3A_215, %dma_start3A_217, %dma_start3A_218] : memref<4x128x64xf32, #tpu.memory_space<vmem>> -> memref<1x128x64xf32, #tpu.memory_space<vmem>>
      %dma_start3A_220 = tpu.memref_squeeze %dma_start3A_219 : memref<1x128x64xf32, #tpu.memory_space<vmem>> -> memref<128x64xf32, #tpu.memory_space<vmem>>
      %dma_start3A_221 = arith.constant 0 : i32
      %dma_start3A_222 = tpu.memref_slice %arg7[%add3A_200, %dma_start3A_221] : memref<80x128xi32, #tpu.memory_space<vmem>> -> memref<1x128xi32, #tpu.memory_space<vmem>>
      %dma_start3A_223 = tpu.memref_squeeze %dma_start3A_222 : memref<1x128xi32, #tpu.memory_space<vmem>> -> memref<128xi32, #tpu.memory_space<vmem>>
      %dma_start3A_224 = arith.constant 0 : i32
      %dma_start3A_225 = arith.constant 0 : i32
      %dma_start3A_226 = tpu.memref_slice %arg10[%dma_start3A_224, %dma_start3A_225] : memref<10240x64xf32, #tpu.memory_space<vmem_shared>> -> memref<10240x64xf32, #tpu.memory_space<vmem_shared>>
      %dma_start3A_227 = tpu.memref_slice %arg12[%dma_start3A_216] : memref<4x!tpu.dma_semaphore, #tpu.memory_space<semaphore_mem>> -> memref<1x!tpu.dma_semaphore, #tpu.memory_space<semaphore_mem>>
      %dma_start3A_228 = tpu.memref_squeeze %dma_start3A_227 : memref<1x!tpu.dma_semaphore, #tpu.memory_space<semaphore_mem>> -> memref<!tpu.dma_semaphore, #tpu.memory_space<semaphore_mem>>
      tpu.enqueue_indirect_dma source(%dma_start3A_220 : memref<128x64xf32, #tpu.memory_space<vmem>>) target(%dma_start3A_226 : memref<10240x64xf32, #tpu.memory_space<vmem_shared>>) offsets(%dma_start3A_223 : memref<128xi32, #tpu.memory_space<vmem>>) semaphore(%dma_start3A_228 : memref<!tpu.dma_semaphore, #tpu.memory_space<semaphore_mem>>) {add = true}
      %add3A_229 = arith.constant 0 : i32
      %add3A_230 = arith.addi %mul3A_109, %add3A_229 : i32
      %dma_wait3A_231 = arith.constant 0 : i32
      %dma_wait3A_232 = arith.constant 0 : i32
      %dma_wait3A_233 = arith.constant 0 : i32
      %dma_wait3A_234 = arith.constant 0 : i32
      %dma_wait3A_235 = tpu.memref_slice %arg8[%dma_wait3A_231, %dma_wait3A_233, %dma_wait3A_234] : memref<4x128x64xf32, #tpu.memory_space<vmem>> -> memref<1x128x64xf32, #tpu.memory_space<vmem>>
      %dma_wait3A_236 = tpu.memref_squeeze %dma_wait3A_235 : memref<1x128x64xf32, #tpu.memory_space<vmem>> -> memref<128x64xf32, #tpu.memory_space<vmem>>
      %dma_wait3A_237 = arith.constant 0 : i32
      %dma_wait3A_238 = tpu.memref_slice %arg7[%add3A_230, %dma_wait3A_237] : memref<80x128xi32, #tpu.memory_space<vmem>> -> memref<1x128xi32, #tpu.memory_space<vmem>>
      %dma_wait3A_239 = tpu.memref_squeeze %dma_wait3A_238 : memref<1x128xi32, #tpu.memory_space<vmem>> -> memref<128xi32, #tpu.memory_space<vmem>>
      %dma_wait3A_240 = arith.constant 0 : i32
      %dma_wait3A_241 = arith.constant 0 : i32
      %dma_wait3A_242 = tpu.memref_slice %arg10[%dma_wait3A_240, %dma_wait3A_241] : memref<10240x64xf32, #tpu.memory_space<vmem_shared>> -> memref<10240x64xf32, #tpu.memory_space<vmem_shared>>
      %dma_wait3A_243 = tpu.memref_slice %arg12[%dma_wait3A_232] : memref<4x!tpu.dma_semaphore, #tpu.memory_space<semaphore_mem>> -> memref<1x!tpu.dma_semaphore, #tpu.memory_space<semaphore_mem>>
      %dma_wait3A_244 = tpu.memref_squeeze %dma_wait3A_243 : memref<1x!tpu.dma_semaphore, #tpu.memory_space<semaphore_mem>> -> memref<!tpu.dma_semaphore, #tpu.memory_space<semaphore_mem>>
      tpu.wait_indirect_dma semaphore(%dma_wait3A_244 : memref<!tpu.dma_semaphore, #tpu.memory_space<semaphore_mem>>) src(%dma_wait3A_236 : memref<128x64xf32, #tpu.memory_space<vmem>>) dst(%dma_wait3A_242 : memref<10240x64xf32, #tpu.memory_space<vmem_shared>>)
      %add3A_245 = arith.constant 4 : i32
      %add3A_246 = arith.addi %add3A_230, %add3A_245 : i32
      %lt3A = arith.constant 80 : i32
      %lt3A_247 = arith.cmpi slt, %add3A_246, %lt3A : i32
      %convert_element_type3A = arith.extui %lt3A_247 : i1 to i32
      %cond3A = arith.constant 0 : i32
      %cond3A_248 = arith.cmpi ne, %convert_element_type3A, %cond3A : i32
      scf.if %cond3A_248 {
        %add3A_319 = arith.constant 4 : i32
        %add3A_320 = arith.addi %add3A_230, %add3A_319 : i32
        %dma_start3A_321 = arith.constant 0 : i32
        %dma_start3A_322 = arith.constant 0 : i32
        %dma_start3A_323 = arith.constant 0 : i32
        %dma_start3A_324 = arith.constant 0 : i32
        %dma_start3A_325 = tpu.memref_slice %arg8[%dma_start3A_321, %dma_start3A_323, %dma_start3A_324] : memref<4x128x64xf32, #tpu.memory_space<vmem>> -> memref<1x128x64xf32, #tpu.memory_space<vmem>>
        %dma_start3A_326 = tpu.memref_squeeze %dma_start3A_325 : memref<1x128x64xf32, #tpu.memory_space<vmem>> -> memref<128x64xf32, #tpu.memory_space<vmem>>
        %dma_start3A_327 = arith.constant 0 : i32
        %dma_start3A_328 = tpu.memref_slice %arg6[%add3A_320, %dma_start3A_327] : memref<80x128xi32, #tpu.memory_space<vmem>> -> memref<1x128xi32, #tpu.memory_space<vmem>>
        %dma_start3A_329 = tpu.memref_squeeze %dma_start3A_328 : memref<1x128xi32, #tpu.memory_space<vmem>> -> memref<128xi32, #tpu.memory_space<vmem>>
        %dma_start3A_330 = arith.constant 0 : i32
        %dma_start3A_331 = arith.constant 0 : i32
        %dma_start3A_332 = tpu.memref_slice %arg2[%dma_start3A_330, %dma_start3A_331] : memref<10000x64xf32, #tpu.memory_space<hbm>> -> memref<10000x64xf32, #tpu.memory_space<hbm>>
        %dma_start3A_333 = tpu.memref_slice %arg11[%dma_start3A_322] : memref<4x!tpu.dma_semaphore, #tpu.memory_space<semaphore_mem>> -> memref<1x!tpu.dma_semaphore, #tpu.memory_space<semaphore_mem>>
        %dma_start3A_334 = tpu.memref_squeeze %dma_start3A_333 : memref<1x!tpu.dma_semaphore, #tpu.memory_space<semaphore_mem>> -> memref<!tpu.dma_semaphore, #tpu.memory_space<semaphore_mem>>
        tpu.enqueue_indirect_dma source(%dma_start3A_332 : memref<10000x64xf32, #tpu.memory_space<hbm>>) target(%dma_start3A_326 : memref<128x64xf32, #tpu.memory_space<vmem>>) offsets(%dma_start3A_329 : memref<128xi32, #tpu.memory_space<vmem>>) semaphore(%dma_start3A_334 : memref<!tpu.dma_semaphore, #tpu.memory_space<semaphore_mem>>)
      } else {
      }
      %add3A_249 = arith.constant 1 : i32
      %add3A_250 = arith.addi %mul3A_109, %add3A_249 : i32
      %dma_wait3A_251 = arith.constant 1 : i32
      %dma_wait3A_252 = arith.constant 1 : i32
      %dma_wait3A_253 = arith.constant 0 : i32
      %dma_wait3A_254 = arith.constant 0 : i32
      %dma_wait3A_255 = tpu.memref_slice %arg8[%dma_wait3A_251, %dma_wait3A_253, %dma_wait3A_254] : memref<4x128x64xf32, #tpu.memory_space<vmem>> -> memref<1x128x64xf32, #tpu.memory_space<vmem>>
      %dma_wait3A_256 = tpu.memref_squeeze %dma_wait3A_255 : memref<1x128x64xf32, #tpu.memory_space<vmem>> -> memref<128x64xf32, #tpu.memory_space<vmem>>
      %dma_wait3A_257 = arith.constant 0 : i32
      %dma_wait3A_258 = tpu.memref_slice %arg7[%add3A_250, %dma_wait3A_257] : memref<80x128xi32, #tpu.memory_space<vmem>> -> memref<1x128xi32, #tpu.memory_space<vmem>>
      %dma_wait3A_259 = tpu.memref_squeeze %dma_wait3A_258 : memref<1x128xi32, #tpu.memory_space<vmem>> -> memref<128xi32, #tpu.memory_space<vmem>>
      %dma_wait3A_260 = arith.constant 0 : i32
      %dma_wait3A_261 = arith.constant 0 : i32
      %dma_wait3A_262 = tpu.memref_slice %arg10[%dma_wait3A_260, %dma_wait3A_261] : memref<10240x64xf32, #tpu.memory_space<vmem_shared>> -> memref<10240x64xf32, #tpu.memory_space<vmem_shared>>
      %dma_wait3A_263 = tpu.memref_slice %arg12[%dma_wait3A_252] : memref<4x!tpu.dma_semaphore, #tpu.memory_space<semaphore_mem>> -> memref<1x!tpu.dma_semaphore, #tpu.memory_space<semaphore_mem>>
      %dma_wait3A_264 = tpu.memref_squeeze %dma_wait3A_263 : memref<1x!tpu.dma_semaphore, #tpu.memory_space<semaphore_mem>> -> memref<!tpu.dma_semaphore, #tpu.memory_space<semaphore_mem>>
      tpu.wait_indirect_dma semaphore(%dma_wait3A_264 : memref<!tpu.dma_semaphore, #tpu.memory_space<semaphore_mem>>) src(%dma_wait3A_256 : memref<128x64xf32, #tpu.memory_space<vmem>>) dst(%dma_wait3A_262 : memref<10240x64xf32, #tpu.memory_space<vmem_shared>>)
      %add3A_265 = arith.constant 4 : i32
      %add3A_266 = arith.addi %add3A_250, %add3A_265 : i32
      %lt3A_267 = arith.constant 80 : i32
      %lt3A_268 = arith.cmpi slt, %add3A_266, %lt3A_267 : i32
      %convert_element_type3A_269 = arith.extui %lt3A_268 : i1 to i32
      %cond3A_270 = arith.constant 0 : i32
      %cond3A_271 = arith.cmpi ne, %convert_element_type3A_269, %cond3A_270 : i32
      scf.if %cond3A_271 {
        %add3A_319 = arith.constant 4 : i32
        %add3A_320 = arith.addi %add3A_250, %add3A_319 : i32
        %dma_start3A_321 = arith.constant 1 : i32
        %dma_start3A_322 = arith.constant 1 : i32
        %dma_start3A_323 = arith.constant 0 : i32
        %dma_start3A_324 = arith.constant 0 : i32
        %dma_start3A_325 = tpu.memref_slice %arg8[%dma_start3A_321, %dma_start3A_323, %dma_start3A_324] : memref<4x128x64xf32, #tpu.memory_space<vmem>> -> memref<1x128x64xf32, #tpu.memory_space<vmem>>
        %dma_start3A_326 = tpu.memref_squeeze %dma_start3A_325 : memref<1x128x64xf32, #tpu.memory_space<vmem>> -> memref<128x64xf32, #tpu.memory_space<vmem>>
        %dma_start3A_327 = arith.constant 0 : i32
        %dma_start3A_328 = tpu.memref_slice %arg6[%add3A_320, %dma_start3A_327] : memref<80x128xi32, #tpu.memory_space<vmem>> -> memref<1x128xi32, #tpu.memory_space<vmem>>
        %dma_start3A_329 = tpu.memref_squeeze %dma_start3A_328 : memref<1x128xi32, #tpu.memory_space<vmem>> -> memref<128xi32, #tpu.memory_space<vmem>>
        %dma_start3A_330 = arith.constant 0 : i32
        %dma_start3A_331 = arith.constant 0 : i32
        %dma_start3A_332 = tpu.memref_slice %arg2[%dma_start3A_330, %dma_start3A_331] : memref<10000x64xf32, #tpu.memory_space<hbm>> -> memref<10000x64xf32, #tpu.memory_space<hbm>>
        %dma_start3A_333 = tpu.memref_slice %arg11[%dma_start3A_322] : memref<4x!tpu.dma_semaphore, #tpu.memory_space<semaphore_mem>> -> memref<1x!tpu.dma_semaphore, #tpu.memory_space<semaphore_mem>>
        %dma_start3A_334 = tpu.memref_squeeze %dma_start3A_333 : memref<1x!tpu.dma_semaphore, #tpu.memory_space<semaphore_mem>> -> memref<!tpu.dma_semaphore, #tpu.memory_space<semaphore_mem>>
        tpu.enqueue_indirect_dma source(%dma_start3A_332 : memref<10000x64xf32, #tpu.memory_space<hbm>>) target(%dma_start3A_326 : memref<128x64xf32, #tpu.memory_space<vmem>>) offsets(%dma_start3A_329 : memref<128xi32, #tpu.memory_space<vmem>>) semaphore(%dma_start3A_334 : memref<!tpu.dma_semaphore, #tpu.memory_space<semaphore_mem>>)
      } else {
      }
      %add3A_272 = arith.constant 2 : i32
      %add3A_273 = arith.addi %mul3A_109, %add3A_272 : i32
      %dma_wait3A_274 = arith.constant 2 : i32
      %dma_wait3A_275 = arith.constant 2 : i32
      %dma_wait3A_276 = arith.constant 0 : i32
      %dma_wait3A_277 = arith.constant 0 : i32
      %dma_wait3A_278 = tpu.memref_slice %arg8[%dma_wait3A_274, %dma_wait3A_276, %dma_wait3A_277] : memref<4x128x64xf32, #tpu.memory_space<vmem>> -> memref<1x128x64xf32, #tpu.memory_space<vmem>>
      %dma_wait3A_279 = tpu.memref_squeeze %dma_wait3A_278 : memref<1x128x64xf32, #tpu.memory_space<vmem>> -> memref<128x64xf32, #tpu.memory_space<vmem>>
      %dma_wait3A_280 = arith.constant 0 : i32
      %dma_wait3A_281 = tpu.memref_slice %arg7[%add3A_273, %dma_wait3A_280] : memref<80x128xi32, #tpu.memory_space<vmem>> -> memref<1x128xi32, #tpu.memory_space<vmem>>
      %dma_wait3A_282 = tpu.memref_squeeze %dma_wait3A_281 : memref<1x128xi32, #tpu.memory_space<vmem>> -> memref<128xi32, #tpu.memory_space<vmem>>
      %dma_wait3A_283 = arith.constant 0 : i32
      %dma_wait3A_284 = arith.constant 0 : i32
      %dma_wait3A_285 = tpu.memref_slice %arg10[%dma_wait3A_283, %dma_wait3A_284] : memref<10240x64xf32, #tpu.memory_space<vmem_shared>> -> memref<10240x64xf32, #tpu.memory_space<vmem_shared>>
      %dma_wait3A_286 = tpu.memref_slice %arg12[%dma_wait3A_275] : memref<4x!tpu.dma_semaphore, #tpu.memory_space<semaphore_mem>> -> memref<1x!tpu.dma_semaphore, #tpu.memory_space<semaphore_mem>>
      %dma_wait3A_287 = tpu.memref_squeeze %dma_wait3A_286 : memref<1x!tpu.dma_semaphore, #tpu.memory_space<semaphore_mem>> -> memref<!tpu.dma_semaphore, #tpu.memory_space<semaphore_mem>>
      tpu.wait_indirect_dma semaphore(%dma_wait3A_287 : memref<!tpu.dma_semaphore, #tpu.memory_space<semaphore_mem>>) src(%dma_wait3A_279 : memref<128x64xf32, #tpu.memory_space<vmem>>) dst(%dma_wait3A_285 : memref<10240x64xf32, #tpu.memory_space<vmem_shared>>)
      %add3A_288 = arith.constant 4 : i32
      %add3A_289 = arith.addi %add3A_273, %add3A_288 : i32
      %lt3A_290 = arith.constant 80 : i32
      %lt3A_291 = arith.cmpi slt, %add3A_289, %lt3A_290 : i32
      %convert_element_type3A_292 = arith.extui %lt3A_291 : i1 to i32
      %cond3A_293 = arith.constant 0 : i32
      %cond3A_294 = arith.cmpi ne, %convert_element_type3A_292, %cond3A_293 : i32
      scf.if %cond3A_294 {
        %add3A_319 = arith.constant 4 : i32
        %add3A_320 = arith.addi %add3A_273, %add3A_319 : i32
        %dma_start3A_321 = arith.constant 2 : i32
        %dma_start3A_322 = arith.constant 2 : i32
        %dma_start3A_323 = arith.constant 0 : i32
        %dma_start3A_324 = arith.constant 0 : i32
        %dma_start3A_325 = tpu.memref_slice %arg8[%dma_start3A_321, %dma_start3A_323, %dma_start3A_324] : memref<4x128x64xf32, #tpu.memory_space<vmem>> -> memref<1x128x64xf32, #tpu.memory_space<vmem>>
        %dma_start3A_326 = tpu.memref_squeeze %dma_start3A_325 : memref<1x128x64xf32, #tpu.memory_space<vmem>> -> memref<128x64xf32, #tpu.memory_space<vmem>>
        %dma_start3A_327 = arith.constant 0 : i32
        %dma_start3A_328 = tpu.memref_slice %arg6[%add3A_320, %dma_start3A_327] : memref<80x128xi32, #tpu.memory_space<vmem>> -> memref<1x128xi32, #tpu.memory_space<vmem>>
        %dma_start3A_329 = tpu.memref_squeeze %dma_start3A_328 : memref<1x128xi32, #tpu.memory_space<vmem>> -> memref<128xi32, #tpu.memory_space<vmem>>
        %dma_start3A_330 = arith.constant 0 : i32
        %dma_start3A_331 = arith.constant 0 : i32
        %dma_start3A_332 = tpu.memref_slice %arg2[%dma_start3A_330, %dma_start3A_331] : memref<10000x64xf32, #tpu.memory_space<hbm>> -> memref<10000x64xf32, #tpu.memory_space<hbm>>
        %dma_start3A_333 = tpu.memref_slice %arg11[%dma_start3A_322] : memref<4x!tpu.dma_semaphore, #tpu.memory_space<semaphore_mem>> -> memref<1x!tpu.dma_semaphore, #tpu.memory_space<semaphore_mem>>
        %dma_start3A_334 = tpu.memref_squeeze %dma_start3A_333 : memref<1x!tpu.dma_semaphore, #tpu.memory_space<semaphore_mem>> -> memref<!tpu.dma_semaphore, #tpu.memory_space<semaphore_mem>>
        tpu.enqueue_indirect_dma source(%dma_start3A_332 : memref<10000x64xf32, #tpu.memory_space<hbm>>) target(%dma_start3A_326 : memref<128x64xf32, #tpu.memory_space<vmem>>) offsets(%dma_start3A_329 : memref<128xi32, #tpu.memory_space<vmem>>) semaphore(%dma_start3A_334 : memref<!tpu.dma_semaphore, #tpu.memory_space<semaphore_mem>>)
      } else {
      }
      %add3A_295 = arith.constant 3 : i32
      %add3A_296 = arith.addi %mul3A_109, %add3A_295 : i32
      %dma_wait3A_297 = arith.constant 3 : i32
      %dma_wait3A_298 = arith.constant 3 : i32
      %dma_wait3A_299 = arith.constant 0 : i32
      %dma_wait3A_300 = arith.constant 0 : i32
      %dma_wait3A_301 = tpu.memref_slice %arg8[%dma_wait3A_297, %dma_wait3A_299, %dma_wait3A_300] : memref<4x128x64xf32, #tpu.memory_space<vmem>> -> memref<1x128x64xf32, #tpu.memory_space<vmem>>
      %dma_wait3A_302 = tpu.memref_squeeze %dma_wait3A_301 : memref<1x128x64xf32, #tpu.memory_space<vmem>> -> memref<128x64xf32, #tpu.memory_space<vmem>>
      %dma_wait3A_303 = arith.constant 0 : i32
      %dma_wait3A_304 = tpu.memref_slice %arg7[%add3A_296, %dma_wait3A_303] : memref<80x128xi32, #tpu.memory_space<vmem>> -> memref<1x128xi32, #tpu.memory_space<vmem>>
      %dma_wait3A_305 = tpu.memref_squeeze %dma_wait3A_304 : memref<1x128xi32, #tpu.memory_space<vmem>> -> memref<128xi32, #tpu.memory_space<vmem>>
      %dma_wait3A_306 = arith.constant 0 : i32
      %dma_wait3A_307 = arith.constant 0 : i32
      %dma_wait3A_308 = tpu.memref_slice %arg10[%dma_wait3A_306, %dma_wait3A_307] : memref<10240x64xf32, #tpu.memory_space<vmem_shared>> -> memref<10240x64xf32, #tpu.memory_space<vmem_shared>>
      %dma_wait3A_309 = tpu.memref_slice %arg12[%dma_wait3A_298] : memref<4x!tpu.dma_semaphore, #tpu.memory_space<semaphore_mem>> -> memref<1x!tpu.dma_semaphore, #tpu.memory_space<semaphore_mem>>
      %dma_wait3A_310 = tpu.memref_squeeze %dma_wait3A_309 : memref<1x!tpu.dma_semaphore, #tpu.memory_space<semaphore_mem>> -> memref<!tpu.dma_semaphore, #tpu.memory_space<semaphore_mem>>
      tpu.wait_indirect_dma semaphore(%dma_wait3A_310 : memref<!tpu.dma_semaphore, #tpu.memory_space<semaphore_mem>>) src(%dma_wait3A_302 : memref<128x64xf32, #tpu.memory_space<vmem>>) dst(%dma_wait3A_308 : memref<10240x64xf32, #tpu.memory_space<vmem_shared>>)
      %add3A_311 = arith.constant 4 : i32
      %add3A_312 = arith.addi %add3A_296, %add3A_311 : i32
      %lt3A_313 = arith.constant 80 : i32
      %lt3A_314 = arith.cmpi slt, %add3A_312, %lt3A_313 : i32
      %convert_element_type3A_315 = arith.extui %lt3A_314 : i1 to i32
      %cond3A_316 = arith.constant 0 : i32
      %cond3A_317 = arith.cmpi ne, %convert_element_type3A_315, %cond3A_316 : i32
      scf.if %cond3A_317 {
        %add3A_319 = arith.constant 4 : i32
        %add3A_320 = arith.addi %add3A_296, %add3A_319 : i32
        %dma_start3A_321 = arith.constant 3 : i32
        %dma_start3A_322 = arith.constant 3 : i32
        %dma_start3A_323 = arith.constant 0 : i32
        %dma_start3A_324 = arith.constant 0 : i32
        %dma_start3A_325 = tpu.memref_slice %arg8[%dma_start3A_321, %dma_start3A_323, %dma_start3A_324] : memref<4x128x64xf32, #tpu.memory_space<vmem>> -> memref<1x128x64xf32, #tpu.memory_space<vmem>>
        %dma_start3A_326 = tpu.memref_squeeze %dma_start3A_325 : memref<1x128x64xf32, #tpu.memory_space<vmem>> -> memref<128x64xf32, #tpu.memory_space<vmem>>
        %dma_start3A_327 = arith.constant 0 : i32
        %dma_start3A_328 = tpu.memref_slice %arg6[%add3A_320, %dma_start3A_327] : memref<80x128xi32, #tpu.memory_space<vmem>> -> memref<1x128xi32, #tpu.memory_space<vmem>>
        %dma_start3A_329 = tpu.memref_squeeze %dma_start3A_328 : memref<1x128xi32, #tpu.memory_space<vmem>> -> memref<128xi32, #tpu.memory_space<vmem>>
        %dma_start3A_330 = arith.constant 0 : i32
        %dma_start3A_331 = arith.constant 0 : i32
        %dma_start3A_332 = tpu.memref_slice %arg2[%dma_start3A_330, %dma_start3A_331] : memref<10000x64xf32, #tpu.memory_space<hbm>> -> memref<10000x64xf32, #tpu.memory_space<hbm>>
        %dma_start3A_333 = tpu.memref_slice %arg11[%dma_start3A_322] : memref<4x!tpu.dma_semaphore, #tpu.memory_space<semaphore_mem>> -> memref<1x!tpu.dma_semaphore, #tpu.memory_space<semaphore_mem>>
        %dma_start3A_334 = tpu.memref_squeeze %dma_start3A_333 : memref<1x!tpu.dma_semaphore, #tpu.memory_space<semaphore_mem>> -> memref<!tpu.dma_semaphore, #tpu.memory_space<semaphore_mem>>
        tpu.enqueue_indirect_dma source(%dma_start3A_332 : memref<10000x64xf32, #tpu.memory_space<hbm>>) target(%dma_start3A_326 : memref<128x64xf32, #tpu.memory_space<vmem>>) offsets(%dma_start3A_329 : memref<128xi32, #tpu.memory_space<vmem>>) semaphore(%dma_start3A_334 : memref<!tpu.dma_semaphore, #tpu.memory_space<semaphore_mem>>)
      } else {
      }
      %scan3A_318 = arith.constant 0 : i32
      scf.yield %scan3A_318 : i32
    }
    %scan3A_84 = arith.constant 20 : i32
    %barrier3A_85 = arith.constant 0 : index
    tpu.barrier barrier_id(%barrier3A_85)
    %add3A_86 = arith.constant 0 : i32
    %add3A_87 = arith.addi %mul3A_2, %add3A_86 : i32
    "tpu.region"() ({
      %run_scoped3A = tpu.sem_alloc : memref<!tpu.dma_semaphore, #tpu.memory_space<semaphore_mem>>
      %dma_start3A_106 = arith.constant 0 : i32
      %dma_start3A_107 = tpu.memref_slice %arg10[%add3A_87, %dma_start3A_106] : memref<10240x64xf32, #tpu.memory_space<vmem_shared>> -> memref<128x64xf32, #tpu.memory_space<vmem_shared>>
      %dma_start3A_108 = arith.constant 0 : i32
      %dma_start3A_109 = tpu.memref_slice %arg10[%add3A_87, %dma_start3A_108] : memref<10240x64xf32, #tpu.memory_space<vmem_shared>> -> memref<128x64xf32, #tpu.memory_space<vmem_shared>>
      tpu.enqueue_dma source(%dma_start3A_109 : memref<128x64xf32, #tpu.memory_space<vmem_shared>>) target(%arg9 : memref<128x64xf32, #tpu.memory_space<vmem>>) target_semaphore(%run_scoped3A : memref<!tpu.dma_semaphore, #tpu.memory_space<semaphore_mem>>)
      %dma_wait3A = arith.constant 0 : i32
      %dma_wait3A_110 = tpu.memref_slice %arg10[%add3A_87, %dma_wait3A] : memref<10240x64xf32, #tpu.memory_space<vmem_shared>> -> memref<128x64xf32, #tpu.memory_space<vmem_shared>>
      %dma_wait3A_111 = arith.constant 0 : i32
      %dma_wait3A_112 = tpu.memref_slice %arg10[%add3A_87, %dma_wait3A_111] : memref<10240x64xf32, #tpu.memory_space<vmem_shared>> -> memref<128x64xf32, #tpu.memory_space<vmem_shared>>
      tpu.wait_dma2 semaphore(%run_scoped3A : memref<!tpu.dma_semaphore, #tpu.memory_space<semaphore_mem>>) src(%dma_wait3A_112 : memref<128x64xf32, #tpu.memory_space<vmem_shared>>) dst(%arg9 : memref<128x64xf32, #tpu.memory_space<vmem>>)
      tpu.yield
    }) : () -> ()
    %add3A_88 = arith.constant 0 : i32
    %add3A_89 = arith.addi %mul3A_2, %add3A_88 : i32
    "tpu.region"() ({
      %run_scoped3A = tpu.sem_alloc : memref<!tpu.dma_semaphore, #tpu.memory_space<semaphore_mem>>
      %dma_start3A_106 = arith.constant 0 : i32
      %dma_start3A_107 = tpu.memref_slice %arg5[%arg0, %add3A_89, %dma_start3A_106] : memref<2x10240x64xf32, #tpu.memory_space<hbm>> -> memref<1x128x64xf32, #tpu.memory_space<hbm>>
      %dma_start3A_108 = tpu.memref_squeeze %dma_start3A_107 : memref<1x128x64xf32, #tpu.memory_space<hbm>> -> memref<128x64xf32, #tpu.memory_space<hbm>>
      %dma_start3A_109 = arith.constant 0 : i32
      %dma_start3A_110 = tpu.memref_slice %arg5[%arg0, %add3A_89, %dma_start3A_109] : memref<2x10240x64xf32, #tpu.memory_space<hbm>> -> memref<1x128x64xf32, #tpu.memory_space<hbm>>
      %dma_start3A_111 = tpu.memref_squeeze %dma_start3A_110 : memref<1x128x64xf32, #tpu.memory_space<hbm>> -> memref<128x64xf32, #tpu.memory_space<hbm>>
      tpu.enqueue_dma source(%arg9 : memref<128x64xf32, #tpu.memory_space<vmem>>) target(%dma_start3A_111 : memref<128x64xf32, #tpu.memory_space<hbm>>) target_semaphore(%run_scoped3A : memref<!tpu.dma_semaphore, #tpu.memory_space<semaphore_mem>>)
      %dma_wait3A = arith.constant 0 : i32
      %dma_wait3A_112 = tpu.memref_slice %arg5[%arg0, %add3A_89, %dma_wait3A] : memref<2x10240x64xf32, #tpu.memory_space<hbm>> -> memref<1x128x64xf32, #tpu.memory_space<hbm>>
      %dma_wait3A_113 = tpu.memref_squeeze %dma_wait3A_112 : memref<1x128x64xf32, #tpu.memory_space<hbm>> -> memref<128x64xf32, #tpu.memory_space<hbm>>
      %dma_wait3A_114 = arith.constant 0 : i32
      %dma_wait3A_115 = tpu.memref_slice %arg5[%arg0, %add3A_89, %dma_wait3A_114] : memref<2x10240x64xf32, #tpu.memory_space<hbm>> -> memref<1x128x64xf32, #tpu.memory_space<hbm>>
      %dma_wait3A_116 = tpu.memref_squeeze %dma_wait3A_115 : memref<1x128x64xf32, #tpu.memory_space<hbm>> -> memref<128x64xf32, #tpu.memory_space<hbm>>
      tpu.wait_dma2 semaphore(%run_scoped3A : memref<!tpu.dma_semaphore, #tpu.memory_space<semaphore_mem>>) src(%arg9 : memref<128x64xf32, #tpu.memory_space<vmem>>) dst(%dma_wait3A_116 : memref<128x64xf32, #tpu.memory_space<hbm>>)
      tpu.yield
    }) : () -> ()
    %add3A_90 = arith.constant 128 : i32
    %add3A_91 = arith.addi %mul3A_2, %add3A_90 : i32
    "tpu.region"() ({
      %run_scoped3A = tpu.sem_alloc : memref<!tpu.dma_semaphore, #tpu.memory_space<semaphore_mem>>
      %dma_start3A_106 = arith.constant 0 : i32
      %dma_start3A_107 = tpu.memref_slice %arg10[%add3A_91, %dma_start3A_106] : memref<10240x64xf32, #tpu.memory_space<vmem_shared>> -> memref<128x64xf32, #tpu.memory_space<vmem_shared>>
      %dma_start3A_108 = arith.constant 0 : i32
      %dma_start3A_109 = tpu.memref_slice %arg10[%add3A_91, %dma_start3A_108] : memref<10240x64xf32, #tpu.memory_space<vmem_shared>> -> memref<128x64xf32, #tpu.memory_space<vmem_shared>>
      tpu.enqueue_dma source(%dma_start3A_109 : memref<128x64xf32, #tpu.memory_space<vmem_shared>>) target(%arg9 : memref<128x64xf32, #tpu.memory_space<vmem>>) target_semaphore(%run_scoped3A : memref<!tpu.dma_semaphore, #tpu.memory_space<semaphore_mem>>)
      %dma_wait3A = arith.constant 0 : i32
      %dma_wait3A_110 = tpu.memref_slice %arg10[%add3A_91, %dma_wait3A] : memref<10240x64xf32, #tpu.memory_space<vmem_shared>> -> memref<128x64xf32, #tpu.memory_space<vmem_shared>>
      %dma_wait3A_111 = arith.constant 0 : i32
      %dma_wait3A_112 = tpu.memref_slice %arg10[%add3A_91, %dma_wait3A_111] : memref<10240x64xf32, #tpu.memory_space<vmem_shared>> -> memref<128x64xf32, #tpu.memory_space<vmem_shared>>
      tpu.wait_dma2 semaphore(%run_scoped3A : memref<!tpu.dma_semaphore, #tpu.memory_space<semaphore_mem>>) src(%dma_wait3A_112 : memref<128x64xf32, #tpu.memory_space<vmem_shared>>) dst(%arg9 : memref<128x64xf32, #tpu.memory_space<vmem>>)
      tpu.yield
    }) : () -> ()
    %add3A_92 = arith.constant 128 : i32
    %add3A_93 = arith.addi %mul3A_2, %add3A_92 : i32
    "tpu.region"() ({
      %run_scoped3A = tpu.sem_alloc : memref<!tpu.dma_semaphore, #tpu.memory_space<semaphore_mem>>
      %dma_start3A_106 = arith.constant 0 : i32
      %dma_start3A_107 = tpu.memref_slice %arg5[%arg0, %add3A_93, %dma_start3A_106] : memref<2x10240x64xf32, #tpu.memory_space<hbm>> -> memref<1x128x64xf32, #tpu.memory_space<hbm>>
      %dma_start3A_108 = tpu.memref_squeeze %dma_start3A_107 : memref<1x128x64xf32, #tpu.memory_space<hbm>> -> memref<128x64xf32, #tpu.memory_space<hbm>>
      %dma_start3A_109 = arith.constant 0 : i32
      %dma_start3A_110 = tpu.memref_slice %arg5[%arg0, %add3A_93, %dma_start3A_109] : memref<2x10240x64xf32, #tpu.memory_space<hbm>> -> memref<1x128x64xf32, #tpu.memory_space<hbm>>
      %dma_start3A_111 = tpu.memref_squeeze %dma_start3A_110 : memref<1x128x64xf32, #tpu.memory_space<hbm>> -> memref<128x64xf32, #tpu.memory_space<hbm>>
      tpu.enqueue_dma source(%arg9 : memref<128x64xf32, #tpu.memory_space<vmem>>) target(%dma_start3A_111 : memref<128x64xf32, #tpu.memory_space<hbm>>) target_semaphore(%run_scoped3A : memref<!tpu.dma_semaphore, #tpu.memory_space<semaphore_mem>>)
      %dma_wait3A = arith.constant 0 : i32
      %dma_wait3A_112 = tpu.memref_slice %arg5[%arg0, %add3A_93, %dma_wait3A] : memref<2x10240x64xf32, #tpu.memory_space<hbm>> -> memref<1x128x64xf32, #tpu.memory_space<hbm>>
      %dma_wait3A_113 = tpu.memref_squeeze %dma_wait3A_112 : memref<1x128x64xf32, #tpu.memory_space<hbm>> -> memref<128x64xf32, #tpu.memory_space<hbm>>
      %dma_wait3A_114 = arith.constant 0 : i32
      %dma_wait3A_115 = tpu.memref_slice %arg5[%arg0, %add3A_93, %dma_wait3A_114] : memref<2x10240x64xf32, #tpu.memory_space<hbm>> -> memref<1x128x64xf32, #tpu.memory_space<hbm>>
      %dma_wait3A_116 = tpu.memref_squeeze %dma_wait3A_115 : memref<1x128x64xf32, #tpu.memory_space<hbm>> -> memref<128x64xf32, #tpu.memory_space<hbm>>
      tpu.wait_dma2 semaphore(%run_scoped3A : memref<!tpu.dma_semaphore, #tpu.memory_space<semaphore_mem>>) src(%arg9 : memref<128x64xf32, #tpu.memory_space<vmem>>) dst(%dma_wait3A_116 : memref<128x64xf32, #tpu.memory_space<hbm>>)
      tpu.yield
    }) : () -> ()
    %add3A_94 = arith.constant 256 : i32
    %add3A_95 = arith.addi %mul3A_2, %add3A_94 : i32
    "tpu.region"() ({
      %run_scoped3A = tpu.sem_alloc : memref<!tpu.dma_semaphore, #tpu.memory_space<semaphore_mem>>
      %dma_start3A_106 = arith.constant 0 : i32
      %dma_start3A_107 = tpu.memref_slice %arg10[%add3A_95, %dma_start3A_106] : memref<10240x64xf32, #tpu.memory_space<vmem_shared>> -> memref<128x64xf32, #tpu.memory_space<vmem_shared>>
      %dma_start3A_108 = arith.constant 0 : i32
      %dma_start3A_109 = tpu.memref_slice %arg10[%add3A_95, %dma_start3A_108] : memref<10240x64xf32, #tpu.memory_space<vmem_shared>> -> memref<128x64xf32, #tpu.memory_space<vmem_shared>>
      tpu.enqueue_dma source(%dma_start3A_109 : memref<128x64xf32, #tpu.memory_space<vmem_shared>>) target(%arg9 : memref<128x64xf32, #tpu.memory_space<vmem>>) target_semaphore(%run_scoped3A : memref<!tpu.dma_semaphore, #tpu.memory_space<semaphore_mem>>)
      %dma_wait3A = arith.constant 0 : i32
      %dma_wait3A_110 = tpu.memref_slice %arg10[%add3A_95, %dma_wait3A] : memref<10240x64xf32, #tpu.memory_space<vmem_shared>> -> memref<128x64xf32, #tpu.memory_space<vmem_shared>>
      %dma_wait3A_111 = arith.constant 0 : i32
      %dma_wait3A_112 = tpu.memref_slice %arg10[%add3A_95, %dma_wait3A_111] : memref<10240x64xf32, #tpu.memory_space<vmem_shared>> -> memref<128x64xf32, #tpu.memory_space<vmem_shared>>
      tpu.wait_dma2 semaphore(%run_scoped3A : memref<!tpu.dma_semaphore, #tpu.memory_space<semaphore_mem>>) src(%dma_wait3A_112 : memref<128x64xf32, #tpu.memory_space<vmem_shared>>) dst(%arg9 : memref<128x64xf32, #tpu.memory_space<vmem>>)
      tpu.yield
    }) : () -> ()
    %add3A_96 = arith.constant 256 : i32
    %add3A_97 = arith.addi %mul3A_2, %add3A_96 : i32
    "tpu.region"() ({
      %run_scoped3A = tpu.sem_alloc : memref<!tpu.dma_semaphore, #tpu.memory_space<semaphore_mem>>
      %dma_start3A_106 = arith.constant 0 : i32
      %dma_start3A_107 = tpu.memref_slice %arg5[%arg0, %add3A_97, %dma_start3A_106] : memref<2x10240x64xf32, #tpu.memory_space<hbm>> -> memref<1x128x64xf32, #tpu.memory_space<hbm>>
      %dma_start3A_108 = tpu.memref_squeeze %dma_start3A_107 : memref<1x128x64xf32, #tpu.memory_space<hbm>> -> memref<128x64xf32, #tpu.memory_space<hbm>>
      %dma_start3A_109 = arith.constant 0 : i32
      %dma_start3A_110 = tpu.memref_slice %arg5[%arg0, %add3A_97, %dma_start3A_109] : memref<2x10240x64xf32, #tpu.memory_space<hbm>> -> memref<1x128x64xf32, #tpu.memory_space<hbm>>
      %dma_start3A_111 = tpu.memref_squeeze %dma_start3A_110 : memref<1x128x64xf32, #tpu.memory_space<hbm>> -> memref<128x64xf32, #tpu.memory_space<hbm>>
      tpu.enqueue_dma source(%arg9 : memref<128x64xf32, #tpu.memory_space<vmem>>) target(%dma_start3A_111 : memref<128x64xf32, #tpu.memory_space<hbm>>) target_semaphore(%run_scoped3A : memref<!tpu.dma_semaphore, #tpu.memory_space<semaphore_mem>>)
      %dma_wait3A = arith.constant 0 : i32
      %dma_wait3A_112 = tpu.memref_slice %arg5[%arg0, %add3A_97, %dma_wait3A] : memref<2x10240x64xf32, #tpu.memory_space<hbm>> -> memref<1x128x64xf32, #tpu.memory_space<hbm>>
      %dma_wait3A_113 = tpu.memref_squeeze %dma_wait3A_112 : memref<1x128x64xf32, #tpu.memory_space<hbm>> -> memref<128x64xf32, #tpu.memory_space<hbm>>
      %dma_wait3A_114 = arith.constant 0 : i32
      %dma_wait3A_115 = tpu.memref_slice %arg5[%arg0, %add3A_97, %dma_wait3A_114] : memref<2x10240x64xf32, #tpu.memory_space<hbm>> -> memref<1x128x64xf32, #tpu.memory_space<hbm>>
      %dma_wait3A_116 = tpu.memref_squeeze %dma_wait3A_115 : memref<1x128x64xf32, #tpu.memory_space<hbm>> -> memref<128x64xf32, #tpu.memory_space<hbm>>
      tpu.wait_dma2 semaphore(%run_scoped3A : memref<!tpu.dma_semaphore, #tpu.memory_space<semaphore_mem>>) src(%arg9 : memref<128x64xf32, #tpu.memory_space<vmem>>) dst(%dma_wait3A_116 : memref<128x64xf32, #tpu.memory_space<hbm>>)
      tpu.yield
    }) : () -> ()
    %add3A_98 = arith.constant 384 : i32
    %add3A_99 = arith.addi %mul3A_2, %add3A_98 : i32
    "tpu.region"() ({
      %run_scoped3A = tpu.sem_alloc : memref<!tpu.dma_semaphore, #tpu.memory_space<semaphore_mem>>
      %dma_start3A_106 = arith.constant 0 : i32
      %dma_start3A_107 = tpu.memref_slice %arg10[%add3A_99, %dma_start3A_106] : memref<10240x64xf32, #tpu.memory_space<vmem_shared>> -> memref<128x64xf32, #tpu.memory_space<vmem_shared>>
      %dma_start3A_108 = arith.constant 0 : i32
      %dma_start3A_109 = tpu.memref_slice %arg10[%add3A_99, %dma_start3A_108] : memref<10240x64xf32, #tpu.memory_space<vmem_shared>> -> memref<128x64xf32, #tpu.memory_space<vmem_shared>>
      tpu.enqueue_dma source(%dma_start3A_109 : memref<128x64xf32, #tpu.memory_space<vmem_shared>>) target(%arg9 : memref<128x64xf32, #tpu.memory_space<vmem>>) target_semaphore(%run_scoped3A : memref<!tpu.dma_semaphore, #tpu.memory_space<semaphore_mem>>)
      %dma_wait3A = arith.constant 0 : i32
      %dma_wait3A_110 = tpu.memref_slice %arg10[%add3A_99, %dma_wait3A] : memref<10240x64xf32, #tpu.memory_space<vmem_shared>> -> memref<128x64xf32, #tpu.memory_space<vmem_shared>>
      %dma_wait3A_111 = arith.constant 0 : i32
      %dma_wait3A_112 = tpu.memref_slice %arg10[%add3A_99, %dma_wait3A_111] : memref<10240x64xf32, #tpu.memory_space<vmem_shared>> -> memref<128x64xf32, #tpu.memory_space<vmem_shared>>
      tpu.wait_dma2 semaphore(%run_scoped3A : memref<!tpu.dma_semaphore, #tpu.memory_space<semaphore_mem>>) src(%dma_wait3A_112 : memref<128x64xf32, #tpu.memory_space<vmem_shared>>) dst(%arg9 : memref<128x64xf32, #tpu.memory_space<vmem>>)
      tpu.yield
    }) : () -> ()
    %add3A_100 = arith.constant 384 : i32
    %add3A_101 = arith.addi %mul3A_2, %add3A_100 : i32
    "tpu.region"() ({
      %run_scoped3A = tpu.sem_alloc : memref<!tpu.dma_semaphore, #tpu.memory_space<semaphore_mem>>
      %dma_start3A_106 = arith.constant 0 : i32
      %dma_start3A_107 = tpu.memref_slice %arg5[%arg0, %add3A_101, %dma_start3A_106] : memref<2x10240x64xf32, #tpu.memory_space<hbm>> -> memref<1x128x64xf32, #tpu.memory_space<hbm>>
      %dma_start3A_108 = tpu.memref_squeeze %dma_start3A_107 : memref<1x128x64xf32, #tpu.memory_space<hbm>> -> memref<128x64xf32, #tpu.memory_space<hbm>>
      %dma_start3A_109 = arith.constant 0 : i32
      %dma_start3A_110 = tpu.memref_slice %arg5[%arg0, %add3A_101, %dma_start3A_109] : memref<2x10240x64xf32, #tpu.memory_space<hbm>> -> memref<1x128x64xf32, #tpu.memory_space<hbm>>
      %dma_start3A_111 = tpu.memref_squeeze %dma_start3A_110 : memref<1x128x64xf32, #tpu.memory_space<hbm>> -> memref<128x64xf32, #tpu.memory_space<hbm>>
      tpu.enqueue_dma source(%arg9 : memref<128x64xf32, #tpu.memory_space<vmem>>) target(%dma_start3A_111 : memref<128x64xf32, #tpu.memory_space<hbm>>) target_semaphore(%run_scoped3A : memref<!tpu.dma_semaphore, #tpu.memory_space<semaphore_mem>>)
      %dma_wait3A = arith.constant 0 : i32
      %dma_wait3A_112 = tpu.memref_slice %arg5[%arg0, %add3A_101, %dma_wait3A] : memref<2x10240x64xf32, #tpu.memory_space<hbm>> -> memref<1x128x64xf32, #tpu.memory_space<hbm>>
      %dma_wait3A_113 = tpu.memref_squeeze %dma_wait3A_112 : memref<1x128x64xf32, #tpu.memory_space<hbm>> -> memref<128x64xf32, #tpu.memory_space<hbm>>
      %dma_wait3A_114 = arith.constant 0 : i32
      %dma_wait3A_115 = tpu.memref_slice %arg5[%arg0, %add3A_101, %dma_wait3A_114] : memref<2x10240x64xf32, #tpu.memory_space<hbm>> -> memref<1x128x64xf32, #tpu.memory_space<hbm>>
      %dma_wait3A_116 = tpu.memref_squeeze %dma_wait3A_115 : memref<1x128x64xf32, #tpu.memory_space<hbm>> -> memref<128x64xf32, #tpu.memory_space<hbm>>
      tpu.wait_dma2 semaphore(%run_scoped3A : memref<!tpu.dma_semaphore, #tpu.memory_space<semaphore_mem>>) src(%arg9 : memref<128x64xf32, #tpu.memory_space<vmem>>) dst(%dma_wait3A_116 : memref<128x64xf32, #tpu.memory_space<hbm>>)
      tpu.yield
    }) : () -> ()
    %add3A_102 = arith.constant 512 : i32
    %add3A_103 = arith.addi %mul3A_2, %add3A_102 : i32
    "tpu.region"() ({
      %run_scoped3A = tpu.sem_alloc : memref<!tpu.dma_semaphore, #tpu.memory_space<semaphore_mem>>
      %dma_start3A_106 = arith.constant 0 : i32
      %dma_start3A_107 = tpu.memref_slice %arg10[%add3A_103, %dma_start3A_106] : memref<10240x64xf32, #tpu.memory_space<vmem_shared>> -> memref<128x64xf32, #tpu.memory_space<vmem_shared>>
      %dma_start3A_108 = arith.constant 0 : i32
      %dma_start3A_109 = tpu.memref_slice %arg10[%add3A_103, %dma_start3A_108] : memref<10240x64xf32, #tpu.memory_space<vmem_shared>> -> memref<128x64xf32, #tpu.memory_space<vmem_shared>>
      tpu.enqueue_dma source(%dma_start3A_109 : memref<128x64xf32, #tpu.memory_space<vmem_shared>>) target(%arg9 : memref<128x64xf32, #tpu.memory_space<vmem>>) target_semaphore(%run_scoped3A : memref<!tpu.dma_semaphore, #tpu.memory_space<semaphore_mem>>)
      %dma_wait3A = arith.constant 0 : i32
      %dma_wait3A_110 = tpu.memref_slice %arg10[%add3A_103, %dma_wait3A] : memref<10240x64xf32, #tpu.memory_space<vmem_shared>> -> memref<128x64xf32, #tpu.memory_space<vmem_shared>>
      %dma_wait3A_111 = arith.constant 0 : i32
      %dma_wait3A_112 = tpu.memref_slice %arg10[%add3A_103, %dma_wait3A_111] : memref<10240x64xf32, #tpu.memory_space<vmem_shared>> -> memref<128x64xf32, #tpu.memory_space<vmem_shared>>
      tpu.wait_dma2 semaphore(%run_scoped3A : memref<!tpu.dma_semaphore, #tpu.memory_space<semaphore_mem>>) src(%dma_wait3A_112 : memref<128x64xf32, #tpu.memory_space<vmem_shared>>) dst(%arg9 : memref<128x64xf32, #tpu.memory_space<vmem>>)
      tpu.yield
    }) : () -> ()
    %add3A_104 = arith.constant 512 : i32
    %add3A_105 = arith.addi %mul3A_2, %add3A_104 : i32
    "tpu.region"() ({
      %run_scoped3A = tpu.sem_alloc : memref<!tpu.dma_semaphore, #tpu.memory_space<semaphore_mem>>
      %dma_start3A_106 = arith.constant 0 : i32
      %dma_start3A_107 = tpu.memref_slice %arg5[%arg0, %add3A_105, %dma_start3A_106] : memref<2x10240x64xf32, #tpu.memory_space<hbm>> -> memref<1x128x64xf32, #tpu.memory_space<hbm>>
      %dma_start3A_108 = tpu.memref_squeeze %dma_start3A_107 : memref<1x128x64xf32, #tpu.memory_space<hbm>> -> memref<128x64xf32, #tpu.memory_space<hbm>>
      %dma_start3A_109 = arith.constant 0 : i32
      %dma_start3A_110 = tpu.memref_slice %arg5[%arg0, %add3A_105, %dma_start3A_109] : memref<2x10240x64xf32, #tpu.memory_space<hbm>> -> memref<1x128x64xf32, #tpu.memory_space<hbm>>
      %dma_start3A_111 = tpu.memref_squeeze %dma_start3A_110 : memref<1x128x64xf32, #tpu.memory_space<hbm>> -> memref<128x64xf32, #tpu.memory_space<hbm>>
      tpu.enqueue_dma source(%arg9 : memref<128x64xf32, #tpu.memory_space<vmem>>) target(%dma_start3A_111 : memref<128x64xf32, #tpu.memory_space<hbm>>) target_semaphore(%run_scoped3A : memref<!tpu.dma_semaphore, #tpu.memory_space<semaphore_mem>>)
      %dma_wait3A = arith.constant 0 : i32
      %dma_wait3A_112 = tpu.memref_slice %arg5[%arg0, %add3A_105, %dma_wait3A] : memref<2x10240x64xf32, #tpu.memory_space<hbm>> -> memref<1x128x64xf32, #tpu.memory_space<hbm>>
      %dma_wait3A_113 = tpu.memref_squeeze %dma_wait3A_112 : memref<1x128x64xf32, #tpu.memory_space<hbm>> -> memref<128x64xf32, #tpu.memory_space<hbm>>
      %dma_wait3A_114 = arith.constant 0 : i32
      %dma_wait3A_115 = tpu.memref_slice %arg5[%arg0, %add3A_105, %dma_wait3A_114] : memref<2x10240x64xf32, #tpu.memory_space<hbm>> -> memref<1x128x64xf32, #tpu.memory_space<hbm>>
      %dma_wait3A_116 = tpu.memref_squeeze %dma_wait3A_115 : memref<1x128x64xf32, #tpu.memory_space<hbm>> -> memref<128x64xf32, #tpu.memory_space<hbm>>
      tpu.wait_dma2 semaphore(%run_scoped3A : memref<!tpu.dma_semaphore, #tpu.memory_space<semaphore_mem>>) src(%arg9 : memref<128x64xf32, #tpu.memory_space<vmem>>) dst(%dma_wait3A_116 : memref<128x64xf32, #tpu.memory_space<hbm>>)
      tpu.yield
    }) : () -> ()
    return
  }
}

#map = affine_map<(d0, d1) -> (0, 0)>
#map1 = affine_map<(d0, d1) -> (0, 0, 0)>
module attributes {stable_mosaic.version = 14 : i64} {
  func.func @scatter_kernel(%arg0: i32, %arg1: i32, %arg2: memref<10000x64xf32, #tpu.memory_space<hbm>>, %arg3: memref<32x80x128xi32, #tpu.memory_space<hbm>>, %arg4: memref<32x80x128xi32, #tpu.memory_space<hbm>>, %arg5: memref<2x10240x64xf32, #tpu.memory_space<hbm>>, %arg6: memref<80x128xi32, #tpu.memory_space<vmem>>, %arg7: memref<80x128xi32, #tpu.memory_space<vmem>>, %arg8: memref<4x128x64xf32, #tpu.memory_space<vmem>>, %arg9: memref<128x64xf32, #tpu.memory_space<vmem>>, %arg10: memref<10240x64xf32, #tpu.memory_space<vmem_shared>>, %arg11: memref<4x!tpu.dma_semaphore, #tpu.memory_space<semaphore_mem>>, %arg12: memref<4x!tpu.dma_semaphore, #tpu.memory_space<semaphore_mem>>) attributes {dimension_semantics = [#tpu.dimension_semantics<core_parallel>, #tpu.dimension_semantics<subcore_parallel>], iteration_bounds = array<i64: 2, 16>, scalar_prefetch = 0 : i64, scratch_operands = 7 : i64, tpu.core_type = #tpu.core_type<sc_vector_subcore>, window_params = [{transform_indices = #map}, {transform_indices = #map1}, {transform_indices = #map1}, {transform_indices = #map1}]} {
    %mul3A = arith.constant 16 : i32
    %mul3A_0 = arith.muli %arg0, %mul3A : i32
    %add3A = arith.addi %mul3A_0, %arg1 : i32
    %mul3A_1 = arith.constant 640 : i32
    %mul3A_2 = arith.muli %arg1, %mul3A_1 : i32
    %scan3A = arith.constant 0 : i32
    %scan3A_3 = arith.constant 0 : i32
    %scan3A_4 = arith.constant 128 : i32
    %scan3A_5 = arith.addi %scan3A_3, %scan3A_4 : i32
    %scan3A_6 = arith.constant 1 : i32
    %scan3A_7 = scf.for %scan3A_106 = %scan3A_3 to %scan3A_5 step %scan3A_6 iter_args(%scan3A_107 = %scan3A) -> (i32)  : i32 {
      %broadcast_in_dim3A = arith.constant 0.000000e+00 : f32
      %broadcast_in_dim3A_108 = vector.broadcast %broadcast_in_dim3A : f32 to vector<16xf32>
      %swap3A = arith.index_cast %scan3A_106 : i32 to index
      %swap3A_109 = arith.constant 0 : index
      %swap3A_110 = tpu.vector_load %arg9[%swap3A, %swap3A_109] {strides = array<i32>} : memref<128x64xf32, #tpu.memory_space<vmem>>, vector<1x16xf32>,
      %swap3A_111 = vector.shape_cast %swap3A_110 : vector<1x16xf32> to vector<16xf32>
      %swap3A_112 = vector.shape_cast %broadcast_in_dim3A_108 : vector<16xf32> to vector<1x16xf32>
      tpu.vector_store %arg9[%swap3A, %swap3A_109], %swap3A_112 {strides = array<i32>} : memref<128x64xf32, #tpu.memory_space<vmem>>, vector<1x16xf32>,
      %broadcast_in_dim3A_113 = arith.constant 0.000000e+00 : f32
      %broadcast_in_dim3A_114 = vector.broadcast %broadcast_in_dim3A_113 : f32 to vector<16xf32>
      %swap3A_115 = arith.index_cast %scan3A_106 : i32 to index
      %swap3A_116 = arith.constant 16 : index
      %swap3A_117 = tpu.vector_load %arg9[%swap3A_115, %swap3A_116] {strides = array<i32>} : memref<128x64xf32, #tpu.memory_space<vmem>>, vector<1x16xf32>,
      %swap3A_118 = vector.shape_cast %swap3A_117 : vector<1x16xf32> to vector<16xf32>
      %swap3A_119 = vector.shape_cast %broadcast_in_dim3A_114 : vector<16xf32> to vector<1x16xf32>
      tpu.vector_store %arg9[%swap3A_115, %swap3A_116], %swap3A_119 {strides = array<i32>} : memref<128x64xf32, #tpu.memory_space<vmem>>, vector<1x16xf32>,
      %broadcast_in_dim3A_120 = arith.constant 0.000000e+00 : f32
      %broadcast_in_dim3A_121 = vector.broadcast %broadcast_in_dim3A_120 : f32 to vector<16xf32>
      %swap3A_122 = arith.index_cast %scan3A_106 : i32 to index
      %swap3A_123 = arith.constant 32 : index
      %swap3A_124 = tpu.vector_load %arg9[%swap3A_122, %swap3A_123] {strides = array<i32>} : memref<128x64xf32, #tpu.memory_space<vmem>>, vector<1x16xf32>,
      %swap3A_125 = vector.shape_cast %swap3A_124 : vector<1x16xf32> to vector<16xf32>
      %swap3A_126 = vector.shape_cast %broadcast_in_dim3A_121 : vector<16xf32> to vector<1x16xf32>
      tpu.vector_store %arg9[%swap3A_122, %swap3A_123], %swap3A_126 {strides = array<i32>} : memref<128x64xf32, #tpu.memory_space<vmem>>, vector<1x16xf32>,
      %broadcast_in_dim3A_127 = arith.constant 0.000000e+00 : f32
      %broadcast_in_dim3A_128 = vector.broadcast %broadcast_in_dim3A_127 : f32 to vector<16xf32>
      %swap3A_129 = arith.index_cast %scan3A_106 : i32 to index
      %swap3A_130 = arith.constant 48 : index
      %swap3A_131 = tpu.vector_load %arg9[%swap3A_129, %swap3A_130] {strides = array<i32>} : memref<128x64xf32, #tpu.memory_space<vmem>>, vector<1x16xf32>,
      %swap3A_132 = vector.shape_cast %swap3A_131 : vector<1x16xf32> to vector<16xf32>
      %swap3A_133 = vector.shape_cast %broadcast_in_dim3A_128 : vector<16xf32> to vector<1x16xf32>
      tpu.vector_store %arg9[%swap3A_129, %swap3A_130], %swap3A_133 {strides = array<i32>} : memref<128x64xf32, #tpu.memory_space<vmem>>, vector<1x16xf32>,
      %scan3A_134 = arith.constant 0 : i32
      scf.yield %scan3A_134 : i32
    }
    %scan3A_8 = arith.constant 128 : i32
    "tpu.region"() ({
      %run_scoped3A = tpu.sem_alloc : memref<!tpu.dma_semaphore, #tpu.memory_space<semaphore_mem>>
      %dma_start3A_106 = arith.constant 0 : i32
      %dma_start3A_107 = arith.constant 0 : i32
      %dma_start3A_108 = tpu.memref_slice %arg3[%add3A, %dma_start3A_106, %dma_start3A_107] : memref<32x80x128xi32, #tpu.memory_space<hbm>> -> memref<1x80x128xi32, #tpu.memory_space<hbm>>
      %dma_start3A_109 = tpu.memref_squeeze %dma_start3A_108 : memref<1x80x128xi32, #tpu.memory_space<hbm>> -> memref<80x128xi32, #tpu.memory_space<hbm>>
      %dma_start3A_110 = arith.constant 0 : i32
      %dma_start3A_111 = arith.constant 0 : i32
      %dma_start3A_112 = tpu.memref_slice %arg3[%add3A, %dma_start3A_110, %dma_start3A_111] : memref<32x80x128xi32, #tpu.memory_space<hbm>> -> memref<1x80x128xi32, #tpu.memory_space<hbm>>
      %dma_start3A_113 = tpu.memref_squeeze %dma_start3A_112 : memref<1x80x128xi32, #tpu.memory_space<hbm>> -> memref<80x128xi32, #tpu.memory_space<hbm>>
      tpu.enqueue_dma source(%dma_start3A_113 : memref<80x128xi32, #tpu.memory_space<hbm>>) target(%arg6 : memref<80x128xi32, #tpu.memory_space<vmem>>) target_semaphore(%run_scoped3A : memref<!tpu.dma_semaphore, #tpu.memory_space<semaphore_mem>>)
      %dma_wait3A = arith.constant 0 : i32
      %dma_wait3A_114 = arith.constant 0 : i32
      %dma_wait3A_115 = tpu.memref_slice %arg3[%add3A, %dma_wait3A, %dma_wait3A_114] : memref<32x80x128xi32, #tpu.memory_space<hbm>> -> memref<1x80x128xi32, #tpu.memory_space<hbm>>
      %dma_wait3A_116 = tpu.memref_squeeze %dma_wait3A_115 : memref<1x80x128xi32, #tpu.memory_space<hbm>> -> memref<80x128xi32, #tpu.memory_space<hbm>>
      %dma_wait3A_117 = arith.constant 0 : i32
      %dma_wait3A_118 = arith.constant 0 : i32
      %dma_wait3A_119 = tpu.memref_slice %arg3[%add3A, %dma_wait3A_117, %dma_wait3A_118] : memref<32x80x128xi32, #tpu.memory_space<hbm>> -> memref<1x80x128xi32, #tpu.memory_space<hbm>>
      %dma_wait3A_120 = tpu.memref_squeeze %dma_wait3A_119 : memref<1x80x128xi32, #tpu.memory_space<hbm>> -> memref<80x128xi32, #tpu.memory_space<hbm>>
      tpu.wait_dma2 semaphore(%run_scoped3A : memref<!tpu.dma_semaphore, #tpu.memory_space<semaphore_mem>>) src(%dma_wait3A_120 : memref<80x128xi32, #tpu.memory_space<hbm>>) dst(%arg6 : memref<80x128xi32, #tpu.memory_space<vmem>>)
      tpu.yield
    }) : () -> ()
    "tpu.region"() ({
      %run_scoped3A = tpu.sem_alloc : memref<!tpu.dma_semaphore, #tpu.memory_space<semaphore_mem>>
      %dma_start3A_106 = arith.constant 0 : i32
      %dma_start3A_107 = arith.constant 0 : i32
      %dma_start3A_108 = tpu.memref_slice %arg4[%add3A, %dma_start3A_106, %dma_start3A_107] : memref<32x80x128xi32, #tpu.memory_space<hbm>> -> memref<1x80x128xi32, #tpu.memory_space<hbm>>
      %dma_start3A_109 = tpu.memref_squeeze %dma_start3A_108 : memref<1x80x128xi32, #tpu.memory_space<hbm>> -> memref<80x128xi32, #tpu.memory_space<hbm>>
      %dma_start3A_110 = arith.constant 0 : i32
      %dma_start3A_111 = arith.constant 0 : i32
      %dma_start3A_112 = tpu.memref_slice %arg4[%add3A, %dma_start3A_110, %dma_start3A_111] : memref<32x80x128xi32, #tpu.memory_space<hbm>> -> memref<1x80x128xi32, #tpu.memory_space<hbm>>
      %dma_start3A_113 = tpu.memref_squeeze %dma_start3A_112 : memref<1x80x128xi32, #tpu.memory_space<hbm>> -> memref<80x128xi32, #tpu.memory_space<hbm>>
      tpu.enqueue_dma source(%dma_start3A_113 : memref<80x128xi32, #tpu.memory_space<hbm>>) target(%arg7 : memref<80x128xi32, #tpu.memory_space<vmem>>) target_semaphore(%run_scoped3A : memref<!tpu.dma_semaphore, #tpu.memory_space<semaphore_mem>>)
      %dma_wait3A = arith.constant 0 : i32
      %dma_wait3A_114 = arith.constant 0 : i32
      %dma_wait3A_115 = tpu.memref_slice %arg4[%add3A, %dma_wait3A, %dma_wait3A_114] : memref<32x80x128xi32, #tpu.memory_space<hbm>> -> memref<1x80x128xi32, #tpu.memory_space<hbm>>
      %dma_wait3A_116 = tpu.memref_squeeze %dma_wait3A_115 : memref<1x80x128xi32, #tpu.memory_space<hbm>> -> memref<80x128xi32, #tpu.memory_space<hbm>>
      %dma_wait3A_117 = arith.constant 0 : i32
      %dma_wait3A_118 = arith.constant 0 : i32
      %dma_wait3A_119 = tpu.memref_slice %arg4[%add3A, %dma_wait3A_117, %dma_wait3A_118] : memref<32x80x128xi32, #tpu.memory_space<hbm>> -> memref<1x80x128xi32, #tpu.memory_space<hbm>>
      %dma_wait3A_120 = tpu.memref_squeeze %dma_wait3A_119 : memref<1x80x128xi32, #tpu.memory_space<hbm>> -> memref<80x128xi32, #tpu.memory_space<hbm>>
      tpu.wait_dma2 semaphore(%run_scoped3A : memref<!tpu.dma_semaphore, #tpu.memory_space<semaphore_mem>>) src(%dma_wait3A_120 : memref<80x128xi32, #tpu.memory_space<hbm>>) dst(%arg7 : memref<80x128xi32, #tpu.memory_space<vmem>>)
      tpu.yield
    }) : () -> ()
    %add3A_9 = arith.constant 0 : i32
    %add3A_10 = arith.addi %mul3A_2, %add3A_9 : i32
    "tpu.region"() ({
      %run_scoped3A = tpu.sem_alloc : memref<!tpu.dma_semaphore, #tpu.memory_space<semaphore_mem>>
      %dma_start3A_106 = arith.constant 0 : i32
      %dma_start3A_107 = tpu.memref_slice %arg10[%add3A_10, %dma_start3A_106] : memref<10240x64xf32, #tpu.memory_space<vmem_shared>> -> memref<128x64xf32, #tpu.memory_space<vmem_shared>>
      %dma_start3A_108 = arith.constant 0 : i32
      %dma_start3A_109 = tpu.memref_slice %arg10[%add3A_10, %dma_start3A_108] : memref<10240x64xf32, #tpu.memory_space<vmem_shared>> -> memref<128x64xf32, #tpu.memory_space<vmem_shared>>
      tpu.enqueue_dma source(%arg9 : memref<128x64xf32, #tpu.memory_space<vmem>>) target(%dma_start3A_109 : memref<128x64xf32, #tpu.memory_space<vmem_shared>>) target_semaphore(%run_scoped3A : memref<!tpu.dma_semaphore, #tpu.memory_space<semaphore_mem>>)
      %dma_wait3A = arith.constant 0 : i32
      %dma_wait3A_110 = tpu.memref_slice %arg10[%add3A_10, %dma_wait3A] : memref<10240x64xf32, #tpu.memory_space<vmem_shared>> -> memref<128x64xf32, #tpu.memory_space<vmem_shared>>
      %dma_wait3A_111 = arith.constant 0 : i32
      %dma_wait3A_112 = tpu.memref_slice %arg10[%add3A_10, %dma_wait3A_111] : memref<10240x64xf32, #tpu.memory_space<vmem_shared>> -> memref<128x64xf32, #tpu.memory_space<vmem_shared>>
      tpu.wait_dma2 semaphore(%run_scoped3A : memref<!tpu.dma_semaphore, #tpu.memory_space<semaphore_mem>>) src(%arg9 : memref<128x64xf32, #tpu.memory_space<vmem>>) dst(%dma_wait3A_112 : memref<128x64xf32, #tpu.memory_space<vmem_shared>>)
      tpu.yield
    }) : () -> ()
    %add3A_11 = arith.constant 128 : i32
    %add3A_12 = arith.addi %mul3A_2, %add3A_11 : i32
    "tpu.region"() ({
      %run_scoped3A = tpu.sem_alloc : memref<!tpu.dma_semaphore, #tpu.memory_space<semaphore_mem>>
      %dma_start3A_106 = arith.constant 0 : i32
      %dma_start3A_107 = tpu.memref_slice %arg10[%add3A_12, %dma_start3A_106] : memref<10240x64xf32, #tpu.memory_space<vmem_shared>> -> memref<128x64xf32, #tpu.memory_space<vmem_shared>>
      %dma_start3A_108 = arith.constant 0 : i32
      %dma_start3A_109 = tpu.memref_slice %arg10[%add3A_12, %dma_start3A_108] : memref<10240x64xf32, #tpu.memory_space<vmem_shared>> -> memref<128x64xf32, #tpu.memory_space<vmem_shared>>
      tpu.enqueue_dma source(%arg9 : memref<128x64xf32, #tpu.memory_space<vmem>>) target(%dma_start3A_109 : memref<128x64xf32, #tpu.memory_space<vmem_shared>>) target_semaphore(%run_scoped3A : memref<!tpu.dma_semaphore, #tpu.memory_space<semaphore_mem>>)
      %dma_wait3A = arith.constant 0 : i32
      %dma_wait3A_110 = tpu.memref_slice %arg10[%add3A_12, %dma_wait3A] : memref<10240x64xf32, #tpu.memory_space<vmem_shared>> -> memref<128x64xf32, #tpu.memory_space<vmem_shared>>
      %dma_wait3A_111 = arith.constant 0 : i32
      %dma_wait3A_112 = tpu.memref_slice %arg10[%add3A_12, %dma_wait3A_111] : memref<10240x64xf32, #tpu.memory_space<vmem_shared>> -> memref<128x64xf32, #tpu.memory_space<vmem_shared>>
      tpu.wait_dma2 semaphore(%run_scoped3A : memref<!tpu.dma_semaphore, #tpu.memory_space<semaphore_mem>>) src(%arg9 : memref<128x64xf32, #tpu.memory_space<vmem>>) dst(%dma_wait3A_112 : memref<128x64xf32, #tpu.memory_space<vmem_shared>>)
      tpu.yield
    }) : () -> ()
    %add3A_13 = arith.constant 256 : i32
    %add3A_14 = arith.addi %mul3A_2, %add3A_13 : i32
    "tpu.region"() ({
      %run_scoped3A = tpu.sem_alloc : memref<!tpu.dma_semaphore, #tpu.memory_space<semaphore_mem>>
      %dma_start3A_106 = arith.constant 0 : i32
      %dma_start3A_107 = tpu.memref_slice %arg10[%add3A_14, %dma_start3A_106] : memref<10240x64xf32, #tpu.memory_space<vmem_shared>> -> memref<128x64xf32, #tpu.memory_space<vmem_shared>>
      %dma_start3A_108 = arith.constant 0 : i32
      %dma_start3A_109 = tpu.memref_slice %arg10[%add3A_14, %dma_start3A_108] : memref<10240x64xf32, #tpu.memory_space<vmem_shared>> -> memref<128x64xf32, #tpu.memory_space<vmem_shared>>
      tpu.enqueue_dma source(%arg9 : memref<128x64xf32, #tpu.memory_space<vmem>>) target(%dma_start3A_109 : memref<128x64xf32, #tpu.memory_space<vmem_shared>>) target_semaphore(%run_scoped3A : memref<!tpu.dma_semaphore, #tpu.memory_space<semaphore_mem>>)
      %dma_wait3A = arith.constant 0 : i32
      %dma_wait3A_110 = tpu.memref_slice %arg10[%add3A_14, %dma_wait3A] : memref<10240x64xf32, #tpu.memory_space<vmem_shared>> -> memref<128x64xf32, #tpu.memory_space<vmem_shared>>
      %dma_wait3A_111 = arith.constant 0 : i32
      %dma_wait3A_112 = tpu.memref_slice %arg10[%add3A_14, %dma_wait3A_111] : memref<10240x64xf32, #tpu.memory_space<vmem_shared>> -> memref<128x64xf32, #tpu.memory_space<vmem_shared>>
      tpu.wait_dma2 semaphore(%run_scoped3A : memref<!tpu.dma_semaphore, #tpu.memory_space<semaphore_mem>>) src(%arg9 : memref<128x64xf32, #tpu.memory_space<vmem>>) dst(%dma_wait3A_112 : memref<128x64xf32, #tpu.memory_space<vmem_shared>>)
      tpu.yield
    }) : () -> ()
    %add3A_15 = arith.constant 384 : i32
    %add3A_16 = arith.addi %mul3A_2, %add3A_15 : i32
    "tpu.region"() ({
      %run_scoped3A = tpu.sem_alloc : memref<!tpu.dma_semaphore, #tpu.memory_space<semaphore_mem>>
      %dma_start3A_106 = arith.constant 0 : i32
      %dma_start3A_107 = tpu.memref_slice %arg10[%add3A_16, %dma_start3A_106] : memref<10240x64xf32, #tpu.memory_space<vmem_shared>> -> memref<128x64xf32, #tpu.memory_space<vmem_shared>>
      %dma_start3A_108 = arith.constant 0 : i32
      %dma_start3A_109 = tpu.memref_slice %arg10[%add3A_16, %dma_start3A_108] : memref<10240x64xf32, #tpu.memory_space<vmem_shared>> -> memref<128x64xf32, #tpu.memory_space<vmem_shared>>
      tpu.enqueue_dma source(%arg9 : memref<128x64xf32, #tpu.memory_space<vmem>>) target(%dma_start3A_109 : memref<128x64xf32, #tpu.memory_space<vmem_shared>>) target_semaphore(%run_scoped3A : memref<!tpu.dma_semaphore, #tpu.memory_space<semaphore_mem>>)
      %dma_wait3A = arith.constant 0 : i32
      %dma_wait3A_110 = tpu.memref_slice %arg10[%add3A_16, %dma_wait3A] : memref<10240x64xf32, #tpu.memory_space<vmem_shared>> -> memref<128x64xf32, #tpu.memory_space<vmem_shared>>
      %dma_wait3A_111 = arith.constant 0 : i32
      %dma_wait3A_112 = tpu.memref_slice %arg10[%add3A_16, %dma_wait3A_111] : memref<10240x64xf32, #tpu.memory_space<vmem_shared>> -> memref<128x64xf32, #tpu.memory_space<vmem_shared>>
      tpu.wait_dma2 semaphore(%run_scoped3A : memref<!tpu.dma_semaphore, #tpu.memory_space<semaphore_mem>>) src(%arg9 : memref<128x64xf32, #tpu.memory_space<vmem>>) dst(%dma_wait3A_112 : memref<128x64xf32, #tpu.memory_space<vmem_shared>>)
      tpu.yield
    }) : () -> ()
    %add3A_17 = arith.constant 512 : i32
    %add3A_18 = arith.addi %mul3A_2, %add3A_17 : i32
    "tpu.region"() ({
      %run_scoped3A = tpu.sem_alloc : memref<!tpu.dma_semaphore, #tpu.memory_space<semaphore_mem>>
      %dma_start3A_106 = arith.constant 0 : i32
      %dma_start3A_107 = tpu.memref_slice %arg10[%add3A_18, %dma_start3A_106] : memref<10240x64xf32, #tpu.memory_space<vmem_shared>> -> memref<128x64xf32, #tpu.memory_space<vmem_shared>>
      %dma_start3A_108 = arith.constant 0 : i32
      %dma_start3A_109 = tpu.memref_slice %arg10[%add3A_18, %dma_start3A_108] : memref<10240x64xf32, #tpu.memory_space<vmem_shared>> -> memref<128x64xf32, #tpu.memory_space<vmem_shared>>
      tpu.enqueue_dma source(%arg9 : memref<128x64xf32, #tpu.memory_space<vmem>>) target(%dma_start3A_109 : memref<128x64xf32, #tpu.memory_space<vmem_shared>>) target_semaphore(%run_scoped3A : memref<!tpu.dma_semaphore, #tpu.memory_space<semaphore_mem>>)
      %dma_wait3A = arith.constant 0 : i32
      %dma_wait3A_110 = tpu.memref_slice %arg10[%add3A_18, %dma_wait3A] : memref<10240x64xf32, #tpu.memory_space<vmem_shared>> -> memref<128x64xf32, #tpu.memory_space<vmem_shared>>
      %dma_wait3A_111 = arith.constant 0 : i32
      %dma_wait3A_112 = tpu.memref_slice %arg10[%add3A_18, %dma_wait3A_111] : memref<10240x64xf32, #tpu.memory_space<vmem_shared>> -> memref<128x64xf32, #tpu.memory_space<vmem_shared>>
      tpu.wait_dma2 semaphore(%run_scoped3A : memref<!tpu.dma_semaphore, #tpu.memory_space<semaphore_mem>>) src(%arg9 : memref<128x64xf32, #tpu.memory_space<vmem>>) dst(%dma_wait3A_112 : memref<128x64xf32, #tpu.memory_space<vmem_shared>>)
      tpu.yield
    }) : () -> ()
    %barrier3A = arith.constant 0 : index
    tpu.barrier barrier_id(%barrier3A)
    %dma_start3A = arith.constant 0 : i32
    %dma_start3A_19 = arith.constant 0 : i32
    %dma_start3A_20 = arith.constant 0 : i32
    %dma_start3A_21 = arith.constant 0 : i32
    %dma_start3A_22 = arith.constant 0 : i32
    %dma_start3A_23 = tpu.memref_slice %arg8[%dma_start3A_19, %dma_start3A_21, %dma_start3A_22] : memref<4x128x64xf32, #tpu.memory_space<vmem>> -> memref<1x128x64xf32, #tpu.memory_space<vmem>>
    %dma_start3A_24 = tpu.memref_squeeze %dma_start3A_23 : memref<1x128x64xf32, #tpu.memory_space<vmem>> -> memref<128x64xf32, #tpu.memory_space<vmem>>
    %dma_start3A_25 = arith.constant 0 : i32
    %dma_start3A_26 = tpu.memref_slice %arg6[%dma_start3A, %dma_start3A_25] : memref<80x128xi32, #tpu.memory_space<vmem>> -> memref<1x128xi32, #tpu.memory_space<vmem>>
    %dma_start3A_27 = tpu.memref_squeeze %dma_start3A_26 : memref<1x128xi32, #tpu.memory_space<vmem>> -> memref<128xi32, #tpu.memory_space<vmem>>
    %dma_start3A_28 = arith.constant 0 : i32
    %dma_start3A_29 = arith.constant 0 : i32
    %dma_start3A_30 = tpu.memref_slice %arg2[%dma_start3A_28, %dma_start3A_29] : memref<10000x64xf32, #tpu.memory_space<hbm>> -> memref<10000x64xf32, #tpu.memory_space<hbm>>
    %dma_start3A_31 = tpu.memref_slice %arg11[%dma_start3A_20] : memref<4x!tpu.dma_semaphore, #tpu.memory_space<semaphore_mem>> -> memref<1x!tpu.dma_semaphore, #tpu.memory_space<semaphore_mem>>
    %dma_start3A_32 = tpu.memref_squeeze %dma_start3A_31 : memref<1x!tpu.dma_semaphore, #tpu.memory_space<semaphore_mem>> -> memref<!tpu.dma_semaphore, #tpu.memory_space<semaphore_mem>>
    tpu.enqueue_indirect_dma source(%dma_start3A_30 : memref<10000x64xf32, #tpu.memory_space<hbm>>) target(%dma_start3A_24 : memref<128x64xf32, #tpu.memory_space<vmem>>) offsets(%dma_start3A_27 : memref<128xi32, #tpu.memory_space<vmem>>) semaphore(%dma_start3A_32 : memref<!tpu.dma_semaphore, #tpu.memory_space<semaphore_mem>>)
    %dma_start3A_33 = arith.constant 1 : i32
    %dma_start3A_34 = arith.constant 1 : i32
    %dma_start3A_35 = arith.constant 1 : i32
    %dma_start3A_36 = arith.constant 0 : i32
    %dma_start3A_37 = arith.constant 0 : i32
    %dma_start3A_38 = tpu.memref_slice %arg8[%dma_start3A_34, %dma_start3A_36, %dma_start3A_37] : memref<4x128x64xf32, #tpu.memory_space<vmem>> -> memref<1x128x64xf32, #tpu.memory_space<vmem>>
    %dma_start3A_39 = tpu.memref_squeeze %dma_start3A_38 : memref<1x128x64xf32, #tpu.memory_space<vmem>> -> memref<128x64xf32, #tpu.memory_space<vmem>>
    %dma_start3A_40 = arith.constant 0 : i32
    %dma_start3A_41 = tpu.memref_slice %arg6[%dma_start3A_33, %dma_start3A_40] : memref<80x128xi32, #tpu.memory_space<vmem>> -> memref<1x128xi32, #tpu.memory_space<vmem>>
    %dma_start3A_42 = tpu.memref_squeeze %dma_start3A_41 : memref<1x128xi32, #tpu.memory_space<vmem>> -> memref<128xi32, #tpu.memory_space<vmem>>
    %dma_start3A_43 = arith.constant 0 : i32
    %dma_start3A_44 = arith.constant 0 : i32
    %dma_start3A_45 = tpu.memref_slice %arg2[%dma_start3A_43, %dma_start3A_44] : memref<10000x64xf32, #tpu.memory_space<hbm>> -> memref<10000x64xf32, #tpu.memory_space<hbm>>
    %dma_start3A_46 = tpu.memref_slice %arg11[%dma_start3A_35] : memref<4x!tpu.dma_semaphore, #tpu.memory_space<semaphore_mem>> -> memref<1x!tpu.dma_semaphore, #tpu.memory_space<semaphore_mem>>
    %dma_start3A_47 = tpu.memref_squeeze %dma_start3A_46 : memref<1x!tpu.dma_semaphore, #tpu.memory_space<semaphore_mem>> -> memref<!tpu.dma_semaphore, #tpu.memory_space<semaphore_mem>>
    tpu.enqueue_indirect_dma source(%dma_start3A_45 : memref<10000x64xf32, #tpu.memory_space<hbm>>) target(%dma_start3A_39 : memref<128x64xf32, #tpu.memory_space<vmem>>) offsets(%dma_start3A_42 : memref<128xi32, #tpu.memory_space<vmem>>) semaphore(%dma_start3A_47 : memref<!tpu.dma_semaphore, #tpu.memory_space<semaphore_mem>>)
    %dma_start3A_48 = arith.constant 2 : i32
    %dma_start3A_49 = arith.constant 2 : i32
    %dma_start3A_50 = arith.constant 2 : i32
    %dma_start3A_51 = arith.constant 0 : i32
    %dma_start3A_52 = arith.constant 0 : i32
    %dma_start3A_53 = tpu.memref_slice %arg8[%dma_start3A_49, %dma_start3A_51, %dma_start3A_52] : memref<4x128x64xf32, #tpu.memory_space<vmem>> -> memref<1x128x64xf32, #tpu.memory_space<vmem>>
    %dma_start3A_54 = tpu.memref_squeeze %dma_start3A_53 : memref<1x128x64xf32, #tpu.memory_space<vmem>> -> memref<128x64xf32, #tpu.memory_space<vmem>>
    %dma_start3A_55 = arith.constant 0 : i32
    %dma_start3A_56 = tpu.memref_slice %arg6[%dma_start3A_48, %dma_start3A_55] : memref<80x128xi32, #tpu.memory_space<vmem>> -> memref<1x128xi32, #tpu.memory_space<vmem>>
    %dma_start3A_57 = tpu.memref_squeeze %dma_start3A_56 : memref<1x128xi32, #tpu.memory_space<vmem>> -> memref<128xi32, #tpu.memory_space<vmem>>
    %dma_start3A_58 = arith.constant 0 : i32
    %dma_start3A_59 = arith.constant 0 : i32
    %dma_start3A_60 = tpu.memref_slice %arg2[%dma_start3A_58, %dma_start3A_59] : memref<10000x64xf32, #tpu.memory_space<hbm>> -> memref<10000x64xf32, #tpu.memory_space<hbm>>
    %dma_start3A_61 = tpu.memref_slice %arg11[%dma_start3A_50] : memref<4x!tpu.dma_semaphore, #tpu.memory_space<semaphore_mem>> -> memref<1x!tpu.dma_semaphore, #tpu.memory_space<semaphore_mem>>
    %dma_start3A_62 = tpu.memref_squeeze %dma_start3A_61 : memref<1x!tpu.dma_semaphore, #tpu.memory_space<semaphore_mem>> -> memref<!tpu.dma_semaphore, #tpu.memory_space<semaphore_mem>>
    tpu.enqueue_indirect_dma source(%dma_start3A_60 : memref<10000x64xf32, #tpu.memory_space<hbm>>) target(%dma_start3A_54 : memref<128x64xf32, #tpu.memory_space<vmem>>) offsets(%dma_start3A_57 : memref<128xi32, #tpu.memory_space<vmem>>) semaphore(%dma_start3A_62 : memref<!tpu.dma_semaphore, #tpu.memory_space<semaphore_mem>>)
    %dma_start3A_63 = arith.constant 3 : i32
    %dma_start3A_64 = arith.constant 3 : i32
    %dma_start3A_65 = arith.constant 3 : i32
    %dma_start3A_66 = arith.constant 0 : i32
    %dma_start3A_67 = arith.constant 0 : i32
    %dma_start3A_68 = tpu.memref_slice %arg8[%dma_start3A_64, %dma_start3A_66, %dma_start3A_67] : memref<4x128x64xf32, #tpu.memory_space<vmem>> -> memref<1x128x64xf32, #tpu.memory_space<vmem>>
    %dma_start3A_69 = tpu.memref_squeeze %dma_start3A_68 : memref<1x128x64xf32, #tpu.memory_space<vmem>> -> memref<128x64xf32, #tpu.memory_space<vmem>>
    %dma_start3A_70 = arith.constant 0 : i32
    %dma_start3A_71 = tpu.memref_slice %arg6[%dma_start3A_63, %dma_start3A_70] : memref<80x128xi32, #tpu.memory_space<vmem>> -> memref<1x128xi32, #tpu.memory_space<vmem>>
    %dma_start3A_72 = tpu.memref_squeeze %dma_start3A_71 : memref<1x128xi32, #tpu.memory_space<vmem>> -> memref<128xi32, #tpu.memory_space<vmem>>
    %dma_start3A_73 = arith.constant 0 : i32
    %dma_start3A_74 = arith.constant 0 : i32
    %dma_start3A_75 = tpu.memref_slice %arg2[%dma_start3A_73, %dma_start3A_74] : memref<10000x64xf32, #tpu.memory_space<hbm>> -> memref<10000x64xf32, #tpu.memory_space<hbm>>
    %dma_start3A_76 = tpu.memref_slice %arg11[%dma_start3A_65] : memref<4x!tpu.dma_semaphore, #tpu.memory_space<semaphore_mem>> -> memref<1x!tpu.dma_semaphore, #tpu.memory_space<semaphore_mem>>
    %dma_start3A_77 = tpu.memref_squeeze %dma_start3A_76 : memref<1x!tpu.dma_semaphore, #tpu.memory_space<semaphore_mem>> -> memref<!tpu.dma_semaphore, #tpu.memory_space<semaphore_mem>>
    tpu.enqueue_indirect_dma source(%dma_start3A_75 : memref<10000x64xf32, #tpu.memory_space<hbm>>) target(%dma_start3A_69 : memref<128x64xf32, #tpu.memory_space<vmem>>) offsets(%dma_start3A_72 : memref<128xi32, #tpu.memory_space<vmem>>) semaphore(%dma_start3A_77 : memref<!tpu.dma_semaphore, #tpu.memory_space<semaphore_mem>>)
    %scan3A_78 = arith.constant 0 : i32
    %scan3A_79 = arith.constant 0 : i32
    %scan3A_80 = arith.constant 20 : i32
    %scan3A_81 = arith.addi %scan3A_79, %scan3A_80 : i32
    %scan3A_82 = arith.constant 1 : i32
    %scan3A_83 = scf.for %scan3A_106 = %scan3A_79 to %scan3A_81 step %scan3A_82 iter_args(%scan3A_107 = %scan3A_78) -> (i32)  : i32 {
      %mul3A_108 = arith.constant 4 : i32
      %mul3A_109 = arith.muli %scan3A_106, %mul3A_108 : i32
      %add3A_110 = arith.constant 0 : i32
      %add3A_111 = arith.addi %mul3A_109, %add3A_110 : i32
      %dma_wait3A = arith.constant 0 : i32
      %dma_wait3A_112 = arith.constant 0 : i32
      %dma_wait3A_113 = arith.constant 0 : i32
      %dma_wait3A_114 = arith.constant 0 : i32
      %dma_wait3A_115 = tpu.memref_slice %arg8[%dma_wait3A, %dma_wait3A_113, %dma_wait3A_114] : memref<4x128x64xf32, #tpu.memory_space<vmem>> -> memref<1x128x64xf32, #tpu.memory_space<vmem>>
      %dma_wait3A_116 = tpu.memref_squeeze %dma_wait3A_115 : memref<1x128x64xf32, #tpu.memory_space<vmem>> -> memref<128x64xf32, #tpu.memory_space<vmem>>
      %dma_wait3A_117 = arith.constant 0 : i32
      %dma_wait3A_118 = tpu.memref_slice %arg6[%add3A_111, %dma_wait3A_117] : memref<80x128xi32, #tpu.memory_space<vmem>> -> memref<1x128xi32, #tpu.memory_space<vmem>>
      %dma_wait3A_119 = tpu.memref_squeeze %dma_wait3A_118 : memref<1x128xi32, #tpu.memory_space<vmem>> -> memref<128xi32, #tpu.memory_space<vmem>>
      %dma_wait3A_120 = arith.constant 0 : i32
      %dma_wait3A_121 = arith.constant 0 : i32
      %dma_wait3A_122 = tpu.memref_slice %arg2[%dma_wait3A_120, %dma_wait3A_121] : memref<10000x64xf32, #tpu.memory_space<hbm>> -> memref<10000x64xf32, #tpu.memory_space<hbm>>
      %dma_wait3A_123 = tpu.memref_slice %arg11[%dma_wait3A_112] : memref<4x!tpu.dma_semaphore, #tpu.memory_space<semaphore_mem>> -> memref<1x!tpu.dma_semaphore, #tpu.memory_space<semaphore_mem>>
      %dma_wait3A_124 = tpu.memref_squeeze %dma_wait3A_123 : memref<1x!tpu.dma_semaphore, #tpu.memory_space<semaphore_mem>> -> memref<!tpu.dma_semaphore, #tpu.memory_space<semaphore_mem>>
      tpu.wait_indirect_dma semaphore(%dma_wait3A_124 : memref<!tpu.dma_semaphore, #tpu.memory_space<semaphore_mem>>) src(%dma_wait3A_122 : memref<10000x64xf32, #tpu.memory_space<hbm>>) dst(%dma_wait3A_116 : memref<128x64xf32, #tpu.memory_space<vmem>>)
      %dma_start3A_125 = arith.constant 0 : i32
      %dma_start3A_126 = arith.constant 0 : i32
      %dma_start3A_127 = arith.constant 0 : i32
      %dma_start3A_128 = arith.constant 0 : i32
      %dma_start3A_129 = tpu.memref_slice %arg8[%dma_start3A_125, %dma_start3A_127, %dma_start3A_128] : memref<4x128x64xf32, #tpu.memory_space<vmem>> -> memref<1x128x64xf32, #tpu.memory_space<vmem>>
      %dma_start3A_130 = tpu.memref_squeeze %dma_start3A_129 : memref<1x128x64xf32, #tpu.memory_space<vmem>> -> memref<128x64xf32, #tpu.memory_space<vmem>>
      %dma_start3A_131 = arith.constant 0 : i32
      %dma_start3A_132 = tpu.memref_slice %arg7[%add3A_111, %dma_start3A_131] : memref<80x128xi32, #tpu.memory_space<vmem>> -> memref<1x128xi32, #tpu.memory_space<vmem>>
      %dma_start3A_133 = tpu.memref_squeeze %dma_start3A_132 : memref<1x128xi32, #tpu.memory_space<vmem>> -> memref<128xi32, #tpu.memory_space<vmem>>
      %dma_start3A_134 = arith.constant 0 : i32
      %dma_start3A_135 = arith.constant 0 : i32
      %dma_start3A_136 = tpu.memref_slice %arg10[%dma_start3A_134, %dma_start3A_135] : memref<10240x64xf32, #tpu.memory_space<vmem_shared>> -> memref<10240x64xf32, #tpu.memory_space<vmem_shared>>
      %dma_start3A_137 = tpu.memref_slice %arg12[%dma_start3A_126] : memref<4x!tpu.dma_semaphore, #tpu.memory_space<semaphore_mem>> -> memref<1x!tpu.dma_semaphore, #tpu.memory_space<semaphore_mem>>
      %dma_start3A_138 = tpu.memref_squeeze %dma_start3A_137 : memref<1x!tpu.dma_semaphore, #tpu.memory_space<semaphore_mem>> -> memref<!tpu.dma_semaphore, #tpu.memory_space<semaphore_mem>>
      tpu.enqueue_indirect_dma source(%dma_start3A_130 : memref<128x64xf32, #tpu.memory_space<vmem>>) target(%dma_start3A_136 : memref<10240x64xf32, #tpu.memory_space<vmem_shared>>) offsets(%dma_start3A_133 : memref<128xi32, #tpu.memory_space<vmem>>) semaphore(%dma_start3A_138 : memref<!tpu.dma_semaphore, #tpu.memory_space<semaphore_mem>>) {add = true}
      %add3A_139 = arith.constant 1 : i32
      %add3A_140 = arith.addi %mul3A_109, %add3A_139 : i32
      %dma_wait3A_141 = arith.constant 1 : i32
      %dma_wait3A_142 = arith.constant 1 : i32
      %dma_wait3A_143 = arith.constant 0 : i32
      %dma_wait3A_144 = arith.constant 0 : i32
      %dma_wait3A_145 = tpu.memref_slice %arg8[%dma_wait3A_141, %dma_wait3A_143, %dma_wait3A_144] : memref<4x128x64xf32, #tpu.memory_space<vmem>> -> memref<1x128x64xf32, #tpu.memory_space<vmem>>
      %dma_wait3A_146 = tpu.memref_squeeze %dma_wait3A_145 : memref<1x128x64xf32, #tpu.memory_space<vmem>> -> memref<128x64xf32, #tpu.memory_space<vmem>>
      %dma_wait3A_147 = arith.constant 0 : i32
      %dma_wait3A_148 = tpu.memref_slice %arg6[%add3A_140, %dma_wait3A_147] : memref<80x128xi32, #tpu.memory_space<vmem>> -> memref<1x128xi32, #tpu.memory_space<vmem>>
      %dma_wait3A_149 = tpu.memref_squeeze %dma_wait3A_148 : memref<1x128xi32, #tpu.memory_space<vmem>> -> memref<128xi32, #tpu.memory_space<vmem>>
      %dma_wait3A_150 = arith.constant 0 : i32
      %dma_wait3A_151 = arith.constant 0 : i32
      %dma_wait3A_152 = tpu.memref_slice %arg2[%dma_wait3A_150, %dma_wait3A_151] : memref<10000x64xf32, #tpu.memory_space<hbm>> -> memref<10000x64xf32, #tpu.memory_space<hbm>>
      %dma_wait3A_153 = tpu.memref_slice %arg11[%dma_wait3A_142] : memref<4x!tpu.dma_semaphore, #tpu.memory_space<semaphore_mem>> -> memref<1x!tpu.dma_semaphore, #tpu.memory_space<semaphore_mem>>
      %dma_wait3A_154 = tpu.memref_squeeze %dma_wait3A_153 : memref<1x!tpu.dma_semaphore, #tpu.memory_space<semaphore_mem>> -> memref<!tpu.dma_semaphore, #tpu.memory_space<semaphore_mem>>
      tpu.wait_indirect_dma semaphore(%dma_wait3A_154 : memref<!tpu.dma_semaphore, #tpu.memory_space<semaphore_mem>>) src(%dma_wait3A_152 : memref<10000x64xf32, #tpu.memory_space<hbm>>) dst(%dma_wait3A_146 : memref<128x64xf32, #tpu.memory_space<vmem>>)
      %dma_start3A_155 = arith.constant 1 : i32
      %dma_start3A_156 = arith.constant 1 : i32
      %dma_start3A_157 = arith.constant 0 : i32
      %dma_start3A_158 = arith.constant 0 : i32
      %dma_start3A_159 = tpu.memref_slice %arg8[%dma_start3A_155, %dma_start3A_157, %dma_start3A_158] : memref<4x128x64xf32, #tpu.memory_space<vmem>> -> memref<1x128x64xf32, #tpu.memory_space<vmem>>
      %dma_start3A_160 = tpu.memref_squeeze %dma_start3A_159 : memref<1x128x64xf32, #tpu.memory_space<vmem>> -> memref<128x64xf32, #tpu.memory_space<vmem>>
      %dma_start3A_161 = arith.constant 0 : i32
      %dma_start3A_162 = tpu.memref_slice %arg7[%add3A_140, %dma_start3A_161] : memref<80x128xi32, #tpu.memory_space<vmem>> -> memref<1x128xi32, #tpu.memory_space<vmem>>
      %dma_start3A_163 = tpu.memref_squeeze %dma_start3A_162 : memref<1x128xi32, #tpu.memory_space<vmem>> -> memref<128xi32, #tpu.memory_space<vmem>>
      %dma_start3A_164 = arith.constant 0 : i32
      %dma_start3A_165 = arith.constant 0 : i32
      %dma_start3A_166 = tpu.memref_slice %arg10[%dma_start3A_164, %dma_start3A_165] : memref<10240x64xf32, #tpu.memory_space<vmem_shared>> -> memref<10240x64xf32, #tpu.memory_space<vmem_shared>>
      %dma_start3A_167 = tpu.memref_slice %arg12[%dma_start3A_156] : memref<4x!tpu.dma_semaphore, #tpu.memory_space<semaphore_mem>> -> memref<1x!tpu.dma_semaphore, #tpu.memory_space<semaphore_mem>>
      %dma_start3A_168 = tpu.memref_squeeze %dma_start3A_167 : memref<1x!tpu.dma_semaphore, #tpu.memory_space<semaphore_mem>> -> memref<!tpu.dma_semaphore, #tpu.memory_space<semaphore_mem>>
      tpu.enqueue_indirect_dma source(%dma_start3A_160 : memref<128x64xf32, #tpu.memory_space<vmem>>) target(%dma_start3A_166 : memref<10240x64xf32, #tpu.memory_space<vmem_shared>>) offsets(%dma_start3A_163 : memref<128xi32, #tpu.memory_space<vmem>>) semaphore(%dma_start3A_168 : memref<!tpu.dma_semaphore, #tpu.memory_space<semaphore_mem>>) {add = true}
      %add3A_169 = arith.constant 2 : i32
      %add3A_170 = arith.addi %mul3A_109, %add3A_169 : i32
      %dma_wait3A_171 = arith.constant 2 : i32
      %dma_wait3A_172 = arith.constant 2 : i32
      %dma_wait3A_173 = arith.constant 0 : i32
      %dma_wait3A_174 = arith.constant 0 : i32
      %dma_wait3A_175 = tpu.memref_slice %arg8[%dma_wait3A_171, %dma_wait3A_173, %dma_wait3A_174] : memref<4x128x64xf32, #tpu.memory_space<vmem>> -> memref<1x128x64xf32, #tpu.memory_space<vmem>>
      %dma_wait3A_176 = tpu.memref_squeeze %dma_wait3A_175 : memref<1x128x64xf32, #tpu.memory_space<vmem>> -> memref<128x64xf32, #tpu.memory_space<vmem>>
      %dma_wait3A_177 = arith.constant 0 : i32
      %dma_wait3A_178 = tpu.memref_slice %arg6[%add3A_170, %dma_wait3A_177] : memref<80x128xi32, #tpu.memory_space<vmem>> -> memref<1x128xi32, #tpu.memory_space<vmem>>
      %dma_wait3A_179 = tpu.memref_squeeze %dma_wait3A_178 : memref<1x128xi32, #tpu.memory_space<vmem>> -> memref<128xi32, #tpu.memory_space<vmem>>
      %dma_wait3A_180 = arith.constant 0 : i32
      %dma_wait3A_181 = arith.constant 0 : i32
      %dma_wait3A_182 = tpu.memref_slice %arg2[%dma_wait3A_180, %dma_wait3A_181] : memref<10000x64xf32, #tpu.memory_space<hbm>> -> memref<10000x64xf32, #tpu.memory_space<hbm>>
      %dma_wait3A_183 = tpu.memref_slice %arg11[%dma_wait3A_172] : memref<4x!tpu.dma_semaphore, #tpu.memory_space<semaphore_mem>> -> memref<1x!tpu.dma_semaphore, #tpu.memory_space<semaphore_mem>>
      %dma_wait3A_184 = tpu.memref_squeeze %dma_wait3A_183 : memref<1x!tpu.dma_semaphore, #tpu.memory_space<semaphore_mem>> -> memref<!tpu.dma_semaphore, #tpu.memory_space<semaphore_mem>>
      tpu.wait_indirect_dma semaphore(%dma_wait3A_184 : memref<!tpu.dma_semaphore, #tpu.memory_space<semaphore_mem>>) src(%dma_wait3A_182 : memref<10000x64xf32, #tpu.memory_space<hbm>>) dst(%dma_wait3A_176 : memref<128x64xf32, #tpu.memory_space<vmem>>)
      %dma_start3A_185 = arith.constant 2 : i32
      %dma_start3A_186 = arith.constant 2 : i32
      %dma_start3A_187 = arith.constant 0 : i32
      %dma_start3A_188 = arith.constant 0 : i32
      %dma_start3A_189 = tpu.memref_slice %arg8[%dma_start3A_185, %dma_start3A_187, %dma_start3A_188] : memref<4x128x64xf32, #tpu.memory_space<vmem>> -> memref<1x128x64xf32, #tpu.memory_space<vmem>>
      %dma_start3A_190 = tpu.memref_squeeze %dma_start3A_189 : memref<1x128x64xf32, #tpu.memory_space<vmem>> -> memref<128x64xf32, #tpu.memory_space<vmem>>
      %dma_start3A_191 = arith.constant 0 : i32
      %dma_start3A_192 = tpu.memref_slice %arg7[%add3A_170, %dma_start3A_191] : memref<80x128xi32, #tpu.memory_space<vmem>> -> memref<1x128xi32, #tpu.memory_space<vmem>>
      %dma_start3A_193 = tpu.memref_squeeze %dma_start3A_192 : memref<1x128xi32, #tpu.memory_space<vmem>> -> memref<128xi32, #tpu.memory_space<vmem>>
      %dma_start3A_194 = arith.constant 0 : i32
      %dma_start3A_195 = arith.constant 0 : i32
      %dma_start3A_196 = tpu.memref_slice %arg10[%dma_start3A_194, %dma_start3A_195] : memref<10240x64xf32, #tpu.memory_space<vmem_shared>> -> memref<10240x64xf32, #tpu.memory_space<vmem_shared>>
      %dma_start3A_197 = tpu.memref_slice %arg12[%dma_start3A_186] : memref<4x!tpu.dma_semaphore, #tpu.memory_space<semaphore_mem>> -> memref<1x!tpu.dma_semaphore, #tpu.memory_space<semaphore_mem>>
      %dma_start3A_198 = tpu.memref_squeeze %dma_start3A_197 : memref<1x!tpu.dma_semaphore, #tpu.memory_space<semaphore_mem>> -> memref<!tpu.dma_semaphore, #tpu.memory_space<semaphore_mem>>
      tpu.enqueue_indirect_dma source(%dma_start3A_190 : memref<128x64xf32, #tpu.memory_space<vmem>>) target(%dma_start3A_196 : memref<10240x64xf32, #tpu.memory_space<vmem_shared>>) offsets(%dma_start3A_193 : memref<128xi32, #tpu.memory_space<vmem>>) semaphore(%dma_start3A_198 : memref<!tpu.dma_semaphore, #tpu.memory_space<semaphore_mem>>) {add = true}
      %add3A_199 = arith.constant 3 : i32
      %add3A_200 = arith.addi %mul3A_109, %add3A_199 : i32
      %dma_wait3A_201 = arith.constant 3 : i32
      %dma_wait3A_202 = arith.constant 3 : i32
      %dma_wait3A_203 = arith.constant 0 : i32
      %dma_wait3A_204 = arith.constant 0 : i32
      %dma_wait3A_205 = tpu.memref_slice %arg8[%dma_wait3A_201, %dma_wait3A_203, %dma_wait3A_204] : memref<4x128x64xf32, #tpu.memory_space<vmem>> -> memref<1x128x64xf32, #tpu.memory_space<vmem>>
      %dma_wait3A_206 = tpu.memref_squeeze %dma_wait3A_205 : memref<1x128x64xf32, #tpu.memory_space<vmem>> -> memref<128x64xf32, #tpu.memory_space<vmem>>
      %dma_wait3A_207 = arith.constant 0 : i32
      %dma_wait3A_208 = tpu.memref_slice %arg6[%add3A_200, %dma_wait3A_207] : memref<80x128xi32, #tpu.memory_space<vmem>> -> memref<1x128xi32, #tpu.memory_space<vmem>>
      %dma_wait3A_209 = tpu.memref_squeeze %dma_wait3A_208 : memref<1x128xi32, #tpu.memory_space<vmem>> -> memref<128xi32, #tpu.memory_space<vmem>>
      %dma_wait3A_210 = arith.constant 0 : i32
      %dma_wait3A_211 = arith.constant 0 : i32
      %dma_wait3A_212 = tpu.memref_slice %arg2[%dma_wait3A_210, %dma_wait3A_211] : memref<10000x64xf32, #tpu.memory_space<hbm>> -> memref<10000x64xf32, #tpu.memory_space<hbm>>
      %dma_wait3A_213 = tpu.memref_slice %arg11[%dma_wait3A_202] : memref<4x!tpu.dma_semaphore, #tpu.memory_space<semaphore_mem>> -> memref<1x!tpu.dma_semaphore, #tpu.memory_space<semaphore_mem>>
      %dma_wait3A_214 = tpu.memref_squeeze %dma_wait3A_213 : memref<1x!tpu.dma_semaphore, #tpu.memory_space<semaphore_mem>> -> memref<!tpu.dma_semaphore, #tpu.memory_space<semaphore_mem>>
      tpu.wait_indirect_dma semaphore(%dma_wait3A_214 : memref<!tpu.dma_semaphore, #tpu.memory_space<semaphore_mem>>) src(%dma_wait3A_212 : memref<10000x64xf32, #tpu.memory_space<hbm>>) dst(%dma_wait3A_206 : memref<128x64xf32, #tpu.memory_space<vmem>>)
      %dma_start3A_215 = arith.constant 3 : i32
      %dma_start3A_216 = arith.constant 3 : i32
      %dma_start3A_217 = arith.constant 0 : i32
      %dma_start3A_218 = arith.constant 0 : i32
      %dma_start3A_219 = tpu.memref_slice %arg8[%dma_start3A_215, %dma_start3A_217, %dma_start3A_218] : memref<4x128x64xf32, #tpu.memory_space<vmem>> -> memref<1x128x64xf32, #tpu.memory_space<vmem>>
      %dma_start3A_220 = tpu.memref_squeeze %dma_start3A_219 : memref<1x128x64xf32, #tpu.memory_space<vmem>> -> memref<128x64xf32, #tpu.memory_space<vmem>>
      %dma_start3A_221 = arith.constant 0 : i32
      %dma_start3A_222 = tpu.memref_slice %arg7[%add3A_200, %dma_start3A_221] : memref<80x128xi32, #tpu.memory_space<vmem>> -> memref<1x128xi32, #tpu.memory_space<vmem>>
      %dma_start3A_223 = tpu.memref_squeeze %dma_start3A_222 : memref<1x128xi32, #tpu.memory_space<vmem>> -> memref<128xi32, #tpu.memory_space<vmem>>
      %dma_start3A_224 = arith.constant 0 : i32
      %dma_start3A_225 = arith.constant 0 : i32
      %dma_start3A_226 = tpu.memref_slice %arg10[%dma_start3A_224, %dma_start3A_225] : memref<10240x64xf32, #tpu.memory_space<vmem_shared>> -> memref<10240x64xf32, #tpu.memory_space<vmem_shared>>
      %dma_start3A_227 = tpu.memref_slice %arg12[%dma_start3A_216] : memref<4x!tpu.dma_semaphore, #tpu.memory_space<semaphore_mem>> -> memref<1x!tpu.dma_semaphore, #tpu.memory_space<semaphore_mem>>
      %dma_start3A_228 = tpu.memref_squeeze %dma_start3A_227 : memref<1x!tpu.dma_semaphore, #tpu.memory_space<semaphore_mem>> -> memref<!tpu.dma_semaphore, #tpu.memory_space<semaphore_mem>>
      tpu.enqueue_indirect_dma source(%dma_start3A_220 : memref<128x64xf32, #tpu.memory_space<vmem>>) target(%dma_start3A_226 : memref<10240x64xf32, #tpu.memory_space<vmem_shared>>) offsets(%dma_start3A_223 : memref<128xi32, #tpu.memory_space<vmem>>) semaphore(%dma_start3A_228 : memref<!tpu.dma_semaphore, #tpu.memory_space<semaphore_mem>>) {add = true}
      %add3A_229 = arith.constant 0 : i32
      %add3A_230 = arith.addi %mul3A_109, %add3A_229 : i32
      %dma_wait3A_231 = arith.constant 0 : i32
      %dma_wait3A_232 = arith.constant 0 : i32
      %dma_wait3A_233 = arith.constant 0 : i32
      %dma_wait3A_234 = arith.constant 0 : i32
      %dma_wait3A_235 = tpu.memref_slice %arg8[%dma_wait3A_231, %dma_wait3A_233, %dma_wait3A_234] : memref<4x128x64xf32, #tpu.memory_space<vmem>> -> memref<1x128x64xf32, #tpu.memory_space<vmem>>
      %dma_wait3A_236 = tpu.memref_squeeze %dma_wait3A_235 : memref<1x128x64xf32, #tpu.memory_space<vmem>> -> memref<128x64xf32, #tpu.memory_space<vmem>>
      %dma_wait3A_237 = arith.constant 0 : i32
      %dma_wait3A_238 = tpu.memref_slice %arg7[%add3A_230, %dma_wait3A_237] : memref<80x128xi32, #tpu.memory_space<vmem>> -> memref<1x128xi32, #tpu.memory_space<vmem>>
      %dma_wait3A_239 = tpu.memref_squeeze %dma_wait3A_238 : memref<1x128xi32, #tpu.memory_space<vmem>> -> memref<128xi32, #tpu.memory_space<vmem>>
      %dma_wait3A_240 = arith.constant 0 : i32
      %dma_wait3A_241 = arith.constant 0 : i32
      %dma_wait3A_242 = tpu.memref_slice %arg10[%dma_wait3A_240, %dma_wait3A_241] : memref<10240x64xf32, #tpu.memory_space<vmem_shared>> -> memref<10240x64xf32, #tpu.memory_space<vmem_shared>>
      %dma_wait3A_243 = tpu.memref_slice %arg12[%dma_wait3A_232] : memref<4x!tpu.dma_semaphore, #tpu.memory_space<semaphore_mem>> -> memref<1x!tpu.dma_semaphore, #tpu.memory_space<semaphore_mem>>
      %dma_wait3A_244 = tpu.memref_squeeze %dma_wait3A_243 : memref<1x!tpu.dma_semaphore, #tpu.memory_space<semaphore_mem>> -> memref<!tpu.dma_semaphore, #tpu.memory_space<semaphore_mem>>
      tpu.wait_indirect_dma semaphore(%dma_wait3A_244 : memref<!tpu.dma_semaphore, #tpu.memory_space<semaphore_mem>>) src(%dma_wait3A_236 : memref<128x64xf32, #tpu.memory_space<vmem>>) dst(%dma_wait3A_242 : memref<10240x64xf32, #tpu.memory_space<vmem_shared>>)
      %add3A_245 = arith.constant 4 : i32
      %add3A_246 = arith.addi %add3A_230, %add3A_245 : i32
      %lt3A = arith.constant 80 : i32
      %lt3A_247 = arith.cmpi slt, %add3A_246, %lt3A : i32
      %convert_element_type3A = arith.extui %lt3A_247 : i1 to i32
      %cond3A = arith.constant 0 : i32
      %cond3A_248 = arith.cmpi ne, %convert_element_type3A, %cond3A : i32
      scf.if %cond3A_248 {
        %add3A_319 = arith.constant 4 : i32
        %add3A_320 = arith.addi %add3A_230, %add3A_319 : i32
        %dma_start3A_321 = arith.constant 0 : i32
        %dma_start3A_322 = arith.constant 0 : i32
        %dma_start3A_323 = arith.constant 0 : i32
        %dma_start3A_324 = arith.constant 0 : i32
        %dma_start3A_325 = tpu.memref_slice %arg8[%dma_start3A_321, %dma_start3A_323, %dma_start3A_324] : memref<4x128x64xf32, #tpu.memory_space<vmem>> -> memref<1x128x64xf32, #tpu.memory_space<vmem>>
        %dma_start3A_326 = tpu.memref_squeeze %dma_start3A_325 : memref<1x128x64xf32, #tpu.memory_space<vmem>> -> memref<128x64xf32, #tpu.memory_space<vmem>>
        %dma_start3A_327 = arith.constant 0 : i32
        %dma_start3A_328 = tpu.memref_slice %arg6[%add3A_320, %dma_start3A_327] : memref<80x128xi32, #tpu.memory_space<vmem>> -> memref<1x128xi32, #tpu.memory_space<vmem>>
        %dma_start3A_329 = tpu.memref_squeeze %dma_start3A_328 : memref<1x128xi32, #tpu.memory_space<vmem>> -> memref<128xi32, #tpu.memory_space<vmem>>
        %dma_start3A_330 = arith.constant 0 : i32
        %dma_start3A_331 = arith.constant 0 : i32
        %dma_start3A_332 = tpu.memref_slice %arg2[%dma_start3A_330, %dma_start3A_331] : memref<10000x64xf32, #tpu.memory_space<hbm>> -> memref<10000x64xf32, #tpu.memory_space<hbm>>
        %dma_start3A_333 = tpu.memref_slice %arg11[%dma_start3A_322] : memref<4x!tpu.dma_semaphore, #tpu.memory_space<semaphore_mem>> -> memref<1x!tpu.dma_semaphore, #tpu.memory_space<semaphore_mem>>
        %dma_start3A_334 = tpu.memref_squeeze %dma_start3A_333 : memref<1x!tpu.dma_semaphore, #tpu.memory_space<semaphore_mem>> -> memref<!tpu.dma_semaphore, #tpu.memory_space<semaphore_mem>>
        tpu.enqueue_indirect_dma source(%dma_start3A_332 : memref<10000x64xf32, #tpu.memory_space<hbm>>) target(%dma_start3A_326 : memref<128x64xf32, #tpu.memory_space<vmem>>) offsets(%dma_start3A_329 : memref<128xi32, #tpu.memory_space<vmem>>) semaphore(%dma_start3A_334 : memref<!tpu.dma_semaphore, #tpu.memory_space<semaphore_mem>>)
      } else {
      }
      %add3A_249 = arith.constant 1 : i32
      %add3A_250 = arith.addi %mul3A_109, %add3A_249 : i32
      %dma_wait3A_251 = arith.constant 1 : i32
      %dma_wait3A_252 = arith.constant 1 : i32
      %dma_wait3A_253 = arith.constant 0 : i32
      %dma_wait3A_254 = arith.constant 0 : i32
      %dma_wait3A_255 = tpu.memref_slice %arg8[%dma_wait3A_251, %dma_wait3A_253, %dma_wait3A_254] : memref<4x128x64xf32, #tpu.memory_space<vmem>> -> memref<1x128x64xf32, #tpu.memory_space<vmem>>
      %dma_wait3A_256 = tpu.memref_squeeze %dma_wait3A_255 : memref<1x128x64xf32, #tpu.memory_space<vmem>> -> memref<128x64xf32, #tpu.memory_space<vmem>>
      %dma_wait3A_257 = arith.constant 0 : i32
      %dma_wait3A_258 = tpu.memref_slice %arg7[%add3A_250, %dma_wait3A_257] : memref<80x128xi32, #tpu.memory_space<vmem>> -> memref<1x128xi32, #tpu.memory_space<vmem>>
      %dma_wait3A_259 = tpu.memref_squeeze %dma_wait3A_258 : memref<1x128xi32, #tpu.memory_space<vmem>> -> memref<128xi32, #tpu.memory_space<vmem>>
      %dma_wait3A_260 = arith.constant 0 : i32
      %dma_wait3A_261 = arith.constant 0 : i32
      %dma_wait3A_262 = tpu.memref_slice %arg10[%dma_wait3A_260, %dma_wait3A_261] : memref<10240x64xf32, #tpu.memory_space<vmem_shared>> -> memref<10240x64xf32, #tpu.memory_space<vmem_shared>>
      %dma_wait3A_263 = tpu.memref_slice %arg12[%dma_wait3A_252] : memref<4x!tpu.dma_semaphore, #tpu.memory_space<semaphore_mem>> -> memref<1x!tpu.dma_semaphore, #tpu.memory_space<semaphore_mem>>
      %dma_wait3A_264 = tpu.memref_squeeze %dma_wait3A_263 : memref<1x!tpu.dma_semaphore, #tpu.memory_space<semaphore_mem>> -> memref<!tpu.dma_semaphore, #tpu.memory_space<semaphore_mem>>
      tpu.wait_indirect_dma semaphore(%dma_wait3A_264 : memref<!tpu.dma_semaphore, #tpu.memory_space<semaphore_mem>>) src(%dma_wait3A_256 : memref<128x64xf32, #tpu.memory_space<vmem>>) dst(%dma_wait3A_262 : memref<10240x64xf32, #tpu.memory_space<vmem_shared>>)
      %add3A_265 = arith.constant 4 : i32
      %add3A_266 = arith.addi %add3A_250, %add3A_265 : i32
      %lt3A_267 = arith.constant 80 : i32
      %lt3A_268 = arith.cmpi slt, %add3A_266, %lt3A_267 : i32
      %convert_element_type3A_269 = arith.extui %lt3A_268 : i1 to i32
      %cond3A_270 = arith.constant 0 : i32
      %cond3A_271 = arith.cmpi ne, %convert_element_type3A_269, %cond3A_270 : i32
      scf.if %cond3A_271 {
        %add3A_319 = arith.constant 4 : i32
        %add3A_320 = arith.addi %add3A_250, %add3A_319 : i32
        %dma_start3A_321 = arith.constant 1 : i32
        %dma_start3A_322 = arith.constant 1 : i32
        %dma_start3A_323 = arith.constant 0 : i32
        %dma_start3A_324 = arith.constant 0 : i32
        %dma_start3A_325 = tpu.memref_slice %arg8[%dma_start3A_321, %dma_start3A_323, %dma_start3A_324] : memref<4x128x64xf32, #tpu.memory_space<vmem>> -> memref<1x128x64xf32, #tpu.memory_space<vmem>>
        %dma_start3A_326 = tpu.memref_squeeze %dma_start3A_325 : memref<1x128x64xf32, #tpu.memory_space<vmem>> -> memref<128x64xf32, #tpu.memory_space<vmem>>
        %dma_start3A_327 = arith.constant 0 : i32
        %dma_start3A_328 = tpu.memref_slice %arg6[%add3A_320, %dma_start3A_327] : memref<80x128xi32, #tpu.memory_space<vmem>> -> memref<1x128xi32, #tpu.memory_space<vmem>>
        %dma_start3A_329 = tpu.memref_squeeze %dma_start3A_328 : memref<1x128xi32, #tpu.memory_space<vmem>> -> memref<128xi32, #tpu.memory_space<vmem>>
        %dma_start3A_330 = arith.constant 0 : i32
        %dma_start3A_331 = arith.constant 0 : i32
        %dma_start3A_332 = tpu.memref_slice %arg2[%dma_start3A_330, %dma_start3A_331] : memref<10000x64xf32, #tpu.memory_space<hbm>> -> memref<10000x64xf32, #tpu.memory_space<hbm>>
        %dma_start3A_333 = tpu.memref_slice %arg11[%dma_start3A_322] : memref<4x!tpu.dma_semaphore, #tpu.memory_space<semaphore_mem>> -> memref<1x!tpu.dma_semaphore, #tpu.memory_space<semaphore_mem>>
        %dma_start3A_334 = tpu.memref_squeeze %dma_start3A_333 : memref<1x!tpu.dma_semaphore, #tpu.memory_space<semaphore_mem>> -> memref<!tpu.dma_semaphore, #tpu.memory_space<semaphore_mem>>
        tpu.enqueue_indirect_dma source(%dma_start3A_332 : memref<10000x64xf32, #tpu.memory_space<hbm>>) target(%dma_start3A_326 : memref<128x64xf32, #tpu.memory_space<vmem>>) offsets(%dma_start3A_329 : memref<128xi32, #tpu.memory_space<vmem>>) semaphore(%dma_start3A_334 : memref<!tpu.dma_semaphore, #tpu.memory_space<semaphore_mem>>)
      } else {
      }
      %add3A_272 = arith.constant 2 : i32
      %add3A_273 = arith.addi %mul3A_109, %add3A_272 : i32
      %dma_wait3A_274 = arith.constant 2 : i32
      %dma_wait3A_275 = arith.constant 2 : i32
      %dma_wait3A_276 = arith.constant 0 : i32
      %dma_wait3A_277 = arith.constant 0 : i32
      %dma_wait3A_278 = tpu.memref_slice %arg8[%dma_wait3A_274, %dma_wait3A_276, %dma_wait3A_277] : memref<4x128x64xf32, #tpu.memory_space<vmem>> -> memref<1x128x64xf32, #tpu.memory_space<vmem>>
      %dma_wait3A_279 = tpu.memref_squeeze %dma_wait3A_278 : memref<1x128x64xf32, #tpu.memory_space<vmem>> -> memref<128x64xf32, #tpu.memory_space<vmem>>
      %dma_wait3A_280 = arith.constant 0 : i32
      %dma_wait3A_281 = tpu.memref_slice %arg7[%add3A_273, %dma_wait3A_280] : memref<80x128xi32, #tpu.memory_space<vmem>> -> memref<1x128xi32, #tpu.memory_space<vmem>>
      %dma_wait3A_282 = tpu.memref_squeeze %dma_wait3A_281 : memref<1x128xi32, #tpu.memory_space<vmem>> -> memref<128xi32, #tpu.memory_space<vmem>>
      %dma_wait3A_283 = arith.constant 0 : i32
      %dma_wait3A_284 = arith.constant 0 : i32
      %dma_wait3A_285 = tpu.memref_slice %arg10[%dma_wait3A_283, %dma_wait3A_284] : memref<10240x64xf32, #tpu.memory_space<vmem_shared>> -> memref<10240x64xf32, #tpu.memory_space<vmem_shared>>
      %dma_wait3A_286 = tpu.memref_slice %arg12[%dma_wait3A_275] : memref<4x!tpu.dma_semaphore, #tpu.memory_space<semaphore_mem>> -> memref<1x!tpu.dma_semaphore, #tpu.memory_space<semaphore_mem>>
      %dma_wait3A_287 = tpu.memref_squeeze %dma_wait3A_286 : memref<1x!tpu.dma_semaphore, #tpu.memory_space<semaphore_mem>> -> memref<!tpu.dma_semaphore, #tpu.memory_space<semaphore_mem>>
      tpu.wait_indirect_dma semaphore(%dma_wait3A_287 : memref<!tpu.dma_semaphore, #tpu.memory_space<semaphore_mem>>) src(%dma_wait3A_279 : memref<128x64xf32, #tpu.memory_space<vmem>>) dst(%dma_wait3A_285 : memref<10240x64xf32, #tpu.memory_space<vmem_shared>>)
      %add3A_288 = arith.constant 4 : i32
      %add3A_289 = arith.addi %add3A_273, %add3A_288 : i32
      %lt3A_290 = arith.constant 80 : i32
      %lt3A_291 = arith.cmpi slt, %add3A_289, %lt3A_290 : i32
      %convert_element_type3A_292 = arith.extui %lt3A_291 : i1 to i32
      %cond3A_293 = arith.constant 0 : i32
      %cond3A_294 = arith.cmpi ne, %convert_element_type3A_292, %cond3A_293 : i32
      scf.if %cond3A_294 {
        %add3A_319 = arith.constant 4 : i32
        %add3A_320 = arith.addi %add3A_273, %add3A_319 : i32
        %dma_start3A_321 = arith.constant 2 : i32
        %dma_start3A_322 = arith.constant 2 : i32
        %dma_start3A_323 = arith.constant 0 : i32
        %dma_start3A_324 = arith.constant 0 : i32
        %dma_start3A_325 = tpu.memref_slice %arg8[%dma_start3A_321, %dma_start3A_323, %dma_start3A_324] : memref<4x128x64xf32, #tpu.memory_space<vmem>> -> memref<1x128x64xf32, #tpu.memory_space<vmem>>
        %dma_start3A_326 = tpu.memref_squeeze %dma_start3A_325 : memref<1x128x64xf32, #tpu.memory_space<vmem>> -> memref<128x64xf32, #tpu.memory_space<vmem>>
        %dma_start3A_327 = arith.constant 0 : i32
        %dma_start3A_328 = tpu.memref_slice %arg6[%add3A_320, %dma_start3A_327] : memref<80x128xi32, #tpu.memory_space<vmem>> -> memref<1x128xi32, #tpu.memory_space<vmem>>
        %dma_start3A_329 = tpu.memref_squeeze %dma_start3A_328 : memref<1x128xi32, #tpu.memory_space<vmem>> -> memref<128xi32, #tpu.memory_space<vmem>>
        %dma_start3A_330 = arith.constant 0 : i32
        %dma_start3A_331 = arith.constant 0 : i32
        %dma_start3A_332 = tpu.memref_slice %arg2[%dma_start3A_330, %dma_start3A_331] : memref<10000x64xf32, #tpu.memory_space<hbm>> -> memref<10000x64xf32, #tpu.memory_space<hbm>>
        %dma_start3A_333 = tpu.memref_slice %arg11[%dma_start3A_322] : memref<4x!tpu.dma_semaphore, #tpu.memory_space<semaphore_mem>> -> memref<1x!tpu.dma_semaphore, #tpu.memory_space<semaphore_mem>>
        %dma_start3A_334 = tpu.memref_squeeze %dma_start3A_333 : memref<1x!tpu.dma_semaphore, #tpu.memory_space<semaphore_mem>> -> memref<!tpu.dma_semaphore, #tpu.memory_space<semaphore_mem>>
        tpu.enqueue_indirect_dma source(%dma_start3A_332 : memref<10000x64xf32, #tpu.memory_space<hbm>>) target(%dma_start3A_326 : memref<128x64xf32, #tpu.memory_space<vmem>>) offsets(%dma_start3A_329 : memref<128xi32, #tpu.memory_space<vmem>>) semaphore(%dma_start3A_334 : memref<!tpu.dma_semaphore, #tpu.memory_space<semaphore_mem>>)
      } else {
      }
      %add3A_295 = arith.constant 3 : i32
      %add3A_296 = arith.addi %mul3A_109, %add3A_295 : i32
      %dma_wait3A_297 = arith.constant 3 : i32
      %dma_wait3A_298 = arith.constant 3 : i32
      %dma_wait3A_299 = arith.constant 0 : i32
      %dma_wait3A_300 = arith.constant 0 : i32
      %dma_wait3A_301 = tpu.memref_slice %arg8[%dma_wait3A_297, %dma_wait3A_299, %dma_wait3A_300] : memref<4x128x64xf32, #tpu.memory_space<vmem>> -> memref<1x128x64xf32, #tpu.memory_space<vmem>>
      %dma_wait3A_302 = tpu.memref_squeeze %dma_wait3A_301 : memref<1x128x64xf32, #tpu.memory_space<vmem>> -> memref<128x64xf32, #tpu.memory_space<vmem>>
      %dma_wait3A_303 = arith.constant 0 : i32
      %dma_wait3A_304 = tpu.memref_slice %arg7[%add3A_296, %dma_wait3A_303] : memref<80x128xi32, #tpu.memory_space<vmem>> -> memref<1x128xi32, #tpu.memory_space<vmem>>
      %dma_wait3A_305 = tpu.memref_squeeze %dma_wait3A_304 : memref<1x128xi32, #tpu.memory_space<vmem>> -> memref<128xi32, #tpu.memory_space<vmem>>
      %dma_wait3A_306 = arith.constant 0 : i32
      %dma_wait3A_307 = arith.constant 0 : i32
      %dma_wait3A_308 = tpu.memref_slice %arg10[%dma_wait3A_306, %dma_wait3A_307] : memref<10240x64xf32, #tpu.memory_space<vmem_shared>> -> memref<10240x64xf32, #tpu.memory_space<vmem_shared>>
      %dma_wait3A_309 = tpu.memref_slice %arg12[%dma_wait3A_298] : memref<4x!tpu.dma_semaphore, #tpu.memory_space<semaphore_mem>> -> memref<1x!tpu.dma_semaphore, #tpu.memory_space<semaphore_mem>>
      %dma_wait3A_310 = tpu.memref_squeeze %dma_wait3A_309 : memref<1x!tpu.dma_semaphore, #tpu.memory_space<semaphore_mem>> -> memref<!tpu.dma_semaphore, #tpu.memory_space<semaphore_mem>>
      tpu.wait_indirect_dma semaphore(%dma_wait3A_310 : memref<!tpu.dma_semaphore, #tpu.memory_space<semaphore_mem>>) src(%dma_wait3A_302 : memref<128x64xf32, #tpu.memory_space<vmem>>) dst(%dma_wait3A_308 : memref<10240x64xf32, #tpu.memory_space<vmem_shared>>)
      %add3A_311 = arith.constant 4 : i32
      %add3A_312 = arith.addi %add3A_296, %add3A_311 : i32
      %lt3A_313 = arith.constant 80 : i32
      %lt3A_314 = arith.cmpi slt, %add3A_312, %lt3A_313 : i32
      %convert_element_type3A_315 = arith.extui %lt3A_314 : i1 to i32
      %cond3A_316 = arith.constant 0 : i32
      %cond3A_317 = arith.cmpi ne, %convert_element_type3A_315, %cond3A_316 : i32
      scf.if %cond3A_317 {
        %add3A_319 = arith.constant 4 : i32
        %add3A_320 = arith.addi %add3A_296, %add3A_319 : i32
        %dma_start3A_321 = arith.constant 3 : i32
        %dma_start3A_322 = arith.constant 3 : i32
        %dma_start3A_323 = arith.constant 0 : i32
        %dma_start3A_324 = arith.constant 0 : i32
        %dma_start3A_325 = tpu.memref_slice %arg8[%dma_start3A_321, %dma_start3A_323, %dma_start3A_324] : memref<4x128x64xf32, #tpu.memory_space<vmem>> -> memref<1x128x64xf32, #tpu.memory_space<vmem>>
        %dma_start3A_326 = tpu.memref_squeeze %dma_start3A_325 : memref<1x128x64xf32, #tpu.memory_space<vmem>> -> memref<128x64xf32, #tpu.memory_space<vmem>>
        %dma_start3A_327 = arith.constant 0 : i32
        %dma_start3A_328 = tpu.memref_slice %arg6[%add3A_320, %dma_start3A_327] : memref<80x128xi32, #tpu.memory_space<vmem>> -> memref<1x128xi32, #tpu.memory_space<vmem>>
        %dma_start3A_329 = tpu.memref_squeeze %dma_start3A_328 : memref<1x128xi32, #tpu.memory_space<vmem>> -> memref<128xi32, #tpu.memory_space<vmem>>
        %dma_start3A_330 = arith.constant 0 : i32
        %dma_start3A_331 = arith.constant 0 : i32
        %dma_start3A_332 = tpu.memref_slice %arg2[%dma_start3A_330, %dma_start3A_331] : memref<10000x64xf32, #tpu.memory_space<hbm>> -> memref<10000x64xf32, #tpu.memory_space<hbm>>
        %dma_start3A_333 = tpu.memref_slice %arg11[%dma_start3A_322] : memref<4x!tpu.dma_semaphore, #tpu.memory_space<semaphore_mem>> -> memref<1x!tpu.dma_semaphore, #tpu.memory_space<semaphore_mem>>
        %dma_start3A_334 = tpu.memref_squeeze %dma_start3A_333 : memref<1x!tpu.dma_semaphore, #tpu.memory_space<semaphore_mem>> -> memref<!tpu.dma_semaphore, #tpu.memory_space<semaphore_mem>>
        tpu.enqueue_indirect_dma source(%dma_start3A_332 : memref<10000x64xf32, #tpu.memory_space<hbm>>) target(%dma_start3A_326 : memref<128x64xf32, #tpu.memory_space<vmem>>) offsets(%dma_start3A_329 : memref<128xi32, #tpu.memory_space<vmem>>) semaphore(%dma_start3A_334 : memref<!tpu.dma_semaphore, #tpu.memory_space<semaphore_mem>>)
      } else {
      }
      %scan3A_318 = arith.constant 0 : i32
      scf.yield %scan3A_318 : i32
    }
    %scan3A_84 = arith.constant 20 : i32
    %barrier3A_85 = arith.constant 0 : index
    tpu.barrier barrier_id(%barrier3A_85)
    %add3A_86 = arith.constant 0 : i32
    %add3A_87 = arith.addi %mul3A_2, %add3A_86 : i32
    "tpu.region"() ({
      %run_scoped3A = tpu.sem_alloc : memref<!tpu.dma_semaphore, #tpu.memory_space<semaphore_mem>>
      %dma_start3A_106 = arith.constant 0 : i32
      %dma_start3A_107 = tpu.memref_slice %arg10[%add3A_87, %dma_start3A_106] : memref<10240x64xf32, #tpu.memory_space<vmem_shared>> -> memref<128x64xf32, #tpu.memory_space<vmem_shared>>
      %dma_start3A_108 = arith.constant 0 : i32
      %dma_start3A_109 = tpu.memref_slice %arg10[%add3A_87, %dma_start3A_108] : memref<10240x64xf32, #tpu.memory_space<vmem_shared>> -> memref<128x64xf32, #tpu.memory_space<vmem_shared>>
      tpu.enqueue_dma source(%dma_start3A_109 : memref<128x64xf32, #tpu.memory_space<vmem_shared>>) target(%arg9 : memref<128x64xf32, #tpu.memory_space<vmem>>) target_semaphore(%run_scoped3A : memref<!tpu.dma_semaphore, #tpu.memory_space<semaphore_mem>>)
      %dma_wait3A = arith.constant 0 : i32
      %dma_wait3A_110 = tpu.memref_slice %arg10[%add3A_87, %dma_wait3A] : memref<10240x64xf32, #tpu.memory_space<vmem_shared>> -> memref<128x64xf32, #tpu.memory_space<vmem_shared>>
      %dma_wait3A_111 = arith.constant 0 : i32
      %dma_wait3A_112 = tpu.memref_slice %arg10[%add3A_87, %dma_wait3A_111] : memref<10240x64xf32, #tpu.memory_space<vmem_shared>> -> memref<128x64xf32, #tpu.memory_space<vmem_shared>>
      tpu.wait_dma2 semaphore(%run_scoped3A : memref<!tpu.dma_semaphore, #tpu.memory_space<semaphore_mem>>) src(%dma_wait3A_112 : memref<128x64xf32, #tpu.memory_space<vmem_shared>>) dst(%arg9 : memref<128x64xf32, #tpu.memory_space<vmem>>)
      tpu.yield
    }) : () -> ()
    %add3A_88 = arith.constant 0 : i32
    %add3A_89 = arith.addi %mul3A_2, %add3A_88 : i32
    "tpu.region"() ({
      %run_scoped3A = tpu.sem_alloc : memref<!tpu.dma_semaphore, #tpu.memory_space<semaphore_mem>>
      %dma_start3A_106 = arith.constant 0 : i32
      %dma_start3A_107 = tpu.memref_slice %arg5[%arg0, %add3A_89, %dma_start3A_106] : memref<2x10240x64xf32, #tpu.memory_space<hbm>> -> memref<1x128x64xf32, #tpu.memory_space<hbm>>
      %dma_start3A_108 = tpu.memref_squeeze %dma_start3A_107 : memref<1x128x64xf32, #tpu.memory_space<hbm>> -> memref<128x64xf32, #tpu.memory_space<hbm>>
      %dma_start3A_109 = arith.constant 0 : i32
      %dma_start3A_110 = tpu.memref_slice %arg5[%arg0, %add3A_89, %dma_start3A_109] : memref<2x10240x64xf32, #tpu.memory_space<hbm>> -> memref<1x128x64xf32, #tpu.memory_space<hbm>>
      %dma_start3A_111 = tpu.memref_squeeze %dma_start3A_110 : memref<1x128x64xf32, #tpu.memory_space<hbm>> -> memref<128x64xf32, #tpu.memory_space<hbm>>
      tpu.enqueue_dma source(%arg9 : memref<128x64xf32, #tpu.memory_space<vmem>>) target(%dma_start3A_111 : memref<128x64xf32, #tpu.memory_space<hbm>>) target_semaphore(%run_scoped3A : memref<!tpu.dma_semaphore, #tpu.memory_space<semaphore_mem>>)
      %dma_wait3A = arith.constant 0 : i32
      %dma_wait3A_112 = tpu.memref_slice %arg5[%arg0, %add3A_89, %dma_wait3A] : memref<2x10240x64xf32, #tpu.memory_space<hbm>> -> memref<1x128x64xf32, #tpu.memory_space<hbm>>
      %dma_wait3A_113 = tpu.memref_squeeze %dma_wait3A_112 : memref<1x128x64xf32, #tpu.memory_space<hbm>> -> memref<128x64xf32, #tpu.memory_space<hbm>>
      %dma_wait3A_114 = arith.constant 0 : i32
      %dma_wait3A_115 = tpu.memref_slice %arg5[%arg0, %add3A_89, %dma_wait3A_114] : memref<2x10240x64xf32, #tpu.memory_space<hbm>> -> memref<1x128x64xf32, #tpu.memory_space<hbm>>
      %dma_wait3A_116 = tpu.memref_squeeze %dma_wait3A_115 : memref<1x128x64xf32, #tpu.memory_space<hbm>> -> memref<128x64xf32, #tpu.memory_space<hbm>>
      tpu.wait_dma2 semaphore(%run_scoped3A : memref<!tpu.dma_semaphore, #tpu.memory_space<semaphore_mem>>) src(%arg9 : memref<128x64xf32, #tpu.memory_space<vmem>>) dst(%dma_wait3A_116 : memref<128x64xf32, #tpu.memory_space<hbm>>)
      tpu.yield
    }) : () -> ()
    %add3A_90 = arith.constant 128 : i32
    %add3A_91 = arith.addi %mul3A_2, %add3A_90 : i32
    "tpu.region"() ({
      %run_scoped3A = tpu.sem_alloc : memref<!tpu.dma_semaphore, #tpu.memory_space<semaphore_mem>>
      %dma_start3A_106 = arith.constant 0 : i32
      %dma_start3A_107 = tpu.memref_slice %arg10[%add3A_91, %dma_start3A_106] : memref<10240x64xf32, #tpu.memory_space<vmem_shared>> -> memref<128x64xf32, #tpu.memory_space<vmem_shared>>
      %dma_start3A_108 = arith.constant 0 : i32
      %dma_start3A_109 = tpu.memref_slice %arg10[%add3A_91, %dma_start3A_108] : memref<10240x64xf32, #tpu.memory_space<vmem_shared>> -> memref<128x64xf32, #tpu.memory_space<vmem_shared>>
      tpu.enqueue_dma source(%dma_start3A_109 : memref<128x64xf32, #tpu.memory_space<vmem_shared>>) target(%arg9 : memref<128x64xf32, #tpu.memory_space<vmem>>) target_semaphore(%run_scoped3A : memref<!tpu.dma_semaphore, #tpu.memory_space<semaphore_mem>>)
      %dma_wait3A = arith.constant 0 : i32
      %dma_wait3A_110 = tpu.memref_slice %arg10[%add3A_91, %dma_wait3A] : memref<10240x64xf32, #tpu.memory_space<vmem_shared>> -> memref<128x64xf32, #tpu.memory_space<vmem_shared>>
      %dma_wait3A_111 = arith.constant 0 : i32
      %dma_wait3A_112 = tpu.memref_slice %arg10[%add3A_91, %dma_wait3A_111] : memref<10240x64xf32, #tpu.memory_space<vmem_shared>> -> memref<128x64xf32, #tpu.memory_space<vmem_shared>>
      tpu.wait_dma2 semaphore(%run_scoped3A : memref<!tpu.dma_semaphore, #tpu.memory_space<semaphore_mem>>) src(%dma_wait3A_112 : memref<128x64xf32, #tpu.memory_space<vmem_shared>>) dst(%arg9 : memref<128x64xf32, #tpu.memory_space<vmem>>)
      tpu.yield
    }) : () -> ()
    %add3A_92 = arith.constant 128 : i32
    %add3A_93 = arith.addi %mul3A_2, %add3A_92 : i32
    "tpu.region"() ({
      %run_scoped3A = tpu.sem_alloc : memref<!tpu.dma_semaphore, #tpu.memory_space<semaphore_mem>>
      %dma_start3A_106 = arith.constant 0 : i32
      %dma_start3A_107 = tpu.memref_slice %arg5[%arg0, %add3A_93, %dma_start3A_106] : memref<2x10240x64xf32, #tpu.memory_space<hbm>> -> memref<1x128x64xf32, #tpu.memory_space<hbm>>
      %dma_start3A_108 = tpu.memref_squeeze %dma_start3A_107 : memref<1x128x64xf32, #tpu.memory_space<hbm>> -> memref<128x64xf32, #tpu.memory_space<hbm>>
      %dma_start3A_109 = arith.constant 0 : i32
      %dma_start3A_110 = tpu.memref_slice %arg5[%arg0, %add3A_93, %dma_start3A_109] : memref<2x10240x64xf32, #tpu.memory_space<hbm>> -> memref<1x128x64xf32, #tpu.memory_space<hbm>>
      %dma_start3A_111 = tpu.memref_squeeze %dma_start3A_110 : memref<1x128x64xf32, #tpu.memory_space<hbm>> -> memref<128x64xf32, #tpu.memory_space<hbm>>
      tpu.enqueue_dma source(%arg9 : memref<128x64xf32, #tpu.memory_space<vmem>>) target(%dma_start3A_111 : memref<128x64xf32, #tpu.memory_space<hbm>>) target_semaphore(%run_scoped3A : memref<!tpu.dma_semaphore, #tpu.memory_space<semaphore_mem>>)
      %dma_wait3A = arith.constant 0 : i32
      %dma_wait3A_112 = tpu.memref_slice %arg5[%arg0, %add3A_93, %dma_wait3A] : memref<2x10240x64xf32, #tpu.memory_space<hbm>> -> memref<1x128x64xf32, #tpu.memory_space<hbm>>
      %dma_wait3A_113 = tpu.memref_squeeze %dma_wait3A_112 : memref<1x128x64xf32, #tpu.memory_space<hbm>> -> memref<128x64xf32, #tpu.memory_space<hbm>>
      %dma_wait3A_114 = arith.constant 0 : i32
      %dma_wait3A_115 = tpu.memref_slice %arg5[%arg0, %add3A_93, %dma_wait3A_114] : memref<2x10240x64xf32, #tpu.memory_space<hbm>> -> memref<1x128x64xf32, #tpu.memory_space<hbm>>
      %dma_wait3A_116 = tpu.memref_squeeze %dma_wait3A_115 : memref<1x128x64xf32, #tpu.memory_space<hbm>> -> memref<128x64xf32, #tpu.memory_space<hbm>>
      tpu.wait_dma2 semaphore(%run_scoped3A : memref<!tpu.dma_semaphore, #tpu.memory_space<semaphore_mem>>) src(%arg9 : memref<128x64xf32, #tpu.memory_space<vmem>>) dst(%dma_wait3A_116 : memref<128x64xf32, #tpu.memory_space<hbm>>)
      tpu.yield
    }) : () -> ()
    %add3A_94 = arith.constant 256 : i32
    %add3A_95 = arith.addi %mul3A_2, %add3A_94 : i32
    "tpu.region"() ({
      %run_scoped3A = tpu.sem_alloc : memref<!tpu.dma_semaphore, #tpu.memory_space<semaphore_mem>>
      %dma_start3A_106 = arith.constant 0 : i32
      %dma_start3A_107 = tpu.memref_slice %arg10[%add3A_95, %dma_start3A_106] : memref<10240x64xf32, #tpu.memory_space<vmem_shared>> -> memref<128x64xf32, #tpu.memory_space<vmem_shared>>
      %dma_start3A_108 = arith.constant 0 : i32
      %dma_start3A_109 = tpu.memref_slice %arg10[%add3A_95, %dma_start3A_108] : memref<10240x64xf32, #tpu.memory_space<vmem_shared>> -> memref<128x64xf32, #tpu.memory_space<vmem_shared>>
      tpu.enqueue_dma source(%dma_start3A_109 : memref<128x64xf32, #tpu.memory_space<vmem_shared>>) target(%arg9 : memref<128x64xf32, #tpu.memory_space<vmem>>) target_semaphore(%run_scoped3A : memref<!tpu.dma_semaphore, #tpu.memory_space<semaphore_mem>>)
      %dma_wait3A = arith.constant 0 : i32
      %dma_wait3A_110 = tpu.memref_slice %arg10[%add3A_95, %dma_wait3A] : memref<10240x64xf32, #tpu.memory_space<vmem_shared>> -> memref<128x64xf32, #tpu.memory_space<vmem_shared>>
      %dma_wait3A_111 = arith.constant 0 : i32
      %dma_wait3A_112 = tpu.memref_slice %arg10[%add3A_95, %dma_wait3A_111] : memref<10240x64xf32, #tpu.memory_space<vmem_shared>> -> memref<128x64xf32, #tpu.memory_space<vmem_shared>>
      tpu.wait_dma2 semaphore(%run_scoped3A : memref<!tpu.dma_semaphore, #tpu.memory_space<semaphore_mem>>) src(%dma_wait3A_112 : memref<128x64xf32, #tpu.memory_space<vmem_shared>>) dst(%arg9 : memref<128x64xf32, #tpu.memory_space<vmem>>)
      tpu.yield
    }) : () -> ()
    %add3A_96 = arith.constant 256 : i32
    %add3A_97 = arith.addi %mul3A_2, %add3A_96 : i32
    "tpu.region"() ({
      %run_scoped3A = tpu.sem_alloc : memref<!tpu.dma_semaphore, #tpu.memory_space<semaphore_mem>>
      %dma_start3A_106 = arith.constant 0 : i32
      %dma_start3A_107 = tpu.memref_slice %arg5[%arg0, %add3A_97, %dma_start3A_106] : memref<2x10240x64xf32, #tpu.memory_space<hbm>> -> memref<1x128x64xf32, #tpu.memory_space<hbm>>
      %dma_start3A_108 = tpu.memref_squeeze %dma_start3A_107 : memref<1x128x64xf32, #tpu.memory_space<hbm>> -> memref<128x64xf32, #tpu.memory_space<hbm>>
      %dma_start3A_109 = arith.constant 0 : i32
      %dma_start3A_110 = tpu.memref_slice %arg5[%arg0, %add3A_97, %dma_start3A_109] : memref<2x10240x64xf32, #tpu.memory_space<hbm>> -> memref<1x128x64xf32, #tpu.memory_space<hbm>>
      %dma_start3A_111 = tpu.memref_squeeze %dma_start3A_110 : memref<1x128x64xf32, #tpu.memory_space<hbm>> -> memref<128x64xf32, #tpu.memory_space<hbm>>
      tpu.enqueue_dma source(%arg9 : memref<128x64xf32, #tpu.memory_space<vmem>>) target(%dma_start3A_111 : memref<128x64xf32, #tpu.memory_space<hbm>>) target_semaphore(%run_scoped3A : memref<!tpu.dma_semaphore, #tpu.memory_space<semaphore_mem>>)
      %dma_wait3A = arith.constant 0 : i32
      %dma_wait3A_112 = tpu.memref_slice %arg5[%arg0, %add3A_97, %dma_wait3A] : memref<2x10240x64xf32, #tpu.memory_space<hbm>> -> memref<1x128x64xf32, #tpu.memory_space<hbm>>
      %dma_wait3A_113 = tpu.memref_squeeze %dma_wait3A_112 : memref<1x128x64xf32, #tpu.memory_space<hbm>> -> memref<128x64xf32, #tpu.memory_space<hbm>>
      %dma_wait3A_114 = arith.constant 0 : i32
      %dma_wait3A_115 = tpu.memref_slice %arg5[%arg0, %add3A_97, %dma_wait3A_114] : memref<2x10240x64xf32, #tpu.memory_space<hbm>> -> memref<1x128x64xf32, #tpu.memory_space<hbm>>
      %dma_wait3A_116 = tpu.memref_squeeze %dma_wait3A_115 : memref<1x128x64xf32, #tpu.memory_space<hbm>> -> memref<128x64xf32, #tpu.memory_space<hbm>>
      tpu.wait_dma2 semaphore(%run_scoped3A : memref<!tpu.dma_semaphore, #tpu.memory_space<semaphore_mem>>) src(%arg9 : memref<128x64xf32, #tpu.memory_space<vmem>>) dst(%dma_wait3A_116 : memref<128x64xf32, #tpu.memory_space<hbm>>)
      tpu.yield
    }) : () -> ()
    %add3A_98 = arith.constant 384 : i32
    %add3A_99 = arith.addi %mul3A_2, %add3A_98 : i32
    "tpu.region"() ({
      %run_scoped3A = tpu.sem_alloc : memref<!tpu.dma_semaphore, #tpu.memory_space<semaphore_mem>>
      %dma_start3A_106 = arith.constant 0 : i32
      %dma_start3A_107 = tpu.memref_slice %arg10[%add3A_99, %dma_start3A_106] : memref<10240x64xf32, #tpu.memory_space<vmem_shared>> -> memref<128x64xf32, #tpu.memory_space<vmem_shared>>
      %dma_start3A_108 = arith.constant 0 : i32
      %dma_start3A_109 = tpu.memref_slice %arg10[%add3A_99, %dma_start3A_108] : memref<10240x64xf32, #tpu.memory_space<vmem_shared>> -> memref<128x64xf32, #tpu.memory_space<vmem_shared>>
      tpu.enqueue_dma source(%dma_start3A_109 : memref<128x64xf32, #tpu.memory_space<vmem_shared>>) target(%arg9 : memref<128x64xf32, #tpu.memory_space<vmem>>) target_semaphore(%run_scoped3A : memref<!tpu.dma_semaphore, #tpu.memory_space<semaphore_mem>>)
      %dma_wait3A = arith.constant 0 : i32
      %dma_wait3A_110 = tpu.memref_slice %arg10[%add3A_99, %dma_wait3A] : memref<10240x64xf32, #tpu.memory_space<vmem_shared>> -> memref<128x64xf32, #tpu.memory_space<vmem_shared>>
      %dma_wait3A_111 = arith.constant 0 : i32
      %dma_wait3A_112 = tpu.memref_slice %arg10[%add3A_99, %dma_wait3A_111] : memref<10240x64xf32, #tpu.memory_space<vmem_shared>> -> memref<128x64xf32, #tpu.memory_space<vmem_shared>>
      tpu.wait_dma2 semaphore(%run_scoped3A : memref<!tpu.dma_semaphore, #tpu.memory_space<semaphore_mem>>) src(%dma_wait3A_112 : memref<128x64xf32, #tpu.memory_space<vmem_shared>>) dst(%arg9 : memref<128x64xf32, #tpu.memory_space<vmem>>)
      tpu.yield
    }) : () -> ()
    %add3A_100 = arith.constant 384 : i32
    %add3A_101 = arith.addi %mul3A_2, %add3A_100 : i32
    "tpu.region"() ({
      %run_scoped3A = tpu.sem_alloc : memref<!tpu.dma_semaphore, #tpu.memory_space<semaphore_mem>>
      %dma_start3A_106 = arith.constant 0 : i32
      %dma_start3A_107 = tpu.memref_slice %arg5[%arg0, %add3A_101, %dma_start3A_106] : memref<2x10240x64xf32, #tpu.memory_space<hbm>> -> memref<1x128x64xf32, #tpu.memory_space<hbm>>
      %dma_start3A_108 = tpu.memref_squeeze %dma_start3A_107 : memref<1x128x64xf32, #tpu.memory_space<hbm>> -> memref<128x64xf32, #tpu.memory_space<hbm>>
      %dma_start3A_109 = arith.constant 0 : i32
      %dma_start3A_110 = tpu.memref_slice %arg5[%arg0, %add3A_101, %dma_start3A_109] : memref<2x10240x64xf32, #tpu.memory_space<hbm>> -> memref<1x128x64xf32, #tpu.memory_space<hbm>>
      %dma_start3A_111 = tpu.memref_squeeze %dma_start3A_110 : memref<1x128x64xf32, #tpu.memory_space<hbm>> -> memref<128x64xf32, #tpu.memory_space<hbm>>
      tpu.enqueue_dma source(%arg9 : memref<128x64xf32, #tpu.memory_space<vmem>>) target(%dma_start3A_111 : memref<128x64xf32, #tpu.memory_space<hbm>>) target_semaphore(%run_scoped3A : memref<!tpu.dma_semaphore, #tpu.memory_space<semaphore_mem>>)
      %dma_wait3A = arith.constant 0 : i32
      %dma_wait3A_112 = tpu.memref_slice %arg5[%arg0, %add3A_101, %dma_wait3A] : memref<2x10240x64xf32, #tpu.memory_space<hbm>> -> memref<1x128x64xf32, #tpu.memory_space<hbm>>
      %dma_wait3A_113 = tpu.memref_squeeze %dma_wait3A_112 : memref<1x128x64xf32, #tpu.memory_space<hbm>> -> memref<128x64xf32, #tpu.memory_space<hbm>>
      %dma_wait3A_114 = arith.constant 0 : i32
      %dma_wait3A_115 = tpu.memref_slice %arg5[%arg0, %add3A_101, %dma_wait3A_114] : memref<2x10240x64xf32, #tpu.memory_space<hbm>> -> memref<1x128x64xf32, #tpu.memory_space<hbm>>
      %dma_wait3A_116 = tpu.memref_squeeze %dma_wait3A_115 : memref<1x128x64xf32, #tpu.memory_space<hbm>> -> memref<128x64xf32, #tpu.memory_space<hbm>>
      tpu.wait_dma2 semaphore(%run_scoped3A : memref<!tpu.dma_semaphore, #tpu.memory_space<semaphore_mem>>) src(%arg9 : memref<128x64xf32, #tpu.memory_space<vmem>>) dst(%dma_wait3A_116 : memref<128x64xf32, #tpu.memory_space<hbm>>)
      tpu.yield
    }) : () -> ()
    %add3A_102 = arith.constant 512 : i32
    %add3A_103 = arith.addi %mul3A_2, %add3A_102 : i32
    "tpu.region"() ({
      %run_scoped3A = tpu.sem_alloc : memref<!tpu.dma_semaphore, #tpu.memory_space<semaphore_mem>>
      %dma_start3A_106 = arith.constant 0 : i32
      %dma_start3A_107 = tpu.memref_slice %arg10[%add3A_103, %dma_start3A_106] : memref<10240x64xf32, #tpu.memory_space<vmem_shared>> -> memref<128x64xf32, #tpu.memory_space<vmem_shared>>
      %dma_start3A_108 = arith.constant 0 : i32
      %dma_start3A_109 = tpu.memref_slice %arg10[%add3A_103, %dma_start3A_108] : memref<10240x64xf32, #tpu.memory_space<vmem_shared>> -> memref<128x64xf32, #tpu.memory_space<vmem_shared>>
      tpu.enqueue_dma source(%dma_start3A_109 : memref<128x64xf32, #tpu.memory_space<vmem_shared>>) target(%arg9 : memref<128x64xf32, #tpu.memory_space<vmem>>) target_semaphore(%run_scoped3A : memref<!tpu.dma_semaphore, #tpu.memory_space<semaphore_mem>>)
      %dma_wait3A = arith.constant 0 : i32
      %dma_wait3A_110 = tpu.memref_slice %arg10[%add3A_103, %dma_wait3A] : memref<10240x64xf32, #tpu.memory_space<vmem_shared>> -> memref<128x64xf32, #tpu.memory_space<vmem_shared>>
      %dma_wait3A_111 = arith.constant 0 : i32
      %dma_wait3A_112 = tpu.memref_slice %arg10[%add3A_103, %dma_wait3A_111] : memref<10240x64xf32, #tpu.memory_space<vmem_shared>> -> memref<128x64xf32, #tpu.memory_space<vmem_shared>>
      tpu.wait_dma2 semaphore(%run_scoped3A : memref<!tpu.dma_semaphore, #tpu.memory_space<semaphore_mem>>) src(%dma_wait3A_112 : memref<128x64xf32, #tpu.memory_space<vmem_shared>>) dst(%arg9 : memref<128x64xf32, #tpu.memory_space<vmem>>)
      tpu.yield
    }) : () -> ()
    %add3A_104 = arith.constant 512 : i32
    %add3A_105 = arith.addi %mul3A_2, %add3A_104 : i32
    "tpu.region"() ({
      %run_scoped3A = tpu.sem_alloc : memref<!tpu.dma_semaphore, #tpu.memory_space<semaphore_mem>>
      %dma_start3A_106 = arith.constant 0 : i32
      %dma_start3A_107 = tpu.memref_slice %arg5[%arg0, %add3A_105, %dma_start3A_106] : memref<2x10240x64xf32, #tpu.memory_space<hbm>> -> memref<1x128x64xf32, #tpu.memory_space<hbm>>
      %dma_start3A_108 = tpu.memref_squeeze %dma_start3A_107 : memref<1x128x64xf32, #tpu.memory_space<hbm>> -> memref<128x64xf32, #tpu.memory_space<hbm>>
      %dma_start3A_109 = arith.constant 0 : i32
      %dma_start3A_110 = tpu.memref_slice %arg5[%arg0, %add3A_105, %dma_start3A_109] : memref<2x10240x64xf32, #tpu.memory_space<hbm>> -> memref<1x128x64xf32, #tpu.memory_space<hbm>>
      %dma_start3A_111 = tpu.memref_squeeze %dma_start3A_110 : memref<1x128x64xf32, #tpu.memory_space<hbm>> -> memref<128x64xf32, #tpu.memory_space<hbm>>
      tpu.enqueue_dma source(%arg9 : memref<128x64xf32, #tpu.memory_space<vmem>>) target(%dma_start3A_111 : memref<128x64xf32, #tpu.memory_space<hbm>>) target_semaphore(%run_scoped3A : memref<!tpu.dma_semaphore, #tpu.memory_space<semaphore_mem>>)
      %dma_wait3A = arith.constant 0 : i32
      %dma_wait3A_112 = tpu.memref_slice %arg5[%arg0, %add3A_105, %dma_wait3A] : memref<2x10240x64xf32, #tpu.memory_space<hbm>> -> memref<1x128x64xf32, #tpu.memory_space<hbm>>
      %dma_wait3A_113 = tpu.memref_squeeze %dma_wait3A_112 : memref<1x128x64xf32, #tpu.memory_space<hbm>> -> memref<128x64xf32, #tpu.memory_space<hbm>>
      %dma_wait3A_114 = arith.constant 0 : i32
      %dma_wait3A_115 = tpu.memref_slice %arg5[%arg0, %add3A_105, %dma_wait3A_114] : memref<2x10240x64xf32, #tpu.memory_space<hbm>> -> memref<1x128x64xf32, #tpu.memory_space<hbm>>
      %dma_wait3A_116 = tpu.memref_squeeze %dma_wait3A_115 : memref<1x128x64xf32, #tpu.memory_space<hbm>> -> memref<128x64xf32, #tpu.memory_space<hbm>>
      tpu.wait_dma2 semaphore(%run_scoped3A : memref<!tpu.dma_semaphore, #tpu.memory_space<semaphore_mem>>) src(%arg9 : memref<128x64xf32, #tpu.memory_space<vmem>>) dst(%dma_wait3A_116 : memref<128x64xf32, #tpu.memory_space<hbm>>)
      tpu.yield
    }) : () -> ()
    return
  }
}

#map = affine_map<(d0, d1) -> (0, 0, 0)>
module attributes {stable_mosaic.version = 14 : i64} {
  func.func @deg_kernel(%arg0: i32, %arg1: i32, %arg2: memref<32x80x128xi32, #tpu.memory_space<hbm>>, %arg3: memref<2x10240x16xf32, #tpu.memory_space<hbm>>, %arg4: memref<80x128xi32, #tpu.memory_space<vmem>>, %arg5: memref<128x16xf32, #tpu.memory_space<vmem>>, %arg6: memref<640x16xf32, #tpu.memory_space<vmem>>, %arg7: memref<10240x16xf32, #tpu.memory_space<vmem_shared>>, %arg8: memref<!tpu.dma_semaphore, #tpu.memory_space<semaphore_mem>>) attributes {dimension_semantics = [#tpu.dimension_semantics<core_parallel>, #tpu.dimension_semantics<subcore_parallel>], iteration_bounds = array<i64: 2, 16>, scalar_prefetch = 0 : i64, scratch_operands = 5 : i64, tpu.core_type = #tpu.core_type<sc_vector_subcore>, window_params = [{transform_indices = #map}, {transform_indices = #map}]} {
    %mul3A = arith.constant 16 : i32
    %mul3A_0 = arith.muli %arg0, %mul3A : i32
    %add3A = arith.addi %mul3A_0, %arg1 : i32
    %mul3A_1 = arith.constant 640 : i32
    %mul3A_2 = arith.muli %arg1, %mul3A_1 : i32
    %scan3A = arith.constant 0 : i32
    %scan3A_3 = arith.constant 0 : i32
    %scan3A_4 = arith.constant 128 : i32
    %scan3A_5 = arith.addi %scan3A_3, %scan3A_4 : i32
    %scan3A_6 = arith.constant 1 : i32
    %scan3A_7 = scf.for %scan3A_31 = %scan3A_3 to %scan3A_5 step %scan3A_6 iter_args(%scan3A_32 = %scan3A) -> (i32)  : i32 {
      %broadcast_in_dim3A = arith.constant 1.000000e+00 : f32
      %broadcast_in_dim3A_33 = vector.broadcast %broadcast_in_dim3A : f32 to vector<16xf32>
      %swap3A = arith.index_cast %scan3A_31 : i32 to index
      %swap3A_34 = arith.constant 0 : index
      %swap3A_35 = tpu.vector_load %arg5[%swap3A, %swap3A_34] {strides = array<i32>} : memref<128x16xf32, #tpu.memory_space<vmem>>, vector<1x16xf32>,
      %swap3A_36 = vector.shape_cast %swap3A_35 : vector<1x16xf32> to vector<16xf32>
      %swap3A_37 = vector.shape_cast %broadcast_in_dim3A_33 : vector<16xf32> to vector<1x16xf32>
      tpu.vector_store %arg5[%swap3A, %swap3A_34], %swap3A_37 {strides = array<i32>} : memref<128x16xf32, #tpu.memory_space<vmem>>, vector<1x16xf32>,
      %scan3A_38 = arith.constant 0 : i32
      scf.yield %scan3A_38 : i32
    }
    %scan3A_8 = arith.constant 128 : i32
    %scan3A_9 = arith.constant 0 : i32
    %scan3A_10 = arith.constant 0 : i32
    %scan3A_11 = arith.constant 640 : i32
    %scan3A_12 = arith.addi %scan3A_10, %scan3A_11 : i32
    %scan3A_13 = arith.constant 1 : i32
    %scan3A_14 = scf.for %scan3A_31 = %scan3A_10 to %scan3A_12 step %scan3A_13 iter_args(%scan3A_32 = %scan3A_9) -> (i32)  : i32 {
      %broadcast_in_dim3A = arith.constant 0.000000e+00 : f32
      %broadcast_in_dim3A_33 = vector.broadcast %broadcast_in_dim3A : f32 to vector<16xf32>
      %swap3A = arith.index_cast %scan3A_31 : i32 to index
      %swap3A_34 = arith.constant 0 : index
      %swap3A_35 = tpu.vector_load %arg6[%swap3A, %swap3A_34] {strides = array<i32>} : memref<640x16xf32, #tpu.memory_space<vmem>>, vector<1x16xf32>,
      %swap3A_36 = vector.shape_cast %swap3A_35 : vector<1x16xf32> to vector<16xf32>
      %swap3A_37 = vector.shape_cast %broadcast_in_dim3A_33 : vector<16xf32> to vector<1x16xf32>
      tpu.vector_store %arg6[%swap3A, %swap3A_34], %swap3A_37 {strides = array<i32>} : memref<640x16xf32, #tpu.memory_space<vmem>>, vector<1x16xf32>,
      %scan3A_38 = arith.constant 0 : i32
      scf.yield %scan3A_38 : i32
    }
    %scan3A_15 = arith.constant 640 : i32
    "tpu.region"() ({
      %run_scoped3A = tpu.sem_alloc : memref<!tpu.dma_semaphore, #tpu.memory_space<semaphore_mem>>
      %dma_start3A = arith.constant 0 : i32
      %dma_start3A_31 = arith.constant 0 : i32
      %dma_start3A_32 = tpu.memref_slice %arg2[%add3A, %dma_start3A, %dma_start3A_31] : memref<32x80x128xi32, #tpu.memory_space<hbm>> -> memref<1x80x128xi32, #tpu.memory_space<hbm>>
      %dma_start3A_33 = tpu.memref_squeeze %dma_start3A_32 : memref<1x80x128xi32, #tpu.memory_space<hbm>> -> memref<80x128xi32, #tpu.memory_space<hbm>>
      %dma_start3A_34 = arith.constant 0 : i32
      %dma_start3A_35 = arith.constant 0 : i32
      %dma_start3A_36 = tpu.memref_slice %arg2[%add3A, %dma_start3A_34, %dma_start3A_35] : memref<32x80x128xi32, #tpu.memory_space<hbm>> -> memref<1x80x128xi32, #tpu.memory_space<hbm>>
      %dma_start3A_37 = tpu.memref_squeeze %dma_start3A_36 : memref<1x80x128xi32, #tpu.memory_space<hbm>> -> memref<80x128xi32, #tpu.memory_space<hbm>>
      tpu.enqueue_dma source(%dma_start3A_37 : memref<80x128xi32, #tpu.memory_space<hbm>>) target(%arg4 : memref<80x128xi32, #tpu.memory_space<vmem>>) target_semaphore(%run_scoped3A : memref<!tpu.dma_semaphore, #tpu.memory_space<semaphore_mem>>)
      %dma_wait3A = arith.constant 0 : i32
      %dma_wait3A_38 = arith.constant 0 : i32
      %dma_wait3A_39 = tpu.memref_slice %arg2[%add3A, %dma_wait3A, %dma_wait3A_38] : memref<32x80x128xi32, #tpu.memory_space<hbm>> -> memref<1x80x128xi32, #tpu.memory_space<hbm>>
      %dma_wait3A_40 = tpu.memref_squeeze %dma_wait3A_39 : memref<1x80x128xi32, #tpu.memory_space<hbm>> -> memref<80x128xi32, #tpu.memory_space<hbm>>
      %dma_wait3A_41 = arith.constant 0 : i32
      %dma_wait3A_42 = arith.constant 0 : i32
      %dma_wait3A_43 = tpu.memref_slice %arg2[%add3A, %dma_wait3A_41, %dma_wait3A_42] : memref<32x80x128xi32, #tpu.memory_space<hbm>> -> memref<1x80x128xi32, #tpu.memory_space<hbm>>
      %dma_wait3A_44 = tpu.memref_squeeze %dma_wait3A_43 : memref<1x80x128xi32, #tpu.memory_space<hbm>> -> memref<80x128xi32, #tpu.memory_space<hbm>>
      tpu.wait_dma2 semaphore(%run_scoped3A : memref<!tpu.dma_semaphore, #tpu.memory_space<semaphore_mem>>) src(%dma_wait3A_44 : memref<80x128xi32, #tpu.memory_space<hbm>>) dst(%arg4 : memref<80x128xi32, #tpu.memory_space<vmem>>)
      tpu.yield
    }) : () -> ()
    "tpu.region"() ({
      %run_scoped3A = tpu.sem_alloc : memref<!tpu.dma_semaphore, #tpu.memory_space<semaphore_mem>>
      %dma_start3A = arith.constant 0 : i32
      %dma_start3A_31 = tpu.memref_slice %arg7[%mul3A_2, %dma_start3A] : memref<10240x16xf32, #tpu.memory_space<vmem_shared>> -> memref<640x16xf32, #tpu.memory_space<vmem_shared>>
      %dma_start3A_32 = arith.constant 0 : i32
      %dma_start3A_33 = tpu.memref_slice %arg7[%mul3A_2, %dma_start3A_32] : memref<10240x16xf32, #tpu.memory_space<vmem_shared>> -> memref<640x16xf32, #tpu.memory_space<vmem_shared>>
      tpu.enqueue_dma source(%arg6 : memref<640x16xf32, #tpu.memory_space<vmem>>) target(%dma_start3A_33 : memref<640x16xf32, #tpu.memory_space<vmem_shared>>) target_semaphore(%run_scoped3A : memref<!tpu.dma_semaphore, #tpu.memory_space<semaphore_mem>>)
      %dma_wait3A = arith.constant 0 : i32
      %dma_wait3A_34 = tpu.memref_slice %arg7[%mul3A_2, %dma_wait3A] : memref<10240x16xf32, #tpu.memory_space<vmem_shared>> -> memref<640x16xf32, #tpu.memory_space<vmem_shared>>
      %dma_wait3A_35 = arith.constant 0 : i32
      %dma_wait3A_36 = tpu.memref_slice %arg7[%mul3A_2, %dma_wait3A_35] : memref<10240x16xf32, #tpu.memory_space<vmem_shared>> -> memref<640x16xf32, #tpu.memory_space<vmem_shared>>
      tpu.wait_dma2 semaphore(%run_scoped3A : memref<!tpu.dma_semaphore, #tpu.memory_space<semaphore_mem>>) src(%arg6 : memref<640x16xf32, #tpu.memory_space<vmem>>) dst(%dma_wait3A_36 : memref<640x16xf32, #tpu.memory_space<vmem_shared>>)
      tpu.yield
    }) : () -> ()
    %barrier3A = arith.constant 0 : index
    tpu.barrier barrier_id(%barrier3A)
    %scan3A_16 = arith.constant 0 : i32
    %scan3A_17 = arith.constant 0 : i32
    %scan3A_18 = arith.constant 80 : i32
    %scan3A_19 = arith.addi %scan3A_17, %scan3A_18 : i32
    %scan3A_20 = arith.constant 1 : i32
    %scan3A_21 = scf.for %scan3A_31 = %scan3A_17 to %scan3A_19 step %scan3A_20 iter_args(%scan3A_32 = %scan3A_16) -> (i32)  : i32 {
      %dma_start3A = arith.constant 0 : i32
      %dma_start3A_33 = tpu.memref_slice %arg4[%scan3A_31, %dma_start3A] : memref<80x128xi32, #tpu.memory_space<vmem>> -> memref<1x128xi32, #tpu.memory_space<vmem>>
      %dma_start3A_34 = tpu.memref_squeeze %dma_start3A_33 : memref<1x128xi32, #tpu.memory_space<vmem>> -> memref<128xi32, #tpu.memory_space<vmem>>
      %dma_start3A_35 = arith.constant 0 : i32
      %dma_start3A_36 = arith.constant 0 : i32
      %dma_start3A_37 = tpu.memref_slice %arg7[%dma_start3A_35, %dma_start3A_36] : memref<10240x16xf32, #tpu.memory_space<vmem_shared>> -> memref<10240x16xf32, #tpu.memory_space<vmem_shared>>
      tpu.enqueue_indirect_dma source(%arg5 : memref<128x16xf32, #tpu.memory_space<vmem>>) target(%dma_start3A_37 : memref<10240x16xf32, #tpu.memory_space<vmem_shared>>) offsets(%dma_start3A_34 : memref<128xi32, #tpu.memory_space<vmem>>) semaphore(%arg8 : memref<!tpu.dma_semaphore, #tpu.memory_space<semaphore_mem>>) {add = true}
      %scan3A_38 = arith.constant 0 : i32
      scf.yield %scan3A_38 : i32
    }
    %scan3A_22 = arith.constant 80 : i32
    %scan3A_23 = arith.constant 0 : i32
    %scan3A_24 = arith.constant 0 : i32
    %scan3A_25 = arith.constant 80 : i32
    %scan3A_26 = arith.addi %scan3A_24, %scan3A_25 : i32
    %scan3A_27 = arith.constant 1 : i32
    %scan3A_28 = scf.for %scan3A_31 = %scan3A_24 to %scan3A_26 step %scan3A_27 iter_args(%scan3A_32 = %scan3A_23) -> (i32)  : i32 {
      %dma_wait3A = arith.constant 0 : i32
      %dma_wait3A_33 = tpu.memref_slice %arg4[%scan3A_31, %dma_wait3A] : memref<80x128xi32, #tpu.memory_space<vmem>> -> memref<1x128xi32, #tpu.memory_space<vmem>>
      %dma_wait3A_34 = tpu.memref_squeeze %dma_wait3A_33 : memref<1x128xi32, #tpu.memory_space<vmem>> -> memref<128xi32, #tpu.memory_space<vmem>>
      %dma_wait3A_35 = arith.constant 0 : i32
      %dma_wait3A_36 = arith.constant 0 : i32
      %dma_wait3A_37 = tpu.memref_slice %arg7[%dma_wait3A_35, %dma_wait3A_36] : memref<10240x16xf32, #tpu.memory_space<vmem_shared>> -> memref<10240x16xf32, #tpu.memory_space<vmem_shared>>
      tpu.wait_indirect_dma semaphore(%arg8 : memref<!tpu.dma_semaphore, #tpu.memory_space<semaphore_mem>>) src(%arg5 : memref<128x16xf32, #tpu.memory_space<vmem>>) dst(%dma_wait3A_37 : memref<10240x16xf32, #tpu.memory_space<vmem_shared>>)
      %scan3A_38 = arith.constant 0 : i32
      scf.yield %scan3A_38 : i32
    }
    %scan3A_29 = arith.constant 80 : i32
    %barrier3A_30 = arith.constant 0 : index
    tpu.barrier barrier_id(%barrier3A_30)
    "tpu.region"() ({
      %run_scoped3A = tpu.sem_alloc : memref<!tpu.dma_semaphore, #tpu.memory_space<semaphore_mem>>
      %dma_start3A = arith.constant 0 : i32
      %dma_start3A_31 = tpu.memref_slice %arg7[%mul3A_2, %dma_start3A] : memref<10240x16xf32, #tpu.memory_space<vmem_shared>> -> memref<640x16xf32, #tpu.memory_space<vmem_shared>>
      %dma_start3A_32 = arith.constant 0 : i32
      %dma_start3A_33 = tpu.memref_slice %arg7[%mul3A_2, %dma_start3A_32] : memref<10240x16xf32, #tpu.memory_space<vmem_shared>> -> memref<640x16xf32, #tpu.memory_space<vmem_shared>>
      tpu.enqueue_dma source(%dma_start3A_33 : memref<640x16xf32, #tpu.memory_space<vmem_shared>>) target(%arg6 : memref<640x16xf32, #tpu.memory_space<vmem>>) target_semaphore(%run_scoped3A : memref<!tpu.dma_semaphore, #tpu.memory_space<semaphore_mem>>)
      %dma_wait3A = arith.constant 0 : i32
      %dma_wait3A_34 = tpu.memref_slice %arg7[%mul3A_2, %dma_wait3A] : memref<10240x16xf32, #tpu.memory_space<vmem_shared>> -> memref<640x16xf32, #tpu.memory_space<vmem_shared>>
      %dma_wait3A_35 = arith.constant 0 : i32
      %dma_wait3A_36 = tpu.memref_slice %arg7[%mul3A_2, %dma_wait3A_35] : memref<10240x16xf32, #tpu.memory_space<vmem_shared>> -> memref<640x16xf32, #tpu.memory_space<vmem_shared>>
      tpu.wait_dma2 semaphore(%run_scoped3A : memref<!tpu.dma_semaphore, #tpu.memory_space<semaphore_mem>>) src(%dma_wait3A_36 : memref<640x16xf32, #tpu.memory_space<vmem_shared>>) dst(%arg6 : memref<640x16xf32, #tpu.memory_space<vmem>>)
      tpu.yield
    }) : () -> ()
    "tpu.region"() ({
      %run_scoped3A = tpu.sem_alloc : memref<!tpu.dma_semaphore, #tpu.memory_space<semaphore_mem>>
      %dma_start3A = arith.constant 0 : i32
      %dma_start3A_31 = tpu.memref_slice %arg3[%arg0, %mul3A_2, %dma_start3A] : memref<2x10240x16xf32, #tpu.memory_space<hbm>> -> memref<1x640x16xf32, #tpu.memory_space<hbm>>
      %dma_start3A_32 = tpu.memref_squeeze %dma_start3A_31 : memref<1x640x16xf32, #tpu.memory_space<hbm>> -> memref<640x16xf32, #tpu.memory_space<hbm>>
      %dma_start3A_33 = arith.constant 0 : i32
      %dma_start3A_34 = tpu.memref_slice %arg3[%arg0, %mul3A_2, %dma_start3A_33] : memref<2x10240x16xf32, #tpu.memory_space<hbm>> -> memref<1x640x16xf32, #tpu.memory_space<hbm>>
      %dma_start3A_35 = tpu.memref_squeeze %dma_start3A_34 : memref<1x640x16xf32, #tpu.memory_space<hbm>> -> memref<640x16xf32, #tpu.memory_space<hbm>>
      tpu.enqueue_dma source(%arg6 : memref<640x16xf32, #tpu.memory_space<vmem>>) target(%dma_start3A_35 : memref<640x16xf32, #tpu.memory_space<hbm>>) target_semaphore(%run_scoped3A : memref<!tpu.dma_semaphore, #tpu.memory_space<semaphore_mem>>)
      %dma_wait3A = arith.constant 0 : i32
      %dma_wait3A_36 = tpu.memref_slice %arg3[%arg0, %mul3A_2, %dma_wait3A] : memref<2x10240x16xf32, #tpu.memory_space<hbm>> -> memref<1x640x16xf32, #tpu.memory_space<hbm>>
      %dma_wait3A_37 = tpu.memref_squeeze %dma_wait3A_36 : memref<1x640x16xf32, #tpu.memory_space<hbm>> -> memref<640x16xf32, #tpu.memory_space<hbm>>
      %dma_wait3A_38 = arith.constant 0 : i32
      %dma_wait3A_39 = tpu.memref_slice %arg3[%arg0, %mul3A_2, %dma_wait3A_38] : memref<2x10240x16xf32, #tpu.memory_space<hbm>> -> memref<1x640x16xf32, #tpu.memory_space<hbm>>
      %dma_wait3A_40 = tpu.memref_squeeze %dma_wait3A_39 : memref<1x640x16xf32, #tpu.memory_space<hbm>> -> memref<640x16xf32, #tpu.memory_space<hbm>>
      tpu.wait_dma2 semaphore(%run_scoped3A : memref<!tpu.dma_semaphore, #tpu.memory_space<semaphore_mem>>) src(%arg6 : memref<640x16xf32, #tpu.memory_space<vmem>>) dst(%dma_wait3A_40 : memref<640x16xf32, #tpu.memory_space<hbm>>)
      tpu.yield
    }) : () -> ()
    return
  }
}

#map = affine_map<(d0, d1) -> (0, 0)>
#map1 = affine_map<(d0, d1) -> (0, 0, 0)>
module attributes {stable_mosaic.version = 14 : i64} {
  func.func @gather_kernel(%arg0: i32, %arg1: i32, %arg2: memref<10000x64xf32, #tpu.memory_space<hbm>>, %arg3: memref<10000x64xf32, #tpu.memory_space<hbm>>, %arg4: memref<32x80x128xi32, #tpu.memory_space<hbm>>, %arg5: memref<32x80x128xi32, #tpu.memory_space<hbm>>, %arg6: memref<327680x128xf32, #tpu.memory_space<hbm>>, %arg7: memref<80x128xi32, #tpu.memory_space<vmem>>, %arg8: memref<80x128xi32, #tpu.memory_space<vmem>>, %arg9: memref<2x128x64xf32, #tpu.memory_space<vmem>>, %arg10: memref<2x128x64xf32, #tpu.memory_space<vmem>>, %arg11: memref<2x128x128xf32, #tpu.memory_space<vmem>>, %arg12: memref<2x!tpu.dma_semaphore, #tpu.memory_space<semaphore_mem>>, %arg13: memref<2x!tpu.dma_semaphore, #tpu.memory_space<semaphore_mem>>, %arg14: memref<2x!tpu.dma_semaphore, #tpu.memory_space<semaphore_mem>>) attributes {dimension_semantics = [#tpu.dimension_semantics<core_parallel>, #tpu.dimension_semantics<subcore_parallel>], iteration_bounds = array<i64: 2, 16>, scalar_prefetch = 0 : i64, scratch_operands = 8 : i64, tpu.core_type = #tpu.core_type<sc_vector_subcore>, window_params = [{transform_indices = #map}, {transform_indices = #map}, {transform_indices = #map1}, {transform_indices = #map1}, {transform_indices = #map}]} {
    %mul3A = arith.constant 16 : i32
    %mul3A_0 = arith.muli %arg0, %mul3A : i32
    %add3A = arith.addi %mul3A_0, %arg1 : i32
    %mul3A_1 = arith.constant 80 : i32
    %mul3A_2 = arith.muli %add3A, %mul3A_1 : i32
    %mul3A_3 = arith.constant 128 : i32
    %mul3A_4 = arith.muli %mul3A_2, %mul3A_3 : i32
    "tpu.region"() ({
      %run_scoped3A = tpu.sem_alloc : memref<!tpu.dma_semaphore, #tpu.memory_space<semaphore_mem>>
      %dma_start3A_101 = arith.constant 0 : i32
      %dma_start3A_102 = arith.constant 0 : i32
      %dma_start3A_103 = tpu.memref_slice %arg4[%add3A, %dma_start3A_101, %dma_start3A_102] : memref<32x80x128xi32, #tpu.memory_space<hbm>> -> memref<1x80x128xi32, #tpu.memory_space<hbm>>
      %dma_start3A_104 = tpu.memref_squeeze %dma_start3A_103 : memref<1x80x128xi32, #tpu.memory_space<hbm>> -> memref<80x128xi32, #tpu.memory_space<hbm>>
      %dma_start3A_105 = arith.constant 0 : i32
      %dma_start3A_106 = arith.constant 0 : i32
      %dma_start3A_107 = tpu.memref_slice %arg4[%add3A, %dma_start3A_105, %dma_start3A_106] : memref<32x80x128xi32, #tpu.memory_space<hbm>> -> memref<1x80x128xi32, #tpu.memory_space<hbm>>
      %dma_start3A_108 = tpu.memref_squeeze %dma_start3A_107 : memref<1x80x128xi32, #tpu.memory_space<hbm>> -> memref<80x128xi32, #tpu.memory_space<hbm>>
      tpu.enqueue_dma source(%dma_start3A_108 : memref<80x128xi32, #tpu.memory_space<hbm>>) target(%arg7 : memref<80x128xi32, #tpu.memory_space<vmem>>) target_semaphore(%run_scoped3A : memref<!tpu.dma_semaphore, #tpu.memory_space<semaphore_mem>>)
      %dma_wait3A_109 = arith.constant 0 : i32
      %dma_wait3A_110 = arith.constant 0 : i32
      %dma_wait3A_111 = tpu.memref_slice %arg4[%add3A, %dma_wait3A_109, %dma_wait3A_110] : memref<32x80x128xi32, #tpu.memory_space<hbm>> -> memref<1x80x128xi32, #tpu.memory_space<hbm>>
      %dma_wait3A_112 = tpu.memref_squeeze %dma_wait3A_111 : memref<1x80x128xi32, #tpu.memory_space<hbm>> -> memref<80x128xi32, #tpu.memory_space<hbm>>
      %dma_wait3A_113 = arith.constant 0 : i32
      %dma_wait3A_114 = arith.constant 0 : i32
      %dma_wait3A_115 = tpu.memref_slice %arg4[%add3A, %dma_wait3A_113, %dma_wait3A_114] : memref<32x80x128xi32, #tpu.memory_space<hbm>> -> memref<1x80x128xi32, #tpu.memory_space<hbm>>
      %dma_wait3A_116 = tpu.memref_squeeze %dma_wait3A_115 : memref<1x80x128xi32, #tpu.memory_space<hbm>> -> memref<80x128xi32, #tpu.memory_space<hbm>>
      tpu.wait_dma2 semaphore(%run_scoped3A : memref<!tpu.dma_semaphore, #tpu.memory_space<semaphore_mem>>) src(%dma_wait3A_116 : memref<80x128xi32, #tpu.memory_space<hbm>>) dst(%arg7 : memref<80x128xi32, #tpu.memory_space<vmem>>)
      tpu.yield
    }) : () -> ()
    "tpu.region"() ({
      %run_scoped3A = tpu.sem_alloc : memref<!tpu.dma_semaphore, #tpu.memory_space<semaphore_mem>>
      %dma_start3A_101 = arith.constant 0 : i32
      %dma_start3A_102 = arith.constant 0 : i32
      %dma_start3A_103 = tpu.memref_slice %arg5[%add3A, %dma_start3A_101, %dma_start3A_102] : memref<32x80x128xi32, #tpu.memory_space<hbm>> -> memref<1x80x128xi32, #tpu.memory_space<hbm>>
      %dma_start3A_104 = tpu.memref_squeeze %dma_start3A_103 : memref<1x80x128xi32, #tpu.memory_space<hbm>> -> memref<80x128xi32, #tpu.memory_space<hbm>>
      %dma_start3A_105 = arith.constant 0 : i32
      %dma_start3A_106 = arith.constant 0 : i32
      %dma_start3A_107 = tpu.memref_slice %arg5[%add3A, %dma_start3A_105, %dma_start3A_106] : memref<32x80x128xi32, #tpu.memory_space<hbm>> -> memref<1x80x128xi32, #tpu.memory_space<hbm>>
      %dma_start3A_108 = tpu.memref_squeeze %dma_start3A_107 : memref<1x80x128xi32, #tpu.memory_space<hbm>> -> memref<80x128xi32, #tpu.memory_space<hbm>>
      tpu.enqueue_dma source(%dma_start3A_108 : memref<80x128xi32, #tpu.memory_space<hbm>>) target(%arg8 : memref<80x128xi32, #tpu.memory_space<vmem>>) target_semaphore(%run_scoped3A : memref<!tpu.dma_semaphore, #tpu.memory_space<semaphore_mem>>)
      %dma_wait3A_109 = arith.constant 0 : i32
      %dma_wait3A_110 = arith.constant 0 : i32
      %dma_wait3A_111 = tpu.memref_slice %arg5[%add3A, %dma_wait3A_109, %dma_wait3A_110] : memref<32x80x128xi32, #tpu.memory_space<hbm>> -> memref<1x80x128xi32, #tpu.memory_space<hbm>>
      %dma_wait3A_112 = tpu.memref_squeeze %dma_wait3A_111 : memref<1x80x128xi32, #tpu.memory_space<hbm>> -> memref<80x128xi32, #tpu.memory_space<hbm>>
      %dma_wait3A_113 = arith.constant 0 : i32
      %dma_wait3A_114 = arith.constant 0 : i32
      %dma_wait3A_115 = tpu.memref_slice %arg5[%add3A, %dma_wait3A_113, %dma_wait3A_114] : memref<32x80x128xi32, #tpu.memory_space<hbm>> -> memref<1x80x128xi32, #tpu.memory_space<hbm>>
      %dma_wait3A_116 = tpu.memref_squeeze %dma_wait3A_115 : memref<1x80x128xi32, #tpu.memory_space<hbm>> -> memref<80x128xi32, #tpu.memory_space<hbm>>
      tpu.wait_dma2 semaphore(%run_scoped3A : memref<!tpu.dma_semaphore, #tpu.memory_space<semaphore_mem>>) src(%dma_wait3A_116 : memref<80x128xi32, #tpu.memory_space<hbm>>) dst(%arg8 : memref<80x128xi32, #tpu.memory_space<vmem>>)
      tpu.yield
    }) : () -> ()
    %dma_start3A = arith.constant 0 : i32
    %dma_start3A_5 = arith.constant 0 : i32
    %dma_start3A_6 = arith.constant 0 : i32
    %dma_start3A_7 = arith.constant 0 : i32
    %dma_start3A_8 = arith.constant 0 : i32
    %dma_start3A_9 = tpu.memref_slice %arg9[%dma_start3A_5, %dma_start3A_7, %dma_start3A_8] : memref<2x128x64xf32, #tpu.memory_space<vmem>> -> memref<1x128x64xf32, #tpu.memory_space<vmem>>
    %dma_start3A_10 = tpu.memref_squeeze %dma_start3A_9 : memref<1x128x64xf32, #tpu.memory_space<vmem>> -> memref<128x64xf32, #tpu.memory_space<vmem>>
    %dma_start3A_11 = arith.constant 0 : i32
    %dma_start3A_12 = tpu.memref_slice %arg7[%dma_start3A, %dma_start3A_11] : memref<80x128xi32, #tpu.memory_space<vmem>> -> memref<1x128xi32, #tpu.memory_space<vmem>>
    %dma_start3A_13 = tpu.memref_squeeze %dma_start3A_12 : memref<1x128xi32, #tpu.memory_space<vmem>> -> memref<128xi32, #tpu.memory_space<vmem>>
    %dma_start3A_14 = arith.constant 0 : i32
    %dma_start3A_15 = arith.constant 0 : i32
    %dma_start3A_16 = tpu.memref_slice %arg2[%dma_start3A_14, %dma_start3A_15] : memref<10000x64xf32, #tpu.memory_space<hbm>> -> memref<10000x64xf32, #tpu.memory_space<hbm>>
    %dma_start3A_17 = tpu.memref_slice %arg12[%dma_start3A_6] : memref<2x!tpu.dma_semaphore, #tpu.memory_space<semaphore_mem>> -> memref<1x!tpu.dma_semaphore, #tpu.memory_space<semaphore_mem>>
    %dma_start3A_18 = tpu.memref_squeeze %dma_start3A_17 : memref<1x!tpu.dma_semaphore, #tpu.memory_space<semaphore_mem>> -> memref<!tpu.dma_semaphore, #tpu.memory_space<semaphore_mem>>
    tpu.enqueue_indirect_dma source(%dma_start3A_16 : memref<10000x64xf32, #tpu.memory_space<hbm>>) target(%dma_start3A_10 : memref<128x64xf32, #tpu.memory_space<vmem>>) offsets(%dma_start3A_13 : memref<128xi32, #tpu.memory_space<vmem>>) semaphore(%dma_start3A_18 : memref<!tpu.dma_semaphore, #tpu.memory_space<semaphore_mem>>)
    %dma_start3A_19 = arith.constant 0 : i32
    %dma_start3A_20 = arith.constant 0 : i32
    %dma_start3A_21 = arith.constant 0 : i32
    %dma_start3A_22 = arith.constant 0 : i32
    %dma_start3A_23 = arith.constant 0 : i32
    %dma_start3A_24 = tpu.memref_slice %arg10[%dma_start3A_20, %dma_start3A_22, %dma_start3A_23] : memref<2x128x64xf32, #tpu.memory_space<vmem>> -> memref<1x128x64xf32, #tpu.memory_space<vmem>>
    %dma_start3A_25 = tpu.memref_squeeze %dma_start3A_24 : memref<1x128x64xf32, #tpu.memory_space<vmem>> -> memref<128x64xf32, #tpu.memory_space<vmem>>
    %dma_start3A_26 = arith.constant 0 : i32
    %dma_start3A_27 = tpu.memref_slice %arg8[%dma_start3A_19, %dma_start3A_26] : memref<80x128xi32, #tpu.memory_space<vmem>> -> memref<1x128xi32, #tpu.memory_space<vmem>>
    %dma_start3A_28 = tpu.memref_squeeze %dma_start3A_27 : memref<1x128xi32, #tpu.memory_space<vmem>> -> memref<128xi32, #tpu.memory_space<vmem>>
    %dma_start3A_29 = arith.constant 0 : i32
    %dma_start3A_30 = arith.constant 0 : i32
    %dma_start3A_31 = tpu.memref_slice %arg3[%dma_start3A_29, %dma_start3A_30] : memref<10000x64xf32, #tpu.memory_space<hbm>> -> memref<10000x64xf32, #tpu.memory_space<hbm>>
    %dma_start3A_32 = tpu.memref_slice %arg13[%dma_start3A_21] : memref<2x!tpu.dma_semaphore, #tpu.memory_space<semaphore_mem>> -> memref<1x!tpu.dma_semaphore, #tpu.memory_space<semaphore_mem>>
    %dma_start3A_33 = tpu.memref_squeeze %dma_start3A_32 : memref<1x!tpu.dma_semaphore, #tpu.memory_space<semaphore_mem>> -> memref<!tpu.dma_semaphore, #tpu.memory_space<semaphore_mem>>
    tpu.enqueue_indirect_dma source(%dma_start3A_31 : memref<10000x64xf32, #tpu.memory_space<hbm>>) target(%dma_start3A_25 : memref<128x64xf32, #tpu.memory_space<vmem>>) offsets(%dma_start3A_28 : memref<128xi32, #tpu.memory_space<vmem>>) semaphore(%dma_start3A_33 : memref<!tpu.dma_semaphore, #tpu.memory_space<semaphore_mem>>)
    %dma_start3A_34 = arith.constant 1 : i32
    %dma_start3A_35 = arith.constant 1 : i32
    %dma_start3A_36 = arith.constant 1 : i32
    %dma_start3A_37 = arith.constant 0 : i32
    %dma_start3A_38 = arith.constant 0 : i32
    %dma_start3A_39 = tpu.memref_slice %arg9[%dma_start3A_35, %dma_start3A_37, %dma_start3A_38] : memref<2x128x64xf32, #tpu.memory_space<vmem>> -> memref<1x128x64xf32, #tpu.memory_space<vmem>>
    %dma_start3A_40 = tpu.memref_squeeze %dma_start3A_39 : memref<1x128x64xf32, #tpu.memory_space<vmem>> -> memref<128x64xf32, #tpu.memory_space<vmem>>
    %dma_start3A_41 = arith.constant 0 : i32
    %dma_start3A_42 = tpu.memref_slice %arg7[%dma_start3A_34, %dma_start3A_41] : memref<80x128xi32, #tpu.memory_space<vmem>> -> memref<1x128xi32, #tpu.memory_space<vmem>>
    %dma_start3A_43 = tpu.memref_squeeze %dma_start3A_42 : memref<1x128xi32, #tpu.memory_space<vmem>> -> memref<128xi32, #tpu.memory_space<vmem>>
    %dma_start3A_44 = arith.constant 0 : i32
    %dma_start3A_45 = arith.constant 0 : i32
    %dma_start3A_46 = tpu.memref_slice %arg2[%dma_start3A_44, %dma_start3A_45] : memref<10000x64xf32, #tpu.memory_space<hbm>> -> memref<10000x64xf32, #tpu.memory_space<hbm>>
    %dma_start3A_47 = tpu.memref_slice %arg12[%dma_start3A_36] : memref<2x!tpu.dma_semaphore, #tpu.memory_space<semaphore_mem>> -> memref<1x!tpu.dma_semaphore, #tpu.memory_space<semaphore_mem>>
    %dma_start3A_48 = tpu.memref_squeeze %dma_start3A_47 : memref<1x!tpu.dma_semaphore, #tpu.memory_space<semaphore_mem>> -> memref<!tpu.dma_semaphore, #tpu.memory_space<semaphore_mem>>
    tpu.enqueue_indirect_dma source(%dma_start3A_46 : memref<10000x64xf32, #tpu.memory_space<hbm>>) target(%dma_start3A_40 : memref<128x64xf32, #tpu.memory_space<vmem>>) offsets(%dma_start3A_43 : memref<128xi32, #tpu.memory_space<vmem>>) semaphore(%dma_start3A_48 : memref<!tpu.dma_semaphore, #tpu.memory_space<semaphore_mem>>)
    %dma_start3A_49 = arith.constant 1 : i32
    %dma_start3A_50 = arith.constant 1 : i32
    %dma_start3A_51 = arith.constant 1 : i32
    %dma_start3A_52 = arith.constant 0 : i32
    %dma_start3A_53 = arith.constant 0 : i32
    %dma_start3A_54 = tpu.memref_slice %arg10[%dma_start3A_50, %dma_start3A_52, %dma_start3A_53] : memref<2x128x64xf32, #tpu.memory_space<vmem>> -> memref<1x128x64xf32, #tpu.memory_space<vmem>>
    %dma_start3A_55 = tpu.memref_squeeze %dma_start3A_54 : memref<1x128x64xf32, #tpu.memory_space<vmem>> -> memref<128x64xf32, #tpu.memory_space<vmem>>
    %dma_start3A_56 = arith.constant 0 : i32
    %dma_start3A_57 = tpu.memref_slice %arg8[%dma_start3A_49, %dma_start3A_56] : memref<80x128xi32, #tpu.memory_space<vmem>> -> memref<1x128xi32, #tpu.memory_space<vmem>>
    %dma_start3A_58 = tpu.memref_squeeze %dma_start3A_57 : memref<1x128xi32, #tpu.memory_space<vmem>> -> memref<128xi32, #tpu.memory_space<vmem>>
    %dma_start3A_59 = arith.constant 0 : i32
    %dma_start3A_60 = arith.constant 0 : i32
    %dma_start3A_61 = tpu.memref_slice %arg3[%dma_start3A_59, %dma_start3A_60] : memref<10000x64xf32, #tpu.memory_space<hbm>> -> memref<10000x64xf32, #tpu.memory_space<hbm>>
    %dma_start3A_62 = tpu.memref_slice %arg13[%dma_start3A_51] : memref<2x!tpu.dma_semaphore, #tpu.memory_space<semaphore_mem>> -> memref<1x!tpu.dma_semaphore, #tpu.memory_space<semaphore_mem>>
    %dma_start3A_63 = tpu.memref_squeeze %dma_start3A_62 : memref<1x!tpu.dma_semaphore, #tpu.memory_space<semaphore_mem>> -> memref<!tpu.dma_semaphore, #tpu.memory_space<semaphore_mem>>
    tpu.enqueue_indirect_dma source(%dma_start3A_61 : memref<10000x64xf32, #tpu.memory_space<hbm>>) target(%dma_start3A_55 : memref<128x64xf32, #tpu.memory_space<vmem>>) offsets(%dma_start3A_58 : memref<128xi32, #tpu.memory_space<vmem>>) semaphore(%dma_start3A_63 : memref<!tpu.dma_semaphore, #tpu.memory_space<semaphore_mem>>)
    %scan3A = arith.constant 0 : i32
    %scan3A_64 = arith.constant 0 : i32
    %scan3A_65 = arith.constant 40 : i32
    %scan3A_66 = arith.addi %scan3A_64, %scan3A_65 : i32
    %scan3A_67 = arith.constant 1 : i32
    %scan3A_68 = scf.for %scan3A_101 = %scan3A_64 to %scan3A_66 step %scan3A_67 iter_args(%scan3A_102 = %scan3A) -> (i32)  : i32 {
      %mul3A_103 = arith.constant 2 : i32
      %mul3A_104 = arith.muli %scan3A_101, %mul3A_103 : i32
      %add3A_105 = arith.constant 0 : i32
      %add3A_106 = arith.addi %mul3A_104, %add3A_105 : i32
      %mul3A_107 = arith.constant 128 : i32
      %mul3A_108 = arith.muli %add3A_106, %mul3A_107 : i32
      %add3A_109 = arith.addi %mul3A_4, %mul3A_108 : i32
      %ge3A = arith.constant 2 : i32
      %ge3A_110 = arith.cmpi sge, %add3A_106, %ge3A : i32
      %convert_element_type3A = arith.extui %ge3A_110 : i1 to i32
      %cond3A = arith.constant 0 : i32
      %cond3A_111 = arith.cmpi ne, %convert_element_type3A, %cond3A : i32
      scf.if %cond3A_111 {
        %dma_wait3A_238 = arith.constant 0 : i32
        %dma_wait3A_239 = arith.constant 0 : i32
        %dma_wait3A_240 = arith.constant 0 : i32
        %dma_wait3A_241 = arith.constant 0 : i32
        %dma_wait3A_242 = tpu.memref_slice %arg11[%dma_wait3A_238, %dma_wait3A_240, %dma_wait3A_241] : memref<2x128x128xf32, #tpu.memory_space<vmem>> -> memref<1x128x128xf32, #tpu.memory_space<vmem>>
        %dma_wait3A_243 = tpu.memref_squeeze %dma_wait3A_242 : memref<1x128x128xf32, #tpu.memory_space<vmem>> -> memref<128x128xf32, #tpu.memory_space<vmem>>
        %dma_wait3A_244 = arith.constant 0 : i32
        %dma_wait3A_245 = tpu.memref_slice %arg6[%mul3A_4, %dma_wait3A_244] : memref<327680x128xf32, #tpu.memory_space<hbm>> -> memref<128x128xf32, #tpu.memory_space<hbm>>
        %dma_wait3A_246 = tpu.memref_slice %arg14[%dma_wait3A_239] : memref<2x!tpu.dma_semaphore, #tpu.memory_space<semaphore_mem>> -> memref<1x!tpu.dma_semaphore, #tpu.memory_space<semaphore_mem>>
        %dma_wait3A_247 = tpu.memref_squeeze %dma_wait3A_246 : memref<1x!tpu.dma_semaphore, #tpu.memory_space<semaphore_mem>> -> memref<!tpu.dma_semaphore, #tpu.memory_space<semaphore_mem>>
        %dma_wait3A_248 = arith.constant 0 : i32
        %dma_wait3A_249 = tpu.memref_slice %arg6[%mul3A_4, %dma_wait3A_248] : memref<327680x128xf32, #tpu.memory_space<hbm>> -> memref<128x128xf32, #tpu.memory_space<hbm>>
        %dma_wait3A_250 = arith.constant 0 : i32
        %dma_wait3A_251 = arith.constant 0 : i32
        %dma_wait3A_252 = tpu.memref_slice %arg11[%dma_wait3A_238, %dma_wait3A_250, %dma_wait3A_251] : memref<2x128x128xf32, #tpu.memory_space<vmem>> -> memref<1x128x128xf32, #tpu.memory_space<vmem>>
        %dma_wait3A_253 = tpu.memref_squeeze %dma_wait3A_252 : memref<1x128x128xf32, #tpu.memory_space<vmem>> -> memref<128x128xf32, #tpu.memory_space<vmem>>
        tpu.wait_dma2 semaphore(%dma_wait3A_247 : memref<!tpu.dma_semaphore, #tpu.memory_space<semaphore_mem>>) src(%dma_wait3A_253 : memref<128x128xf32, #tpu.memory_space<vmem>>) dst(%dma_wait3A_249 : memref<128x128xf32, #tpu.memory_space<hbm>>)
      } else {
      }
      %dma_wait3A_112 = arith.constant 0 : i32
      %dma_wait3A_113 = arith.constant 0 : i32
      %dma_wait3A_114 = arith.constant 0 : i32
      %dma_wait3A_115 = arith.constant 0 : i32
      %dma_wait3A_116 = tpu.memref_slice %arg9[%dma_wait3A_112, %dma_wait3A_114, %dma_wait3A_115] : memref<2x128x64xf32, #tpu.memory_space<vmem>> -> memref<1x128x64xf32, #tpu.memory_space<vmem>>
      %dma_wait3A_117 = tpu.memref_squeeze %dma_wait3A_116 : memref<1x128x64xf32, #tpu.memory_space<vmem>> -> memref<128x64xf32, #tpu.memory_space<vmem>>
      %dma_wait3A_118 = arith.constant 0 : i32
      %dma_wait3A_119 = tpu.memref_slice %arg7[%add3A_106, %dma_wait3A_118] : memref<80x128xi32, #tpu.memory_space<vmem>> -> memref<1x128xi32, #tpu.memory_space<vmem>>
      %dma_wait3A_120 = tpu.memref_squeeze %dma_wait3A_119 : memref<1x128xi32, #tpu.memory_space<vmem>> -> memref<128xi32, #tpu.memory_space<vmem>>
      %dma_wait3A_121 = arith.constant 0 : i32
      %dma_wait3A_122 = arith.constant 0 : i32
      %dma_wait3A_123 = tpu.memref_slice %arg2[%dma_wait3A_121, %dma_wait3A_122] : memref<10000x64xf32, #tpu.memory_space<hbm>> -> memref<10000x64xf32, #tpu.memory_space<hbm>>
      %dma_wait3A_124 = tpu.memref_slice %arg12[%dma_wait3A_113] : memref<2x!tpu.dma_semaphore, #tpu.memory_space<semaphore_mem>> -> memref<1x!tpu.dma_semaphore, #tpu.memory_space<semaphore_mem>>
      %dma_wait3A_125 = tpu.memref_squeeze %dma_wait3A_124 : memref<1x!tpu.dma_semaphore, #tpu.memory_space<semaphore_mem>> -> memref<!tpu.dma_semaphore, #tpu.memory_space<semaphore_mem>>
      tpu.wait_indirect_dma semaphore(%dma_wait3A_125 : memref<!tpu.dma_semaphore, #tpu.memory_space<semaphore_mem>>) src(%dma_wait3A_123 : memref<10000x64xf32, #tpu.memory_space<hbm>>) dst(%dma_wait3A_117 : memref<128x64xf32, #tpu.memory_space<vmem>>)
      %dma_wait3A_126 = arith.constant 0 : i32
      %dma_wait3A_127 = arith.constant 0 : i32
      %dma_wait3A_128 = arith.constant 0 : i32
      %dma_wait3A_129 = arith.constant 0 : i32
      %dma_wait3A_130 = tpu.memref_slice %arg10[%dma_wait3A_126, %dma_wait3A_128, %dma_wait3A_129] : memref<2x128x64xf32, #tpu.memory_space<vmem>> -> memref<1x128x64xf32, #tpu.memory_space<vmem>>
      %dma_wait3A_131 = tpu.memref_squeeze %dma_wait3A_130 : memref<1x128x64xf32, #tpu.memory_space<vmem>> -> memref<128x64xf32, #tpu.memory_space<vmem>>
      %dma_wait3A_132 = arith.constant 0 : i32
      %dma_wait3A_133 = tpu.memref_slice %arg8[%add3A_106, %dma_wait3A_132] : memref<80x128xi32, #tpu.memory_space<vmem>> -> memref<1x128xi32, #tpu.memory_space<vmem>>
      %dma_wait3A_134 = tpu.memref_squeeze %dma_wait3A_133 : memref<1x128xi32, #tpu.memory_space<vmem>> -> memref<128xi32, #tpu.memory_space<vmem>>
      %dma_wait3A_135 = arith.constant 0 : i32
      %dma_wait3A_136 = arith.constant 0 : i32
      %dma_wait3A_137 = tpu.memref_slice %arg3[%dma_wait3A_135, %dma_wait3A_136] : memref<10000x64xf32, #tpu.memory_space<hbm>> -> memref<10000x64xf32, #tpu.memory_space<hbm>>
      %dma_wait3A_138 = tpu.memref_slice %arg13[%dma_wait3A_127] : memref<2x!tpu.dma_semaphore, #tpu.memory_space<semaphore_mem>> -> memref<1x!tpu.dma_semaphore, #tpu.memory_space<semaphore_mem>>
      %dma_wait3A_139 = tpu.memref_squeeze %dma_wait3A_138 : memref<1x!tpu.dma_semaphore, #tpu.memory_space<semaphore_mem>> -> memref<!tpu.dma_semaphore, #tpu.memory_space<semaphore_mem>>
      tpu.wait_indirect_dma semaphore(%dma_wait3A_139 : memref<!tpu.dma_semaphore, #tpu.memory_space<semaphore_mem>>) src(%dma_wait3A_137 : memref<10000x64xf32, #tpu.memory_space<hbm>>) dst(%dma_wait3A_131 : memref<128x64xf32, #tpu.memory_space<vmem>>)
      %scan3A_140 = arith.constant 0 : i32
      %scan3A_141 = arith.constant 0 : i32
      %scan3A_142 = arith.constant 128 : i32
      %scan3A_143 = arith.addi %scan3A_141, %scan3A_142 : i32
      %scan3A_144 = arith.constant 1 : i32
      %scan3A_145 = scf.for %scan3A_238 = %scan3A_141 to %scan3A_143 step %scan3A_144 iter_args(%scan3A_239 = %scan3A_140) -> (i32)  : i32 {
        %get3A = arith.constant 0 : i32
        %get3A_240 = arith.index_cast %get3A : i32 to index
        %get3A_241 = arith.index_cast %scan3A_238 : i32 to index
        %get3A_242 = arith.constant 0 : index
        %get3A_243 = tpu.vector_load %arg9[%get3A_240, %get3A_241, %get3A_242] {strides = array<i32>} : memref<2x128x64xf32, #tpu.memory_space<vmem>>, vector<1x1x16xf32>,
        %get3A_244 = vector.shape_cast %get3A_243 : vector<1x1x16xf32> to vector<16xf32>
        %swap3A = arith.constant 0 : i32
        %swap3A_245 = arith.index_cast %swap3A : i32 to index
        %swap3A_246 = arith.index_cast %scan3A_238 : i32 to index
        %swap3A_247 = arith.constant 0 : index
        %swap3A_248 = tpu.vector_load %arg11[%swap3A_245, %swap3A_246, %swap3A_247] {strides = array<i32>} : memref<2x128x128xf32, #tpu.memory_space<vmem>>, vector<1x1x16xf32>,
        %swap3A_249 = vector.shape_cast %swap3A_248 : vector<1x1x16xf32> to vector<16xf32>
        %swap3A_250 = vector.shape_cast %get3A_244 : vector<16xf32> to vector<1x1x16xf32>
        tpu.vector_store %arg11[%swap3A_245, %swap3A_246, %swap3A_247], %swap3A_250 {strides = array<i32>} : memref<2x128x128xf32, #tpu.memory_space<vmem>>, vector<1x1x16xf32>,
        %get3A_251 = arith.constant 0 : i32
        %get3A_252 = arith.index_cast %get3A_251 : i32 to index
        %get3A_253 = arith.index_cast %scan3A_238 : i32 to index
        %get3A_254 = arith.constant 0 : index
        %get3A_255 = tpu.vector_load %arg10[%get3A_252, %get3A_253, %get3A_254] {strides = array<i32>} : memref<2x128x64xf32, #tpu.memory_space<vmem>>, vector<1x1x16xf32>,
        %get3A_256 = vector.shape_cast %get3A_255 : vector<1x1x16xf32> to vector<16xf32>
        %swap3A_257 = arith.constant 0 : i32
        %swap3A_258 = arith.index_cast %swap3A_257 : i32 to index
        %swap3A_259 = arith.index_cast %scan3A_238 : i32 to index
        %swap3A_260 = arith.constant 64 : index
        %swap3A_261 = tpu.vector_load %arg11[%swap3A_258, %swap3A_259, %swap3A_260] {strides = array<i32>} : memref<2x128x128xf32, #tpu.memory_space<vmem>>, vector<1x1x16xf32>,
        %swap3A_262 = vector.shape_cast %swap3A_261 : vector<1x1x16xf32> to vector<16xf32>
        %swap3A_263 = vector.shape_cast %get3A_256 : vector<16xf32> to vector<1x1x16xf32>
        tpu.vector_store %arg11[%swap3A_258, %swap3A_259, %swap3A_260], %swap3A_263 {strides = array<i32>} : memref<2x128x128xf32, #tpu.memory_space<vmem>>, vector<1x1x16xf32>,
        %get3A_264 = arith.constant 0 : i32
        %get3A_265 = arith.index_cast %get3A_264 : i32 to index
        %get3A_266 = arith.index_cast %scan3A_238 : i32 to index
        %get3A_267 = arith.constant 16 : index
        %get3A_268 = tpu.vector_load %arg9[%get3A_265, %get3A_266, %get3A_267] {strides = array<i32>} : memref<2x128x64xf32, #tpu.memory_space<vmem>>, vector<1x1x16xf32>,
        %get3A_269 = vector.shape_cast %get3A_268 : vector<1x1x16xf32> to vector<16xf32>
        %swap3A_270 = arith.constant 0 : i32
        %swap3A_271 = arith.index_cast %swap3A_270 : i32 to index
        %swap3A_272 = arith.index_cast %scan3A_238 : i32 to index
        %swap3A_273 = arith.constant 16 : index
        %swap3A_274 = tpu.vector_load %arg11[%swap3A_271, %swap3A_272, %swap3A_273] {strides = array<i32>} : memref<2x128x128xf32, #tpu.memory_space<vmem>>, vector<1x1x16xf32>,
        %swap3A_275 = vector.shape_cast %swap3A_274 : vector<1x1x16xf32> to vector<16xf32>
        %swap3A_276 = vector.shape_cast %get3A_269 : vector<16xf32> to vector<1x1x16xf32>
        tpu.vector_store %arg11[%swap3A_271, %swap3A_272, %swap3A_273], %swap3A_276 {strides = array<i32>} : memref<2x128x128xf32, #tpu.memory_space<vmem>>, vector<1x1x16xf32>,
        %get3A_277 = arith.constant 0 : i32
        %get3A_278 = arith.index_cast %get3A_277 : i32 to index
        %get3A_279 = arith.index_cast %scan3A_238 : i32 to index
        %get3A_280 = arith.constant 16 : index
        %get3A_281 = tpu.vector_load %arg10[%get3A_278, %get3A_279, %get3A_280] {strides = array<i32>} : memref<2x128x64xf32, #tpu.memory_space<vmem>>, vector<1x1x16xf32>,
        %get3A_282 = vector.shape_cast %get3A_281 : vector<1x1x16xf32> to vector<16xf32>
        %swap3A_283 = arith.constant 0 : i32
        %swap3A_284 = arith.index_cast %swap3A_283 : i32 to index
        %swap3A_285 = arith.index_cast %scan3A_238 : i32 to index
        %swap3A_286 = arith.constant 80 : index
        %swap3A_287 = tpu.vector_load %arg11[%swap3A_284, %swap3A_285, %swap3A_286] {strides = array<i32>} : memref<2x128x128xf32, #tpu.memory_space<vmem>>, vector<1x1x16xf32>,
        %swap3A_288 = vector.shape_cast %swap3A_287 : vector<1x1x16xf32> to vector<16xf32>
        %swap3A_289 = vector.shape_cast %get3A_282 : vector<16xf32> to vector<1x1x16xf32>
        tpu.vector_store %arg11[%swap3A_284, %swap3A_285, %swap3A_286], %swap3A_289 {strides = array<i32>} : memref<2x128x128xf32, #tpu.memory_space<vmem>>, vector<1x1x16xf32>,
        %get3A_290 = arith.constant 0 : i32
        %get3A_291 = arith.index_cast %get3A_290 : i32 to index
        %get3A_292 = arith.index_cast %scan3A_238 : i32 to index
        %get3A_293 = arith.constant 32 : index
        %get3A_294 = tpu.vector_load %arg9[%get3A_291, %get3A_292, %get3A_293] {strides = array<i32>} : memref<2x128x64xf32, #tpu.memory_space<vmem>>, vector<1x1x16xf32>,
        %get3A_295 = vector.shape_cast %get3A_294 : vector<1x1x16xf32> to vector<16xf32>
        %swap3A_296 = arith.constant 0 : i32
        %swap3A_297 = arith.index_cast %swap3A_296 : i32 to index
        %swap3A_298 = arith.index_cast %scan3A_238 : i32 to index
        %swap3A_299 = arith.constant 32 : index
        %swap3A_300 = tpu.vector_load %arg11[%swap3A_297, %swap3A_298, %swap3A_299] {strides = array<i32>} : memref<2x128x128xf32, #tpu.memory_space<vmem>>, vector<1x1x16xf32>,
        %swap3A_301 = vector.shape_cast %swap3A_300 : vector<1x1x16xf32> to vector<16xf32>
        %swap3A_302 = vector.shape_cast %get3A_295 : vector<16xf32> to vector<1x1x16xf32>
        tpu.vector_store %arg11[%swap3A_297, %swap3A_298, %swap3A_299], %swap3A_302 {strides = array<i32>} : memref<2x128x128xf32, #tpu.memory_space<vmem>>, vector<1x1x16xf32>,
        %get3A_303 = arith.constant 0 : i32
        %get3A_304 = arith.index_cast %get3A_303 : i32 to index
        %get3A_305 = arith.index_cast %scan3A_238 : i32 to index
        %get3A_306 = arith.constant 32 : index
        %get3A_307 = tpu.vector_load %arg10[%get3A_304, %get3A_305, %get3A_306] {strides = array<i32>} : memref<2x128x64xf32, #tpu.memory_space<vmem>>, vector<1x1x16xf32>,
        %get3A_308 = vector.shape_cast %get3A_307 : vector<1x1x16xf32> to vector<16xf32>
        %swap3A_309 = arith.constant 0 : i32
        %swap3A_310 = arith.index_cast %swap3A_309 : i32 to index
        %swap3A_311 = arith.index_cast %scan3A_238 : i32 to index
        %swap3A_312 = arith.constant 96 : index
        %swap3A_313 = tpu.vector_load %arg11[%swap3A_310, %swap3A_311, %swap3A_312] {strides = array<i32>} : memref<2x128x128xf32, #tpu.memory_space<vmem>>, vector<1x1x16xf32>,
        %swap3A_314 = vector.shape_cast %swap3A_313 : vector<1x1x16xf32> to vector<16xf32>
        %swap3A_315 = vector.shape_cast %get3A_308 : vector<16xf32> to vector<1x1x16xf32>
        tpu.vector_store %arg11[%swap3A_310, %swap3A_311, %swap3A_312], %swap3A_315 {strides = array<i32>} : memref<2x128x128xf32, #tpu.memory_space<vmem>>, vector<1x1x16xf32>,
        %get3A_316 = arith.constant 0 : i32
        %get3A_317 = arith.index_cast %get3A_316 : i32 to index
        %get3A_318 = arith.index_cast %scan3A_238 : i32 to index
        %get3A_319 = arith.constant 48 : index
        %get3A_320 = tpu.vector_load %arg9[%get3A_317, %get3A_318, %get3A_319] {strides = array<i32>} : memref<2x128x64xf32, #tpu.memory_space<vmem>>, vector<1x1x16xf32>,
        %get3A_321 = vector.shape_cast %get3A_320 : vector<1x1x16xf32> to vector<16xf32>
        %swap3A_322 = arith.constant 0 : i32
        %swap3A_323 = arith.index_cast %swap3A_322 : i32 to index
        %swap3A_324 = arith.index_cast %scan3A_238 : i32 to index
        %swap3A_325 = arith.constant 48 : index
        %swap3A_326 = tpu.vector_load %arg11[%swap3A_323, %swap3A_324, %swap3A_325] {strides = array<i32>} : memref<2x128x128xf32, #tpu.memory_space<vmem>>, vector<1x1x16xf32>,
        %swap3A_327 = vector.shape_cast %swap3A_326 : vector<1x1x16xf32> to vector<16xf32>
        %swap3A_328 = vector.shape_cast %get3A_321 : vector<16xf32> to vector<1x1x16xf32>
        tpu.vector_store %arg11[%swap3A_323, %swap3A_324, %swap3A_325], %swap3A_328 {strides = array<i32>} : memref<2x128x128xf32, #tpu.memory_space<vmem>>, vector<1x1x16xf32>,
        %get3A_329 = arith.constant 0 : i32
        %get3A_330 = arith.index_cast %get3A_329 : i32 to index
        %get3A_331 = arith.index_cast %scan3A_238 : i32 to index
        %get3A_332 = arith.constant 48 : index
        %get3A_333 = tpu.vector_load %arg10[%get3A_330, %get3A_331, %get3A_332] {strides = array<i32>} : memref<2x128x64xf32, #tpu.memory_space<vmem>>, vector<1x1x16xf32>,
        %get3A_334 = vector.shape_cast %get3A_333 : vector<1x1x16xf32> to vector<16xf32>
        %swap3A_335 = arith.constant 0 : i32
        %swap3A_336 = arith.index_cast %swap3A_335 : i32 to index
        %swap3A_337 = arith.index_cast %scan3A_238 : i32 to index
        %swap3A_338 = arith.constant 112 : index
        %swap3A_339 = tpu.vector_load %arg11[%swap3A_336, %swap3A_337, %swap3A_338] {strides = array<i32>} : memref<2x128x128xf32, #tpu.memory_space<vmem>>, vector<1x1x16xf32>,
        %swap3A_340 = vector.shape_cast %swap3A_339 : vector<1x1x16xf32> to vector<16xf32>
        %swap3A_341 = vector.shape_cast %get3A_334 : vector<16xf32> to vector<1x1x16xf32>
        tpu.vector_store %arg11[%swap3A_336, %swap3A_337, %swap3A_338], %swap3A_341 {strides = array<i32>} : memref<2x128x128xf32, #tpu.memory_space<vmem>>, vector<1x1x16xf32>,
        %scan3A_342 = arith.constant 0 : i32
        scf.yield %scan3A_342 : i32
      }
      %scan3A_146 = arith.constant 128 : i32
      %dma_start3A_147 = arith.constant 0 : i32
      %dma_start3A_148 = arith.constant 0 : i32
      %dma_start3A_149 = arith.constant 0 : i32
      %dma_start3A_150 = arith.constant 0 : i32
      %dma_start3A_151 = tpu.memref_slice %arg11[%dma_start3A_147, %dma_start3A_149, %dma_start3A_150] : memref<2x128x128xf32, #tpu.memory_space<vmem>> -> memref<1x128x128xf32, #tpu.memory_space<vmem>>
      %dma_start3A_152 = tpu.memref_squeeze %dma_start3A_151 : memref<1x128x128xf32, #tpu.memory_space<vmem>> -> memref<128x128xf32, #tpu.memory_space<vmem>>
      %dma_start3A_153 = arith.constant 0 : i32
      %dma_start3A_154 = tpu.memref_slice %arg6[%add3A_109, %dma_start3A_153] : memref<327680x128xf32, #tpu.memory_space<hbm>> -> memref<128x128xf32, #tpu.memory_space<hbm>>
      %dma_start3A_155 = tpu.memref_slice %arg14[%dma_start3A_148] : memref<2x!tpu.dma_semaphore, #tpu.memory_space<semaphore_mem>> -> memref<1x!tpu.dma_semaphore, #tpu.memory_space<semaphore_mem>>
      %dma_start3A_156 = tpu.memref_squeeze %dma_start3A_155 : memref<1x!tpu.dma_semaphore, #tpu.memory_space<semaphore_mem>> -> memref<!tpu.dma_semaphore, #tpu.memory_space<semaphore_mem>>
      %dma_start3A_157 = arith.constant 0 : i32
      %dma_start3A_158 = tpu.memref_slice %arg6[%add3A_109, %dma_start3A_157] : memref<327680x128xf32, #tpu.memory_space<hbm>> -> memref<128x128xf32, #tpu.memory_space<hbm>>
      %dma_start3A_159 = arith.constant 0 : i32
      %dma_start3A_160 = arith.constant 0 : i32
      %dma_start3A_161 = tpu.memref_slice %arg11[%dma_start3A_147, %dma_start3A_159, %dma_start3A_160] : memref<2x128x128xf32, #tpu.memory_space<vmem>> -> memref<1x128x128xf32, #tpu.memory_space<vmem>>
      %dma_start3A_162 = tpu.memref_squeeze %dma_start3A_161 : memref<1x128x128xf32, #tpu.memory_space<vmem>> -> memref<128x128xf32, #tpu.memory_space<vmem>>
      tpu.enqueue_dma source(%dma_start3A_162 : memref<128x128xf32, #tpu.memory_space<vmem>>) target(%dma_start3A_158 : memref<128x128xf32, #tpu.memory_space<hbm>>) target_semaphore(%dma_start3A_156 : memref<!tpu.dma_semaphore, #tpu.memory_space<semaphore_mem>>)
      %add3A_163 = arith.constant 2 : i32
      %add3A_164 = arith.addi %add3A_106, %add3A_163 : i32
      %lt3A = arith.constant 80 : i32
      %lt3A_165 = arith.cmpi slt, %add3A_164, %lt3A : i32
      %convert_element_type3A_166 = arith.extui %lt3A_165 : i1 to i32
      %cond3A_167 = arith.constant 0 : i32
      %cond3A_168 = arith.cmpi ne, %convert_element_type3A_166, %cond3A_167 : i32
      scf.if %cond3A_168 {
        %add3A_238 = arith.constant 2 : i32
        %add3A_239 = arith.addi %add3A_106, %add3A_238 : i32
        %dma_start3A_240 = arith.constant 0 : i32
        %dma_start3A_241 = arith.constant 0 : i32
        %dma_start3A_242 = arith.constant 0 : i32
        %dma_start3A_243 = arith.constant 0 : i32
        %dma_start3A_244 = tpu.memref_slice %arg9[%dma_start3A_240, %dma_start3A_242, %dma_start3A_243] : memref<2x128x64xf32, #tpu.memory_space<vmem>> -> memref<1x128x64xf32, #tpu.memory_space<vmem>>
        %dma_start3A_245 = tpu.memref_squeeze %dma_start3A_244 : memref<1x128x64xf32, #tpu.memory_space<vmem>> -> memref<128x64xf32, #tpu.memory_space<vmem>>
        %dma_start3A_246 = arith.constant 0 : i32
        %dma_start3A_247 = tpu.memref_slice %arg7[%add3A_239, %dma_start3A_246] : memref<80x128xi32, #tpu.memory_space<vmem>> -> memref<1x128xi32, #tpu.memory_space<vmem>>
        %dma_start3A_248 = tpu.memref_squeeze %dma_start3A_247 : memref<1x128xi32, #tpu.memory_space<vmem>> -> memref<128xi32, #tpu.memory_space<vmem>>
        %dma_start3A_249 = arith.constant 0 : i32
        %dma_start3A_250 = arith.constant 0 : i32
        %dma_start3A_251 = tpu.memref_slice %arg2[%dma_start3A_249, %dma_start3A_250] : memref<10000x64xf32, #tpu.memory_space<hbm>> -> memref<10000x64xf32, #tpu.memory_space<hbm>>
        %dma_start3A_252 = tpu.memref_slice %arg12[%dma_start3A_241] : memref<2x!tpu.dma_semaphore, #tpu.memory_space<semaphore_mem>> -> memref<1x!tpu.dma_semaphore, #tpu.memory_space<semaphore_mem>>
        %dma_start3A_253 = tpu.memref_squeeze %dma_start3A_252 : memref<1x!tpu.dma_semaphore, #tpu.memory_space<semaphore_mem>> -> memref<!tpu.dma_semaphore, #tpu.memory_space<semaphore_mem>>
        tpu.enqueue_indirect_dma source(%dma_start3A_251 : memref<10000x64xf32, #tpu.memory_space<hbm>>) target(%dma_start3A_245 : memref<128x64xf32, #tpu.memory_space<vmem>>) offsets(%dma_start3A_248 : memref<128xi32, #tpu.memory_space<vmem>>) semaphore(%dma_start3A_253 : memref<!tpu.dma_semaphore, #tpu.memory_space<semaphore_mem>>)
        %add3A_254 = arith.constant 2 : i32
        %add3A_255 = arith.addi %add3A_106, %add3A_254 : i32
        %dma_start3A_256 = arith.constant 0 : i32
        %dma_start3A_257 = arith.constant 0 : i32
        %dma_start3A_258 = arith.constant 0 : i32
        %dma_start3A_259 = arith.constant 0 : i32
        %dma_start3A_260 = tpu.memref_slice %arg10[%dma_start3A_256, %dma_start3A_258, %dma_start3A_259] : memref<2x128x64xf32, #tpu.memory_space<vmem>> -> memref<1x128x64xf32, #tpu.memory_space<vmem>>
        %dma_start3A_261 = tpu.memref_squeeze %dma_start3A_260 : memref<1x128x64xf32, #tpu.memory_space<vmem>> -> memref<128x64xf32, #tpu.memory_space<vmem>>
        %dma_start3A_262 = arith.constant 0 : i32
        %dma_start3A_263 = tpu.memref_slice %arg8[%add3A_255, %dma_start3A_262] : memref<80x128xi32, #tpu.memory_space<vmem>> -> memref<1x128xi32, #tpu.memory_space<vmem>>
        %dma_start3A_264 = tpu.memref_squeeze %dma_start3A_263 : memref<1x128xi32, #tpu.memory_space<vmem>> -> memref<128xi32, #tpu.memory_space<vmem>>
        %dma_start3A_265 = arith.constant 0 : i32
        %dma_start3A_266 = arith.constant 0 : i32
        %dma_start3A_267 = tpu.memref_slice %arg3[%dma_start3A_265, %dma_start3A_266] : memref<10000x64xf32, #tpu.memory_space<hbm>> -> memref<10000x64xf32, #tpu.memory_space<hbm>>
        %dma_start3A_268 = tpu.memref_slice %arg13[%dma_start3A_257] : memref<2x!tpu.dma_semaphore, #tpu.memory_space<semaphore_mem>> -> memref<1x!tpu.dma_semaphore, #tpu.memory_space<semaphore_mem>>
        %dma_start3A_269 = tpu.memref_squeeze %dma_start3A_268 : memref<1x!tpu.dma_semaphore, #tpu.memory_space<semaphore_mem>> -> memref<!tpu.dma_semaphore, #tpu.memory_space<semaphore_mem>>
        tpu.enqueue_indirect_dma source(%dma_start3A_267 : memref<10000x64xf32, #tpu.memory_space<hbm>>) target(%dma_start3A_261 : memref<128x64xf32, #tpu.memory_space<vmem>>) offsets(%dma_start3A_264 : memref<128xi32, #tpu.memory_space<vmem>>) semaphore(%dma_start3A_269 : memref<!tpu.dma_semaphore, #tpu.memory_space<semaphore_mem>>)
      } else {
      }
      %add3A_169 = arith.constant 1 : i32
      %add3A_170 = arith.addi %mul3A_104, %add3A_169 : i32
      %mul3A_171 = arith.constant 128 : i32
      %mul3A_172 = arith.muli %add3A_170, %mul3A_171 : i32
      %add3A_173 = arith.addi %mul3A_4, %mul3A_172 : i32
      %ge3A_174 = arith.constant 2 : i32
      %ge3A_175 = arith.cmpi sge, %add3A_170, %ge3A_174 : i32
      %convert_element_type3A_176 = arith.extui %ge3A_175 : i1 to i32
      %cond3A_177 = arith.constant 0 : i32
      %cond3A_178 = arith.cmpi ne, %convert_element_type3A_176, %cond3A_177 : i32
      scf.if %cond3A_178 {
        %dma_wait3A_238 = arith.constant 1 : i32
        %dma_wait3A_239 = arith.constant 1 : i32
        %dma_wait3A_240 = arith.constant 0 : i32
        %dma_wait3A_241 = arith.constant 0 : i32
        %dma_wait3A_242 = tpu.memref_slice %arg11[%dma_wait3A_238, %dma_wait3A_240, %dma_wait3A_241] : memref<2x128x128xf32, #tpu.memory_space<vmem>> -> memref<1x128x128xf32, #tpu.memory_space<vmem>>
        %dma_wait3A_243 = tpu.memref_squeeze %dma_wait3A_242 : memref<1x128x128xf32, #tpu.memory_space<vmem>> -> memref<128x128xf32, #tpu.memory_space<vmem>>
        %dma_wait3A_244 = arith.constant 0 : i32
        %dma_wait3A_245 = tpu.memref_slice %arg6[%mul3A_4, %dma_wait3A_244] : memref<327680x128xf32, #tpu.memory_space<hbm>> -> memref<128x128xf32, #tpu.memory_space<hbm>>
        %dma_wait3A_246 = tpu.memref_slice %arg14[%dma_wait3A_239] : memref<2x!tpu.dma_semaphore, #tpu.memory_space<semaphore_mem>> -> memref<1x!tpu.dma_semaphore, #tpu.memory_space<semaphore_mem>>
        %dma_wait3A_247 = tpu.memref_squeeze %dma_wait3A_246 : memref<1x!tpu.dma_semaphore, #tpu.memory_space<semaphore_mem>> -> memref<!tpu.dma_semaphore, #tpu.memory_space<semaphore_mem>>
        %dma_wait3A_248 = arith.constant 0 : i32
        %dma_wait3A_249 = tpu.memref_slice %arg6[%mul3A_4, %dma_wait3A_248] : memref<327680x128xf32, #tpu.memory_space<hbm>> -> memref<128x128xf32, #tpu.memory_space<hbm>>
        %dma_wait3A_250 = arith.constant 0 : i32
        %dma_wait3A_251 = arith.constant 0 : i32
        %dma_wait3A_252 = tpu.memref_slice %arg11[%dma_wait3A_238, %dma_wait3A_250, %dma_wait3A_251] : memref<2x128x128xf32, #tpu.memory_space<vmem>> -> memref<1x128x128xf32, #tpu.memory_space<vmem>>
        %dma_wait3A_253 = tpu.memref_squeeze %dma_wait3A_252 : memref<1x128x128xf32, #tpu.memory_space<vmem>> -> memref<128x128xf32, #tpu.memory_space<vmem>>
        tpu.wait_dma2 semaphore(%dma_wait3A_247 : memref<!tpu.dma_semaphore, #tpu.memory_space<semaphore_mem>>) src(%dma_wait3A_253 : memref<128x128xf32, #tpu.memory_space<vmem>>) dst(%dma_wait3A_249 : memref<128x128xf32, #tpu.memory_space<hbm>>)
      } else {
      }
      %dma_wait3A_179 = arith.constant 1 : i32
      %dma_wait3A_180 = arith.constant 1 : i32
      %dma_wait3A_181 = arith.constant 0 : i32
      %dma_wait3A_182 = arith.constant 0 : i32
      %dma_wait3A_183 = tpu.memref_slice %arg9[%dma_wait3A_179, %dma_wait3A_181, %dma_wait3A_182] : memref<2x128x64xf32, #tpu.memory_space<vmem>> -> memref<1x128x64xf32, #tpu.memory_space<vmem>>
      %dma_wait3A_184 = tpu.memref_squeeze %dma_wait3A_183 : memref<1x128x64xf32, #tpu.memory_space<vmem>> -> memref<128x64xf32, #tpu.memory_space<vmem>>
      %dma_wait3A_185 = arith.constant 0 : i32
      %dma_wait3A_186 = tpu.memref_slice %arg7[%add3A_170, %dma_wait3A_185] : memref<80x128xi32, #tpu.memory_space<vmem>> -> memref<1x128xi32, #tpu.memory_space<vmem>>
      %dma_wait3A_187 = tpu.memref_squeeze %dma_wait3A_186 : memref<1x128xi32, #tpu.memory_space<vmem>> -> memref<128xi32, #tpu.memory_space<vmem>>
      %dma_wait3A_188 = arith.constant 0 : i32
      %dma_wait3A_189 = arith.constant 0 : i32
      %dma_wait3A_190 = tpu.memref_slice %arg2[%dma_wait3A_188, %dma_wait3A_189] : memref<10000x64xf32, #tpu.memory_space<hbm>> -> memref<10000x64xf32, #tpu.memory_space<hbm>>
      %dma_wait3A_191 = tpu.memref_slice %arg12[%dma_wait3A_180] : memref<2x!tpu.dma_semaphore, #tpu.memory_space<semaphore_mem>> -> memref<1x!tpu.dma_semaphore, #tpu.memory_space<semaphore_mem>>
      %dma_wait3A_192 = tpu.memref_squeeze %dma_wait3A_191 : memref<1x!tpu.dma_semaphore, #tpu.memory_space<semaphore_mem>> -> memref<!tpu.dma_semaphore, #tpu.memory_space<semaphore_mem>>
      tpu.wait_indirect_dma semaphore(%dma_wait3A_192 : memref<!tpu.dma_semaphore, #tpu.memory_space<semaphore_mem>>) src(%dma_wait3A_190 : memref<10000x64xf32, #tpu.memory_space<hbm>>) dst(%dma_wait3A_184 : memref<128x64xf32, #tpu.memory_space<vmem>>)
      %dma_wait3A_193 = arith.constant 1 : i32
      %dma_wait3A_194 = arith.constant 1 : i32
      %dma_wait3A_195 = arith.constant 0 : i32
      %dma_wait3A_196 = arith.constant 0 : i32
      %dma_wait3A_197 = tpu.memref_slice %arg10[%dma_wait3A_193, %dma_wait3A_195, %dma_wait3A_196] : memref<2x128x64xf32, #tpu.memory_space<vmem>> -> memref<1x128x64xf32, #tpu.memory_space<vmem>>
      %dma_wait3A_198 = tpu.memref_squeeze %dma_wait3A_197 : memref<1x128x64xf32, #tpu.memory_space<vmem>> -> memref<128x64xf32, #tpu.memory_space<vmem>>
      %dma_wait3A_199 = arith.constant 0 : i32
      %dma_wait3A_200 = tpu.memref_slice %arg8[%add3A_170, %dma_wait3A_199] : memref<80x128xi32, #tpu.memory_space<vmem>> -> memref<1x128xi32, #tpu.memory_space<vmem>>
      %dma_wait3A_201 = tpu.memref_squeeze %dma_wait3A_200 : memref<1x128xi32, #tpu.memory_space<vmem>> -> memref<128xi32, #tpu.memory_space<vmem>>
      %dma_wait3A_202 = arith.constant 0 : i32
      %dma_wait3A_203 = arith.constant 0 : i32
      %dma_wait3A_204 = tpu.memref_slice %arg3[%dma_wait3A_202, %dma_wait3A_203] : memref<10000x64xf32, #tpu.memory_space<hbm>> -> memref<10000x64xf32, #tpu.memory_space<hbm>>
      %dma_wait3A_205 = tpu.memref_slice %arg13[%dma_wait3A_194] : memref<2x!tpu.dma_semaphore, #tpu.memory_space<semaphore_mem>> -> memref<1x!tpu.dma_semaphore, #tpu.memory_space<semaphore_mem>>
      %dma_wait3A_206 = tpu.memref_squeeze %dma_wait3A_205 : memref<1x!tpu.dma_semaphore, #tpu.memory_space<semaphore_mem>> -> memref<!tpu.dma_semaphore, #tpu.memory_space<semaphore_mem>>
      tpu.wait_indirect_dma semaphore(%dma_wait3A_206 : memref<!tpu.dma_semaphore, #tpu.memory_space<semaphore_mem>>) src(%dma_wait3A_204 : memref<10000x64xf32, #tpu.memory_space<hbm>>) dst(%dma_wait3A_198 : memref<128x64xf32, #tpu.memory_space<vmem>>)
      %scan3A_207 = arith.constant 0 : i32
      %scan3A_208 = arith.constant 0 : i32
      %scan3A_209 = arith.constant 128 : i32
      %scan3A_210 = arith.addi %scan3A_208, %scan3A_209 : i32
      %scan3A_211 = arith.constant 1 : i32
      %scan3A_212 = scf.for %scan3A_238 = %scan3A_208 to %scan3A_210 step %scan3A_211 iter_args(%scan3A_239 = %scan3A_207) -> (i32)  : i32 {
        %get3A = arith.constant 1 : i32
        %get3A_240 = arith.index_cast %get3A : i32 to index
        %get3A_241 = arith.index_cast %scan3A_238 : i32 to index
        %get3A_242 = arith.constant 0 : index
        %get3A_243 = tpu.vector_load %arg9[%get3A_240, %get3A_241, %get3A_242] {strides = array<i32>} : memref<2x128x64xf32, #tpu.memory_space<vmem>>, vector<1x1x16xf32>,
        %get3A_244 = vector.shape_cast %get3A_243 : vector<1x1x16xf32> to vector<16xf32>
        %swap3A = arith.constant 1 : i32
        %swap3A_245 = arith.index_cast %swap3A : i32 to index
        %swap3A_246 = arith.index_cast %scan3A_238 : i32 to index
        %swap3A_247 = arith.constant 0 : index
        %swap3A_248 = tpu.vector_load %arg11[%swap3A_245, %swap3A_246, %swap3A_247] {strides = array<i32>} : memref<2x128x128xf32, #tpu.memory_space<vmem>>, vector<1x1x16xf32>,
        %swap3A_249 = vector.shape_cast %swap3A_248 : vector<1x1x16xf32> to vector<16xf32>
        %swap3A_250 = vector.shape_cast %get3A_244 : vector<16xf32> to vector<1x1x16xf32>
        tpu.vector_store %arg11[%swap3A_245, %swap3A_246, %swap3A_247], %swap3A_250 {strides = array<i32>} : memref<2x128x128xf32, #tpu.memory_space<vmem>>, vector<1x1x16xf32>,
        %get3A_251 = arith.constant 1 : i32
        %get3A_252 = arith.index_cast %get3A_251 : i32 to index
        %get3A_253 = arith.index_cast %scan3A_238 : i32 to index
        %get3A_254 = arith.constant 0 : index
        %get3A_255 = tpu.vector_load %arg10[%get3A_252, %get3A_253, %get3A_254] {strides = array<i32>} : memref<2x128x64xf32, #tpu.memory_space<vmem>>, vector<1x1x16xf32>,
        %get3A_256 = vector.shape_cast %get3A_255 : vector<1x1x16xf32> to vector<16xf32>
        %swap3A_257 = arith.constant 1 : i32
        %swap3A_258 = arith.index_cast %swap3A_257 : i32 to index
        %swap3A_259 = arith.index_cast %scan3A_238 : i32 to index
        %swap3A_260 = arith.constant 64 : index
        %swap3A_261 = tpu.vector_load %arg11[%swap3A_258, %swap3A_259, %swap3A_260] {strides = array<i32>} : memref<2x128x128xf32, #tpu.memory_space<vmem>>, vector<1x1x16xf32>,
        %swap3A_262 = vector.shape_cast %swap3A_261 : vector<1x1x16xf32> to vector<16xf32>
        %swap3A_263 = vector.shape_cast %get3A_256 : vector<16xf32> to vector<1x1x16xf32>
        tpu.vector_store %arg11[%swap3A_258, %swap3A_259, %swap3A_260], %swap3A_263 {strides = array<i32>} : memref<2x128x128xf32, #tpu.memory_space<vmem>>, vector<1x1x16xf32>,
        %get3A_264 = arith.constant 1 : i32
        %get3A_265 = arith.index_cast %get3A_264 : i32 to index
        %get3A_266 = arith.index_cast %scan3A_238 : i32 to index
        %get3A_267 = arith.constant 16 : index
        %get3A_268 = tpu.vector_load %arg9[%get3A_265, %get3A_266, %get3A_267] {strides = array<i32>} : memref<2x128x64xf32, #tpu.memory_space<vmem>>, vector<1x1x16xf32>,
        %get3A_269 = vector.shape_cast %get3A_268 : vector<1x1x16xf32> to vector<16xf32>
        %swap3A_270 = arith.constant 1 : i32
        %swap3A_271 = arith.index_cast %swap3A_270 : i32 to index
        %swap3A_272 = arith.index_cast %scan3A_238 : i32 to index
        %swap3A_273 = arith.constant 16 : index
        %swap3A_274 = tpu.vector_load %arg11[%swap3A_271, %swap3A_272, %swap3A_273] {strides = array<i32>} : memref<2x128x128xf32, #tpu.memory_space<vmem>>, vector<1x1x16xf32>,
        %swap3A_275 = vector.shape_cast %swap3A_274 : vector<1x1x16xf32> to vector<16xf32>
        %swap3A_276 = vector.shape_cast %get3A_269 : vector<16xf32> to vector<1x1x16xf32>
        tpu.vector_store %arg11[%swap3A_271, %swap3A_272, %swap3A_273], %swap3A_276 {strides = array<i32>} : memref<2x128x128xf32, #tpu.memory_space<vmem>>, vector<1x1x16xf32>,
        %get3A_277 = arith.constant 1 : i32
        %get3A_278 = arith.index_cast %get3A_277 : i32 to index
        %get3A_279 = arith.index_cast %scan3A_238 : i32 to index
        %get3A_280 = arith.constant 16 : index
        %get3A_281 = tpu.vector_load %arg10[%get3A_278, %get3A_279, %get3A_280] {strides = array<i32>} : memref<2x128x64xf32, #tpu.memory_space<vmem>>, vector<1x1x16xf32>,
        %get3A_282 = vector.shape_cast %get3A_281 : vector<1x1x16xf32> to vector<16xf32>
        %swap3A_283 = arith.constant 1 : i32
        %swap3A_284 = arith.index_cast %swap3A_283 : i32 to index
        %swap3A_285 = arith.index_cast %scan3A_238 : i32 to index
        %swap3A_286 = arith.constant 80 : index
        %swap3A_287 = tpu.vector_load %arg11[%swap3A_284, %swap3A_285, %swap3A_286] {strides = array<i32>} : memref<2x128x128xf32, #tpu.memory_space<vmem>>, vector<1x1x16xf32>,
        %swap3A_288 = vector.shape_cast %swap3A_287 : vector<1x1x16xf32> to vector<16xf32>
        %swap3A_289 = vector.shape_cast %get3A_282 : vector<16xf32> to vector<1x1x16xf32>
        tpu.vector_store %arg11[%swap3A_284, %swap3A_285, %swap3A_286], %swap3A_289 {strides = array<i32>} : memref<2x128x128xf32, #tpu.memory_space<vmem>>, vector<1x1x16xf32>,
        %get3A_290 = arith.constant 1 : i32
        %get3A_291 = arith.index_cast %get3A_290 : i32 to index
        %get3A_292 = arith.index_cast %scan3A_238 : i32 to index
        %get3A_293 = arith.constant 32 : index
        %get3A_294 = tpu.vector_load %arg9[%get3A_291, %get3A_292, %get3A_293] {strides = array<i32>} : memref<2x128x64xf32, #tpu.memory_space<vmem>>, vector<1x1x16xf32>,
        %get3A_295 = vector.shape_cast %get3A_294 : vector<1x1x16xf32> to vector<16xf32>
        %swap3A_296 = arith.constant 1 : i32
        %swap3A_297 = arith.index_cast %swap3A_296 : i32 to index
        %swap3A_298 = arith.index_cast %scan3A_238 : i32 to index
        %swap3A_299 = arith.constant 32 : index
        %swap3A_300 = tpu.vector_load %arg11[%swap3A_297, %swap3A_298, %swap3A_299] {strides = array<i32>} : memref<2x128x128xf32, #tpu.memory_space<vmem>>, vector<1x1x16xf32>,
        %swap3A_301 = vector.shape_cast %swap3A_300 : vector<1x1x16xf32> to vector<16xf32>
        %swap3A_302 = vector.shape_cast %get3A_295 : vector<16xf32> to vector<1x1x16xf32>
        tpu.vector_store %arg11[%swap3A_297, %swap3A_298, %swap3A_299], %swap3A_302 {strides = array<i32>} : memref<2x128x128xf32, #tpu.memory_space<vmem>>, vector<1x1x16xf32>,
        %get3A_303 = arith.constant 1 : i32
        %get3A_304 = arith.index_cast %get3A_303 : i32 to index
        %get3A_305 = arith.index_cast %scan3A_238 : i32 to index
        %get3A_306 = arith.constant 32 : index
        %get3A_307 = tpu.vector_load %arg10[%get3A_304, %get3A_305, %get3A_306] {strides = array<i32>} : memref<2x128x64xf32, #tpu.memory_space<vmem>>, vector<1x1x16xf32>,
        %get3A_308 = vector.shape_cast %get3A_307 : vector<1x1x16xf32> to vector<16xf32>
        %swap3A_309 = arith.constant 1 : i32
        %swap3A_310 = arith.index_cast %swap3A_309 : i32 to index
        %swap3A_311 = arith.index_cast %scan3A_238 : i32 to index
        %swap3A_312 = arith.constant 96 : index
        %swap3A_313 = tpu.vector_load %arg11[%swap3A_310, %swap3A_311, %swap3A_312] {strides = array<i32>} : memref<2x128x128xf32, #tpu.memory_space<vmem>>, vector<1x1x16xf32>,
        %swap3A_314 = vector.shape_cast %swap3A_313 : vector<1x1x16xf32> to vector<16xf32>
        %swap3A_315 = vector.shape_cast %get3A_308 : vector<16xf32> to vector<1x1x16xf32>
        tpu.vector_store %arg11[%swap3A_310, %swap3A_311, %swap3A_312], %swap3A_315 {strides = array<i32>} : memref<2x128x128xf32, #tpu.memory_space<vmem>>, vector<1x1x16xf32>,
        %get3A_316 = arith.constant 1 : i32
        %get3A_317 = arith.index_cast %get3A_316 : i32 to index
        %get3A_318 = arith.index_cast %scan3A_238 : i32 to index
        %get3A_319 = arith.constant 48 : index
        %get3A_320 = tpu.vector_load %arg9[%get3A_317, %get3A_318, %get3A_319] {strides = array<i32>} : memref<2x128x64xf32, #tpu.memory_space<vmem>>, vector<1x1x16xf32>,
        %get3A_321 = vector.shape_cast %get3A_320 : vector<1x1x16xf32> to vector<16xf32>
        %swap3A_322 = arith.constant 1 : i32
        %swap3A_323 = arith.index_cast %swap3A_322 : i32 to index
        %swap3A_324 = arith.index_cast %scan3A_238 : i32 to index
        %swap3A_325 = arith.constant 48 : index
        %swap3A_326 = tpu.vector_load %arg11[%swap3A_323, %swap3A_324, %swap3A_325] {strides = array<i32>} : memref<2x128x128xf32, #tpu.memory_space<vmem>>, vector<1x1x16xf32>,
        %swap3A_327 = vector.shape_cast %swap3A_326 : vector<1x1x16xf32> to vector<16xf32>
        %swap3A_328 = vector.shape_cast %get3A_321 : vector<16xf32> to vector<1x1x16xf32>
        tpu.vector_store %arg11[%swap3A_323, %swap3A_324, %swap3A_325], %swap3A_328 {strides = array<i32>} : memref<2x128x128xf32, #tpu.memory_space<vmem>>, vector<1x1x16xf32>,
        %get3A_329 = arith.constant 1 : i32
        %get3A_330 = arith.index_cast %get3A_329 : i32 to index
        %get3A_331 = arith.index_cast %scan3A_238 : i32 to index
        %get3A_332 = arith.constant 48 : index
        %get3A_333 = tpu.vector_load %arg10[%get3A_330, %get3A_331, %get3A_332] {strides = array<i32>} : memref<2x128x64xf32, #tpu.memory_space<vmem>>, vector<1x1x16xf32>,
        %get3A_334 = vector.shape_cast %get3A_333 : vector<1x1x16xf32> to vector<16xf32>
        %swap3A_335 = arith.constant 1 : i32
        %swap3A_336 = arith.index_cast %swap3A_335 : i32 to index
        %swap3A_337 = arith.index_cast %scan3A_238 : i32 to index
        %swap3A_338 = arith.constant 112 : index
        %swap3A_339 = tpu.vector_load %arg11[%swap3A_336, %swap3A_337, %swap3A_338] {strides = array<i32>} : memref<2x128x128xf32, #tpu.memory_space<vmem>>, vector<1x1x16xf32>,
        %swap3A_340 = vector.shape_cast %swap3A_339 : vector<1x1x16xf32> to vector<16xf32>
        %swap3A_341 = vector.shape_cast %get3A_334 : vector<16xf32> to vector<1x1x16xf32>
        tpu.vector_store %arg11[%swap3A_336, %swap3A_337, %swap3A_338], %swap3A_341 {strides = array<i32>} : memref<2x128x128xf32, #tpu.memory_space<vmem>>, vector<1x1x16xf32>,
        %scan3A_342 = arith.constant 0 : i32
        scf.yield %scan3A_342 : i32
      }
      %scan3A_213 = arith.constant 128 : i32
      %dma_start3A_214 = arith.constant 1 : i32
      %dma_start3A_215 = arith.constant 1 : i32
      %dma_start3A_216 = arith.constant 0 : i32
      %dma_start3A_217 = arith.constant 0 : i32
      %dma_start3A_218 = tpu.memref_slice %arg11[%dma_start3A_214, %dma_start3A_216, %dma_start3A_217] : memref<2x128x128xf32, #tpu.memory_space<vmem>> -> memref<1x128x128xf32, #tpu.memory_space<vmem>>
      %dma_start3A_219 = tpu.memref_squeeze %dma_start3A_218 : memref<1x128x128xf32, #tpu.memory_space<vmem>> -> memref<128x128xf32, #tpu.memory_space<vmem>>
      %dma_start3A_220 = arith.constant 0 : i32
      %dma_start3A_221 = tpu.memref_slice %arg6[%add3A_173, %dma_start3A_220] : memref<327680x128xf32, #tpu.memory_space<hbm>> -> memref<128x128xf32, #tpu.memory_space<hbm>>
      %dma_start3A_222 = tpu.memref_slice %arg14[%dma_start3A_215] : memref<2x!tpu.dma_semaphore, #tpu.memory_space<semaphore_mem>> -> memref<1x!tpu.dma_semaphore, #tpu.memory_space<semaphore_mem>>
      %dma_start3A_223 = tpu.memref_squeeze %dma_start3A_222 : memref<1x!tpu.dma_semaphore, #tpu.memory_space<semaphore_mem>> -> memref<!tpu.dma_semaphore, #tpu.memory_space<semaphore_mem>>
      %dma_start3A_224 = arith.constant 0 : i32
      %dma_start3A_225 = tpu.memref_slice %arg6[%add3A_173, %dma_start3A_224] : memref<327680x128xf32, #tpu.memory_space<hbm>> -> memref<128x128xf32, #tpu.memory_space<hbm>>
      %dma_start3A_226 = arith.constant 0 : i32
      %dma_start3A_227 = arith.constant 0 : i32
      %dma_start3A_228 = tpu.memref_slice %arg11[%dma_start3A_214, %dma_start3A_226, %dma_start3A_227] : memref<2x128x128xf32, #tpu.memory_space<vmem>> -> memref<1x128x128xf32, #tpu.memory_space<vmem>>
      %dma_start3A_229 = tpu.memref_squeeze %dma_start3A_228 : memref<1x128x128xf32, #tpu.memory_space<vmem>> -> memref<128x128xf32, #tpu.memory_space<vmem>>
      tpu.enqueue_dma source(%dma_start3A_229 : memref<128x128xf32, #tpu.memory_space<vmem>>) target(%dma_start3A_225 : memref<128x128xf32, #tpu.memory_space<hbm>>) target_semaphore(%dma_start3A_223 : memref<!tpu.dma_semaphore, #tpu.memory_space<semaphore_mem>>)
      %add3A_230 = arith.constant 2 : i32
      %add3A_231 = arith.addi %add3A_170, %add3A_230 : i32
      %lt3A_232 = arith.constant 80 : i32
      %lt3A_233 = arith.cmpi slt, %add3A_231, %lt3A_232 : i32
      %convert_element_type3A_234 = arith.extui %lt3A_233 : i1 to i32
      %cond3A_235 = arith.constant 0 : i32
      %cond3A_236 = arith.cmpi ne, %convert_element_type3A_234, %cond3A_235 : i32
      scf.if %cond3A_236 {
        %add3A_238 = arith.constant 2 : i32
        %add3A_239 = arith.addi %add3A_170, %add3A_238 : i32
        %dma_start3A_240 = arith.constant 1 : i32
        %dma_start3A_241 = arith.constant 1 : i32
        %dma_start3A_242 = arith.constant 0 : i32
        %dma_start3A_243 = arith.constant 0 : i32
        %dma_start3A_244 = tpu.memref_slice %arg9[%dma_start3A_240, %dma_start3A_242, %dma_start3A_243] : memref<2x128x64xf32, #tpu.memory_space<vmem>> -> memref<1x128x64xf32, #tpu.memory_space<vmem>>
        %dma_start3A_245 = tpu.memref_squeeze %dma_start3A_244 : memref<1x128x64xf32, #tpu.memory_space<vmem>> -> memref<128x64xf32, #tpu.memory_space<vmem>>
        %dma_start3A_246 = arith.constant 0 : i32
        %dma_start3A_247 = tpu.memref_slice %arg7[%add3A_239, %dma_start3A_246] : memref<80x128xi32, #tpu.memory_space<vmem>> -> memref<1x128xi32, #tpu.memory_space<vmem>>
        %dma_start3A_248 = tpu.memref_squeeze %dma_start3A_247 : memref<1x128xi32, #tpu.memory_space<vmem>> -> memref<128xi32, #tpu.memory_space<vmem>>
        %dma_start3A_249 = arith.constant 0 : i32
        %dma_start3A_250 = arith.constant 0 : i32
        %dma_start3A_251 = tpu.memref_slice %arg2[%dma_start3A_249, %dma_start3A_250] : memref<10000x64xf32, #tpu.memory_space<hbm>> -> memref<10000x64xf32, #tpu.memory_space<hbm>>
        %dma_start3A_252 = tpu.memref_slice %arg12[%dma_start3A_241] : memref<2x!tpu.dma_semaphore, #tpu.memory_space<semaphore_mem>> -> memref<1x!tpu.dma_semaphore, #tpu.memory_space<semaphore_mem>>
        %dma_start3A_253 = tpu.memref_squeeze %dma_start3A_252 : memref<1x!tpu.dma_semaphore, #tpu.memory_space<semaphore_mem>> -> memref<!tpu.dma_semaphore, #tpu.memory_space<semaphore_mem>>
        tpu.enqueue_indirect_dma source(%dma_start3A_251 : memref<10000x64xf32, #tpu.memory_space<hbm>>) target(%dma_start3A_245 : memref<128x64xf32, #tpu.memory_space<vmem>>) offsets(%dma_start3A_248 : memref<128xi32, #tpu.memory_space<vmem>>) semaphore(%dma_start3A_253 : memref<!tpu.dma_semaphore, #tpu.memory_space<semaphore_mem>>)
        %add3A_254 = arith.constant 2 : i32
        %add3A_255 = arith.addi %add3A_170, %add3A_254 : i32
        %dma_start3A_256 = arith.constant 1 : i32
        %dma_start3A_257 = arith.constant 1 : i32
        %dma_start3A_258 = arith.constant 0 : i32
        %dma_start3A_259 = arith.constant 0 : i32
        %dma_start3A_260 = tpu.memref_slice %arg10[%dma_start3A_256, %dma_start3A_258, %dma_start3A_259] : memref<2x128x64xf32, #tpu.memory_space<vmem>> -> memref<1x128x64xf32, #tpu.memory_space<vmem>>
        %dma_start3A_261 = tpu.memref_squeeze %dma_start3A_260 : memref<1x128x64xf32, #tpu.memory_space<vmem>> -> memref<128x64xf32, #tpu.memory_space<vmem>>
        %dma_start3A_262 = arith.constant 0 : i32
        %dma_start3A_263 = tpu.memref_slice %arg8[%add3A_255, %dma_start3A_262] : memref<80x128xi32, #tpu.memory_space<vmem>> -> memref<1x128xi32, #tpu.memory_space<vmem>>
        %dma_start3A_264 = tpu.memref_squeeze %dma_start3A_263 : memref<1x128xi32, #tpu.memory_space<vmem>> -> memref<128xi32, #tpu.memory_space<vmem>>
        %dma_start3A_265 = arith.constant 0 : i32
        %dma_start3A_266 = arith.constant 0 : i32
        %dma_start3A_267 = tpu.memref_slice %arg3[%dma_start3A_265, %dma_start3A_266] : memref<10000x64xf32, #tpu.memory_space<hbm>> -> memref<10000x64xf32, #tpu.memory_space<hbm>>
        %dma_start3A_268 = tpu.memref_slice %arg13[%dma_start3A_257] : memref<2x!tpu.dma_semaphore, #tpu.memory_space<semaphore_mem>> -> memref<1x!tpu.dma_semaphore, #tpu.memory_space<semaphore_mem>>
        %dma_start3A_269 = tpu.memref_squeeze %dma_start3A_268 : memref<1x!tpu.dma_semaphore, #tpu.memory_space<semaphore_mem>> -> memref<!tpu.dma_semaphore, #tpu.memory_space<semaphore_mem>>
        tpu.enqueue_indirect_dma source(%dma_start3A_267 : memref<10000x64xf32, #tpu.memory_space<hbm>>) target(%dma_start3A_261 : memref<128x64xf32, #tpu.memory_space<vmem>>) offsets(%dma_start3A_264 : memref<128xi32, #tpu.memory_space<vmem>>) semaphore(%dma_start3A_269 : memref<!tpu.dma_semaphore, #tpu.memory_space<semaphore_mem>>)
      } else {
      }
      %scan3A_237 = arith.constant 0 : i32
      scf.yield %scan3A_237 : i32
    }
    %scan3A_69 = arith.constant 40 : i32
    %dma_wait3A = arith.constant 0 : i32
    %dma_wait3A_70 = arith.constant 0 : i32
    %dma_wait3A_71 = arith.constant 0 : i32
    %dma_wait3A_72 = arith.constant 0 : i32
    %dma_wait3A_73 = tpu.memref_slice %arg11[%dma_wait3A, %dma_wait3A_71, %dma_wait3A_72] : memref<2x128x128xf32, #tpu.memory_space<vmem>> -> memref<1x128x128xf32, #tpu.memory_space<vmem>>
    %dma_wait3A_74 = tpu.memref_squeeze %dma_wait3A_73 : memref<1x128x128xf32, #tpu.memory_space<vmem>> -> memref<128x128xf32, #tpu.memory_space<vmem>>
    %dma_wait3A_75 = arith.constant 0 : i32
    %dma_wait3A_76 = tpu.memref_slice %arg6[%mul3A_4, %dma_wait3A_75] : memref<327680x128xf32, #tpu.memory_space<hbm>> -> memref<128x128xf32, #tpu.memory_space<hbm>>
    %dma_wait3A_77 = tpu.memref_slice %arg14[%dma_wait3A_70] : memref<2x!tpu.dma_semaphore, #tpu.memory_space<semaphore_mem>> -> memref<1x!tpu.dma_semaphore, #tpu.memory_space<semaphore_mem>>
    %dma_wait3A_78 = tpu.memref_squeeze %dma_wait3A_77 : memref<1x!tpu.dma_semaphore, #tpu.memory_space<semaphore_mem>> -> memref<!tpu.dma_semaphore, #tpu.memory_space<semaphore_mem>>
    %dma_wait3A_79 = arith.constant 0 : i32
    %dma_wait3A_80 = tpu.memref_slice %arg6[%mul3A_4, %dma_wait3A_79] : memref<327680x128xf32, #tpu.memory_space<hbm>> -> memref<128x128xf32, #tpu.memory_space<hbm>>
    %dma_wait3A_81 = arith.constant 0 : i32
    %dma_wait3A_82 = arith.constant 0 : i32
    %dma_wait3A_83 = tpu.memref_slice %arg11[%dma_wait3A, %dma_wait3A_81, %dma_wait3A_82] : memref<2x128x128xf32, #tpu.memory_space<vmem>> -> memref<1x128x128xf32, #tpu.memory_space<vmem>>
    %dma_wait3A_84 = tpu.memref_squeeze %dma_wait3A_83 : memref<1x128x128xf32, #tpu.memory_space<vmem>> -> memref<128x128xf32, #tpu.memory_space<vmem>>
    tpu.wait_dma2 semaphore(%dma_wait3A_78 : memref<!tpu.dma_semaphore, #tpu.memory_space<semaphore_mem>>) src(%dma_wait3A_84 : memref<128x128xf32, #tpu.memory_space<vmem>>) dst(%dma_wait3A_80 : memref<128x128xf32, #tpu.memory_space<hbm>>)
    %dma_wait3A_85 = arith.constant 1 : i32
    %dma_wait3A_86 = arith.constant 1 : i32
    %dma_wait3A_87 = arith.constant 0 : i32
    %dma_wait3A_88 = arith.constant 0 : i32
    %dma_wait3A_89 = tpu.memref_slice %arg11[%dma_wait3A_85, %dma_wait3A_87, %dma_wait3A_88] : memref<2x128x128xf32, #tpu.memory_space<vmem>> -> memref<1x128x128xf32, #tpu.memory_space<vmem>>
    %dma_wait3A_90 = tpu.memref_squeeze %dma_wait3A_89 : memref<1x128x128xf32, #tpu.memory_space<vmem>> -> memref<128x128xf32, #tpu.memory_space<vmem>>
    %dma_wait3A_91 = arith.constant 0 : i32
    %dma_wait3A_92 = tpu.memref_slice %arg6[%mul3A_4, %dma_wait3A_91] : memref<327680x128xf32, #tpu.memory_space<hbm>> -> memref<128x128xf32, #tpu.memory_space<hbm>>
    %dma_wait3A_93 = tpu.memref_slice %arg14[%dma_wait3A_86] : memref<2x!tpu.dma_semaphore, #tpu.memory_space<semaphore_mem>> -> memref<1x!tpu.dma_semaphore, #tpu.memory_space<semaphore_mem>>
    %dma_wait3A_94 = tpu.memref_squeeze %dma_wait3A_93 : memref<1x!tpu.dma_semaphore, #tpu.memory_space<semaphore_mem>> -> memref<!tpu.dma_semaphore, #tpu.memory_space<semaphore_mem>>
    %dma_wait3A_95 = arith.constant 0 : i32
    %dma_wait3A_96 = tpu.memref_slice %arg6[%mul3A_4, %dma_wait3A_95] : memref<327680x128xf32, #tpu.memory_space<hbm>> -> memref<128x128xf32, #tpu.memory_space<hbm>>
    %dma_wait3A_97 = arith.constant 0 : i32
    %dma_wait3A_98 = arith.constant 0 : i32
    %dma_wait3A_99 = tpu.memref_slice %arg11[%dma_wait3A_85, %dma_wait3A_97, %dma_wait3A_98] : memref<2x128x128xf32, #tpu.memory_space<vmem>> -> memref<1x128x128xf32, #tpu.memory_space<vmem>>
    %dma_wait3A_100 = tpu.memref_squeeze %dma_wait3A_99 : memref<1x128x128xf32, #tpu.memory_space<vmem>> -> memref<128x128xf32, #tpu.memory_space<vmem>>
    tpu.wait_dma2 semaphore(%dma_wait3A_94 : memref<!tpu.dma_semaphore, #tpu.memory_space<semaphore_mem>>) src(%dma_wait3A_100 : memref<128x128xf32, #tpu.memory_space<vmem>>) dst(%dma_wait3A_96 : memref<128x128xf32, #tpu.memory_space<hbm>>)
    return
  }
}

module attributes {stable_mosaic.version = 14 : i64} {
  func.func @tc_a_body(%arg0: i32, %arg1: memref<1000x128xf32, #tpu.memory_space<vmem>>, %arg2: memref<128x64xf32, #tpu.memory_space<vmem>>, %arg3: memref<1000x1xf32, #tpu.memory_space<vmem>>, %arg4: memref<1000x1xf32, #tpu.memory_space<vmem>>, %arg5: memref<1000x64xf32, #tpu.memory_space<vmem>>, %arg6: memref<1000x1xf32, #tpu.memory_space<vmem>>) attributes {dimension_semantics = [#tpu.dimension_semantics<arbitrary>], iteration_bounds = array<i64: 10>, scalar_prefetch = 0 : i64, scratch_operands = 0 : i64, tpu.core_type = #tpu.core_type<tc>, window_params = [{transform_indices = @transform_0, window_bounds = array<i64: 1000, 128>}, {pipeline_mode = #tpu.pipeline_mode<synchronous>, transform_indices = @transform_1, window_bounds = array<i64: 128, 64>}, {transform_indices = @transform_2, window_bounds = array<i64: 1000, 1>}, {transform_indices = @transform_3, window_bounds = array<i64: 1000, 1>}, {transform_indices = @transform_4, window_bounds = array<i64: 1000, 64>}, {transform_indices = @transform_5, window_bounds = array<i64: 1000, 1>}]} {
    %get3A = arith.constant 0 : index
    %get3A_0 = arith.constant 0 : index
    %get3A_1 = vector.load %arg3[%get3A, %get3A_0] : memref<1000x1xf32, #tpu.memory_space<vmem>>, vector<1000x1xf32>
    %get3A_2 = arith.constant 0 : index
    %get3A_3 = arith.constant 0 : index
    %get3A_4 = vector.load %arg4[%get3A_2, %get3A_3] : memref<1000x1xf32, #tpu.memory_space<vmem>>, vector<1000x1xf32>
    %add3A = arith.addf %get3A_1, %get3A_4 : vector<1000x1xf32>
    %add3A_5 = arith.constant 1.000000e+00 : f32
    %add3A_6 = vector.broadcast %add3A_5 : f32 to vector<1000x1xf32>
    %add3A_7 = arith.addf %add3A, %add3A_6 : vector<1000x1xf32>
    %rsqrt3A = math.rsqrt %add3A_7 : vector<1000x1xf32>
    %get3A_8 = arith.constant 0 : index
    %get3A_9 = arith.constant 0 : index
    %get3A_10 = vector.load %arg1[%get3A_8, %get3A_9] : memref<1000x128xf32, #tpu.memory_space<vmem>>, vector<1000x128xf32>
    %get3A_11 = arith.constant 0 : index
    %get3A_12 = arith.constant 0 : index
    %get3A_13 = vector.load %arg2[%get3A_11, %get3A_12] : memref<128x64xf32, #tpu.memory_space<vmem>>, vector<128x64xf32>
    %dot_general3A = arith.constant dense<0.000000e+00> : vector<1000x64xf32>
    %dot_general3A_14 = tpu.matmul %get3A_10, %get3A_13, %dot_general3A {dimension_numbers = #tpu.dot_dimension_numbers<[1], [0], [0], [1], [0, 0, 1, 1], [], []>, transpose_lhs_hint = false} : vector<1000x128xf32>, vector<128x64xf32>, vector<1000x64xf32> -> vector<1000x64xf32>
    %mul3A = vector.broadcast %rsqrt3A : vector<1000x1xf32> to vector<1000x64xf32>
    %mul3A_15 = arith.mulf %dot_general3A_14, %mul3A : vector<1000x64xf32>
    %swap3A = arith.constant 0 : index
    %swap3A_16 = arith.constant 0 : index
    %swap3A_17 = vector.load %arg5[%swap3A, %swap3A_16] : memref<1000x64xf32, #tpu.memory_space<vmem>>, vector<1000x64xf32>
    tpu.vector_store %arg5[%swap3A, %swap3A_16], %mul3A_15 {strides = array<i32>} : memref<1000x64xf32, #tpu.memory_space<vmem>>, vector<1000x64xf32>,
    %swap3A_18 = arith.constant 0 : index
    %swap3A_19 = arith.constant 0 : index
    %swap3A_20 = vector.load %arg6[%swap3A_18, %swap3A_19] : memref<1000x1xf32, #tpu.memory_space<vmem>>, vector<1000x1xf32>
    tpu.vector_store %arg6[%swap3A_18, %swap3A_19], %rsqrt3A {strides = array<i32>} : memref<1000x1xf32, #tpu.memory_space<vmem>>, vector<1000x1xf32>,
    return
  }
  func.func @transform_0(%arg0: i32) -> (i32, i32) {
    %c0_i32 = arith.constant 0 : i32
    %c0_i32_0 = arith.constant 0 : i32
    return %arg0, %c0_i32 : i32, i32
  }
  func.func @transform_1(%arg0: i32) -> (i32, i32) {
    %c0_i32 = arith.constant 0 : i32
    %c0_i32_0 = arith.constant 0 : i32
    %c0_i32_1 = arith.constant 0 : i32
    return %c0_i32, %c0_i32_0 : i32, i32
  }
  func.func @transform_2(%arg0: i32) -> (i32, i32) {
    %c0_i32 = arith.constant 0 : i32
    %c0_i32_0 = arith.constant 0 : i32
    return %arg0, %c0_i32 : i32, i32
  }
  func.func @transform_3(%arg0: i32) -> (i32, i32) {
    %c0_i32 = arith.constant 0 : i32
    %c0_i32_0 = arith.constant 0 : i32
    return %arg0, %c0_i32 : i32, i32
  }
  func.func @transform_4(%arg0: i32) -> (i32, i32) {
    %c0_i32 = arith.constant 0 : i32
    %c0_i32_0 = arith.constant 0 : i32
    return %arg0, %c0_i32 : i32, i32
  }
  func.func @transform_5(%arg0: i32) -> (i32, i32) {
    %c0_i32 = arith.constant 0 : i32
    %c0_i32_0 = arith.constant 0 : i32
    return %arg0, %c0_i32 : i32, i32
  }
}

module attributes {stable_mosaic.version = 14 : i64} {
  func.func @tc_layer_body(%arg0: i32, %arg1: memref<1000x64xf32, #tpu.memory_space<vmem>>, %arg2: memref<1000x64xf32, #tpu.memory_space<vmem>>, %arg3: memref<1000x64xf32, #tpu.memory_space<vmem>>, %arg4: memref<1000x1xf32, #tpu.memory_space<vmem>>, %arg5: memref<1x64xf32, #tpu.memory_space<vmem>>, %arg6: memref<64x64xf32, #tpu.memory_space<vmem>>, %arg7: memref<1000x64xf32, #tpu.memory_space<vmem>>) attributes {dimension_semantics = [#tpu.dimension_semantics<arbitrary>], iteration_bounds = array<i64: 10>, scalar_prefetch = 0 : i64, scratch_operands = 0 : i64, tpu.core_type = #tpu.core_type<tc>, window_params = [{transform_indices = @transform_0, window_bounds = array<i64: 1000, 64>}, {transform_indices = @transform_1, window_bounds = array<i64: 1000, 64>}, {transform_indices = @transform_2, window_bounds = array<i64: 1000, 64>}, {transform_indices = @transform_3, window_bounds = array<i64: 1000, 1>}, {pipeline_mode = #tpu.pipeline_mode<synchronous>, transform_indices = @transform_4, window_bounds = array<i64: 1, 64>}, {pipeline_mode = #tpu.pipeline_mode<synchronous>, transform_indices = @transform_5, window_bounds = array<i64: 64, 64>}, {transform_indices = @transform_6, window_bounds = array<i64: 1000, 64>}]} {
    %get3A = arith.constant 0 : index
    %get3A_0 = arith.constant 0 : index
    %get3A_1 = vector.load %arg1[%get3A, %get3A_0] : memref<1000x64xf32, #tpu.memory_space<vmem>>, vector<1000x64xf32>
    %get3A_2 = arith.constant 0 : index
    %get3A_3 = arith.constant 0 : index
    %get3A_4 = vector.load %arg2[%get3A_2, %get3A_3] : memref<1000x64xf32, #tpu.memory_space<vmem>>, vector<1000x64xf32>
    %add3A = arith.addf %get3A_1, %get3A_4 : vector<1000x64xf32>
    %get3A_5 = arith.constant 0 : index
    %get3A_6 = arith.constant 0 : index
    %get3A_7 = vector.load %arg3[%get3A_5, %get3A_6] : memref<1000x64xf32, #tpu.memory_space<vmem>>, vector<1000x64xf32>
    %add3A_8 = arith.addf %add3A, %get3A_7 : vector<1000x64xf32>
    %get3A_9 = arith.constant 0 : index
    %get3A_10 = arith.constant 0 : index
    %get3A_11 = vector.load %arg4[%get3A_9, %get3A_10] : memref<1000x1xf32, #tpu.memory_space<vmem>>, vector<1000x1xf32>
    %mul3A = vector.broadcast %get3A_11 : vector<1000x1xf32> to vector<1000x64xf32>
    %mul3A_12 = arith.mulf %add3A_8, %mul3A : vector<1000x64xf32>
    %get3A_13 = arith.constant 0 : index
    %get3A_14 = arith.constant 0 : index
    %get3A_15 = vector.load %arg5[%get3A_13, %get3A_14] : memref<1x64xf32, #tpu.memory_space<vmem>>, vector<1x64xf32>
    %add3A_16 = vector.broadcast %get3A_15 : vector<1x64xf32> to vector<1000x64xf32>
    %add3A_17 = arith.addf %mul3A_12, %add3A_16 : vector<1000x64xf32>
    %max3A = arith.constant 0.000000e+00 : f32
    %max3A_18 = vector.broadcast %max3A : f32 to vector<1000x64xf32>
    %max3A_19 = arith.maximumf %add3A_17, %max3A_18 : vector<1000x64xf32>
    %get3A_20 = arith.constant 0 : index
    %get3A_21 = arith.constant 0 : index
    %get3A_22 = vector.load %arg6[%get3A_20, %get3A_21] : memref<64x64xf32, #tpu.memory_space<vmem>>, vector<64x64xf32>
    %dot_general3A = arith.constant dense<0.000000e+00> : vector<1000x64xf32>
    %dot_general3A_23 = tpu.matmul %max3A_19, %get3A_22, %dot_general3A {dimension_numbers = #tpu.dot_dimension_numbers<[1], [0], [0], [1], [0, 0, 1, 1], [], []>, transpose_lhs_hint = false} : vector<1000x64xf32>, vector<64x64xf32>, vector<1000x64xf32> -> vector<1000x64xf32>
    %get3A_24 = arith.constant 0 : index
    %get3A_25 = arith.constant 0 : index
    %get3A_26 = vector.load %arg4[%get3A_24, %get3A_25] : memref<1000x1xf32, #tpu.memory_space<vmem>>, vector<1000x1xf32>
    %mul3A_27 = vector.broadcast %get3A_26 : vector<1000x1xf32> to vector<1000x64xf32>
    %mul3A_28 = arith.mulf %dot_general3A_23, %mul3A_27 : vector<1000x64xf32>
    %swap3A = arith.constant 0 : index
    %swap3A_29 = arith.constant 0 : index
    %swap3A_30 = vector.load %arg7[%swap3A, %swap3A_29] : memref<1000x64xf32, #tpu.memory_space<vmem>>, vector<1000x64xf32>
    tpu.vector_store %arg7[%swap3A, %swap3A_29], %mul3A_28 {strides = array<i32>} : memref<1000x64xf32, #tpu.memory_space<vmem>>, vector<1000x64xf32>,
    return
  }
  func.func @transform_0(%arg0: i32) -> (i32, i32) {
    %c0_i32 = arith.constant 0 : i32
    %c0_i32_0 = arith.constant 0 : i32
    return %arg0, %c0_i32 : i32, i32
  }
  func.func @transform_1(%arg0: i32) -> (i32, i32) {
    %c0_i32 = arith.constant 0 : i32
    %c0_i32_0 = arith.constant 0 : i32
    return %arg0, %c0_i32 : i32, i32
  }
  func.func @transform_2(%arg0: i32) -> (i32, i32) {
    %c0_i32 = arith.constant 0 : i32
    %c0_i32_0 = arith.constant 0 : i32
    return %arg0, %c0_i32 : i32, i32
  }
  func.func @transform_3(%arg0: i32) -> (i32, i32) {
    %c0_i32 = arith.constant 0 : i32
    %c0_i32_0 = arith.constant 0 : i32
    return %arg0, %c0_i32 : i32, i32
  }
  func.func @transform_4(%arg0: i32) -> (i32, i32) {
    %c0_i32 = arith.constant 0 : i32
    %c0_i32_0 = arith.constant 0 : i32
    %c0_i32_1 = arith.constant 0 : i32
    return %c0_i32, %c0_i32_0 : i32, i32
  }
  func.func @transform_5(%arg0: i32) -> (i32, i32) {
    %c0_i32 = arith.constant 0 : i32
    %c0_i32_0 = arith.constant 0 : i32
    %c0_i32_1 = arith.constant 0 : i32
    return %c0_i32, %c0_i32_0 : i32, i32
  }
  func.func @transform_6(%arg0: i32) -> (i32, i32) {
    %c0_i32 = arith.constant 0 : i32
    %c0_i32_0 = arith.constant 0 : i32
    return %arg0, %c0_i32 : i32, i32
  }
}

module attributes {stable_mosaic.version = 14 : i64} {
  func.func @tc_final_body(%arg0: i32, %arg1: memref<1000x64xf32, #tpu.memory_space<vmem>>, %arg2: memref<1000x64xf32, #tpu.memory_space<vmem>>, %arg3: memref<1000x64xf32, #tpu.memory_space<vmem>>, %arg4: memref<1000x1xf32, #tpu.memory_space<vmem>>, %arg5: memref<1x64xf32, #tpu.memory_space<vmem>>, %arg6: memref<64x64xf32, #tpu.memory_space<vmem>>, %arg7: memref<64x64xf32, #tpu.memory_space<vmem>>, %arg8: memref<1000x64xf32, #tpu.memory_space<vmem>>, %arg9: memref<1000x64xf32, #tpu.memory_space<vmem>>) attributes {dimension_semantics = [#tpu.dimension_semantics<arbitrary>], iteration_bounds = array<i64: 10>, scalar_prefetch = 0 : i64, scratch_operands = 0 : i64, tpu.core_type = #tpu.core_type<tc>, window_params = [{transform_indices = @transform_0, window_bounds = array<i64: 1000, 64>}, {transform_indices = @transform_1, window_bounds = array<i64: 1000, 64>}, {transform_indices = @transform_2, window_bounds = array<i64: 1000, 64>}, {transform_indices = @transform_3, window_bounds = array<i64: 1000, 1>}, {pipeline_mode = #tpu.pipeline_mode<synchronous>, transform_indices = @transform_4, window_bounds = array<i64: 1, 64>}, {pipeline_mode = #tpu.pipeline_mode<synchronous>, transform_indices = @transform_5, window_bounds = array<i64: 64, 64>}, {pipeline_mode = #tpu.pipeline_mode<synchronous>, transform_indices = @transform_6, window_bounds = array<i64: 64, 64>}, {transform_indices = @transform_7, window_bounds = array<i64: 1000, 64>}, {transform_indices = @transform_8, window_bounds = array<i64: 1000, 64>}]} {
    %get3A = arith.constant 0 : index
    %get3A_0 = arith.constant 0 : index
    %get3A_1 = vector.load %arg1[%get3A, %get3A_0] : memref<1000x64xf32, #tpu.memory_space<vmem>>, vector<1000x64xf32>
    %get3A_2 = arith.constant 0 : index
    %get3A_3 = arith.constant 0 : index
    %get3A_4 = vector.load %arg2[%get3A_2, %get3A_3] : memref<1000x64xf32, #tpu.memory_space<vmem>>, vector<1000x64xf32>
    %add3A = arith.addf %get3A_1, %get3A_4 : vector<1000x64xf32>
    %get3A_5 = arith.constant 0 : index
    %get3A_6 = arith.constant 0 : index
    %get3A_7 = vector.load %arg3[%get3A_5, %get3A_6] : memref<1000x64xf32, #tpu.memory_space<vmem>>, vector<1000x64xf32>
    %add3A_8 = arith.addf %add3A, %get3A_7 : vector<1000x64xf32>
    %get3A_9 = arith.constant 0 : index
    %get3A_10 = arith.constant 0 : index
    %get3A_11 = vector.load %arg4[%get3A_9, %get3A_10] : memref<1000x1xf32, #tpu.memory_space<vmem>>, vector<1000x1xf32>
    %mul3A = vector.broadcast %get3A_11 : vector<1000x1xf32> to vector<1000x64xf32>
    %mul3A_12 = arith.mulf %add3A_8, %mul3A : vector<1000x64xf32>
    %get3A_13 = arith.constant 0 : index
    %get3A_14 = arith.constant 0 : index
    %get3A_15 = vector.load %arg5[%get3A_13, %get3A_14] : memref<1x64xf32, #tpu.memory_space<vmem>>, vector<1x64xf32>
    %add3A_16 = vector.broadcast %get3A_15 : vector<1x64xf32> to vector<1000x64xf32>
    %add3A_17 = arith.addf %mul3A_12, %add3A_16 : vector<1000x64xf32>
    %max3A = arith.constant 0.000000e+00 : f32
    %max3A_18 = vector.broadcast %max3A : f32 to vector<1000x64xf32>
    %max3A_19 = arith.maximumf %add3A_17, %max3A_18 : vector<1000x64xf32>
    %get3A_20 = arith.constant 0 : index
    %get3A_21 = arith.constant 0 : index
    %get3A_22 = vector.load %arg6[%get3A_20, %get3A_21] : memref<64x64xf32, #tpu.memory_space<vmem>>, vector<64x64xf32>
    %dot_general3A = arith.constant dense<0.000000e+00> : vector<1000x64xf32>
    %dot_general3A_23 = tpu.matmul %max3A_19, %get3A_22, %dot_general3A {dimension_numbers = #tpu.dot_dimension_numbers<[1], [0], [0], [1], [0, 0, 1, 1], [], []>, transpose_lhs_hint = false} : vector<1000x64xf32>, vector<64x64xf32>, vector<1000x64xf32> -> vector<1000x64xf32>
    %swap3A = arith.constant 0 : index
    %swap3A_24 = arith.constant 0 : index
    %swap3A_25 = vector.load %arg8[%swap3A, %swap3A_24] : memref<1000x64xf32, #tpu.memory_space<vmem>>, vector<1000x64xf32>
    tpu.vector_store %arg8[%swap3A, %swap3A_24], %dot_general3A_23 {strides = array<i32>} : memref<1000x64xf32, #tpu.memory_space<vmem>>, vector<1000x64xf32>,
    %get3A_26 = arith.constant 0 : index
    %get3A_27 = arith.constant 0 : index
    %get3A_28 = vector.load %arg7[%get3A_26, %get3A_27] : memref<64x64xf32, #tpu.memory_space<vmem>>, vector<64x64xf32>
    %dot_general3A_29 = arith.constant dense<0.000000e+00> : vector<1000x64xf32>
    %dot_general3A_30 = tpu.matmul %max3A_19, %get3A_28, %dot_general3A_29 {dimension_numbers = #tpu.dot_dimension_numbers<[1], [0], [0], [1], [0, 0, 1, 1], [], []>, transpose_lhs_hint = false} : vector<1000x64xf32>, vector<64x64xf32>, vector<1000x64xf32> -> vector<1000x64xf32>
    %swap3A_31 = arith.constant 0 : index
    %swap3A_32 = arith.constant 0 : index
    %swap3A_33 = vector.load %arg9[%swap3A_31, %swap3A_32] : memref<1000x64xf32, #tpu.memory_space<vmem>>, vector<1000x64xf32>
    tpu.vector_store %arg9[%swap3A_31, %swap3A_32], %dot_general3A_30 {strides = array<i32>} : memref<1000x64xf32, #tpu.memory_space<vmem>>, vector<1000x64xf32>,
    return
  }
  func.func @transform_0(%arg0: i32) -> (i32, i32) {
    %c0_i32 = arith.constant 0 : i32
    %c0_i32_0 = arith.constant 0 : i32
    return %arg0, %c0_i32 : i32, i32
  }
  func.func @transform_1(%arg0: i32) -> (i32, i32) {
    %c0_i32 = arith.constant 0 : i32
    %c0_i32_0 = arith.constant 0 : i32
    return %arg0, %c0_i32 : i32, i32
  }
  func.func @transform_2(%arg0: i32) -> (i32, i32) {
    %c0_i32 = arith.constant 0 : i32
    %c0_i32_0 = arith.constant 0 : i32
    return %arg0, %c0_i32 : i32, i32
  }
  func.func @transform_3(%arg0: i32) -> (i32, i32) {
    %c0_i32 = arith.constant 0 : i32
    %c0_i32_0 = arith.constant 0 : i32
    return %arg0, %c0_i32 : i32, i32
  }
  func.func @transform_4(%arg0: i32) -> (i32, i32) {
    %c0_i32 = arith.constant 0 : i32
    %c0_i32_0 = arith.constant 0 : i32
    %c0_i32_1 = arith.constant 0 : i32
    return %c0_i32, %c0_i32_0 : i32, i32
  }
  func.func @transform_5(%arg0: i32) -> (i32, i32) {
    %c0_i32 = arith.constant 0 : i32
    %c0_i32_0 = arith.constant 0 : i32
    %c0_i32_1 = arith.constant 0 : i32
    return %c0_i32, %c0_i32_0 : i32, i32
  }
  func.func @transform_6(%arg0: i32) -> (i32, i32) {
    %c0_i32 = arith.constant 0 : i32
    %c0_i32_0 = arith.constant 0 : i32
    %c0_i32_1 = arith.constant 0 : i32
    return %c0_i32, %c0_i32_0 : i32, i32
  }
  func.func @transform_7(%arg0: i32) -> (i32, i32) {
    %c0_i32 = arith.constant 0 : i32
    %c0_i32_0 = arith.constant 0 : i32
    return %arg0, %c0_i32 : i32, i32
  }
  func.func @transform_8(%arg0: i32) -> (i32, i32) {
    %c0_i32 = arith.constant 0 : i32
    %c0_i32_0 = arith.constant 0 : i32
    return %arg0, %c0_i32 : i32, i32
  }
}

module attributes {stable_mosaic.version = 14 : i64} {
  func.func @tc_edge_body(%arg0: i32, %arg1: memref<2560x128xf32, #tpu.memory_space<vmem>>, %arg2: memref<2560x16xf32, #tpu.memory_space<vmem>>, %arg3: memref<16x64xf32, #tpu.memory_space<vmem>>, %arg4: memref<1x64xf32, #tpu.memory_space<vmem>>, %arg5: memref<64x64xf32, #tpu.memory_space<vmem>>, %arg6: memref<1x64xf32, #tpu.memory_space<vmem>>, %arg7: memref<64x64xf32, #tpu.memory_space<vmem>>, %arg8: memref<1x64xf32, #tpu.memory_space<vmem>>, %arg9: memref<64x32xf32, #tpu.memory_space<vmem>>, %arg10: memref<1x32xf32, #tpu.memory_space<vmem>>, %arg11: memref<32x2xf32, #tpu.memory_space<vmem>>, %arg12: memref<1x2xf32, #tpu.memory_space<vmem>>, %arg13: memref<2x2560xf32, #tpu.memory_space<vmem>>) attributes {dimension_semantics = [#tpu.dimension_semantics<arbitrary>], iteration_bounds = array<i64: 128>, scalar_prefetch = 0 : i64, scratch_operands = 0 : i64, tpu.core_type = #tpu.core_type<tc>, window_params = [{transform_indices = @transform_0, window_bounds = array<i64: 2560, 128>}, {transform_indices = @transform_1, window_bounds = array<i64: 2560, 16>}, {pipeline_mode = #tpu.pipeline_mode<synchronous>, transform_indices = @transform_2, window_bounds = array<i64: 16, 64>}, {pipeline_mode = #tpu.pipeline_mode<synchronous>, transform_indices = @transform_3, window_bounds = array<i64: 1, 64>}, {pipeline_mode = #tpu.pipeline_mode<synchronous>, transform_indices = @transform_4, window_bounds = array<i64: 64, 64>}, {pipeline_mode = #tpu.pipeline_mode<synchronous>, transform_indices = @transform_5, window_bounds = array<i64: 1, 64>}, {pipeline_mode = #tpu.pipeline_mode<synchronous>, transform_indices = @transform_6, window_bounds = array<i64: 64, 64>}, {pipeline_mode = #tpu.pipeline_mode<synchronous>, transform_indices = @transform_7, window_bounds = array<i64: 1, 64>}, {pipeline_mode = #tpu.pipeline_mode<synchronous>, transform_indices = @transform_8, window_bounds = array<i64: 64, 32>}, {pipeline_mode = #tpu.pipeline_mode<synchronous>, transform_indices = @transform_9, window_bounds = array<i64: 1, 32>}, {pipeline_mode = #tpu.pipeline_mode<synchronous>, transform_indices = @transform_10, window_bounds = array<i64: 32, 2>}, {pipeline_mode = #tpu.pipeline_mode<synchronous>, transform_indices = @transform_11, window_bounds = array<i64: 1, 2>}, {transform_indices = @transform_12, window_bounds = array<i64: 2, 2560>}]} {
    %get3A = arith.constant 0 : index
    %get3A_0 = arith.constant 0 : index
    %get3A_1 = vector.load %arg2[%get3A, %get3A_0] : memref<2560x16xf32, #tpu.memory_space<vmem>>, vector<2560x16xf32>
    %get3A_2 = arith.constant 0 : index
    %get3A_3 = arith.constant 0 : index
    %get3A_4 = vector.load %arg3[%get3A_2, %get3A_3] : memref<16x64xf32, #tpu.memory_space<vmem>>, vector<16x64xf32>
    %dot_general3A = arith.constant dense<0.000000e+00> : vector<2560x64xf32>
    %dot_general3A_5 = tpu.matmul %get3A_1, %get3A_4, %dot_general3A {dimension_numbers = #tpu.dot_dimension_numbers<[1], [0], [0], [1], [0, 0, 1, 1], [], []>, transpose_lhs_hint = false} : vector<2560x16xf32>, vector<16x64xf32>, vector<2560x64xf32> -> vector<2560x64xf32>
    %get3A_6 = arith.constant 0 : index
    %get3A_7 = arith.constant 0 : index
    %get3A_8 = vector.load %arg4[%get3A_6, %get3A_7] : memref<1x64xf32, #tpu.memory_space<vmem>>, vector<1x64xf32>
    %add3A = vector.broadcast %get3A_8 : vector<1x64xf32> to vector<2560x64xf32>
    %add3A_9 = arith.addf %dot_general3A_5, %add3A : vector<2560x64xf32>
    %max3A = arith.constant 0.000000e+00 : f32
    %max3A_10 = vector.broadcast %max3A : f32 to vector<2560x64xf32>
    %max3A_11 = arith.maximumf %add3A_9, %max3A_10 : vector<2560x64xf32>
    %get3A_12 = arith.constant 0 : index
    %get3A_13 = arith.constant 0 : index
    %get3A_14 = vector.load %arg5[%get3A_12, %get3A_13] : memref<64x64xf32, #tpu.memory_space<vmem>>, vector<64x64xf32>
    %get3A_15 = arith.constant 0 : index
    %get3A_16 = arith.constant 0 : index
    %get3A_17 = vector.load %arg7[%get3A_15, %get3A_16] : memref<64x64xf32, #tpu.memory_space<vmem>>, vector<64x64xf32>
    %dot_general3A_18 = arith.constant dense<0.000000e+00> : vector<64x64xf32>
    %dot_general3A_19 = tpu.matmul %get3A_14, %get3A_17, %dot_general3A_18 {dimension_numbers = #tpu.dot_dimension_numbers<[1], [0], [0], [1], [0, 0, 1, 1], [], []>, transpose_lhs_hint = false} : vector<64x64xf32>, vector<64x64xf32>, vector<64x64xf32> -> vector<64x64xf32>
    %get3A_20 = arith.constant 0 : index
    %get3A_21 = arith.constant 0 : index
    %get3A_22 = vector.load %arg6[%get3A_20, %get3A_21] : memref<1x64xf32, #tpu.memory_space<vmem>>, vector<1x64xf32>
    %get3A_23 = arith.constant 0 : index
    %get3A_24 = arith.constant 0 : index
    %get3A_25 = vector.load %arg7[%get3A_23, %get3A_24] : memref<64x64xf32, #tpu.memory_space<vmem>>, vector<64x64xf32>
    %dot_general3A_26 = arith.constant dense<0.000000e+00> : vector<1x64xf32>
    %dot_general3A_27 = tpu.matmul %get3A_22, %get3A_25, %dot_general3A_26 {dimension_numbers = #tpu.dot_dimension_numbers<[1], [0], [0], [1], [0, 0, 1, 1], [], []>, transpose_lhs_hint = false} : vector<1x64xf32>, vector<64x64xf32>, vector<1x64xf32> -> vector<1x64xf32>
    %get3A_28 = arith.constant 0 : index
    %get3A_29 = arith.constant 0 : index
    %get3A_30 = vector.load %arg8[%get3A_28, %get3A_29] : memref<1x64xf32, #tpu.memory_space<vmem>>, vector<1x64xf32>
    %add3A_31 = arith.addf %dot_general3A_27, %get3A_30 : vector<1x64xf32>
    %dot_general3A_32 = arith.constant dense<0.000000e+00> : vector<2560x64xf32>
    %dot_general3A_33 = tpu.matmul %max3A_11, %dot_general3A_19, %dot_general3A_32 {dimension_numbers = #tpu.dot_dimension_numbers<[1], [0], [0], [1], [0, 0, 1, 1], [], []>, transpose_lhs_hint = false} : vector<2560x64xf32>, vector<64x64xf32>, vector<2560x64xf32> -> vector<2560x64xf32>
    %add3A_34 = vector.broadcast %add3A_31 : vector<1x64xf32> to vector<2560x64xf32>
    %add3A_35 = arith.addf %dot_general3A_33, %add3A_34 : vector<2560x64xf32>
    %get3A_36 = arith.constant 0 : index
    %get3A_37 = arith.constant 0 : index
    %get3A_38 = vector.load %arg1[%get3A_36, %get3A_37] : memref<2560x128xf32, #tpu.memory_space<vmem>>, vector<2560x64xf32>
    %get3A_39 = arith.constant 0 : index
    %get3A_40 = arith.constant 64 : index
    %get3A_41 = vector.load %arg1[%get3A_39, %get3A_40] : memref<2560x128xf32, #tpu.memory_space<vmem>>, vector<2560x64xf32>
    %add3A_42 = arith.addf %get3A_38, %get3A_41 : vector<2560x64xf32>
    %add3A_43 = arith.addf %add3A_42, %add3A_35 : vector<2560x64xf32>
    %max3A_44 = arith.constant 0.000000e+00 : f32
    %max3A_45 = vector.broadcast %max3A_44 : f32 to vector<2560x64xf32>
    %max3A_46 = arith.maximumf %add3A_43, %max3A_45 : vector<2560x64xf32>
    %get3A_47 = arith.constant 0 : index
    %get3A_48 = arith.constant 0 : index
    %get3A_49 = vector.load %arg9[%get3A_47, %get3A_48] : memref<64x32xf32, #tpu.memory_space<vmem>>, vector<64x32xf32>
    %dot_general3A_50 = arith.constant dense<0.000000e+00> : vector<2560x32xf32>
    %dot_general3A_51 = tpu.matmul %max3A_46, %get3A_49, %dot_general3A_50 {dimension_numbers = #tpu.dot_dimension_numbers<[1], [0], [0], [1], [0, 0, 1, 1], [], []>, transpose_lhs_hint = false} : vector<2560x64xf32>, vector<64x32xf32>, vector<2560x32xf32> -> vector<2560x32xf32>
    %get3A_52 = arith.constant 0 : index
    %get3A_53 = arith.constant 0 : index
    %get3A_54 = vector.load %arg10[%get3A_52, %get3A_53] : memref<1x32xf32, #tpu.memory_space<vmem>>, vector<1x32xf32>
    %add3A_55 = vector.broadcast %get3A_54 : vector<1x32xf32> to vector<2560x32xf32>
    %add3A_56 = arith.addf %dot_general3A_51, %add3A_55 : vector<2560x32xf32>
    %max3A_57 = arith.constant 0.000000e+00 : f32
    %max3A_58 = vector.broadcast %max3A_57 : f32 to vector<2560x32xf32>
    %max3A_59 = arith.maximumf %add3A_56, %max3A_58 : vector<2560x32xf32>
    %get3A_60 = arith.constant 0 : index
    %get3A_61 = arith.constant 0 : index
    %get3A_62 = vector.load %arg11[%get3A_60, %get3A_61] : memref<32x2xf32, #tpu.memory_space<vmem>>, vector<32x2xf32>
    %dot_general3A_63 = arith.constant dense<0.000000e+00> : vector<2560x2xf32>
    %dot_general3A_64 = tpu.matmul %max3A_59, %get3A_62, %dot_general3A_63 {dimension_numbers = #tpu.dot_dimension_numbers<[1], [0], [0], [1], [0, 0, 1, 1], [], []>, transpose_lhs_hint = false} : vector<2560x32xf32>, vector<32x2xf32>, vector<2560x2xf32> -> vector<2560x2xf32>
    %get3A_65 = arith.constant 0 : index
    %get3A_66 = arith.constant 0 : index
    %get3A_67 = vector.load %arg12[%get3A_65, %get3A_66] : memref<1x2xf32, #tpu.memory_space<vmem>>, vector<1x2xf32>
    %add3A_68 = vector.broadcast %get3A_67 : vector<1x2xf32> to vector<2560x2xf32>
    %add3A_69 = arith.addf %dot_general3A_64, %add3A_68 : vector<2560x2xf32>
    %reduce_max3A = arith.constant dense<0xFF800000> : vector<2560xf32>
    %reduce_max3A_70 = vector.multi_reduction <maximumf>, %add3A_69, %reduce_max3A [1] : vector<2560x2xf32> to vector<2560xf32>
    %broadcast_in_dim3A = vector.shape_cast %reduce_max3A_70 : vector<2560xf32> to vector<2560x1xf32>
    %sub3A = vector.broadcast %broadcast_in_dim3A : vector<2560x1xf32> to vector<2560x2xf32>
    %sub3A_71 = arith.subf %add3A_69, %sub3A : vector<2560x2xf32>
    %exp3A = math.exp %sub3A_71 : vector<2560x2xf32>
    %reduce_sum3A = arith.constant dense<0.000000e+00> : vector<2560xf32>
    %reduce_sum3A_72 = vector.multi_reduction <add>, %exp3A, %reduce_sum3A [1] : vector<2560x2xf32> to vector<2560xf32>
    %broadcast_in_dim3A_73 = vector.shape_cast %reduce_sum3A_72 : vector<2560xf32> to vector<2560x1xf32>
    %log3A = math.log %broadcast_in_dim3A_73 : vector<2560x1xf32>
    %add3A_74 = arith.addf %broadcast_in_dim3A, %log3A : vector<2560x1xf32>
    %sub3A_75 = vector.broadcast %add3A_74 : vector<2560x1xf32> to vector<2560x2xf32>
    %sub3A_76 = arith.subf %add3A_69, %sub3A_75 : vector<2560x2xf32>
    %transpose3A = tpu.transpose %sub3A_76, [1, 0] : vector<2560x2xf32> -> vector<2x2560xf32>
    %swap3A = arith.constant 0 : index
    %swap3A_77 = arith.constant 0 : index
    %swap3A_78 = vector.load %arg13[%swap3A, %swap3A_77] : memref<2x2560xf32, #tpu.memory_space<vmem>>, vector<2x2560xf32>
    tpu.vector_store %arg13[%swap3A, %swap3A_77], %transpose3A {strides = array<i32>} : memref<2x2560xf32, #tpu.memory_space<vmem>>, vector<2x2560xf32>,
    return
  }
  func.func @transform_0(%arg0: i32) -> (i32, i32) {
    %c0_i32 = arith.constant 0 : i32
    %c0_i32_0 = arith.constant 0 : i32
    return %arg0, %c0_i32 : i32, i32
  }
  func.func @transform_1(%arg0: i32) -> (i32, i32) {
    %min3A = arith.constant 124 : i32
    %min3A_0 = arith.minsi %arg0, %min3A : i32
    %c0_i32 = arith.constant 0 : i32
    %c0_i32_1 = arith.constant 0 : i32
    return %min3A_0, %c0_i32 : i32, i32
  }
  func.func @transform_2(%arg0: i32) -> (i32, i32) {
    %c0_i32 = arith.constant 0 : i32
    %c0_i32_0 = arith.constant 0 : i32
    %c0_i32_1 = arith.constant 0 : i32
    return %c0_i32, %c0_i32_0 : i32, i32
  }
  func.func @transform_3(%arg0: i32) -> (i32, i32) {
    %c0_i32 = arith.constant 0 : i32
    %c0_i32_0 = arith.constant 0 : i32
    %c0_i32_1 = arith.constant 0 : i32
    return %c0_i32, %c0_i32_0 : i32, i32
  }
  func.func @transform_4(%arg0: i32) -> (i32, i32) {
    %c0_i32 = arith.constant 0 : i32
    %c0_i32_0 = arith.constant 0 : i32
    %c0_i32_1 = arith.constant 0 : i32
    return %c0_i32, %c0_i32_0 : i32, i32
  }
  func.func @transform_5(%arg0: i32) -> (i32, i32) {
    %c0_i32 = arith.constant 0 : i32
    %c0_i32_0 = arith.constant 0 : i32
    %c0_i32_1 = arith.constant 0 : i32
    return %c0_i32, %c0_i32_0 : i32, i32
  }
  func.func @transform_6(%arg0: i32) -> (i32, i32) {
    %c0_i32 = arith.constant 0 : i32
    %c0_i32_0 = arith.constant 0 : i32
    %c0_i32_1 = arith.constant 0 : i32
    return %c0_i32, %c0_i32_0 : i32, i32
  }
  func.func @transform_7(%arg0: i32) -> (i32, i32) {
    %c0_i32 = arith.constant 0 : i32
    %c0_i32_0 = arith.constant 0 : i32
    %c0_i32_1 = arith.constant 0 : i32
    return %c0_i32, %c0_i32_0 : i32, i32
  }
  func.func @transform_8(%arg0: i32) -> (i32, i32) {
    %c0_i32 = arith.constant 0 : i32
    %c0_i32_0 = arith.constant 0 : i32
    %c0_i32_1 = arith.constant 0 : i32
    return %c0_i32, %c0_i32_0 : i32, i32
  }
  func.func @transform_9(%arg0: i32) -> (i32, i32) {
    %c0_i32 = arith.constant 0 : i32
    %c0_i32_0 = arith.constant 0 : i32
    %c0_i32_1 = arith.constant 0 : i32
    return %c0_i32, %c0_i32_0 : i32, i32
  }
  func.func @transform_10(%arg0: i32) -> (i32, i32) {
    %c0_i32 = arith.constant 0 : i32
    %c0_i32_0 = arith.constant 0 : i32
    %c0_i32_1 = arith.constant 0 : i32
    return %c0_i32, %c0_i32_0 : i32, i32
  }
  func.func @transform_11(%arg0: i32) -> (i32, i32) {
    %c0_i32 = arith.constant 0 : i32
    %c0_i32_0 = arith.constant 0 : i32
    %c0_i32_1 = arith.constant 0 : i32
    return %c0_i32, %c0_i32_0 : i32, i32
  }
  func.func @transform_12(%arg0: i32) -> (i32, i32) {
    %c0_i32 = arith.constant 0 : i32
    %c0_i32_0 = arith.constant 0 : i32
    return %c0_i32, %arg0 : i32, i32
  }
}

</mosaic_0001>

<sc_bundles>
// kernel: kernel.12.cloned.1.call-start
scs
__scs_entry_jumppad:
0x0: {  	(pc) =	sbr.rel $0x88, $3  }
0x1: {  	(tag) =	ssettag $0x0;
	lr =	simm.s32 $0x1  }
0x2: {  	[smem:$0x3F8E] =	sst lr;
	_ =	strace $0xD0000000  }
0x3: {  	_ = 	snop  }
0x4: {  	_ = 	snop  }
0x5: {  	_ = 	snop  }
0x6: {  	_ = 	snop  }
0x7: {  	_ = 	snop  }
__scs_overlays_trampoline_lowered:
0x8: {  	[smem:$0x3F9D] =	sst s0  }
0x9: {  	[smem:$0x3F9E] =	sst s1  }
0xa: {  	[smem:$0x3F9F] =	sst s2  }
0xb: {  	[smem:$0x3FA0] =	sst s3  }
0xc: {  	[smem:$0x3FA1] =	sst s4  }
0xd: {  	[smem:$0x3FA2] =	sst s5  }
0xe: {  	[smem:$0x3FA3] =	sst s6  }
0xf: {  	[smem:$0x3FA4] =	sst s7  }
0x10: {  	[smem:$0x3FA5] =	sst s8  }
0x11: {  	[smem:$0x3FA6] =	sst s9;
	s0 =	simm.s32 @!p0 $0x0  }
0x12: {  	s1 =	sld [smem:$0x3F8C];
	s0 =	simm.s32 @p0 $0x1  }
0x13: {  	[smem:$0x3FA7] =	sst s0;
	s0 =	simm.s32 @!p1 $0x0  }
0x14: {  	s2 =	sld [smem:$0x3F8B];
	s0 =	simm.s32 @p1 $0x1  }
0x15: {  	[smem:$0x3FA8] =	sst s0;
	s0 =	simm.s32 @!p2 $0x0  }
0x16: {  	s3 =	sld [smem:$0x3FDB];
	s0 =	simm.s32 @p2 $0x1  }
0x17: {  	s4 =	simm.s32 $0x1BF5;
	[smem:$0x3FAA] =	sst s0  }
0x18: {  	s0 =	sld [smem:$0x3F8D];
	_ =	swait.ge [sflag:s4], $0x0  }
0x19: {  	s7 =	sld [smem:$0x3F8E]  }
0x1a: {  	s8 =	sadd.s32 $0xFFFFE003, lr  }
0x1b: {  	s9 =	sadd.s32 $0xFFFFFEF7, lr;
	s5 =	simm.s32 $0xFFFFFFFF;
	p2 =	slt.u32 s8, $0xFFFFF086  }
0x1c: {  	p1 =	slt.u32 s9, $0xF7A;
	s5 =	simm.s32 @!p2 $0x0  }
0x1d: {  	s5 =	simm.s32 @p1 $0x1;
	p0 =	seq.s32 s7, s2  }
0x1e: {  	s7 =	smul.u32 @!p0 $0xF7A, s2;
	p2 =	seq.s32 @!p0 s5, $0x0  }
0x1f: {  	s9 =	smul.u32 $0xF7A, s1;
	s8 =	simm.s32 @!p0 $0x1BF5;
	p2 =	por !p2, p0  }
0x20: {  	[sflag:s8] =	ssyncset.s32 @!p0 $0xFFFFF086;
	s6 =	sadd.s32 @!p0 s3, s7;
	s7 =	simm.s32 @!p0 $0x108  }
0x21: {  	s3 =	sadd.s32 s3, s9;
	s6 =	sadd.s32 @!p0 $0x88, s6;
	s7 =	simm.s32 @p2 $0x1082  }
0x22: {  	[simem:s7], [sflag:s8] =	dma.local @!p0 [hbm:s6], $0xF7A  }
0x23: {  	s9 =	sor.u32 $0xD0000000, s2;
	s6 =	simm.s32 $0x108;
	_ =	swait.ge @!p0 [sflag:s8], $0x0  }
0x24: {  	s3 =	sadd.s32 $0x88, s3;
	s6 =	simm.s32 @!p1 $0x1082;
	[sflag:s4] =	ssyncset.s32 $0xFFFFF086  }
0x25: {  	[simem:s6], [sflag:s4] =	dma.local [hbm:s3], $0xF7A  }
0x26: {  	[smem:$0x3F8E] =	sst s1;
	(tag) =	ssettag s2;
	_ =	strace s9  }
0x27: {  	s1 =	sld [smem:$0x3F9E]  }
0x28: {  	s2 =	sld [smem:$0x3F9F]  }
0x29: {  	s4 =	sld [smem:$0x3FA1]  }
0x2a: {  	p0 =	seq.s32 s5, $0x0;
	s5 =	sld [smem:$0x3FA2]  }
0x2b: {  	s6 =	sld [smem:$0x3FA3]  }
0x2c: {  	s7 =	sld [smem:$0x3FA4]  }
0x2d: {  	s3 =	simm.s32 $0x108;
	s8 =	sld [smem:$0x3FA5]  }
0x2e: {  	s3 =	simm.s32 @!p0 $0x1082;
	s9 =	sld [smem:$0x3FA6]  }
0x2f: {  	lr =	sadd.s32 s0, s3;
	s0 =	sld [smem:$0x3F9D]  }
0x30: {  	s3 =	sld [smem:$0x3FA0]  }
0x31: {  	[smem:$0x3FA9] =	sst s10  }
0x32: {  	s10 =	sld [smem:$0x3FA7];
	_ =	sdelay $0x3  }
0x33: {  	p0 =	seq.s32 s10, $0x1;
	s10 =	sld [smem:$0x3FA9];
	_ =	sdelay $0x3  }
0x34: {  	[smem:$0x3FA9] =	sst s10  }
0x35: {  	s10 =	sld [smem:$0x3FA8];
	_ =	sdelay $0x3  }
0x36: {  	p1 =	seq.s32 s10, $0x1;
	s10 =	sld [smem:$0x3FA9];
	_ =	sdelay $0x3  }
0x37: {  	[smem:$0x3FA9] =	sst s10  }
0x38: {  	s10 =	sld [smem:$0x3FAA]  }
0x39: {  	_ = 	snop;
	(pc) =	sbr.ind lr, $3  }
0x3a: {  	_ = 	snop  }
0x3b: {  	_ = 	snop  }
0x3c: {  	p2 =	seq.s32 s10, $0x1;
	s10 =	sld [smem:$0x3FA9]  }
0x3d: {  	_ =	shalt  }
0x3e: {  	_ =	shalt  }
0x3f: {  	_ =	shalt  }
0x40: {  	_ =	shalt  }
0x41: {  	_ =	shalt  }
0x42: {  	_ =	shalt  }
0x43: {  	_ =	shalt  }
0x44: {  	_ =	shalt  }
0x45: {  	_ =	shalt  }
0x46: {  	_ =	shalt  }
0x47: {  	_ =	shalt  }
0x48: {  	_ =	shalt  }
0x49: {  	_ =	shalt  }
0x4a: {  	_ =	shalt  }
0x4b: {  	_ =	shalt  }
0x4c: {  	_ =	shalt  }
0x4d: {  	_ =	shalt  }
0x4e: {  	_ =	shalt  }
0x4f: {  	_ =	shalt  }
0x50: {  	_ =	shalt  }
0x51: {  	_ =	shalt  }
0x52: {  	_ =	shalt  }
0x53: {  	_ =	shalt  }
0x54: {  	_ =	shalt  }
0x55: {  	_ =	shalt  }
0x56: {  	_ =	shalt  }
0x57: {  	_ =	shalt  }
0x58: {  	_ =	shalt  }
0x59: {  	_ =	shalt  }
0x5a: {  	_ =	shalt  }
0x5b: {  	_ =	shalt  }
0x5c: {  	_ =	shalt  }
0x5d: {  	_ =	shalt  }
0x5e: {  	_ =	shalt  }
0x5f: {  	_ =	shalt  }
0x60: {  	_ =	shalt  }
0x61: {  	_ =	shalt  }
0x62: {  	_ =	shalt  }
0x63: {  	_ =	shalt  }
0x64: {  	_ =	shalt  }
0x65: {  	_ =	shalt  }
0x66: {  	_ =	shalt  }
0x67: {  	_ =	shalt  }
0x68: {  	_ =	shalt  }
0x69: {  	_ =	shalt  }
0x6a: {  	_ =	shalt  }
0x6b: {  	_ =	shalt  }
0x6c: {  	_ =	shalt  }
0x6d: {  	_ =	shalt  }
0x6e: {  	_ =	shalt  }
0x6f: {  	_ =	shalt  }
0x70: {  	_ =	shalt  }
0x71: {  	_ =	shalt  }
0x72: {  	_ =	shalt  }
0x73: {  	_ =	shalt  }
0x74: {  	_ =	shalt  }
0x75: {  	_ =	shalt  }
0x76: {  	_ =	shalt  }
0x77: {  	_ =	shalt  }
0x78: {  	_ =	shalt  }
0x79: {  	_ =	shalt  }
0x7a: {  	_ =	shalt  }
0x7b: {  	_ =	shalt  }
0x7c: {  	_ =	shalt  }
0x7d: {  	_ =	shalt  }
0x7e: {  	_ =	shalt  }
0x7f: {  	_ =	shalt  }
0x80: {  	_ =	shalt  }
0x81: {  	_ =	shalt  }
0x82: {  	_ =	shalt  }
0x83: {  	_ =	shalt  }
0x84: {  	_ =	shalt  }
0x85: {  	_ =	shalt  }
0x86: {  	_ =	shalt  }
0x87: {  	_ =	shalt  }
.Lfunc_end0:
.L_simem_size_0:
called_computation_lowered:
.L_overlay_start_0:
0x88: {  	s2 =	sld [smem:$0x3FD9]  }
0x89: {  	s3 =	sld [smem:$0x3FFE];
	_ =	sdelay $0x1  }
0x8a: {  	s1 =	srdreg.scid  }
0x8b: {  	s0 =	sand.u32 $0x1, s1  }
0x8c: {  	s17 =	sshll.u32 s0, $0xA;
	s2 =	sadd.s32 s3, s2  }
0x8d: {  	s2 =	sadd.s32 s2, s17  }
0x8e: {  	[smem:$0x3FB5] =	sst s2  }
0x8f: {  	_ = 	snop  }
0x90: {  	s2 =	sld [smem:$0x3FD0];
	(tm) =	ssettm $0x1  }
0x91: {  	s18 =	sld [smem:$0x3FFB];
	_ =	sdelay $0x3  }
0x92: {  	_ =	strace s18  }
0x93: {  	s3 =	sld [smem:$0x3FFC];
	_ =	sdelay $0x3  }
0x94: {  	_ =	strace s3  }
0x95: {  	s3 =	sld [smem:$0x3FFD];
	_ =	sdelay $0x3  }
0x96: {  	_ =	strace s3  }
0x97: {  	_ =	strace $0x8FFFFFFF  }
0x98: {  	s19 =	sld [smem:$0x3FDB];
	_ =	sdelay $0x1  }
0x99: {  	s4 =	simm.s32 $_scs_section_size  }
0x9a: {  	s5 =	simm.s32 $_size__tile_overlayer_lowered;
	s6 =	simm.s32 $_tile_overlayer_lowered  }
0x9b: {  	s22 =	simm.s32 $0x1BFF;
	s21 =	sshll.u32 s6, $0x1;
	s3 =	sadd.s32 s4, s19  }
0x9c: {  	s7 =	simm.s32 $0x0;
	s20 =	sshll.u32 s5, $0x1;
	s5 =	sadd.s32 s21, s3  }
0x9d: {  	[timem:s7], [sflag:s22] =	dma.local [hbm:s5], s20  }
0x9e: {  	_ =	swait.ge [sflag:s22], s20  }
0x9f: {  	s4 =	ssub.s32 $0x0, s20;
	[sflag:s22] =	ssyncset.done $0x0  }
0xa0: {  	[sflag:s22] =	ssyncadd.s32 s4;
	_ =	sdelay $0x1  }
0xa1: {  	s23 =	simm.s32 $0x1B8B  }
0xa2: {  	_ =	swait.ge [sflag:s23], $0x1  }
0xa3: {  	[sflag:s23] =	ssyncset.done $0x0  }
0xa4: {  	s25 =	simm.s32 $0x1B8E;
	s24 =	sld [smem:$0x3FFE];
	[sflag:s23] =	ssyncadd.s32 $0xFFFFFFFF  }
0xa5: {  	s26 =	simm.s32 $execute0_lowered;
	[smem:$0x3FD2] =	sst s25  }
0xa6: {  	s5 =	sshll.u32 s26, $0x1;
	_ =	strace $0x80000046;
	[dreg:$0x1] =	wrdreg $0xFFFFFFFF  }
0xa7: {  	s28 =	simm.s32 $_size_execute0_lowered;
	s3 =	sadd.s32 s3, s5;
	[dreg:$0x0] =	wrdreg $0x0  }
0xa8: {  	s5 =	sshll.u32 s28, $0x1;
	[dreg:$0x2] =	wrdreg s3  }
0xa9: {  	[dreg:$0x3] =	wrdreg s5  }
0xaa: {  	[dreg:$0x4] =	wrdreg $0xC0  }
0xab: {  	_ =	task [dreg:s7], $0x5FFFF  }
0xac: {  	[dreg:$0x1] =	wrdreg $0xFFFFFFFF  }
0xad: {  	[dreg:$0x0] =	wrdreg $0x60  }
0xae: {  	[dreg:$0x2] =	wrdreg s24  }
0xaf: {  	[dreg:$0x3] =	wrdreg s2  }
0xb0: {  	[dreg:$0x4] =	wrdreg $0x58000  }
0xb1: {  	[dreg:$0x5] =	wrdreg $0x9  }
0xb2: {  	_ =	task.clear_ibuf [dreg:s7], $0x6FFFF;
	_ =	strace $0x90000046  }
0xb3: {  	s29 =	simm.s32 $0x9;
	_ =	strace $0x80000048  }
0xb4: {  	_ =	swait.ge [sflag:s29], $0x1  }
0xb5: {  	[sflag:s29] =	ssyncadd.s32 $0xFFFFFFFF  }
0xb6: {  	_ =	strace $0x90000048  }
0xb7: {  	_ =	sfence  }
0xb8: {  	s30 =	sld [smem:$0x0];
	_ =	sdelay $0x2  }
0xb9: {  	s31 =	sshll.u32 s1, $0xD;
	s1 =	sshrl.u32 s1, $0x2  }
0xba: {  	s3 =	sand.u32 $0x4000, s31;
	s1 =	sadd.s32 s1, s30  }
0xbb: {  	s0 =	sor.u32 s3, s0;
	s1 =	sshll.u32 s1, $0x11  }
0xbc: {  	s0 =	sor.u32 s1, s0  }
0xbd: {  	s0 =	sadd.s32 $0x8F2B, s0  }
0xbe: {  	[sflag:s0] =	ssyncadd.remote.s32 $0x1  }
0xbf: {  	_ =	sfence.sel $0xFFFF  }
0xc0: {  	[dreg:$0x0] =	wrdreg $0xFFFFFFFF;
	(pc) =	sbr.abs _section_cstart, $3  }
0xc1: {  	[dreg:$0x1] =	wrdreg $0xFFFFFFFF  }
0xc2: {  	_ =	task.clear_ibuf [dreg:s7], $0x2FFFF;
	_ =	strace $0x9FFFFFFF  }
0xc3: {  	(tm) =	ssettm $0x7FFFFFFF  }
tec
execute0_lowered:
.L_overlay_start_1:
0x0: {  	(tag) =	ssettag $0x1  }
0x1: {  	s5 =	rddreg [dreg:$0x0]  }
0x2: {  	s6 =	rddreg [dreg:$0x1]  }
0x3: {  	s0 =	srdreg.scid;
	s2 =	rddreg [dreg:$0x2]  }
0x4: {  	s3 =	simm.s32 $0x0;
	s10 =	simm.s32 $0x80;
	s11 =	simm.s32 $0x2800  }
0x5: {  	s12 =	simm.s32 $0x1;
	s4 =	sand.u32 $0x1, s0;
	s0 =	stileid.u32  }
0x6: {  	s13 =	simm.s32 $0x0;
	s1 =	sshll.u32 s4, $0x4;
	s8 =	smul.u32 $0x2800, s0  }
0x7: {  	s9 =	smul.u32 $0x28000, s4;
	s4 =	ssub.s32 $0x2, s4;
	s1 =	sor.u32 s0, s1  }
0x8: {  	[smem:$0x7FF] =	sst s3;
	s31 =	sshrl.u32 s4, $0x1;
	s7 =	smul.u32 $0x500, s1  }
0x9: {  	s1 =	rddreg [dreg:$0x3];
	_ =	strace $0x80000047;
	s9 =	sadd.s32 s8, s9  }
0xa: {  	s9 =	sshrl.u32 s9, $0x3;
	s5 =	sadd.s32 s7, s5;
	s7 =	ssub.s32 s4, s31  }
0xb: {  	s6 =	sadd.s32 s6, s9;
	s9 =	simm.s32 $0x3000;
	s4 =	sadd.s32 $0x4C00, s5  }
0xc: {  	v0 =	vimm.f32 $1.000000000e+00;
	v1 =	vimm.f32 $0.0e+00;
	s5 =	sadd.s32 s8, s2;
	s7 =	smax.u32 s7, $0x1;
	s8 =	simm.s32 $0x2  }
.LBB2_1:
0xd: {  	s14 =	simm.s32 $0x0  }
.LBB2_2:
0xe: {  	p0 =	sne.s32 s14, $0x1FC0  }
.Ltmp0:
0xf: {  	_ = 	snop;
	(pc) =	sbr.rel @p0 .LBB2_2-.Ltmp0, $3  }
0x10: {  	_ =	sdelay $0x1  }
0x11: {  	s15 =	sshra.s32 s14, $0x2  }
0x12: {  	s14 =	sadd.s32 $0x40, s14;
	[tilespmem:s15+$0x2800] =	vst v0  }
0x13: {  	s14 =	simm.s32 $0x40;
	s15 =	simm.s32 $0x0  }
.LBB2_4:
0x14: {  	p0 =	sne.s32 s14, $0x9FC0;
	[tilespmem:s15+$0x3000] =	vst v1;
	s15 =	smov.u32 s14;
	s14 =	sadd.s32 $0x40, s14  }
.Ltmp1:
0x15: {  	(pc) =	sbr.rel @p0 .LBB2_4-.Ltmp1, $2  }
0x16: {  	_ =	sdelay $0x2  }
0x17: {  	s15 =	sshra.s32 s15, $0x2  }
0x18: {  	[tilespmem:s15+$0x3000] =	vst v1;
	s14 =	simm.s32 $0x0  }
0x19: {  	[tilespmem:s14], [sflag:$0x2] =	stream.linear.gather [hbm4b:s4+s14], $0x2800, $0x38;
	[tilespmem:$0x8000] =	vst v63  }
0x1a: {  	_ =	swait.ge [sflag:s8], $0x2800  }
0x1b: {  	[sflag:s8] =	ssyncset.done $0x0  }
0x1c: {  	[sflag:s8] =	ssyncadd.s32 $0xFFFFD800  }
0x1d: {  	[spmem:s5] =	stream.linear.scatter [tilespmem:s9], [sflag:$0x2], $0x2800, $0x38;
	[tilespmem:$0x8000] =	vst v63  }
0x1e: {  	_ =	swait.ge [sflag:s8], $0x2800  }
0x1f: {  	[sflag:s8] =	ssyncset.done $0x0  }
0x20: {  	[sflag:s8] =	ssyncadd.s32 $0xFFFFD800  }
0x21: {  	[bflag:$0x0] =	sbarrier.arrive $0xFFFF  }
.LBB2_6:
0x22: {  	p0 =	sne.s32 s14, $0x9E00  }
.Ltmp2:
0x23: {  	_ = 	snop;
	(pc) =	sbr.rel @p0 .LBB2_6-.Ltmp2, $3  }
0x24: {  	_ =	sdelay $0x1  }
0x25: {  	s15 =	sshra.s32 s14, $0x2;
	s14 =	sadd.s32 $0x200, s14  }
0x26: {  	[spmem:s2] =	stream.indirect.scatter.add.f32 [tilespmem:s11], [sflag:$0x1], $0x10, s15, s10, $0xb8;
	[tilespmem:$0x8000] =	vst v63  }
0x27: {  	_ =	swait.ge [sflag:s12], $0x800  }
0x28: {  	s14 =	simm.s32 $0x4F;
	[sflag:s12] =	ssyncset.done $0x0  }
.LBB2_8:
0x29: {  	p0 =	sne.s32 s14, $0x1;
	s14 =	sadd.s32 $0xFFFFFFFF, s14;
	[sflag:s12] =	ssyncadd.s32 $0xFFFFF800  }
.Ltmp3:
0x2a: {  	(pc) =	sbr.rel @p0 .LBB2_8-.Ltmp3, $3  }
0x2b: {  	_ =	sdelay $0x1  }
0x2c: {  	_ =	swait.ge [sflag:s12], $0x800  }
0x2d: {  	[sflag:s12] =	ssyncset.done $0x0  }
0x2e: {  	[sflag:s12] =	ssyncadd.s32 $0xFFFFF800  }
0x2f: {  	[bflag:$0x0] =	sbarrier.arrive $0xFFFF  }
0x30: {  	[tilespmem:s9], [sflag:$0x2] =	stream.linear.gather [spmem:s5], $0x2800, $0x38;
	[tilespmem:$0x8000] =	vst v63  }
0x31: {  	s13 =	sadd.s32 $0x1, s13;
	_ =	swait.ge [sflag:s8], $0x2800  }
0x32: {  	p0 =	sne.s32 s13, s7;
	[sflag:s8] =	ssyncset.done $0x0  }
.Ltmp4:
0x33: {  	[sflag:s8] =	ssyncadd.s32 $0xFFFFD800;
	(pc) =	sbr.rel @p0 .LBB2_1-.Ltmp4, $4  }
0x34: {  	[hbm4b:s6+s3] =	stream.linear.scatter [tilespmem:s9], [sflag:$0x2], $0x2800, $0x38;
	[tilespmem:$0x8000] =	vst v63  }
0x35: {  	_ =	swait.ge [sflag:s8], $0x2800  }
0x36: {  	[sflag:s8] =	ssyncset.done $0x0  }
0x37: {  	[sflag:s8] =	ssyncadd.s32 $0xFFFFD800  }
0x38: {  	_ =	sfence.sel $0x180000  }
0x39: {  	[bflag:$0x0] =	sbarrier.arrive $0xFFFF  }
0x3a: {  	p0 =	sne.s32 s0, $0x0;
	_ =	strace $0x90000047  }
0x3b: {  	s0 =	sadd.s32 @!p0 $0x100000, s1;
	[bflag:$0x2] =	sbarrier.arrive $0xFFFF  }
0x3c: {  	[sflag:s0] =	ssyncadd.tile.s32 @!p0 $0x1;
	_ =	shalt  }
.Lfunc_end2:
_tile_overlayer_lowered:
.L_overlay_start_2:
0x3d: {  	(tag) =	ssettag $0x2  }
0x3e: {  	s0 =	rddreg [dreg:$0x0];
	s2 =	stileid.u32  }
0x3f: {  	s1 =	rddreg [dreg:$0x1];
	p0 =	sne.s32 s2, $0x0  }
0x40: {  	s3 =	rddreg [dreg:$0x2];
	[bflag:$0x3] =	sbarrier.arrive $0xFFFF;
	s2 =	simm.s32 @!p0 $0x1C02  }
0x41: {  	[timem:s3], [sflag:s2] =	dma.local @!p0 [hbm:s0], s1  }
0x42: {  	s0 =	simm.s32 @!p0 $0x2  }
0x43: {  	_ =	swait.ge @!p0 [sflag:s0], s1  }
0x44: {  	s1 =	ssub.s32 @!p0 $0x0, s1;
	[sflag:s0] =	ssyncset.done @!p0 $0x0  }
0x45: {  	[sflag:s0] =	ssyncadd.s32 @!p0 s1  }
0x46: {  	[bflag:$0x3] =	sbarrier.arrive $0xFFFF  }
0x47: {  	_ =	shalt  }

// kernel: kernel.15.cloned.1.call-start
scs
__scs_entry_jumppad:
0x0: {  	(pc) =	sbr.rel $0x88, $3  }
0x1: {  	(tag) =	ssettag $0x0;
	lr =	simm.s32 $0x1  }
0x2: {  	[smem:$0x3F8E] =	sst lr;
	_ =	strace $0xD0000000  }
0x3: {  	_ = 	snop  }
0x4: {  	_ = 	snop  }
0x5: {  	_ = 	snop  }
0x6: {  	_ = 	snop  }
0x7: {  	_ = 	snop  }
__scs_overlays_trampoline_lowered:
0x8: {  	[smem:$0x3F9D] =	sst s0  }
0x9: {  	[smem:$0x3F9E] =	sst s1  }
0xa: {  	[smem:$0x3F9F] =	sst s2  }
0xb: {  	[smem:$0x3FA0] =	sst s3  }
0xc: {  	[smem:$0x3FA1] =	sst s4  }
0xd: {  	[smem:$0x3FA2] =	sst s5  }
0xe: {  	[smem:$0x3FA3] =	sst s6  }
0xf: {  	[smem:$0x3FA4] =	sst s7  }
0x10: {  	[smem:$0x3FA5] =	sst s8  }
0x11: {  	[smem:$0x3FA6] =	sst s9;
	s0 =	simm.s32 @!p0 $0x0  }
0x12: {  	s1 =	sld [smem:$0x3F8C];
	s0 =	simm.s32 @p0 $0x1  }
0x13: {  	[smem:$0x3FA7] =	sst s0;
	s0 =	simm.s32 @!p1 $0x0  }
0x14: {  	s2 =	sld [smem:$0x3F8B];
	s0 =	simm.s32 @p1 $0x1  }
0x15: {  	[smem:$0x3FA8] =	sst s0;
	s0 =	simm.s32 @!p2 $0x0  }
0x16: {  	s3 =	sld [smem:$0x3FDB];
	s0 =	simm.s32 @p2 $0x1  }
0x17: {  	s4 =	simm.s32 $0x1BF5;
	[smem:$0x3FAA] =	sst s0  }
0x18: {  	s0 =	sld [smem:$0x3F8D];
	_ =	swait.ge [sflag:s4], $0x0  }
0x19: {  	s7 =	sld [smem:$0x3F8E]  }
0x1a: {  	s8 =	sadd.s32 $0xFFFFE003, lr  }
0x1b: {  	s9 =	sadd.s32 $0xFFFFFEF7, lr;
	s5 =	simm.s32 $0xFFFFFFFF;
	p2 =	slt.u32 s8, $0xFFFFF086  }
0x1c: {  	p1 =	slt.u32 s9, $0xF7A;
	s5 =	simm.s32 @!p2 $0x0  }
0x1d: {  	s5 =	simm.s32 @p1 $0x1;
	p0 =	seq.s32 s7, s2  }
0x1e: {  	s7 =	smul.u32 @!p0 $0xF7A, s2;
	p2 =	seq.s32 @!p0 s5, $0x0  }
0x1f: {  	s9 =	smul.u32 $0xF7A, s1;
	s8 =	simm.s32 @!p0 $0x1BF5;
	p2 =	por !p2, p0  }
0x20: {  	[sflag:s8] =	ssyncset.s32 @!p0 $0xFFFFF086;
	s6 =	sadd.s32 @!p0 s3, s7;
	s7 =	simm.s32 @!p0 $0x108  }
0x21: {  	s3 =	sadd.s32 s3, s9;
	s6 =	sadd.s32 @!p0 $0x88, s6;
	s7 =	simm.s32 @p2 $0x1082  }
0x22: {  	[simem:s7], [sflag:s8] =	dma.local @!p0 [hbm:s6], $0xF7A  }
0x23: {  	s9 =	sor.u32 $0xD0000000, s2;
	s6 =	simm.s32 $0x108;
	_ =	swait.ge @!p0 [sflag:s8], $0x0  }
0x24: {  	s3 =	sadd.s32 $0x88, s3;
	s6 =	simm.s32 @!p1 $0x1082;
	[sflag:s4] =	ssyncset.s32 $0xFFFFF086  }
0x25: {  	[simem:s6], [sflag:s4] =	dma.local [hbm:s3], $0xF7A  }
0x26: {  	[smem:$0x3F8E] =	sst s1;
	(tag) =	ssettag s2;
	_ =	strace s9  }
0x27: {  	s1 =	sld [smem:$0x3F9E]  }
0x28: {  	s2 =	sld [smem:$0x3F9F]  }
0x29: {  	s4 =	sld [smem:$0x3FA1]  }
0x2a: {  	p0 =	seq.s32 s5, $0x0;
	s5 =	sld [smem:$0x3FA2]  }
0x2b: {  	s6 =	sld [smem:$0x3FA3]  }
0x2c: {  	s7 =	sld [smem:$0x3FA4]  }
0x2d: {  	s3 =	simm.s32 $0x108;
	s8 =	sld [smem:$0x3FA5]  }
0x2e: {  	s3 =	simm.s32 @!p0 $0x1082;
	s9 =	sld [smem:$0x3FA6]  }
0x2f: {  	lr =	sadd.s32 s0, s3;
	s0 =	sld [smem:$0x3F9D]  }
0x30: {  	s3 =	sld [smem:$0x3FA0]  }
0x31: {  	[smem:$0x3FA9] =	sst s10  }
0x32: {  	s10 =	sld [smem:$0x3FA7];
	_ =	sdelay $0x3  }
0x33: {  	p0 =	seq.s32 s10, $0x1;
	s10 =	sld [smem:$0x3FA9];
	_ =	sdelay $0x3  }
0x34: {  	[smem:$0x3FA9] =	sst s10  }
0x35: {  	s10 =	sld [smem:$0x3FA8];
	_ =	sdelay $0x3  }
0x36: {  	p1 =	seq.s32 s10, $0x1;
	s10 =	sld [smem:$0x3FA9];
	_ =	sdelay $0x3  }
0x37: {  	[smem:$0x3FA9] =	sst s10  }
0x38: {  	s10 =	sld [smem:$0x3FAA]  }
0x39: {  	_ = 	snop;
	(pc) =	sbr.ind lr, $3  }
0x3a: {  	_ = 	snop  }
0x3b: {  	_ = 	snop  }
0x3c: {  	p2 =	seq.s32 s10, $0x1;
	s10 =	sld [smem:$0x3FA9]  }
0x3d: {  	_ =	shalt  }
0x3e: {  	_ =	shalt  }
0x3f: {  	_ =	shalt  }
0x40: {  	_ =	shalt  }
0x41: {  	_ =	shalt  }
0x42: {  	_ =	shalt  }
0x43: {  	_ =	shalt  }
0x44: {  	_ =	shalt  }
0x45: {  	_ =	shalt  }
0x46: {  	_ =	shalt  }
0x47: {  	_ =	shalt  }
0x48: {  	_ =	shalt  }
0x49: {  	_ =	shalt  }
0x4a: {  	_ =	shalt  }
0x4b: {  	_ =	shalt  }
0x4c: {  	_ =	shalt  }
0x4d: {  	_ =	shalt  }
0x4e: {  	_ =	shalt  }
0x4f: {  	_ =	shalt  }
0x50: {  	_ =	shalt  }
0x51: {  	_ =	shalt  }
0x52: {  	_ =	shalt  }
0x53: {  	_ =	shalt  }
0x54: {  	_ =	shalt  }
0x55: {  	_ =	shalt  }
0x56: {  	_ =	shalt  }
0x57: {  	_ =	shalt  }
0x58: {  	_ =	shalt  }
0x59: {  	_ =	shalt  }
0x5a: {  	_ =	shalt  }
0x5b: {  	_ =	shalt  }
0x5c: {  	_ =	shalt  }
0x5d: {  	_ =	shalt  }
0x5e: {  	_ =	shalt  }
0x5f: {  	_ =	shalt  }
0x60: {  	_ =	shalt  }
0x61: {  	_ =	shalt  }
0x62: {  	_ =	shalt  }
0x63: {  	_ =	shalt  }
0x64: {  	_ =	shalt  }
0x65: {  	_ =	shalt  }
0x66: {  	_ =	shalt  }
0x67: {  	_ =	shalt  }
0x68: {  	_ =	shalt  }
0x69: {  	_ =	shalt  }
0x6a: {  	_ =	shalt  }
0x6b: {  	_ =	shalt  }
0x6c: {  	_ =	shalt  }
0x6d: {  	_ =	shalt  }
0x6e: {  	_ =	shalt  }
0x6f: {  	_ =	shalt  }
0x70: {  	_ =	shalt  }
0x71: {  	_ =	shalt  }
0x72: {  	_ =	shalt  }
0x73: {  	_ =	shalt  }
0x74: {  	_ =	shalt  }
0x75: {  	_ =	shalt  }
0x76: {  	_ =	shalt  }
0x77: {  	_ =	shalt  }
0x78: {  	_ =	shalt  }
0x79: {  	_ =	shalt  }
0x7a: {  	_ =	shalt  }
0x7b: {  	_ =	shalt  }
0x7c: {  	_ =	shalt  }
0x7d: {  	_ =	shalt  }
0x7e: {  	_ =	shalt  }
0x7f: {  	_ =	shalt  }
0x80: {  	_ =	shalt  }
0x81: {  	_ =	shalt  }
0x82: {  	_ =	shalt  }
0x83: {  	_ =	shalt  }
0x84: {  	_ =	shalt  }
0x85: {  	_ =	shalt  }
0x86: {  	_ =	shalt  }
0x87: {  	_ =	shalt  }
.Lfunc_end0:
.L_simem_size_0:
called_computation.1_lowered:
.L_overlay_start_0:
0x88: {  	s2 =	sld [smem:$0x3FD9]  }
0x89: {  	s3 =	sld [smem:$0x3FFE];
	_ =	sdelay $0x1  }
0x8a: {  	s1 =	srdreg.scid  }
0x8b: {  	s0 =	sand.u32 $0x1, s1  }
0x8c: {  	s17 =	sshll.u32 s0, $0xA;
	s2 =	sadd.s32 s3, s2  }
0x8d: {  	s2 =	sadd.s32 s2, s17  }
0x8e: {  	[smem:$0x3FB5] =	sst s2  }
0x8f: {  	_ = 	snop  }
0x90: {  	s2 =	sld [smem:$0x3FD0];
	(tm) =	ssettm $0x1  }
0x91: {  	s18 =	sld [smem:$0x3FFB];
	_ =	sdelay $0x3  }
0x92: {  	_ =	strace s18  }
0x93: {  	s3 =	sld [smem:$0x3FFC];
	_ =	sdelay $0x3  }
0x94: {  	_ =	strace s3  }
0x95: {  	s3 =	sld [smem:$0x3FFD];
	_ =	sdelay $0x3  }
0x96: {  	_ =	strace s3  }
0x97: {  	_ =	strace $0x8FFFFFFF  }
0x98: {  	s19 =	sld [smem:$0x3FDB];
	_ =	sdelay $0x1  }
0x99: {  	s4 =	simm.s32 $_scs_section_size  }
0x9a: {  	s5 =	simm.s32 $_size__tile_overlayer_lowered;
	s6 =	simm.s32 $_tile_overlayer_lowered  }
0x9b: {  	s22 =	simm.s32 $0x1BFF;
	s21 =	sshll.u32 s6, $0x1;
	s3 =	sadd.s32 s4, s19  }
0x9c: {  	s7 =	simm.s32 $0x0;
	s20 =	sshll.u32 s5, $0x1;
	s5 =	sadd.s32 s21, s3  }
0x9d: {  	[timem:s7], [sflag:s22] =	dma.local [hbm:s5], s20  }
0x9e: {  	_ =	swait.ge [sflag:s22], s20  }
0x9f: {  	s4 =	ssub.s32 $0x0, s20;
	[sflag:s22] =	ssyncset.done $0x0  }
0xa0: {  	[sflag:s22] =	ssyncadd.s32 s4;
	_ =	sdelay $0x1  }
0xa1: {  	s23 =	simm.s32 $0x1B8B  }
0xa2: {  	_ =	swait.ge [sflag:s23], $0x1  }
0xa3: {  	[sflag:s23] =	ssyncset.done $0x0  }
0xa4: {  	s25 =	simm.s32 $0x1B8E;
	s24 =	sld [smem:$0x3FFE];
	[sflag:s23] =	ssyncadd.s32 $0xFFFFFFFF  }
0xa5: {  	s26 =	simm.s32 $execute0_lowered;
	[smem:$0x3FD2] =	sst s25  }
0xa6: {  	s5 =	sshll.u32 s26, $0x1;
	_ =	strace $0x80000049;
	[dreg:$0x1] =	wrdreg $0xFFFFFFFF  }
0xa7: {  	s28 =	simm.s32 $_size_execute0_lowered;
	s3 =	sadd.s32 s3, s5;
	[dreg:$0x0] =	wrdreg $0x0  }
0xa8: {  	s5 =	sshll.u32 s28, $0x1;
	[dreg:$0x2] =	wrdreg s3  }
0xa9: {  	[dreg:$0x3] =	wrdreg s5  }
0xaa: {  	[dreg:$0x4] =	wrdreg $0xC0  }
0xab: {  	_ =	task [dreg:s7], $0x5FFFF  }
0xac: {  	[dreg:$0x1] =	wrdreg $0xFFFFFFFF  }
0xad: {  	[dreg:$0x0] =	wrdreg $0x60  }
0xae: {  	[dreg:$0x2] =	wrdreg s2  }
0xaf: {  	[dreg:$0x3] =	wrdreg s24  }
0xb0: {  	[dreg:$0x4] =	wrdreg $0xF0000  }
0xb1: {  	[dreg:$0x5] =	wrdreg $0x9  }
0xb2: {  	_ =	task.clear_ibuf [dreg:s7], $0x6FFFF;
	_ =	strace $0x90000049  }
0xb3: {  	s29 =	simm.s32 $0x9;
	_ =	strace $0x8000004B  }
0xb4: {  	_ =	swait.ge [sflag:s29], $0x1  }
0xb5: {  	[sflag:s29] =	ssyncadd.s32 $0xFFFFFFFF  }
0xb6: {  	_ =	strace $0x9000004B  }
0xb7: {  	_ =	sfence  }
0xb8: {  	s30 =	sld [smem:$0x0];
	_ =	sdelay $0x2  }
0xb9: {  	s31 =	sshll.u32 s1, $0xD;
	s1 =	sshrl.u32 s1, $0x2  }
0xba: {  	s3 =	sand.u32 $0x4000, s31;
	s1 =	sadd.s32 s1, s30  }
0xbb: {  	s0 =	sor.u32 s3, s0;
	s1 =	sshll.u32 s1, $0x11  }
0xbc: {  	s0 =	sor.u32 s1, s0  }
0xbd: {  	s0 =	sadd.s32 $0x8F2B, s0  }
0xbe: {  	[sflag:s0] =	ssyncadd.remote.s32 $0x1  }
0xbf: {  	_ =	sfence.sel $0xFFFF  }
0xc0: {  	[dreg:$0x0] =	wrdreg $0xFFFFFFFF;
	(pc) =	sbr.abs _section_cstart, $3  }
0xc1: {  	[dreg:$0x1] =	wrdreg $0xFFFFFFFF  }
0xc2: {  	_ =	task.clear_ibuf [dreg:s7], $0x2FFFF;
	_ =	strace $0x9FFFFFFF  }
0xc3: {  	(tm) =	ssettm $0x7FFFFFFF  }
tec
execute0_lowered:
.L_overlay_start_1:
0x0: {  	(tag) =	ssettag $0x1  }
0x1: {  	s0 =	rddreg [dreg:$0x0]  }
0x2: {  	s1 =	srdreg.scid;
	s2 =	rddreg [dreg:$0x1]  }
0x3: {  	s3 =	rddreg [dreg:$0x2];
	s8 =	stileid.u32;
	s4 =	simm.s32 $0x0  }
0x4: {  	s18 =	simm.s32 $0x9;
	s20 =	simm.s32 $0xD000;
	s21 =	simm.s32 $0x80  }
0x5: {  	s22 =	simm.s32 $0x5000;
	s28 =	simm.s32 $0xB000;
	s29 =	simm.s32 $0x1  }
0x6: {  	s30 =	simm.s32 $0x2;
	s31 =	simm.s32 $0x3;
	s19 =	simm.s32 $0x6  }
0x7: {  	s1 =	sand.u32 $0x1, s1;
	[smem:$0x7FF] =	sst s4;
	s11 =	smul.u32 $0xA000, s8  }
0x8: {  	s5 =	sshll.u32 s1, $0x4;
	s6 =	ssub.s32 $0x2, s1;
	_ =	strace $0x8000004A  }
0x9: {  	s1 =	smul.u32 $0xA0000, s1;
	s5 =	sor.u32 s8, s5;
	s7 =	sshrl.u32 s6, $0x1  }
0xa: {  	s24 =	sadd.s32 $0x2000, s11;
	s12 =	sadd.s32 $0x4000, s11;
	s14 =	sadd.s32 $0x6000, s11  }
0xb: {  	s15 =	sadd.s32 $0x8000, s11;
	s5 =	smul.u32 $0x500, s5;
	s6 =	ssub.s32 s6, s7  }
0xc: {  	s7 =	sadd.s32 s11, s3;
	s8 =	sadd.s32 s24, s3;
	s9 =	sadd.s32 s12, s3  }
0xd: {  	s10 =	sadd.s32 s14, s3;
	s13 =	sadd.s32 s11, s1;
	s11 =	sadd.s32 s15, s3  }
0xe: {  	s25 =	sadd.s32 s1, s12;
	s26 =	sadd.s32 s1, s14;
	s5 =	sadd.s32 s5, s2  }
0xf: {  	s13 =	sshrl.u32 s13, $0x3;
	s12 =	sshrl.u32 s26, $0x3;
	s23 =	sadd.s32 $0x18C00, s5  }
0x10: {  	s2 =	sadd.s32 $0x49E00, s2;
	s5 =	sadd.s32 $0x4C00, s5;
	[dreg:$0x4] =	wrdreg s23  }
0x11: {  	s17 =	smax.u32 s6, $0x1;
	s13 =	sadd.s32 s2, s13;
	[dreg:$0x5] =	wrdreg s5  }
0x12: {  	s26 =	simm.s32 $0x8;
	s5 =	sadd.s32 s1, s24;
	[dreg:$0x6] =	wrdreg s13  }
0x13: {  	s1 =	sadd.s32 s1, s15;
	s15 =	sadd.s32 s2, s12;
	s23 =	simm.s32 $0x7000  }
0x14: {  	s24 =	simm.s32 $0x7;
	s5 =	sshrl.u32 s5, $0x3;
	s1 =	sshrl.u32 s1, $0x3  }
0x15: {  	s5 =	sadd.s32 s2, s5;
	s16 =	sadd.s32 s2, s1;
	s1 =	simm.s32 $0x4  }
0x16: {  	[dreg:$0x7] =	wrdreg s5;
	s5 =	sshrl.u32 s25, $0x3;
	s25 =	simm.s32 $0x9000  }
0x17: {  	v0 =	vimm.f32 $0.0e+00;
	s14 =	sadd.s32 s2, s5;
	s2 =	simm.s32 $0x5;
	s5 =	simm.s32 $0x0  }
.LBB2_1:
0x18: {  	s12 =	simm.s32 $0x100;
	s6 =	simm.s32 $0x0  }
.LBB2_2:
0x19: {  	p0 =	sne.s32 s12, $0x7F00;
	[tilespmem:s6+$0xD030] =	vst v0;
	s13 =	smov.u32 s12;
	s12 =	sadd.s32 $0x100, s12  }
.Ltmp0:
0x1a: {  	[tilespmem:s6+$0xD020] =	vst v0;
	(pc) =	sbr.rel @p0 .LBB2_2-.Ltmp0, $3  }
0x1b: {  	[tilespmem:s6+$0xD000] =	vst v0  }
0x1c: {  	[tilespmem:s6+$0xD010] =	vst v0;
	_ =	sdelay $0x1  }
0x1d: {  	s6 =	sshra.s32 s13, $0x2  }
0x1e: {  	[tilespmem:s6+$0xD030] =	vst v0  }
0x1f: {  	[tilespmem:s6+$0xD020] =	vst v0  }
0x20: {  	[tilespmem:s6+$0xD000] =	vst v0  }
0x21: {  	[tilespmem:s6+$0xD010] =	vst v0;
	s6 =	simm.s32 $0x0;
	s12 =	rddreg [dreg:$0x4]  }
0x22: {  	[tilespmem:s6], [sflag:$0x9] =	stream.linear.gather [hbm4b:s12+s6], $0x2800, $0x38;
	[tilespmem:$0x19000] =	vst v63  }
0x23: {  	_ =	swait.ge [sflag:s18], $0x2800  }
0x24: {  	[sflag:s18] =	ssyncset.done $0x0  }
0x25: {  	s13 =	simm.s32 $0x2800;
	s12 =	rddreg [dreg:$0x5];
	[sflag:s18] =	ssyncadd.s32 $0xFFFFD800  }
0x26: {  	[tilespmem:s13], [sflag:$0x9] =	stream.linear.gather [hbm4b:s12+s6], $0x2800, $0x38;
	[tilespmem:$0x19000] =	vst v63  }
0x27: {  	_ =	swait.ge [sflag:s18], $0x2800  }
0x28: {  	[sflag:s18] =	ssyncset.done $0x0  }
0x29: {  	[sflag:s18] =	ssyncadd.s32 $0xFFFFD800  }
0x2a: {  	[spmem:s7] =	stream.linear.scatter [tilespmem:s20], [sflag:$0x9], $0x2000, $0x38;
	[tilespmem:$0x19000] =	vst v63  }
0x2b: {  	_ =	swait.ge [sflag:s18], $0x2000  }
0x2c: {  	[sflag:s18] =	ssyncset.done $0x0  }
0x2d: {  	[sflag:s18] =	ssyncadd.s32 $0xFFFFE000  }
0x2e: {  	[spmem:s8] =	stream.linear.scatter [tilespmem:s20], [sflag:$0x9], $0x2000, $0x38;
	[tilespmem:$0x19000] =	vst v63  }
0x2f: {  	_ =	swait.ge [sflag:s18], $0x2000  }
0x30: {  	[sflag:s18] =	ssyncset.done $0x0  }
0x31: {  	[sflag:s18] =	ssyncadd.s32 $0xFFFFE000  }
0x32: {  	[spmem:s9] =	stream.linear.scatter [tilespmem:s20], [sflag:$0x9], $0x2000, $0x38;
	[tilespmem:$0x19000] =	vst v63  }
0x33: {  	_ =	swait.ge [sflag:s18], $0x2000  }
0x34: {  	[sflag:s18] =	ssyncset.done $0x0  }
0x35: {  	[sflag:s18] =	ssyncadd.s32 $0xFFFFE000  }
0x36: {  	[spmem:s10] =	stream.linear.scatter [tilespmem:s20], [sflag:$0x9], $0x2000, $0x38;
	[tilespmem:$0x19000] =	vst v63  }
0x37: {  	_ =	swait.ge [sflag:s18], $0x2000  }
0x38: {  	[sflag:s18] =	ssyncset.done $0x0  }
0x39: {  	[sflag:s18] =	ssyncadd.s32 $0xFFFFE000  }
0x3a: {  	[spmem:s11] =	stream.linear.scatter [tilespmem:s20], [sflag:$0x9], $0x2000, $0x38;
	[tilespmem:$0x19000] =	vst v63  }
0x3b: {  	_ =	swait.ge [sflag:s18], $0x2000  }
0x3c: {  	[sflag:s18] =	ssyncset.done $0x0  }
0x3d: {  	[sflag:s18] =	ssyncadd.s32 $0xFFFFE000  }
0x3e: {  	[bflag:$0x0] =	sbarrier.arrive $0xFFFF  }
0x3f: {  	[tilespmem:s22], [sflag:$0x1] =	stream.indirect.gather [hbm4b:s0+s21], $0x40, s6, s21, $0xb8;
	[tilespmem:$0x19000] =	vst v63  }
0x40: {  	_ = 	snop  }
0x41: {  	[tilespmem:s23], [sflag:$0x2] =	stream.indirect.gather [hbm4b:s0+s21], $0x40, s21, s21, $0xb8;
	[tilespmem:$0x19000] =	vst v63  }
0x42: {  	s13 =	simm.s32 $0x100  }
0x43: {  	[tilespmem:s25], [sflag:$0x3] =	stream.indirect.gather [hbm4b:s0+s21], $0x40, s13, s21, $0xb8;
	[tilespmem:$0x19000] =	vst v63  }
0x44: {  	s12 =	simm.s32 $0x180  }
0x45: {  	[tilespmem:s28], [sflag:$0x4] =	stream.indirect.gather [hbm4b:s0+s21], $0x40, s12, s21, $0xb8;
	[tilespmem:$0x19000] =	vst v63  }
0x46: {  	_ =	swait.ge [sflag:s29], $0x2000  }
0x47: {  	[sflag:s29] =	ssyncset.done $0x0  }
0x48: {  	s13 =	simm.s32 $0x2800;
	[sflag:s29] =	ssyncadd.s32 $0xFFFFE000  }
0x49: {  	[spmem:s3] =	stream.indirect.scatter.add.f32 [tilespmem:s22], [sflag:$0x5], $0x40, s13, s21, $0xb8;
	[tilespmem:$0x19000] =	vst v63  }
0x4a: {  	_ =	swait.ge [sflag:s30], $0x2000  }
0x4b: {  	[sflag:s30] =	ssyncset.done $0x0  }
0x4c: {  	s12 =	simm.s32 $0x2880;
	[sflag:s30] =	ssyncadd.s32 $0xFFFFE000  }
0x4d: {  	[spmem:s3] =	stream.indirect.scatter.add.f32 [tilespmem:s23], [sflag:$0x6], $0x40, s12, s21, $0xb8;
	[tilespmem:$0x19000] =	vst v63  }
0x4e: {  	_ =	swait.ge [sflag:s31], $0x2000  }
0x4f: {  	[sflag:s31] =	ssyncset.done $0x0  }
0x50: {  	s13 =	simm.s32 $0x2900;
	[sflag:s31] =	ssyncadd.s32 $0xFFFFE000  }
0x51: {  	[spmem:s3] =	stream.indirect.scatter.add.f32 [tilespmem:s25], [sflag:$0x7], $0x40, s13, s21, $0xb8;
	[tilespmem:$0x19000] =	vst v63  }
0x52: {  	_ =	swait.ge [sflag:s1], $0x2000  }
0x53: {  	[sflag:s1] =	ssyncset.done $0x0  }
0x54: {  	s12 =	simm.s32 $0x2980;
	[sflag:s1] =	ssyncadd.s32 $0xFFFFE000  }
0x55: {  	[spmem:s3] =	stream.indirect.scatter.add.f32 [tilespmem:s28], [sflag:$0x8], $0x40, s12, s21, $0xb8;
	[tilespmem:$0x19000] =	vst v63  }
0x56: {  	_ =	swait.ge [sflag:s2], $0x2000  }
0x57: {  	[sflag:s2] =	ssyncset.done $0x0  }
0x58: {  	s13 =	simm.s32 $0x200;
	[sflag:s2] =	ssyncadd.s32 $0xFFFFE000  }
0x59: {  	[tilespmem:s22], [sflag:$0x1] =	stream.indirect.gather [hbm4b:s0+s21], $0x40, s13, s21, $0xb8;
	[tilespmem:$0x19000] =	vst v63  }
0x5a: {  	_ =	swait.ge [sflag:s19], $0x2000  }
0x5b: {  	[sflag:s19] =	ssyncset.done $0x0  }
0x5c: {  	s12 =	simm.s32 $0x280;
	[sflag:s19] =	ssyncadd.s32 $0xFFFFE000  }
0x5d: {  	[tilespmem:s23], [sflag:$0x2] =	stream.indirect.gather [hbm4b:s0+s21], $0x40, s12, s21, $0xb8;
	[tilespmem:$0x19000] =	vst v63  }
0x5e: {  	_ =	swait.ge [sflag:s24], $0x2000  }
0x5f: {  	[sflag:s24] =	ssyncset.done $0x0  }
0x60: {  	s13 =	simm.s32 $0x300;
	[sflag:s24] =	ssyncadd.s32 $0xFFFFE000  }
0x61: {  	[tilespmem:s25], [sflag:$0x3] =	stream.indirect.gather [hbm4b:s0+s21], $0x40, s13, s21, $0xb8;
	[tilespmem:$0x19000] =	vst v63  }
0x62: {  	_ =	swait.ge [sflag:s26], $0x2000  }
0x63: {  	[sflag:s26] =	ssyncset.done $0x0  }
0x64: {  	s6 =	simm.s32 $0x800;
	s12 =	simm.s32 $0x380;
	[sflag:s26] =	ssyncadd.s32 $0xFFFFE000  }
.LBB2_4:
0x65: {  	[tilespmem:s28], [sflag:$0x4] =	stream.indirect.gather [hbm4b:s0+s21], $0x40, s12, s21, $0xb8;
	[tilespmem:$0x19000] =	vst v63  }
0x66: {  	s12 =	smov.u32 s6  }
0x67: {  	p0 =	sne.s32 s6, $0x9000;
	s6 =	sadd.s32 $0x800, s6;
	_ =	swait.ge [sflag:s29], $0x2000  }
0x68: {  	s12 =	sshra.s32 s12, $0x2;
	[sflag:s29] =	ssyncset.done $0x0  }
0x69: {  	s13 =	sadd.s32 $0x2800, s12;
	[sflag:s29] =	ssyncadd.s32 $0xFFFFE000  }
0x6a: {  	[spmem:s3] =	stream.indirect.scatter.add.f32 [tilespmem:s22], [sflag:$0x5], $0x40, s13, s21, $0xb8;
	[tilespmem:$0x19000] =	vst v63  }
0x6b: {  	_ =	swait.ge [sflag:s30], $0x2000  }
0x6c: {  	[sflag:s30] =	ssyncset.done $0x0  }
0x6d: {  	s13 =	sadd.s32 $0x2880, s12;
	[sflag:s30] =	ssyncadd.s32 $0xFFFFE000  }
0x6e: {  	[spmem:s3] =	stream.indirect.scatter.add.f32 [tilespmem:s23], [sflag:$0x6], $0x40, s13, s21, $0xb8;
	[tilespmem:$0x19000] =	vst v63  }
0x6f: {  	_ =	swait.ge [sflag:s31], $0x2000  }
0x70: {  	[sflag:s31] =	ssyncset.done $0x0  }
0x71: {  	s13 =	sadd.s32 $0x2900, s12;
	[sflag:s31] =	ssyncadd.s32 $0xFFFFE000  }
0x72: {  	[spmem:s3] =	stream.indirect.scatter.add.f32 [tilespmem:s25], [sflag:$0x7], $0x40, s13, s21, $0xb8;
	[tilespmem:$0x19000] =	vst v63  }
0x73: {  	_ =	swait.ge [sflag:s1], $0x2000  }
0x74: {  	[sflag:s1] =	ssyncset.done $0x0  }
0x75: {  	s13 =	sadd.s32 $0x2980, s12;
	[sflag:s1] =	ssyncadd.s32 $0xFFFFE000  }
0x76: {  	[spmem:s3] =	stream.indirect.scatter.add.f32 [tilespmem:s28], [sflag:$0x8], $0x40, s13, s21, $0xb8;
	[tilespmem:$0x19000] =	vst v63  }
0x77: {  	_ =	swait.ge [sflag:s2], $0x2000  }
0x78: {  	[sflag:s2] =	ssyncset.done $0x0  }
0x79: {  	s13 =	sadd.s32 $0x200, s12;
	[sflag:s2] =	ssyncadd.s32 $0xFFFFE000  }
0x7a: {  	[tilespmem:s22], [sflag:$0x1] =	stream.indirect.gather [hbm4b:s0+s21], $0x40, s13, s21, $0xb8;
	[tilespmem:$0x19000] =	vst v63  }
0x7b: {  	_ =	swait.ge [sflag:s19], $0x2000  }
0x7c: {  	[sflag:s19] =	ssyncset.done $0x0  }
0x7d: {  	s13 =	sadd.s32 $0x280, s12;
	[sflag:s19] =	ssyncadd.s32 $0xFFFFE000  }
0x7e: {  	[tilespmem:s23], [sflag:$0x2] =	stream.indirect.gather [hbm4b:s0+s21], $0x40, s13, s21, $0xb8;
	[tilespmem:$0x19000] =	vst v63  }
0x7f: {  	_ =	swait.ge [sflag:s24], $0x2000  }
0x80: {  	[sflag:s24] =	ssyncset.done $0x0  }
.Ltmp1:
0x81: {  	s13 =	sadd.s32 $0x300, s12;
	[sflag:s24] =	ssyncadd.s32 $0xFFFFE000;
	(pc) =	sbr.rel @p0 .LBB2_4-.Ltmp1, $4  }
0x82: {  	[tilespmem:s25], [sflag:$0x3] =	stream.indirect.gather [hbm4b:s0+s21], $0x40, s13, s21, $0xb8;
	[tilespmem:$0x19000] =	vst v63  }
0x83: {  	_ =	swait.ge [sflag:s26], $0x2000  }
0x84: {  	[sflag:s26] =	ssyncset.done $0x0  }
0x85: {  	s12 =	sadd.s32 $0x380, s12;
	[sflag:s26] =	ssyncadd.s32 $0xFFFFE000  }
0x86: {  	[tilespmem:s28], [sflag:$0x4] =	stream.indirect.gather [hbm4b:s0+s21], $0x40, s12, s21, $0xb8;
	[tilespmem:$0x19000] =	vst v63  }
0x87: {  	_ =	swait.ge [sflag:s29], $0x2000  }
0x88: {  	[sflag:s29] =	ssyncset.done $0x0  }
0x89: {  	s6 =	simm.s32 $0x4E00;
	[sflag:s29] =	ssyncadd.s32 $0xFFFFE000  }
0x8a: {  	[spmem:s3] =	stream.indirect.scatter.add.f32 [tilespmem:s22], [sflag:$0x5], $0x40, s6, s21, $0xb8;
	[tilespmem:$0x19000] =	vst v63  }
0x8b: {  	_ =	swait.ge [sflag:s30], $0x2000  }
0x8c: {  	[sflag:s30] =	ssyncset.done $0x0  }
0x8d: {  	s13 =	simm.s32 $0x4E80;
	[sflag:s30] =	ssyncadd.s32 $0xFFFFE000  }
0x8e: {  	[spmem:s3] =	stream.indirect.scatter.add.f32 [tilespmem:s23], [sflag:$0x6], $0x40, s13, s21, $0xb8;
	[tilespmem:$0x19000] =	vst v63  }
0x8f: {  	_ =	swait.ge [sflag:s31], $0x2000  }
0x90: {  	[sflag:s31] =	ssyncset.done $0x0  }
0x91: {  	s12 =	simm.s32 $0x4F00;
	[sflag:s31] =	ssyncadd.s32 $0xFFFFE000  }
0x92: {  	[spmem:s3] =	stream.indirect.scatter.add.f32 [tilespmem:s25], [sflag:$0x7], $0x40, s12, s21, $0xb8;
	[tilespmem:$0x19000] =	vst v63  }
0x93: {  	_ =	swait.ge [sflag:s1], $0x2000  }
0x94: {  	[sflag:s1] =	ssyncset.done $0x0  }
0x95: {  	s13 =	simm.s32 $0x4F80;
	[sflag:s1] =	ssyncadd.s32 $0xFFFFE000  }
0x96: {  	[spmem:s3] =	stream.indirect.scatter.add.f32 [tilespmem:s28], [sflag:$0x8], $0x40, s13, s21, $0xb8;
	[tilespmem:$0x19000] =	vst v63  }
0x97: {  	_ =	swait.ge [sflag:s2], $0x2000  }
0x98: {  	[sflag:s2] =	ssyncset.done $0x0  }
0x99: {  	[sflag:s2] =	ssyncadd.s32 $0xFFFFE000  }
0x9a: {  	_ =	swait.ge [sflag:s19], $0x2000  }
0x9b: {  	[sflag:s19] =	ssyncset.done $0x0  }
0x9c: {  	[sflag:s19] =	ssyncadd.s32 $0xFFFFE000  }
0x9d: {  	_ =	swait.ge [sflag:s24], $0x2000  }
0x9e: {  	[sflag:s24] =	ssyncset.done $0x0  }
0x9f: {  	[sflag:s24] =	ssyncadd.s32 $0xFFFFE000  }
0xa0: {  	_ =	swait.ge [sflag:s26], $0x2000  }
0xa1: {  	[sflag:s26] =	ssyncset.done $0x0  }
0xa2: {  	[sflag:s26] =	ssyncadd.s32 $0xFFFFE000  }
0xa3: {  	[bflag:$0x0] =	sbarrier.arrive $0xFFFF  }
0xa4: {  	[tilespmem:s20], [sflag:$0x9] =	stream.linear.gather [spmem:s7], $0x2000, $0x38;
	[tilespmem:$0x19000] =	vst v63  }
0xa5: {  	_ =	swait.ge [sflag:s18], $0x2000  }
0xa6: {  	[sflag:s18] =	ssyncset.done $0x0  }
0xa7: {  	s12 =	rddreg [dreg:$0x6];
	[sflag:s18] =	ssyncadd.s32 $0xFFFFE000  }
0xa8: {  	[hbm4b:s12+s4] =	stream.linear.scatter [tilespmem:s20], [sflag:$0x9], $0x2000, $0x38;
	[tilespmem:$0x19000] =	vst v63  }
0xa9: {  	_ =	swait.ge [sflag:s18], $0x2000  }
0xaa: {  	[sflag:s18] =	ssyncset.done $0x0  }
0xab: {  	[sflag:s18] =	ssyncadd.s32 $0xFFFFE000  }
0xac: {  	[tilespmem:s20], [sflag:$0x9] =	stream.linear.gather [spmem:s8], $0x2000, $0x38;
	[tilespmem:$0x19000] =	vst v63  }
0xad: {  	_ =	swait.ge [sflag:s18], $0x2000  }
0xae: {  	[sflag:s18] =	ssyncset.done $0x0  }
0xaf: {  	s13 =	rddreg [dreg:$0x7];
	[sflag:s18] =	ssyncadd.s32 $0xFFFFE000  }
0xb0: {  	[hbm4b:s13+s4] =	stream.linear.scatter [tilespmem:s20], [sflag:$0x9], $0x2000, $0x38;
	[tilespmem:$0x19000] =	vst v63  }
0xb1: {  	_ =	swait.ge [sflag:s18], $0x2000  }
0xb2: {  	[sflag:s18] =	ssyncset.done $0x0  }
0xb3: {  	[sflag:s18] =	ssyncadd.s32 $0xFFFFE000  }
0xb4: {  	[tilespmem:s20], [sflag:$0x9] =	stream.linear.gather [spmem:s9], $0x2000, $0x38;
	[tilespmem:$0x19000] =	vst v63  }
0xb5: {  	_ =	swait.ge [sflag:s18], $0x2000  }
0xb6: {  	[sflag:s18] =	ssyncset.done $0x0  }
0xb7: {  	[sflag:s18] =	ssyncadd.s32 $0xFFFFE000  }
0xb8: {  	[hbm4b:s14+s4] =	stream.linear.scatter [tilespmem:s20], [sflag:$0x9], $0x2000, $0x38;
	[tilespmem:$0x19000] =	vst v63  }
0xb9: {  	_ =	swait.ge [sflag:s18], $0x2000  }
0xba: {  	[sflag:s18] =	ssyncset.done $0x0  }
0xbb: {  	[sflag:s18] =	ssyncadd.s32 $0xFFFFE000  }
0xbc: {  	[tilespmem:s20], [sflag:$0x9] =	stream.linear.gather [spmem:s10], $0x2000, $0x38;
	[tilespmem:$0x19000] =	vst v63  }
0xbd: {  	_ =	swait.ge [sflag:s18], $0x2000  }
0xbe: {  	[sflag:s18] =	ssyncset.done $0x0  }
0xbf: {  	[sflag:s18] =	ssyncadd.s32 $0xFFFFE000  }
0xc0: {  	[hbm4b:s15+s4] =	stream.linear.scatter [tilespmem:s20], [sflag:$0x9], $0x2000, $0x38;
	[tilespmem:$0x19000] =	vst v63  }
0xc1: {  	_ =	swait.ge [sflag:s18], $0x2000  }
0xc2: {  	[sflag:s18] =	ssyncset.done $0x0  }
0xc3: {  	[sflag:s18] =	ssyncadd.s32 $0xFFFFE000  }
0xc4: {  	[tilespmem:s20], [sflag:$0x9] =	stream.linear.gather [spmem:s11], $0x2000, $0x38;
	[tilespmem:$0x19000] =	vst v63  }
0xc5: {  	s5 =	sadd.s32 $0x1, s5;
	_ =	swait.ge [sflag:s18], $0x2000  }
0xc6: {  	p0 =	sne.s32 s5, s17;
	[sflag:s18] =	ssyncset.done $0x0  }
.Ltmp2:
0xc7: {  	[sflag:s18] =	ssyncadd.s32 $0xFFFFE000;
	(pc) =	sbr.rel @p0 .LBB2_1-.Ltmp2, $4  }
0xc8: {  	[hbm4b:s16+s4] =	stream.linear.scatter [tilespmem:s20], [sflag:$0x9], $0x2000, $0x38;
	[tilespmem:$0x19000] =	vst v63  }
0xc9: {  	_ =	swait.ge [sflag:s18], $0x2000  }
0xca: {  	[sflag:s18] =	ssyncset.done $0x0  }
0xcb: {  	[sflag:s18] =	ssyncadd.s32 $0xFFFFE000  }
0xcc: {  	_ =	sfence.sel $0x180000  }
0xcd: {  	[bflag:$0x0] =	sbarrier.arrive $0xFFFF  }
0xce: {  	_ =	strace $0x9000004A  }
0xcf: {  	s0 =	stileid.u32;
	[bflag:$0x2] =	sbarrier.arrive $0xFFFF  }
0xd0: {  	p0 =	sne.s32 s0, $0x0;
	s0 =	rddreg [dreg:$0x3]  }
0xd1: {  	s0 =	sadd.s32 @!p0 $0x100000, s0  }
0xd2: {  	[sflag:s0] =	ssyncadd.tile.s32 @!p0 $0x1;
	_ =	shalt  }
.Lfunc_end2:
_tile_overlayer_lowered:
.L_overlay_start_2:
0xd3: {  	(tag) =	ssettag $0x2  }
0xd4: {  	s0 =	rddreg [dreg:$0x0];
	s2 =	stileid.u32  }
0xd5: {  	s1 =	rddreg [dreg:$0x1];
	p0 =	sne.s32 s2, $0x0  }
0xd6: {  	s3 =	rddreg [dreg:$0x2];
	[bflag:$0x3] =	sbarrier.arrive $0xFFFF;
	s2 =	simm.s32 @!p0 $0x1C09  }
0xd7: {  	[timem:s3], [sflag:s2] =	dma.local @!p0 [hbm:s0], s1  }
0xd8: {  	s0 =	simm.s32 @!p0 $0x9  }
0xd9: {  	_ =	swait.ge @!p0 [sflag:s0], s1  }
0xda: {  	s1 =	ssub.s32 @!p0 $0x0, s1;
	[sflag:s0] =	ssyncset.done @!p0 $0x0  }
0xdb: {  	[sflag:s0] =	ssyncadd.s32 @!p0 s1  }
0xdc: {  	[bflag:$0x3] =	sbarrier.arrive $0xFFFF  }
0xdd: {  	_ =	shalt  }

// kernel: kernel.18.cloned.1.call-start
scs
__scs_entry_jumppad:
0x0: {  	(pc) =	sbr.rel $0x88, $3  }
0x1: {  	(tag) =	ssettag $0x0;
	lr =	simm.s32 $0x1  }
0x2: {  	[smem:$0x3F8E] =	sst lr;
	_ =	strace $0xD0000000  }
0x3: {  	_ = 	snop  }
0x4: {  	_ = 	snop  }
0x5: {  	_ = 	snop  }
0x6: {  	_ = 	snop  }
0x7: {  	_ = 	snop  }
__scs_overlays_trampoline_lowered:
0x8: {  	[smem:$0x3F9D] =	sst s0  }
0x9: {  	[smem:$0x3F9E] =	sst s1  }
0xa: {  	[smem:$0x3F9F] =	sst s2  }
0xb: {  	[smem:$0x3FA0] =	sst s3  }
0xc: {  	[smem:$0x3FA1] =	sst s4  }
0xd: {  	[smem:$0x3FA2] =	sst s5  }
0xe: {  	[smem:$0x3FA3] =	sst s6  }
0xf: {  	[smem:$0x3FA4] =	sst s7  }
0x10: {  	[smem:$0x3FA5] =	sst s8  }
0x11: {  	[smem:$0x3FA6] =	sst s9;
	s0 =	simm.s32 @!p0 $0x0  }
0x12: {  	s1 =	sld [smem:$0x3F8C];
	s0 =	simm.s32 @p0 $0x1  }
0x13: {  	[smem:$0x3FA7] =	sst s0;
	s0 =	simm.s32 @!p1 $0x0  }
0x14: {  	s2 =	sld [smem:$0x3F8B];
	s0 =	simm.s32 @p1 $0x1  }
0x15: {  	[smem:$0x3FA8] =	sst s0;
	s0 =	simm.s32 @!p2 $0x0  }
0x16: {  	s3 =	sld [smem:$0x3FDB];
	s0 =	simm.s32 @p2 $0x1  }
0x17: {  	s4 =	simm.s32 $0x1BF5;
	[smem:$0x3FAA] =	sst s0  }
0x18: {  	s0 =	sld [smem:$0x3F8D];
	_ =	swait.ge [sflag:s4], $0x0  }
0x19: {  	s7 =	sld [smem:$0x3F8E]  }
0x1a: {  	s8 =	sadd.s32 $0xFFFFE003, lr  }
0x1b: {  	s9 =	sadd.s32 $0xFFFFFEF7, lr;
	s5 =	simm.s32 $0xFFFFFFFF;
	p2 =	slt.u32 s8, $0xFFFFF086  }
0x1c: {  	p1 =	slt.u32 s9, $0xF7A;
	s5 =	simm.s32 @!p2 $0x0  }
0x1d: {  	s5 =	simm.s32 @p1 $0x1;
	p0 =	seq.s32 s7, s2  }
0x1e: {  	s7 =	smul.u32 @!p0 $0xF7A, s2;
	p2 =	seq.s32 @!p0 s5, $0x0  }
0x1f: {  	s9 =	smul.u32 $0xF7A, s1;
	s8 =	simm.s32 @!p0 $0x1BF5;
	p2 =	por !p2, p0  }
0x20: {  	[sflag:s8] =	ssyncset.s32 @!p0 $0xFFFFF086;
	s6 =	sadd.s32 @!p0 s3, s7;
	s7 =	simm.s32 @!p0 $0x108  }
0x21: {  	s3 =	sadd.s32 s3, s9;
	s6 =	sadd.s32 @!p0 $0x88, s6;
	s7 =	simm.s32 @p2 $0x1082  }
0x22: {  	[simem:s7], [sflag:s8] =	dma.local @!p0 [hbm:s6], $0xF7A  }
0x23: {  	s9 =	sor.u32 $0xD0000000, s2;
	s6 =	simm.s32 $0x108;
	_ =	swait.ge @!p0 [sflag:s8], $0x0  }
0x24: {  	s3 =	sadd.s32 $0x88, s3;
	s6 =	simm.s32 @!p1 $0x1082;
	[sflag:s4] =	ssyncset.s32 $0xFFFFF086  }
0x25: {  	[simem:s6], [sflag:s4] =	dma.local [hbm:s3], $0xF7A  }
0x26: {  	[smem:$0x3F8E] =	sst s1;
	(tag) =	ssettag s2;
	_ =	strace s9  }
0x27: {  	s1 =	sld [smem:$0x3F9E]  }
0x28: {  	s2 =	sld [smem:$0x3F9F]  }
0x29: {  	s4 =	sld [smem:$0x3FA1]  }
0x2a: {  	p0 =	seq.s32 s5, $0x0;
	s5 =	sld [smem:$0x3FA2]  }
0x2b: {  	s6 =	sld [smem:$0x3FA3]  }
0x2c: {  	s7 =	sld [smem:$0x3FA4]  }
0x2d: {  	s3 =	simm.s32 $0x108;
	s8 =	sld [smem:$0x3FA5]  }
0x2e: {  	s3 =	simm.s32 @!p0 $0x1082;
	s9 =	sld [smem:$0x3FA6]  }
0x2f: {  	lr =	sadd.s32 s0, s3;
	s0 =	sld [smem:$0x3F9D]  }
0x30: {  	s3 =	sld [smem:$0x3FA0]  }
0x31: {  	[smem:$0x3FA9] =	sst s10  }
0x32: {  	s10 =	sld [smem:$0x3FA7];
	_ =	sdelay $0x3  }
0x33: {  	p0 =	seq.s32 s10, $0x1;
	s10 =	sld [smem:$0x3FA9];
	_ =	sdelay $0x3  }
0x34: {  	[smem:$0x3FA9] =	sst s10  }
0x35: {  	s10 =	sld [smem:$0x3FA8];
	_ =	sdelay $0x3  }
0x36: {  	p1 =	seq.s32 s10, $0x1;
	s10 =	sld [smem:$0x3FA9];
	_ =	sdelay $0x3  }
0x37: {  	[smem:$0x3FA9] =	sst s10  }
0x38: {  	s10 =	sld [smem:$0x3FAA]  }
0x39: {  	_ = 	snop;
	(pc) =	sbr.ind lr, $3  }
0x3a: {  	_ = 	snop  }
0x3b: {  	_ = 	snop  }
0x3c: {  	p2 =	seq.s32 s10, $0x1;
	s10 =	sld [smem:$0x3FA9]  }
0x3d: {  	_ =	shalt  }
0x3e: {  	_ =	shalt  }
0x3f: {  	_ =	shalt  }
0x40: {  	_ =	shalt  }
0x41: {  	_ =	shalt  }
0x42: {  	_ =	shalt  }
0x43: {  	_ =	shalt  }
0x44: {  	_ =	shalt  }
0x45: {  	_ =	shalt  }
0x46: {  	_ =	shalt  }
0x47: {  	_ =	shalt  }
0x48: {  	_ =	shalt  }
0x49: {  	_ =	shalt  }
0x4a: {  	_ =	shalt  }
0x4b: {  	_ =	shalt  }
0x4c: {  	_ =	shalt  }
0x4d: {  	_ =	shalt  }
0x4e: {  	_ =	shalt  }
0x4f: {  	_ =	shalt  }
0x50: {  	_ =	shalt  }
0x51: {  	_ =	shalt  }
0x52: {  	_ =	shalt  }
0x53: {  	_ =	shalt  }
0x54: {  	_ =	shalt  }
0x55: {  	_ =	shalt  }
0x56: {  	_ =	shalt  }
0x57: {  	_ =	shalt  }
0x58: {  	_ =	shalt  }
0x59: {  	_ =	shalt  }
0x5a: {  	_ =	shalt  }
0x5b: {  	_ =	shalt  }
0x5c: {  	_ =	shalt  }
0x5d: {  	_ =	shalt  }
0x5e: {  	_ =	shalt  }
0x5f: {  	_ =	shalt  }
0x60: {  	_ =	shalt  }
0x61: {  	_ =	shalt  }
0x62: {  	_ =	shalt  }
0x63: {  	_ =	shalt  }
0x64: {  	_ =	shalt  }
0x65: {  	_ =	shalt  }
0x66: {  	_ =	shalt  }
0x67: {  	_ =	shalt  }
0x68: {  	_ =	shalt  }
0x69: {  	_ =	shalt  }
0x6a: {  	_ =	shalt  }
0x6b: {  	_ =	shalt  }
0x6c: {  	_ =	shalt  }
0x6d: {  	_ =	shalt  }
0x6e: {  	_ =	shalt  }
0x6f: {  	_ =	shalt  }
0x70: {  	_ =	shalt  }
0x71: {  	_ =	shalt  }
0x72: {  	_ =	shalt  }
0x73: {  	_ =	shalt  }
0x74: {  	_ =	shalt  }
0x75: {  	_ =	shalt  }
0x76: {  	_ =	shalt  }
0x77: {  	_ =	shalt  }
0x78: {  	_ =	shalt  }
0x79: {  	_ =	shalt  }
0x7a: {  	_ =	shalt  }
0x7b: {  	_ =	shalt  }
0x7c: {  	_ =	shalt  }
0x7d: {  	_ =	shalt  }
0x7e: {  	_ =	shalt  }
0x7f: {  	_ =	shalt  }
0x80: {  	_ =	shalt  }
0x81: {  	_ =	shalt  }
0x82: {  	_ =	shalt  }
0x83: {  	_ =	shalt  }
0x84: {  	_ =	shalt  }
0x85: {  	_ =	shalt  }
0x86: {  	_ =	shalt  }
0x87: {  	_ =	shalt  }
.Lfunc_end0:
.L_simem_size_0:
called_computation.2_lowered:
.L_overlay_start_0:
0x88: {  	s2 =	sld [smem:$0x3FD9]  }
0x89: {  	s3 =	sld [smem:$0x3FFE];
	_ =	sdelay $0x1  }
0x8a: {  	s1 =	srdreg.scid  }
0x8b: {  	s0 =	sand.u32 $0x1, s1  }
0x8c: {  	s17 =	sshll.u32 s0, $0xA;
	s2 =	sadd.s32 s3, s2  }
0x8d: {  	s2 =	sadd.s32 s2, s17  }
0x8e: {  	[smem:$0x3FB5] =	sst s2  }
0x8f: {  	_ = 	snop  }
0x90: {  	s2 =	sld [smem:$0x3FD0];
	(tm) =	ssettm $0x1  }
0x91: {  	s18 =	sld [smem:$0x3FFB];
	_ =	sdelay $0x3  }
0x92: {  	_ =	strace s18  }
0x93: {  	s3 =	sld [smem:$0x3FFC];
	_ =	sdelay $0x3  }
0x94: {  	_ =	strace s3  }
0x95: {  	s3 =	sld [smem:$0x3FFD];
	_ =	sdelay $0x3  }
0x96: {  	_ =	strace s3  }
0x97: {  	_ =	strace $0x8FFFFFFF  }
0x98: {  	s19 =	sld [smem:$0x3FDB];
	_ =	sdelay $0x1  }
0x99: {  	s4 =	simm.s32 $_scs_section_size  }
0x9a: {  	s5 =	simm.s32 $_size__tile_overlayer_lowered;
	s6 =	simm.s32 $_tile_overlayer_lowered  }
0x9b: {  	s22 =	simm.s32 $0x1BFF;
	s21 =	sshll.u32 s6, $0x1;
	s3 =	sadd.s32 s4, s19  }
0x9c: {  	s7 =	simm.s32 $0x0;
	s20 =	sshll.u32 s5, $0x1;
	s5 =	sadd.s32 s21, s3  }
0x9d: {  	[timem:s7], [sflag:s22] =	dma.local [hbm:s5], s20  }
0x9e: {  	_ =	swait.ge [sflag:s22], s20  }
0x9f: {  	s4 =	ssub.s32 $0x0, s20;
	[sflag:s22] =	ssyncset.done $0x0  }
0xa0: {  	[sflag:s22] =	ssyncadd.s32 s4;
	_ =	sdelay $0x1  }
0xa1: {  	s23 =	simm.s32 $0x1B8B  }
0xa2: {  	_ =	swait.ge [sflag:s23], $0x1  }
0xa3: {  	[sflag:s23] =	ssyncset.done $0x0  }
0xa4: {  	s25 =	simm.s32 $0x1B8E;
	s24 =	sld [smem:$0x3FFE];
	[sflag:s23] =	ssyncadd.s32 $0xFFFFFFFF  }
0xa5: {  	s26 =	simm.s32 $execute0_lowered;
	[smem:$0x3FD2] =	sst s25  }
0xa6: {  	s5 =	sshll.u32 s26, $0x1;
	_ =	strace $0x8000004C;
	[dreg:$0x1] =	wrdreg $0xFFFFFFFF  }
0xa7: {  	s28 =	simm.s32 $_size_execute0_lowered;
	s3 =	sadd.s32 s3, s5;
	[dreg:$0x0] =	wrdreg $0x0  }
0xa8: {  	s5 =	sshll.u32 s28, $0x1;
	[dreg:$0x2] =	wrdreg s3  }
0xa9: {  	[dreg:$0x3] =	wrdreg s5  }
0xaa: {  	[dreg:$0x4] =	wrdreg $0xC0  }
0xab: {  	_ =	task [dreg:s7], $0x5FFFF  }
0xac: {  	[dreg:$0x1] =	wrdreg $0xFFFFFFFF  }
0xad: {  	[dreg:$0x0] =	wrdreg $0x60  }
0xae: {  	[dreg:$0x2] =	wrdreg s2  }
0xaf: {  	[dreg:$0x3] =	wrdreg s24  }
0xb0: {  	[dreg:$0x4] =	wrdreg $0xF0000  }
0xb1: {  	[dreg:$0x5] =	wrdreg $0x9  }
0xb2: {  	_ =	task.clear_ibuf [dreg:s7], $0x6FFFF;
	_ =	strace $0x9000004C  }
0xb3: {  	s29 =	simm.s32 $0x9;
	_ =	strace $0x8000004E  }
0xb4: {  	_ =	swait.ge [sflag:s29], $0x1  }
0xb5: {  	[sflag:s29] =	ssyncadd.s32 $0xFFFFFFFF  }
0xb6: {  	_ =	strace $0x9000004E  }
0xb7: {  	_ =	sfence  }
0xb8: {  	s30 =	sld [smem:$0x0];
	_ =	sdelay $0x2  }
0xb9: {  	s31 =	sshll.u32 s1, $0xD;
	s1 =	sshrl.u32 s1, $0x2  }
0xba: {  	s3 =	sand.u32 $0x4000, s31;
	s1 =	sadd.s32 s1, s30  }
0xbb: {  	s0 =	sor.u32 s3, s0;
	s1 =	sshll.u32 s1, $0x11  }
0xbc: {  	s0 =	sor.u32 s1, s0  }
0xbd: {  	s0 =	sadd.s32 $0x8F2B, s0  }
0xbe: {  	[sflag:s0] =	ssyncadd.remote.s32 $0x1  }
0xbf: {  	_ =	sfence.sel $0xFFFF  }
0xc0: {  	[dreg:$0x0] =	wrdreg $0xFFFFFFFF;
	(pc) =	sbr.abs _section_cstart, $3  }
0xc1: {  	[dreg:$0x1] =	wrdreg $0xFFFFFFFF  }
0xc2: {  	_ =	task.clear_ibuf [dreg:s7], $0x2FFFF;
	_ =	strace $0x9FFFFFFF  }
0xc3: {  	(tm) =	ssettm $0x7FFFFFFF  }
tec
execute0_lowered:
.L_overlay_start_1:
0x0: {  	(tag) =	ssettag $0x1  }
0x1: {  	s0 =	rddreg [dreg:$0x0]  }
0x2: {  	s1 =	srdreg.scid;
	s2 =	rddreg [dreg:$0x1]  }
0x3: {  	s3 =	rddreg [dreg:$0x2];
	s8 =	stileid.u32;
	s4 =	simm.s32 $0x0  }
0x4: {  	s18 =	simm.s32 $0x9;
	s20 =	simm.s32 $0xD000;
	s21 =	simm.s32 $0x80  }
0x5: {  	s22 =	simm.s32 $0x5000;
	s28 =	simm.s32 $0xB000;
	s29 =	simm.s32 $0x1  }
0x6: {  	s30 =	simm.s32 $0x2;
	s31 =	simm.s32 $0x3;
	s19 =	simm.s32 $0x6  }
0x7: {  	s1 =	sand.u32 $0x1, s1;
	[smem:$0x7FF] =	sst s4;
	s11 =	smul.u32 $0xA000, s8  }
0x8: {  	s5 =	sshll.u32 s1, $0x4;
	s6 =	ssub.s32 $0x2, s1;
	_ =	strace $0x8000004D  }
0x9: {  	s1 =	smul.u32 $0xA0000, s1;
	s5 =	sor.u32 s8, s5;
	s7 =	sshrl.u32 s6, $0x1  }
0xa: {  	s24 =	sadd.s32 $0x2000, s11;
	s12 =	sadd.s32 $0x4000, s11;
	s14 =	sadd.s32 $0x6000, s11  }
0xb: {  	s15 =	sadd.s32 $0x8000, s11;
	s5 =	smul.u32 $0x500, s5;
	s6 =	ssub.s32 s6, s7  }
0xc: {  	s7 =	sadd.s32 s11, s3;
	s8 =	sadd.s32 s24, s3;
	s9 =	sadd.s32 s12, s3  }
0xd: {  	s10 =	sadd.s32 s14, s3;
	s13 =	sadd.s32 s11, s1;
	s11 =	sadd.s32 s15, s3  }
0xe: {  	s25 =	sadd.s32 s1, s12;
	s26 =	sadd.s32 s1, s14;
	s5 =	sadd.s32 s5, s2  }
0xf: {  	s13 =	sshrl.u32 s13, $0x3;
	s12 =	sshrl.u32 s26, $0x3;
	s23 =	sadd.s32 $0x18C00, s5  }
0x10: {  	s2 =	sadd.s32 $0x49E00, s2;
	s5 =	sadd.s32 $0x4C00, s5;
	[dreg:$0x4] =	wrdreg s23  }
0x11: {  	s17 =	smax.u32 s6, $0x1;
	s13 =	sadd.s32 s2, s13;
	[dreg:$0x5] =	wrdreg s5  }
0x12: {  	s26 =	simm.s32 $0x8;
	s5 =	sadd.s32 s1, s24;
	[dreg:$0x6] =	wrdreg s13  }
0x13: {  	s1 =	sadd.s32 s1, s15;
	s15 =	sadd.s32 s2, s12;
	s23 =	simm.s32 $0x7000  }
0x14: {  	s24 =	simm.s32 $0x7;
	s5 =	sshrl.u32 s5, $0x3;
	s1 =	sshrl.u32 s1, $0x3  }
0x15: {  	s5 =	sadd.s32 s2, s5;
	s16 =	sadd.s32 s2, s1;
	s1 =	simm.s32 $0x4  }
0x16: {  	[dreg:$0x7] =	wrdreg s5;
	s5 =	sshrl.u32 s25, $0x3;
	s25 =	simm.s32 $0x9000  }
0x17: {  	v0 =	vimm.f32 $0.0e+00;
	s14 =	sadd.s32 s2, s5;
	s2 =	simm.s32 $0x5;
	s5 =	simm.s32 $0x0  }
.LBB2_1:
0x18: {  	s12 =	simm.s32 $0x100;
	s6 =	simm.s32 $0x0  }
.LBB2_2:
0x19: {  	p0 =	sne.s32 s12, $0x7F00;
	[tilespmem:s6+$0xD030] =	vst v0;
	s13 =	smov.u32 s12;
	s12 =	sadd.s32 $0x100, s12  }
.Ltmp0:
0x1a: {  	[tilespmem:s6+$0xD020] =	vst v0;
	(pc) =	sbr.rel @p0 .LBB2_2-.Ltmp0, $3  }
0x1b: {  	[tilespmem:s6+$0xD000] =	vst v0  }
0x1c: {  	[tilespmem:s6+$0xD010] =	vst v0;
	_ =	sdelay $0x1  }
0x1d: {  	s6 =	sshra.s32 s13, $0x2  }
0x1e: {  	[tilespmem:s6+$0xD030] =	vst v0  }
0x1f: {  	[tilespmem:s6+$0xD020] =	vst v0  }
0x20: {  	[tilespmem:s6+$0xD000] =	vst v0  }
0x21: {  	[tilespmem:s6+$0xD010] =	vst v0;
	s6 =	simm.s32 $0x0;
	s12 =	rddreg [dreg:$0x4]  }
0x22: {  	[tilespmem:s6], [sflag:$0x9] =	stream.linear.gather [hbm4b:s12+s6], $0x2800, $0x38;
	[tilespmem:$0x19000] =	vst v63  }
0x23: {  	_ =	swait.ge [sflag:s18], $0x2800  }
0x24: {  	[sflag:s18] =	ssyncset.done $0x0  }
0x25: {  	s13 =	simm.s32 $0x2800;
	s12 =	rddreg [dreg:$0x5];
	[sflag:s18] =	ssyncadd.s32 $0xFFFFD800  }
0x26: {  	[tilespmem:s13], [sflag:$0x9] =	stream.linear.gather [hbm4b:s12+s6], $0x2800, $0x38;
	[tilespmem:$0x19000] =	vst v63  }
0x27: {  	_ =	swait.ge [sflag:s18], $0x2800  }
0x28: {  	[sflag:s18] =	ssyncset.done $0x0  }
0x29: {  	[sflag:s18] =	ssyncadd.s32 $0xFFFFD800  }
0x2a: {  	[spmem:s7] =	stream.linear.scatter [tilespmem:s20], [sflag:$0x9], $0x2000, $0x38;
	[tilespmem:$0x19000] =	vst v63  }
0x2b: {  	_ =	swait.ge [sflag:s18], $0x2000  }
0x2c: {  	[sflag:s18] =	ssyncset.done $0x0  }
0x2d: {  	[sflag:s18] =	ssyncadd.s32 $0xFFFFE000  }
0x2e: {  	[spmem:s8] =	stream.linear.scatter [tilespmem:s20], [sflag:$0x9], $0x2000, $0x38;
	[tilespmem:$0x19000] =	vst v63  }
0x2f: {  	_ =	swait.ge [sflag:s18], $0x2000  }
0x30: {  	[sflag:s18] =	ssyncset.done $0x0  }
0x31: {  	[sflag:s18] =	ssyncadd.s32 $0xFFFFE000  }
0x32: {  	[spmem:s9] =	stream.linear.scatter [tilespmem:s20], [sflag:$0x9], $0x2000, $0x38;
	[tilespmem:$0x19000] =	vst v63  }
0x33: {  	_ =	swait.ge [sflag:s18], $0x2000  }
0x34: {  	[sflag:s18] =	ssyncset.done $0x0  }
0x35: {  	[sflag:s18] =	ssyncadd.s32 $0xFFFFE000  }
0x36: {  	[spmem:s10] =	stream.linear.scatter [tilespmem:s20], [sflag:$0x9], $0x2000, $0x38;
	[tilespmem:$0x19000] =	vst v63  }
0x37: {  	_ =	swait.ge [sflag:s18], $0x2000  }
0x38: {  	[sflag:s18] =	ssyncset.done $0x0  }
0x39: {  	[sflag:s18] =	ssyncadd.s32 $0xFFFFE000  }
0x3a: {  	[spmem:s11] =	stream.linear.scatter [tilespmem:s20], [sflag:$0x9], $0x2000, $0x38;
	[tilespmem:$0x19000] =	vst v63  }
0x3b: {  	_ =	swait.ge [sflag:s18], $0x2000  }
0x3c: {  	[sflag:s18] =	ssyncset.done $0x0  }
0x3d: {  	[sflag:s18] =	ssyncadd.s32 $0xFFFFE000  }
0x3e: {  	[bflag:$0x0] =	sbarrier.arrive $0xFFFF  }
0x3f: {  	[tilespmem:s22], [sflag:$0x1] =	stream.indirect.gather [hbm4b:s0+s21], $0x40, s6, s21, $0xb8;
	[tilespmem:$0x19000] =	vst v63  }
0x40: {  	_ = 	snop  }
0x41: {  	[tilespmem:s23], [sflag:$0x2] =	stream.indirect.gather [hbm4b:s0+s21], $0x40, s21, s21, $0xb8;
	[tilespmem:$0x19000] =	vst v63  }
0x42: {  	s13 =	simm.s32 $0x100  }
0x43: {  	[tilespmem:s25], [sflag:$0x3] =	stream.indirect.gather [hbm4b:s0+s21], $0x40, s13, s21, $0xb8;
	[tilespmem:$0x19000] =	vst v63  }
0x44: {  	s12 =	simm.s32 $0x180  }
0x45: {  	[tilespmem:s28], [sflag:$0x4] =	stream.indirect.gather [hbm4b:s0+s21], $0x40, s12, s21, $0xb8;
	[tilespmem:$0x19000] =	vst v63  }
0x46: {  	_ =	swait.ge [sflag:s29], $0x2000  }
0x47: {  	[sflag:s29] =	ssyncset.done $0x0  }
0x48: {  	s13 =	simm.s32 $0x2800;
	[sflag:s29] =	ssyncadd.s32 $0xFFFFE000  }
0x49: {  	[spmem:s3] =	stream.indirect.scatter.add.f32 [tilespmem:s22], [sflag:$0x5], $0x40, s13, s21, $0xb8;
	[tilespmem:$0x19000] =	vst v63  }
0x4a: {  	_ =	swait.ge [sflag:s30], $0x2000  }
0x4b: {  	[sflag:s30] =	ssyncset.done $0x0  }
0x4c: {  	s12 =	simm.s32 $0x2880;
	[sflag:s30] =	ssyncadd.s32 $0xFFFFE000  }
0x4d: {  	[spmem:s3] =	stream.indirect.scatter.add.f32 [tilespmem:s23], [sflag:$0x6], $0x40, s12, s21, $0xb8;
	[tilespmem:$0x19000] =	vst v63  }
0x4e: {  	_ =	swait.ge [sflag:s31], $0x2000  }
0x4f: {  	[sflag:s31] =	ssyncset.done $0x0  }
0x50: {  	s13 =	simm.s32 $0x2900;
	[sflag:s31] =	ssyncadd.s32 $0xFFFFE000  }
0x51: {  	[spmem:s3] =	stream.indirect.scatter.add.f32 [tilespmem:s25], [sflag:$0x7], $0x40, s13, s21, $0xb8;
	[tilespmem:$0x19000] =	vst v63  }
0x52: {  	_ =	swait.ge [sflag:s1], $0x2000  }
0x53: {  	[sflag:s1] =	ssyncset.done $0x0  }
0x54: {  	s12 =	simm.s32 $0x2980;
	[sflag:s1] =	ssyncadd.s32 $0xFFFFE000  }
0x55: {  	[spmem:s3] =	stream.indirect.scatter.add.f32 [tilespmem:s28], [sflag:$0x8], $0x40, s12, s21, $0xb8;
	[tilespmem:$0x19000] =	vst v63  }
0x56: {  	_ =	swait.ge [sflag:s2], $0x2000  }
0x57: {  	[sflag:s2] =	ssyncset.done $0x0  }
0x58: {  	s13 =	simm.s32 $0x200;
	[sflag:s2] =	ssyncadd.s32 $0xFFFFE000  }
0x59: {  	[tilespmem:s22], [sflag:$0x1] =	stream.indirect.gather [hbm4b:s0+s21], $0x40, s13, s21, $0xb8;
	[tilespmem:$0x19000] =	vst v63  }
0x5a: {  	_ =	swait.ge [sflag:s19], $0x2000  }
0x5b: {  	[sflag:s19] =	ssyncset.done $0x0  }
0x5c: {  	s12 =	simm.s32 $0x280;
	[sflag:s19] =	ssyncadd.s32 $0xFFFFE000  }
0x5d: {  	[tilespmem:s23], [sflag:$0x2] =	stream.indirect.gather [hbm4b:s0+s21], $0x40, s12, s21, $0xb8;
	[tilespmem:$0x19000] =	vst v63  }
0x5e: {  	_ =	swait.ge [sflag:s24], $0x2000  }
0x5f: {  	[sflag:s24] =	ssyncset.done $0x0  }
0x60: {  	s13 =	simm.s32 $0x300;
	[sflag:s24] =	ssyncadd.s32 $0xFFFFE000  }
0x61: {  	[tilespmem:s25], [sflag:$0x3] =	stream.indirect.gather [hbm4b:s0+s21], $0x40, s13, s21, $0xb8;
	[tilespmem:$0x19000] =	vst v63  }
0x62: {  	_ =	swait.ge [sflag:s26], $0x2000  }
0x63: {  	[sflag:s26] =	ssyncset.done $0x0  }
0x64: {  	s6 =	simm.s32 $0x800;
	s12 =	simm.s32 $0x380;
	[sflag:s26] =	ssyncadd.s32 $0xFFFFE000  }
.LBB2_4:
0x65: {  	[tilespmem:s28], [sflag:$0x4] =	stream.indirect.gather [hbm4b:s0+s21], $0x40, s12, s21, $0xb8;
	[tilespmem:$0x19000] =	vst v63  }
0x66: {  	s12 =	smov.u32 s6  }
0x67: {  	p0 =	sne.s32 s6, $0x9000;
	s6 =	sadd.s32 $0x800, s6;
	_ =	swait.ge [sflag:s29], $0x2000  }
0x68: {  	s12 =	sshra.s32 s12, $0x2;
	[sflag:s29] =	ssyncset.done $0x0  }
0x69: {  	s13 =	sadd.s32 $0x2800, s12;
	[sflag:s29] =	ssyncadd.s32 $0xFFFFE000  }
0x6a: {  	[spmem:s3] =	stream.indirect.scatter.add.f32 [tilespmem:s22], [sflag:$0x5], $0x40, s13, s21, $0xb8;
	[tilespmem:$0x19000] =	vst v63  }
0x6b: {  	_ =	swait.ge [sflag:s30], $0x2000  }
0x6c: {  	[sflag:s30] =	ssyncset.done $0x0  }
0x6d: {  	s13 =	sadd.s32 $0x2880, s12;
	[sflag:s30] =	ssyncadd.s32 $0xFFFFE000  }
0x6e: {  	[spmem:s3] =	stream.indirect.scatter.add.f32 [tilespmem:s23], [sflag:$0x6], $0x40, s13, s21, $0xb8;
	[tilespmem:$0x19000] =	vst v63  }
0x6f: {  	_ =	swait.ge [sflag:s31], $0x2000  }
0x70: {  	[sflag:s31] =	ssyncset.done $0x0  }
0x71: {  	s13 =	sadd.s32 $0x2900, s12;
	[sflag:s31] =	ssyncadd.s32 $0xFFFFE000  }
0x72: {  	[spmem:s3] =	stream.indirect.scatter.add.f32 [tilespmem:s25], [sflag:$0x7], $0x40, s13, s21, $0xb8;
	[tilespmem:$0x19000] =	vst v63  }
0x73: {  	_ =	swait.ge [sflag:s1], $0x2000  }
0x74: {  	[sflag:s1] =	ssyncset.done $0x0  }
0x75: {  	s13 =	sadd.s32 $0x2980, s12;
	[sflag:s1] =	ssyncadd.s32 $0xFFFFE000  }
0x76: {  	[spmem:s3] =	stream.indirect.scatter.add.f32 [tilespmem:s28], [sflag:$0x8], $0x40, s13, s21, $0xb8;
	[tilespmem:$0x19000] =	vst v63  }
0x77: {  	_ =	swait.ge [sflag:s2], $0x2000  }
0x78: {  	[sflag:s2] =	ssyncset.done $0x0  }
0x79: {  	s13 =	sadd.s32 $0x200, s12;
	[sflag:s2] =	ssyncadd.s32 $0xFFFFE000  }
0x7a: {  	[tilespmem:s22], [sflag:$0x1] =	stream.indirect.gather [hbm4b:s0+s21], $0x40, s13, s21, $0xb8;
	[tilespmem:$0x19000] =	vst v63  }
0x7b: {  	_ =	swait.ge [sflag:s19], $0x2000  }
0x7c: {  	[sflag:s19] =	ssyncset.done $0x0  }
0x7d: {  	s13 =	sadd.s32 $0x280, s12;
	[sflag:s19] =	ssyncadd.s32 $0xFFFFE000  }
0x7e: {  	[tilespmem:s23], [sflag:$0x2] =	stream.indirect.gather [hbm4b:s0+s21], $0x40, s13, s21, $0xb8;
	[tilespmem:$0x19000] =	vst v63  }
0x7f: {  	_ =	swait.ge [sflag:s24], $0x2000  }
0x80: {  	[sflag:s24] =	ssyncset.done $0x0  }
.Ltmp1:
0x81: {  	s13 =	sadd.s32 $0x300, s12;
	[sflag:s24] =	ssyncadd.s32 $0xFFFFE000;
	(pc) =	sbr.rel @p0 .LBB2_4-.Ltmp1, $4  }
0x82: {  	[tilespmem:s25], [sflag:$0x3] =	stream.indirect.gather [hbm4b:s0+s21], $0x40, s13, s21, $0xb8;
	[tilespmem:$0x19000] =	vst v63  }
0x83: {  	_ =	swait.ge [sflag:s26], $0x2000  }
0x84: {  	[sflag:s26] =	ssyncset.done $0x0  }
0x85: {  	s12 =	sadd.s32 $0x380, s12;
	[sflag:s26] =	ssyncadd.s32 $0xFFFFE000  }
0x86: {  	[tilespmem:s28], [sflag:$0x4] =	stream.indirect.gather [hbm4b:s0+s21], $0x40, s12, s21, $0xb8;
	[tilespmem:$0x19000] =	vst v63  }
0x87: {  	_ =	swait.ge [sflag:s29], $0x2000  }
0x88: {  	[sflag:s29] =	ssyncset.done $0x0  }
0x89: {  	s6 =	simm.s32 $0x4E00;
	[sflag:s29] =	ssyncadd.s32 $0xFFFFE000  }
0x8a: {  	[spmem:s3] =	stream.indirect.scatter.add.f32 [tilespmem:s22], [sflag:$0x5], $0x40, s6, s21, $0xb8;
	[tilespmem:$0x19000] =	vst v63  }
0x8b: {  	_ =	swait.ge [sflag:s30], $0x2000  }
0x8c: {  	[sflag:s30] =	ssyncset.done $0x0  }
0x8d: {  	s13 =	simm.s32 $0x4E80;
	[sflag:s30] =	ssyncadd.s32 $0xFFFFE000  }
0x8e: {  	[spmem:s3] =	stream.indirect.scatter.add.f32 [tilespmem:s23], [sflag:$0x6], $0x40, s13, s21, $0xb8;
	[tilespmem:$0x19000] =	vst v63  }
0x8f: {  	_ =	swait.ge [sflag:s31], $0x2000  }
0x90: {  	[sflag:s31] =	ssyncset.done $0x0  }
0x91: {  	s12 =	simm.s32 $0x4F00;
	[sflag:s31] =	ssyncadd.s32 $0xFFFFE000  }
0x92: {  	[spmem:s3] =	stream.indirect.scatter.add.f32 [tilespmem:s25], [sflag:$0x7], $0x40, s12, s21, $0xb8;
	[tilespmem:$0x19000] =	vst v63  }
0x93: {  	_ =	swait.ge [sflag:s1], $0x2000  }
0x94: {  	[sflag:s1] =	ssyncset.done $0x0  }
0x95: {  	s13 =	simm.s32 $0x4F80;
	[sflag:s1] =	ssyncadd.s32 $0xFFFFE000  }
0x96: {  	[spmem:s3] =	stream.indirect.scatter.add.f32 [tilespmem:s28], [sflag:$0x8], $0x40, s13, s21, $0xb8;
	[tilespmem:$0x19000] =	vst v63  }
0x97: {  	_ =	swait.ge [sflag:s2], $0x2000  }
0x98: {  	[sflag:s2] =	ssyncset.done $0x0  }
0x99: {  	[sflag:s2] =	ssyncadd.s32 $0xFFFFE000  }
0x9a: {  	_ =	swait.ge [sflag:s19], $0x2000  }
0x9b: {  	[sflag:s19] =	ssyncset.done $0x0  }
0x9c: {  	[sflag:s19] =	ssyncadd.s32 $0xFFFFE000  }
0x9d: {  	_ =	swait.ge [sflag:s24], $0x2000  }
0x9e: {  	[sflag:s24] =	ssyncset.done $0x0  }
0x9f: {  	[sflag:s24] =	ssyncadd.s32 $0xFFFFE000  }
0xa0: {  	_ =	swait.ge [sflag:s26], $0x2000  }
0xa1: {  	[sflag:s26] =	ssyncset.done $0x0  }
0xa2: {  	[sflag:s26] =	ssyncadd.s32 $0xFFFFE000  }
0xa3: {  	[bflag:$0x0] =	sbarrier.arrive $0xFFFF  }
0xa4: {  	[tilespmem:s20], [sflag:$0x9] =	stream.linear.gather [spmem:s7], $0x2000, $0x38;
	[tilespmem:$0x19000] =	vst v63  }
0xa5: {  	_ =	swait.ge [sflag:s18], $0x2000  }
0xa6: {  	[sflag:s18] =	ssyncset.done $0x0  }
0xa7: {  	s12 =	rddreg [dreg:$0x6];
	[sflag:s18] =	ssyncadd.s32 $0xFFFFE000  }
0xa8: {  	[hbm4b:s12+s4] =	stream.linear.scatter [tilespmem:s20], [sflag:$0x9], $0x2000, $0x38;
	[tilespmem:$0x19000] =	vst v63  }
0xa9: {  	_ =	swait.ge [sflag:s18], $0x2000  }
0xaa: {  	[sflag:s18] =	ssyncset.done $0x0  }
0xab: {  	[sflag:s18] =	ssyncadd.s32 $0xFFFFE000  }
0xac: {  	[tilespmem:s20], [sflag:$0x9] =	stream.linear.gather [spmem:s8], $0x2000, $0x38;
	[tilespmem:$0x19000] =	vst v63  }
0xad: {  	_ =	swait.ge [sflag:s18], $0x2000  }
0xae: {  	[sflag:s18] =	ssyncset.done $0x0  }
0xaf: {  	s13 =	rddreg [dreg:$0x7];
	[sflag:s18] =	ssyncadd.s32 $0xFFFFE000  }
0xb0: {  	[hbm4b:s13+s4] =	stream.linear.scatter [tilespmem:s20], [sflag:$0x9], $0x2000, $0x38;
	[tilespmem:$0x19000] =	vst v63  }
0xb1: {  	_ =	swait.ge [sflag:s18], $0x2000  }
0xb2: {  	[sflag:s18] =	ssyncset.done $0x0  }
0xb3: {  	[sflag:s18] =	ssyncadd.s32 $0xFFFFE000  }
0xb4: {  	[tilespmem:s20], [sflag:$0x9] =	stream.linear.gather [spmem:s9], $0x2000, $0x38;
	[tilespmem:$0x19000] =	vst v63  }
0xb5: {  	_ =	swait.ge [sflag:s18], $0x2000  }
0xb6: {  	[sflag:s18] =	ssyncset.done $0x0  }
0xb7: {  	[sflag:s18] =	ssyncadd.s32 $0xFFFFE000  }
0xb8: {  	[hbm4b:s14+s4] =	stream.linear.scatter [tilespmem:s20], [sflag:$0x9], $0x2000, $0x38;
	[tilespmem:$0x19000] =	vst v63  }
0xb9: {  	_ =	swait.ge [sflag:s18], $0x2000  }
0xba: {  	[sflag:s18] =	ssyncset.done $0x0  }
0xbb: {  	[sflag:s18] =	ssyncadd.s32 $0xFFFFE000  }
0xbc: {  	[tilespmem:s20], [sflag:$0x9] =	stream.linear.gather [spmem:s10], $0x2000, $0x38;
	[tilespmem:$0x19000] =	vst v63  }
0xbd: {  	_ =	swait.ge [sflag:s18], $0x2000  }
0xbe: {  	[sflag:s18] =	ssyncset.done $0x0  }
0xbf: {  	[sflag:s18] =	ssyncadd.s32 $0xFFFFE000  }
0xc0: {  	[hbm4b:s15+s4] =	stream.linear.scatter [tilespmem:s20], [sflag:$0x9], $0x2000, $0x38;
	[tilespmem:$0x19000] =	vst v63  }
0xc1: {  	_ =	swait.ge [sflag:s18], $0x2000  }
0xc2: {  	[sflag:s18] =	ssyncset.done $0x0  }
0xc3: {  	[sflag:s18] =	ssyncadd.s32 $0xFFFFE000  }
0xc4: {  	[tilespmem:s20], [sflag:$0x9] =	stream.linear.gather [spmem:s11], $0x2000, $0x38;
	[tilespmem:$0x19000] =	vst v63  }
0xc5: {  	s5 =	sadd.s32 $0x1, s5;
	_ =	swait.ge [sflag:s18], $0x2000  }
0xc6: {  	p0 =	sne.s32 s5, s17;
	[sflag:s18] =	ssyncset.done $0x0  }
.Ltmp2:
0xc7: {  	[sflag:s18] =	ssyncadd.s32 $0xFFFFE000;
	(pc) =	sbr.rel @p0 .LBB2_1-.Ltmp2, $4  }
0xc8: {  	[hbm4b:s16+s4] =	stream.linear.scatter [tilespmem:s20], [sflag:$0x9], $0x2000, $0x38;
	[tilespmem:$0x19000] =	vst v63  }
0xc9: {  	_ =	swait.ge [sflag:s18], $0x2000  }
0xca: {  	[sflag:s18] =	ssyncset.done $0x0  }
0xcb: {  	[sflag:s18] =	ssyncadd.s32 $0xFFFFE000  }
0xcc: {  	_ =	sfence.sel $0x180000  }
0xcd: {  	[bflag:$0x0] =	sbarrier.arrive $0xFFFF  }
0xce: {  	_ =	strace $0x9000004D  }
0xcf: {  	s0 =	stileid.u32;
	[bflag:$0x2] =	sbarrier.arrive $0xFFFF  }
0xd0: {  	p0 =	sne.s32 s0, $0x0;
	s0 =	rddreg [dreg:$0x3]  }
0xd1: {  	s0 =	sadd.s32 @!p0 $0x100000, s0  }
0xd2: {  	[sflag:s0] =	ssyncadd.tile.s32 @!p0 $0x1;
	_ =	shalt  }
.Lfunc_end2:
_tile_overlayer_lowered:
.L_overlay_start_2:
0xd3: {  	(tag) =	ssettag $0x2  }
0xd4: {  	s0 =	rddreg [dreg:$0x0];
	s2 =	stileid.u32  }
0xd5: {  	s1 =	rddreg [dreg:$0x1];
	p0 =	sne.s32 s2, $0x0  }
0xd6: {  	s3 =	rddreg [dreg:$0x2];
	[bflag:$0x3] =	sbarrier.arrive $0xFFFF;
	s2 =	simm.s32 @!p0 $0x1C09  }
0xd7: {  	[timem:s3], [sflag:s2] =	dma.local @!p0 [hbm:s0], s1  }
0xd8: {  	s0 =	simm.s32 @!p0 $0x9  }
0xd9: {  	_ =	swait.ge @!p0 [sflag:s0], s1  }
0xda: {  	s1 =	ssub.s32 @!p0 $0x0, s1;
	[sflag:s0] =	ssyncset.done @!p0 $0x0  }
0xdb: {  	[sflag:s0] =	ssyncadd.s32 @!p0 s1  }
0xdc: {  	[bflag:$0x3] =	sbarrier.arrive $0xFFFF  }
0xdd: {  	_ =	shalt  }

// kernel: kernel.21.cloned.1.call-start
scs
__scs_entry_jumppad:
0x0: {  	(pc) =	sbr.rel $0x88, $3  }
0x1: {  	(tag) =	ssettag $0x0;
	lr =	simm.s32 $0x1  }
0x2: {  	[smem:$0x3F8E] =	sst lr;
	_ =	strace $0xD0000000  }
0x3: {  	_ = 	snop  }
0x4: {  	_ = 	snop  }
0x5: {  	_ = 	snop  }
0x6: {  	_ = 	snop  }
0x7: {  	_ = 	snop  }
__scs_overlays_trampoline_lowered:
0x8: {  	[smem:$0x3F9D] =	sst s0  }
0x9: {  	[smem:$0x3F9E] =	sst s1  }
0xa: {  	[smem:$0x3F9F] =	sst s2  }
0xb: {  	[smem:$0x3FA0] =	sst s3  }
0xc: {  	[smem:$0x3FA1] =	sst s4  }
0xd: {  	[smem:$0x3FA2] =	sst s5  }
0xe: {  	[smem:$0x3FA3] =	sst s6  }
0xf: {  	[smem:$0x3FA4] =	sst s7  }
0x10: {  	[smem:$0x3FA5] =	sst s8  }
0x11: {  	[smem:$0x3FA6] =	sst s9;
	s0 =	simm.s32 @!p0 $0x0  }
0x12: {  	s1 =	sld [smem:$0x3F8C];
	s0 =	simm.s32 @p0 $0x1  }
0x13: {  	[smem:$0x3FA7] =	sst s0;
	s0 =	simm.s32 @!p1 $0x0  }
0x14: {  	s2 =	sld [smem:$0x3F8B];
	s0 =	simm.s32 @p1 $0x1  }
0x15: {  	[smem:$0x3FA8] =	sst s0;
	s0 =	simm.s32 @!p2 $0x0  }
0x16: {  	s3 =	sld [smem:$0x3FDB];
	s0 =	simm.s32 @p2 $0x1  }
0x17: {  	s4 =	simm.s32 $0x1BF5;
	[smem:$0x3FAA] =	sst s0  }
0x18: {  	s0 =	sld [smem:$0x3F8D];
	_ =	swait.ge [sflag:s4], $0x0  }
0x19: {  	s7 =	sld [smem:$0x3F8E]  }
0x1a: {  	s8 =	sadd.s32 $0xFFFFE003, lr  }
0x1b: {  	s9 =	sadd.s32 $0xFFFFFEF7, lr;
	s5 =	simm.s32 $0xFFFFFFFF;
	p2 =	slt.u32 s8, $0xFFFFF086  }
0x1c: {  	p1 =	slt.u32 s9, $0xF7A;
	s5 =	simm.s32 @!p2 $0x0  }
0x1d: {  	s5 =	simm.s32 @p1 $0x1;
	p0 =	seq.s32 s7, s2  }
0x1e: {  	s7 =	smul.u32 @!p0 $0xF7A, s2;
	p2 =	seq.s32 @!p0 s5, $0x0  }
0x1f: {  	s9 =	smul.u32 $0xF7A, s1;
	s8 =	simm.s32 @!p0 $0x1BF5;
	p2 =	por !p2, p0  }
0x20: {  	[sflag:s8] =	ssyncset.s32 @!p0 $0xFFFFF086;
	s6 =	sadd.s32 @!p0 s3, s7;
	s7 =	simm.s32 @!p0 $0x108  }
0x21: {  	s3 =	sadd.s32 s3, s9;
	s6 =	sadd.s32 @!p0 $0x88, s6;
	s7 =	simm.s32 @p2 $0x1082  }
0x22: {  	[simem:s7], [sflag:s8] =	dma.local @!p0 [hbm:s6], $0xF7A  }
0x23: {  	s9 =	sor.u32 $0xD0000000, s2;
	s6 =	simm.s32 $0x108;
	_ =	swait.ge @!p0 [sflag:s8], $0x0  }
0x24: {  	s3 =	sadd.s32 $0x88, s3;
	s6 =	simm.s32 @!p1 $0x1082;
	[sflag:s4] =	ssyncset.s32 $0xFFFFF086  }
0x25: {  	[simem:s6], [sflag:s4] =	dma.local [hbm:s3], $0xF7A  }
0x26: {  	[smem:$0x3F8E] =	sst s1;
	(tag) =	ssettag s2;
	_ =	strace s9  }
0x27: {  	s1 =	sld [smem:$0x3F9E]  }
0x28: {  	s2 =	sld [smem:$0x3F9F]  }
0x29: {  	s4 =	sld [smem:$0x3FA1]  }
0x2a: {  	p0 =	seq.s32 s5, $0x0;
	s5 =	sld [smem:$0x3FA2]  }
0x2b: {  	s6 =	sld [smem:$0x3FA3]  }
0x2c: {  	s7 =	sld [smem:$0x3FA4]  }
0x2d: {  	s3 =	simm.s32 $0x108;
	s8 =	sld [smem:$0x3FA5]  }
0x2e: {  	s3 =	simm.s32 @!p0 $0x1082;
	s9 =	sld [smem:$0x3FA6]  }
0x2f: {  	lr =	sadd.s32 s0, s3;
	s0 =	sld [smem:$0x3F9D]  }
0x30: {  	s3 =	sld [smem:$0x3FA0]  }
0x31: {  	[smem:$0x3FA9] =	sst s10  }
0x32: {  	s10 =	sld [smem:$0x3FA7];
	_ =	sdelay $0x3  }
0x33: {  	p0 =	seq.s32 s10, $0x1;
	s10 =	sld [smem:$0x3FA9];
	_ =	sdelay $0x3  }
0x34: {  	[smem:$0x3FA9] =	sst s10  }
0x35: {  	s10 =	sld [smem:$0x3FA8];
	_ =	sdelay $0x3  }
0x36: {  	p1 =	seq.s32 s10, $0x1;
	s10 =	sld [smem:$0x3FA9];
	_ =	sdelay $0x3  }
0x37: {  	[smem:$0x3FA9] =	sst s10  }
0x38: {  	s10 =	sld [smem:$0x3FAA]  }
0x39: {  	_ = 	snop;
	(pc) =	sbr.ind lr, $3  }
0x3a: {  	_ = 	snop  }
0x3b: {  	_ = 	snop  }
0x3c: {  	p2 =	seq.s32 s10, $0x1;
	s10 =	sld [smem:$0x3FA9]  }
0x3d: {  	_ =	shalt  }
0x3e: {  	_ =	shalt  }
0x3f: {  	_ =	shalt  }
0x40: {  	_ =	shalt  }
0x41: {  	_ =	shalt  }
0x42: {  	_ =	shalt  }
0x43: {  	_ =	shalt  }
0x44: {  	_ =	shalt  }
0x45: {  	_ =	shalt  }
0x46: {  	_ =	shalt  }
0x47: {  	_ =	shalt  }
0x48: {  	_ =	shalt  }
0x49: {  	_ =	shalt  }
0x4a: {  	_ =	shalt  }
0x4b: {  	_ =	shalt  }
0x4c: {  	_ =	shalt  }
0x4d: {  	_ =	shalt  }
0x4e: {  	_ =	shalt  }
0x4f: {  	_ =	shalt  }
0x50: {  	_ =	shalt  }
0x51: {  	_ =	shalt  }
0x52: {  	_ =	shalt  }
0x53: {  	_ =	shalt  }
0x54: {  	_ =	shalt  }
0x55: {  	_ =	shalt  }
0x56: {  	_ =	shalt  }
0x57: {  	_ =	shalt  }
0x58: {  	_ =	shalt  }
0x59: {  	_ =	shalt  }
0x5a: {  	_ =	shalt  }
0x5b: {  	_ =	shalt  }
0x5c: {  	_ =	shalt  }
0x5d: {  	_ =	shalt  }
0x5e: {  	_ =	shalt  }
0x5f: {  	_ =	shalt  }
0x60: {  	_ =	shalt  }
0x61: {  	_ =	shalt  }
0x62: {  	_ =	shalt  }
0x63: {  	_ =	shalt  }
0x64: {  	_ =	shalt  }
0x65: {  	_ =	shalt  }
0x66: {  	_ =	shalt  }
0x67: {  	_ =	shalt  }
0x68: {  	_ =	shalt  }
0x69: {  	_ =	shalt  }
0x6a: {  	_ =	shalt  }
0x6b: {  	_ =	shalt  }
0x6c: {  	_ =	shalt  }
0x6d: {  	_ =	shalt  }
0x6e: {  	_ =	shalt  }
0x6f: {  	_ =	shalt  }
0x70: {  	_ =	shalt  }
0x71: {  	_ =	shalt  }
0x72: {  	_ =	shalt  }
0x73: {  	_ =	shalt  }
0x74: {  	_ =	shalt  }
0x75: {  	_ =	shalt  }
0x76: {  	_ =	shalt  }
0x77: {  	_ =	shalt  }
0x78: {  	_ =	shalt  }
0x79: {  	_ =	shalt  }
0x7a: {  	_ =	shalt  }
0x7b: {  	_ =	shalt  }
0x7c: {  	_ =	shalt  }
0x7d: {  	_ =	shalt  }
0x7e: {  	_ =	shalt  }
0x7f: {  	_ =	shalt  }
0x80: {  	_ =	shalt  }
0x81: {  	_ =	shalt  }
0x82: {  	_ =	shalt  }
0x83: {  	_ =	shalt  }
0x84: {  	_ =	shalt  }
0x85: {  	_ =	shalt  }
0x86: {  	_ =	shalt  }
0x87: {  	_ =	shalt  }
.Lfunc_end0:
.L_simem_size_0:
called_computation.3_lowered:
.L_overlay_start_0:
0x88: {  	s2 =	sld [smem:$0x3FD9]  }
0x89: {  	s3 =	sld [smem:$0x3FFE];
	_ =	sdelay $0x1  }
0x8a: {  	s1 =	srdreg.scid  }
0x8b: {  	s0 =	sand.u32 $0x1, s1  }
0x8c: {  	s17 =	sshll.u32 s0, $0xA;
	s2 =	sadd.s32 s3, s2  }
0x8d: {  	s2 =	sadd.s32 s2, s17  }
0x8e: {  	[smem:$0x3FB5] =	sst s2  }
0x8f: {  	_ = 	snop  }
0x90: {  	s2 =	sld [smem:$0x3FD0];
	(tm) =	ssettm $0x1  }
0x91: {  	s18 =	sld [smem:$0x3FFB];
	_ =	sdelay $0x3  }
0x92: {  	_ =	strace s18  }
0x93: {  	s3 =	sld [smem:$0x3FFC];
	_ =	sdelay $0x3  }
0x94: {  	_ =	strace s3  }
0x95: {  	s3 =	sld [smem:$0x3FFD];
	_ =	sdelay $0x3  }
0x96: {  	_ =	strace s3  }
0x97: {  	_ =	strace $0x8FFFFFFF  }
0x98: {  	s19 =	sld [smem:$0x3FDB];
	_ =	sdelay $0x1  }
0x99: {  	s4 =	simm.s32 $_scs_section_size  }
0x9a: {  	s5 =	simm.s32 $_size__tile_overlayer_lowered;
	s6 =	simm.s32 $_tile_overlayer_lowered  }
0x9b: {  	s22 =	simm.s32 $0x1BFF;
	s21 =	sshll.u32 s6, $0x1;
	s3 =	sadd.s32 s4, s19  }
0x9c: {  	s7 =	simm.s32 $0x0;
	s20 =	sshll.u32 s5, $0x1;
	s5 =	sadd.s32 s21, s3  }
0x9d: {  	[timem:s7], [sflag:s22] =	dma.local [hbm:s5], s20  }
0x9e: {  	_ =	swait.ge [sflag:s22], s20  }
0x9f: {  	s4 =	ssub.s32 $0x0, s20;
	[sflag:s22] =	ssyncset.done $0x0  }
0xa0: {  	[sflag:s22] =	ssyncadd.s32 s4;
	_ =	sdelay $0x1  }
0xa1: {  	s23 =	simm.s32 $0x1B8B  }
0xa2: {  	_ =	swait.ge [sflag:s23], $0x1  }
0xa3: {  	[sflag:s23] =	ssyncset.done $0x0  }
0xa4: {  	s25 =	simm.s32 $0x1B8E;
	s24 =	sld [smem:$0x3FFE];
	[sflag:s23] =	ssyncadd.s32 $0xFFFFFFFF  }
0xa5: {  	s26 =	simm.s32 $execute0_lowered;
	[smem:$0x3FD2] =	sst s25  }
0xa6: {  	s5 =	sshll.u32 s26, $0x1;
	_ =	strace $0x8000004F;
	[dreg:$0x1] =	wrdreg $0xFFFFFFFF  }
0xa7: {  	s28 =	simm.s32 $_size_execute0_lowered;
	s3 =	sadd.s32 s3, s5;
	[dreg:$0x0] =	wrdreg $0x0  }
0xa8: {  	s5 =	sshll.u32 s28, $0x1;
	[dreg:$0x2] =	wrdreg s3  }
0xa9: {  	[dreg:$0x3] =	wrdreg s5  }
0xaa: {  	[dreg:$0x4] =	wrdreg $0xC0  }
0xab: {  	_ =	task [dreg:s7], $0x5FFFF  }
0xac: {  	[dreg:$0x1] =	wrdreg $0xFFFFFFFF  }
0xad: {  	[dreg:$0x0] =	wrdreg $0x60  }
0xae: {  	[dreg:$0x2] =	wrdreg s2  }
0xaf: {  	[dreg:$0x3] =	wrdreg s24  }
0xb0: {  	[dreg:$0x4] =	wrdreg $0xF0000  }
0xb1: {  	[dreg:$0x5] =	wrdreg $0x9  }
0xb2: {  	_ =	task.clear_ibuf [dreg:s7], $0x6FFFF;
	_ =	strace $0x9000004F  }
0xb3: {  	s29 =	simm.s32 $0x9;
	_ =	strace $0x80000051  }
0xb4: {  	_ =	swait.ge [sflag:s29], $0x1  }
0xb5: {  	[sflag:s29] =	ssyncadd.s32 $0xFFFFFFFF  }
0xb6: {  	_ =	strace $0x90000051  }
0xb7: {  	_ =	sfence  }
0xb8: {  	s30 =	sld [smem:$0x0];
	_ =	sdelay $0x2  }
0xb9: {  	s31 =	sshll.u32 s1, $0xD;
	s1 =	sshrl.u32 s1, $0x2  }
0xba: {  	s3 =	sand.u32 $0x4000, s31;
	s1 =	sadd.s32 s1, s30  }
0xbb: {  	s0 =	sor.u32 s3, s0;
	s1 =	sshll.u32 s1, $0x11  }
0xbc: {  	s0 =	sor.u32 s1, s0  }
0xbd: {  	s0 =	sadd.s32 $0x8F2B, s0  }
0xbe: {  	[sflag:s0] =	ssyncadd.remote.s32 $0x1  }
0xbf: {  	_ =	sfence.sel $0xFFFF  }
0xc0: {  	[dreg:$0x0] =	wrdreg $0xFFFFFFFF;
	(pc) =	sbr.abs _section_cstart, $3  }
0xc1: {  	[dreg:$0x1] =	wrdreg $0xFFFFFFFF  }
0xc2: {  	_ =	task.clear_ibuf [dreg:s7], $0x2FFFF;
	_ =	strace $0x9FFFFFFF  }
0xc3: {  	(tm) =	ssettm $0x7FFFFFFF  }
tec
execute0_lowered:
.L_overlay_start_1:
0x0: {  	(tag) =	ssettag $0x1  }
0x1: {  	s0 =	rddreg [dreg:$0x0]  }
0x2: {  	s1 =	srdreg.scid;
	s2 =	rddreg [dreg:$0x1]  }
0x3: {  	s3 =	rddreg [dreg:$0x2];
	s8 =	stileid.u32;
	s4 =	simm.s32 $0x0  }
0x4: {  	s18 =	simm.s32 $0x9;
	s20 =	simm.s32 $0xD000;
	s21 =	simm.s32 $0x80  }
0x5: {  	s22 =	simm.s32 $0x5000;
	s28 =	simm.s32 $0xB000;
	s29 =	simm.s32 $0x1  }
0x6: {  	s30 =	simm.s32 $0x2;
	s31 =	simm.s32 $0x3;
	s19 =	simm.s32 $0x6  }
0x7: {  	s1 =	sand.u32 $0x1, s1;
	[smem:$0x7FF] =	sst s4;
	s11 =	smul.u32 $0xA000, s8  }
0x8: {  	s5 =	sshll.u32 s1, $0x4;
	s6 =	ssub.s32 $0x2, s1;
	_ =	strace $0x80000050  }
0x9: {  	s1 =	smul.u32 $0xA0000, s1;
	s5 =	sor.u32 s8, s5;
	s7 =	sshrl.u32 s6, $0x1  }
0xa: {  	s24 =	sadd.s32 $0x2000, s11;
	s12 =	sadd.s32 $0x4000, s11;
	s14 =	sadd.s32 $0x6000, s11  }
0xb: {  	s15 =	sadd.s32 $0x8000, s11;
	s5 =	smul.u32 $0x500, s5;
	s6 =	ssub.s32 s6, s7  }
0xc: {  	s7 =	sadd.s32 s11, s3;
	s8 =	sadd.s32 s24, s3;
	s9 =	sadd.s32 s12, s3  }
0xd: {  	s10 =	sadd.s32 s14, s3;
	s13 =	sadd.s32 s11, s1;
	s11 =	sadd.s32 s15, s3  }
0xe: {  	s25 =	sadd.s32 s1, s12;
	s26 =	sadd.s32 s1, s14;
	s5 =	sadd.s32 s5, s2  }
0xf: {  	s13 =	sshrl.u32 s13, $0x3;
	s12 =	sshrl.u32 s26, $0x3;
	s23 =	sadd.s32 $0x18C00, s5  }
0x10: {  	s2 =	sadd.s32 $0x71000, s2;
	s5 =	sadd.s32 $0x4C00, s5;
	[dreg:$0x4] =	wrdreg s23  }
0x11: {  	s17 =	smax.u32 s6, $0x1;
	s13 =	sadd.s32 s2, s13;
	[dreg:$0x5] =	wrdreg s5  }
0x12: {  	s26 =	simm.s32 $0x8;
	s5 =	sadd.s32 s1, s24;
	[dreg:$0x6] =	wrdreg s13  }
0x13: {  	s1 =	sadd.s32 s1, s15;
	s15 =	sadd.s32 s2, s12;
	s23 =	simm.s32 $0x7000  }
0x14: {  	s24 =	simm.s32 $0x7;
	s5 =	sshrl.u32 s5, $0x3;
	s1 =	sshrl.u32 s1, $0x3  }
0x15: {  	s5 =	sadd.s32 s2, s5;
	s16 =	sadd.s32 s2, s1;
	s1 =	simm.s32 $0x4  }
0x16: {  	[dreg:$0x7] =	wrdreg s5;
	s5 =	sshrl.u32 s25, $0x3;
	s25 =	simm.s32 $0x9000  }
0x17: {  	v0 =	vimm.f32 $0.0e+00;
	s14 =	sadd.s32 s2, s5;
	s2 =	simm.s32 $0x5;
	s5 =	simm.s32 $0x0  }
.LBB2_1:
0x18: {  	s12 =	simm.s32 $0x100;
	s6 =	simm.s32 $0x0  }
.LBB2_2:
0x19: {  	p0 =	sne.s32 s12, $0x7F00;
	[tilespmem:s6+$0xD030] =	vst v0;
	s13 =	smov.u32 s12;
	s12 =	sadd.s32 $0x100, s12  }
.Ltmp0:
0x1a: {  	[tilespmem:s6+$0xD020] =	vst v0;
	(pc) =	sbr.rel @p0 .LBB2_2-.Ltmp0, $3  }
0x1b: {  	[tilespmem:s6+$0xD000] =	vst v0  }
0x1c: {  	[tilespmem:s6+$0xD010] =	vst v0;
	_ =	sdelay $0x1  }
0x1d: {  	s6 =	sshra.s32 s13, $0x2  }
0x1e: {  	[tilespmem:s6+$0xD030] =	vst v0  }
0x1f: {  	[tilespmem:s6+$0xD020] =	vst v0  }
0x20: {  	[tilespmem:s6+$0xD000] =	vst v0  }
0x21: {  	[tilespmem:s6+$0xD010] =	vst v0;
	s6 =	simm.s32 $0x0;
	s12 =	rddreg [dreg:$0x4]  }
0x22: {  	[tilespmem:s6], [sflag:$0x9] =	stream.linear.gather [hbm4b:s12+s6], $0x2800, $0x38;
	[tilespmem:$0x19000] =	vst v63  }
0x23: {  	_ =	swait.ge [sflag:s18], $0x2800  }
0x24: {  	[sflag:s18] =	ssyncset.done $0x0  }
0x25: {  	s13 =	simm.s32 $0x2800;
	s12 =	rddreg [dreg:$0x5];
	[sflag:s18] =	ssyncadd.s32 $0xFFFFD800  }
0x26: {  	[tilespmem:s13], [sflag:$0x9] =	stream.linear.gather [hbm4b:s12+s6], $0x2800, $0x38;
	[tilespmem:$0x19000] =	vst v63  }
0x27: {  	_ =	swait.ge [sflag:s18], $0x2800  }
0x28: {  	[sflag:s18] =	ssyncset.done $0x0  }
0x29: {  	[sflag:s18] =	ssyncadd.s32 $0xFFFFD800  }
0x2a: {  	[spmem:s7] =	stream.linear.scatter [tilespmem:s20], [sflag:$0x9], $0x2000, $0x38;
	[tilespmem:$0x19000] =	vst v63  }
0x2b: {  	_ =	swait.ge [sflag:s18], $0x2000  }
0x2c: {  	[sflag:s18] =	ssyncset.done $0x0  }
0x2d: {  	[sflag:s18] =	ssyncadd.s32 $0xFFFFE000  }
0x2e: {  	[spmem:s8] =	stream.linear.scatter [tilespmem:s20], [sflag:$0x9], $0x2000, $0x38;
	[tilespmem:$0x19000] =	vst v63  }
0x2f: {  	_ =	swait.ge [sflag:s18], $0x2000  }
0x30: {  	[sflag:s18] =	ssyncset.done $0x0  }
0x31: {  	[sflag:s18] =	ssyncadd.s32 $0xFFFFE000  }
0x32: {  	[spmem:s9] =	stream.linear.scatter [tilespmem:s20], [sflag:$0x9], $0x2000, $0x38;
	[tilespmem:$0x19000] =	vst v63  }
0x33: {  	_ =	swait.ge [sflag:s18], $0x2000  }
0x34: {  	[sflag:s18] =	ssyncset.done $0x0  }
0x35: {  	[sflag:s18] =	ssyncadd.s32 $0xFFFFE000  }
0x36: {  	[spmem:s10] =	stream.linear.scatter [tilespmem:s20], [sflag:$0x9], $0x2000, $0x38;
	[tilespmem:$0x19000] =	vst v63  }
0x37: {  	_ =	swait.ge [sflag:s18], $0x2000  }
0x38: {  	[sflag:s18] =	ssyncset.done $0x0  }
0x39: {  	[sflag:s18] =	ssyncadd.s32 $0xFFFFE000  }
0x3a: {  	[spmem:s11] =	stream.linear.scatter [tilespmem:s20], [sflag:$0x9], $0x2000, $0x38;
	[tilespmem:$0x19000] =	vst v63  }
0x3b: {  	_ =	swait.ge [sflag:s18], $0x2000  }
0x3c: {  	[sflag:s18] =	ssyncset.done $0x0  }
0x3d: {  	[sflag:s18] =	ssyncadd.s32 $0xFFFFE000  }
0x3e: {  	[bflag:$0x0] =	sbarrier.arrive $0xFFFF  }
0x3f: {  	[tilespmem:s22], [sflag:$0x1] =	stream.indirect.gather [hbm4b:s0+s21], $0x40, s6, s21, $0xb8;
	[tilespmem:$0x19000] =	vst v63  }
0x40: {  	_ = 	snop  }
0x41: {  	[tilespmem:s23], [sflag:$0x2] =	stream.indirect.gather [hbm4b:s0+s21], $0x40, s21, s21, $0xb8;
	[tilespmem:$0x19000] =	vst v63  }
0x42: {  	s13 =	simm.s32 $0x100  }
0x43: {  	[tilespmem:s25], [sflag:$0x3] =	stream.indirect.gather [hbm4b:s0+s21], $0x40, s13, s21, $0xb8;
	[tilespmem:$0x19000] =	vst v63  }
0x44: {  	s12 =	simm.s32 $0x180  }
0x45: {  	[tilespmem:s28], [sflag:$0x4] =	stream.indirect.gather [hbm4b:s0+s21], $0x40, s12, s21, $0xb8;
	[tilespmem:$0x19000] =	vst v63  }
0x46: {  	_ =	swait.ge [sflag:s29], $0x2000  }
0x47: {  	[sflag:s29] =	ssyncset.done $0x0  }
0x48: {  	s13 =	simm.s32 $0x2800;
	[sflag:s29] =	ssyncadd.s32 $0xFFFFE000  }
0x49: {  	[spmem:s3] =	stream.indirect.scatter.add.f32 [tilespmem:s22], [sflag:$0x5], $0x40, s13, s21, $0xb8;
	[tilespmem:$0x19000] =	vst v63  }
0x4a: {  	_ =	swait.ge [sflag:s30], $0x2000  }
0x4b: {  	[sflag:s30] =	ssyncset.done $0x0  }
0x4c: {  	s12 =	simm.s32 $0x2880;
	[sflag:s30] =	ssyncadd.s32 $0xFFFFE000  }
0x4d: {  	[spmem:s3] =	stream.indirect.scatter.add.f32 [tilespmem:s23], [sflag:$0x6], $0x40, s12, s21, $0xb8;
	[tilespmem:$0x19000] =	vst v63  }
0x4e: {  	_ =	swait.ge [sflag:s31], $0x2000  }
0x4f: {  	[sflag:s31] =	ssyncset.done $0x0  }
0x50: {  	s13 =	simm.s32 $0x2900;
	[sflag:s31] =	ssyncadd.s32 $0xFFFFE000  }
0x51: {  	[spmem:s3] =	stream.indirect.scatter.add.f32 [tilespmem:s25], [sflag:$0x7], $0x40, s13, s21, $0xb8;
	[tilespmem:$0x19000] =	vst v63  }
0x52: {  	_ =	swait.ge [sflag:s1], $0x2000  }
0x53: {  	[sflag:s1] =	ssyncset.done $0x0  }
0x54: {  	s12 =	simm.s32 $0x2980;
	[sflag:s1] =	ssyncadd.s32 $0xFFFFE000  }
0x55: {  	[spmem:s3] =	stream.indirect.scatter.add.f32 [tilespmem:s28], [sflag:$0x8], $0x40, s12, s21, $0xb8;
	[tilespmem:$0x19000] =	vst v63  }
0x56: {  	_ =	swait.ge [sflag:s2], $0x2000  }
0x57: {  	[sflag:s2] =	ssyncset.done $0x0  }
0x58: {  	s13 =	simm.s32 $0x200;
	[sflag:s2] =	ssyncadd.s32 $0xFFFFE000  }
0x59: {  	[tilespmem:s22], [sflag:$0x1] =	stream.indirect.gather [hbm4b:s0+s21], $0x40, s13, s21, $0xb8;
	[tilespmem:$0x19000] =	vst v63  }
0x5a: {  	_ =	swait.ge [sflag:s19], $0x2000  }
0x5b: {  	[sflag:s19] =	ssyncset.done $0x0  }
0x5c: {  	s12 =	simm.s32 $0x280;
	[sflag:s19] =	ssyncadd.s32 $0xFFFFE000  }
0x5d: {  	[tilespmem:s23], [sflag:$0x2] =	stream.indirect.gather [hbm4b:s0+s21], $0x40, s12, s21, $0xb8;
	[tilespmem:$0x19000] =	vst v63  }
0x5e: {  	_ =	swait.ge [sflag:s24], $0x2000  }
0x5f: {  	[sflag:s24] =	ssyncset.done $0x0  }
0x60: {  	s13 =	simm.s32 $0x300;
	[sflag:s24] =	ssyncadd.s32 $0xFFFFE000  }
0x61: {  	[tilespmem:s25], [sflag:$0x3] =	stream.indirect.gather [hbm4b:s0+s21], $0x40, s13, s21, $0xb8;
	[tilespmem:$0x19000] =	vst v63  }
0x62: {  	_ =	swait.ge [sflag:s26], $0x2000  }
0x63: {  	[sflag:s26] =	ssyncset.done $0x0  }
0x64: {  	s6 =	simm.s32 $0x800;
	s12 =	simm.s32 $0x380;
	[sflag:s26] =	ssyncadd.s32 $0xFFFFE000  }
.LBB2_4:
0x65: {  	[tilespmem:s28], [sflag:$0x4] =	stream.indirect.gather [hbm4b:s0+s21], $0x40, s12, s21, $0xb8;
	[tilespmem:$0x19000] =	vst v63  }
0x66: {  	s12 =	smov.u32 s6  }
0x67: {  	p0 =	sne.s32 s6, $0x9000;
	s6 =	sadd.s32 $0x800, s6;
	_ =	swait.ge [sflag:s29], $0x2000  }
0x68: {  	s12 =	sshra.s32 s12, $0x2;
	[sflag:s29] =	ssyncset.done $0x0  }
0x69: {  	s13 =	sadd.s32 $0x2800, s12;
	[sflag:s29] =	ssyncadd.s32 $0xFFFFE000  }
0x6a: {  	[spmem:s3] =	stream.indirect.scatter.add.f32 [tilespmem:s22], [sflag:$0x5], $0x40, s13, s21, $0xb8;
	[tilespmem:$0x19000] =	vst v63  }
0x6b: {  	_ =	swait.ge [sflag:s30], $0x2000  }
0x6c: {  	[sflag:s30] =	ssyncset.done $0x0  }
0x6d: {  	s13 =	sadd.s32 $0x2880, s12;
	[sflag:s30] =	ssyncadd.s32 $0xFFFFE000  }
0x6e: {  	[spmem:s3] =	stream.indirect.scatter.add.f32 [tilespmem:s23], [sflag:$0x6], $0x40, s13, s21, $0xb8;
	[tilespmem:$0x19000] =	vst v63  }
0x6f: {  	_ =	swait.ge [sflag:s31], $0x2000  }
0x70: {  	[sflag:s31] =	ssyncset.done $0x0  }
0x71: {  	s13 =	sadd.s32 $0x2900, s12;
	[sflag:s31] =	ssyncadd.s32 $0xFFFFE000  }
0x72: {  	[spmem:s3] =	stream.indirect.scatter.add.f32 [tilespmem:s25], [sflag:$0x7], $0x40, s13, s21, $0xb8;
	[tilespmem:$0x19000] =	vst v63  }
0x73: {  	_ =	swait.ge [sflag:s1], $0x2000  }
0x74: {  	[sflag:s1] =	ssyncset.done $0x0  }
0x75: {  	s13 =	sadd.s32 $0x2980, s12;
	[sflag:s1] =	ssyncadd.s32 $0xFFFFE000  }
0x76: {  	[spmem:s3] =	stream.indirect.scatter.add.f32 [tilespmem:s28], [sflag:$0x8], $0x40, s13, s21, $0xb8;
	[tilespmem:$0x19000] =	vst v63  }
0x77: {  	_ =	swait.ge [sflag:s2], $0x2000  }
0x78: {  	[sflag:s2] =	ssyncset.done $0x0  }
0x79: {  	s13 =	sadd.s32 $0x200, s12;
	[sflag:s2] =	ssyncadd.s32 $0xFFFFE000  }
0x7a: {  	[tilespmem:s22], [sflag:$0x1] =	stream.indirect.gather [hbm4b:s0+s21], $0x40, s13, s21, $0xb8;
	[tilespmem:$0x19000] =	vst v63  }
0x7b: {  	_ =	swait.ge [sflag:s19], $0x2000  }
0x7c: {  	[sflag:s19] =	ssyncset.done $0x0  }
0x7d: {  	s13 =	sadd.s32 $0x280, s12;
	[sflag:s19] =	ssyncadd.s32 $0xFFFFE000  }
0x7e: {  	[tilespmem:s23], [sflag:$0x2] =	stream.indirect.gather [hbm4b:s0+s21], $0x40, s13, s21, $0xb8;
	[tilespmem:$0x19000] =	vst v63  }
0x7f: {  	_ =	swait.ge [sflag:s24], $0x2000  }
0x80: {  	[sflag:s24] =	ssyncset.done $0x0  }
.Ltmp1:
0x81: {  	s13 =	sadd.s32 $0x300, s12;
	[sflag:s24] =	ssyncadd.s32 $0xFFFFE000;
	(pc) =	sbr.rel @p0 .LBB2_4-.Ltmp1, $4  }
0x82: {  	[tilespmem:s25], [sflag:$0x3] =	stream.indirect.gather [hbm4b:s0+s21], $0x40, s13, s21, $0xb8;
	[tilespmem:$0x19000] =	vst v63  }
0x83: {  	_ =	swait.ge [sflag:s26], $0x2000  }
0x84: {  	[sflag:s26] =	ssyncset.done $0x0  }
0x85: {  	s12 =	sadd.s32 $0x380, s12;
	[sflag:s26] =	ssyncadd.s32 $0xFFFFE000  }
0x86: {  	[tilespmem:s28], [sflag:$0x4] =	stream.indirect.gather [hbm4b:s0+s21], $0x40, s12, s21, $0xb8;
	[tilespmem:$0x19000] =	vst v63  }
0x87: {  	_ =	swait.ge [sflag:s29], $0x2000  }
0x88: {  	[sflag:s29] =	ssyncset.done $0x0  }
0x89: {  	s6 =	simm.s32 $0x4E00;
	[sflag:s29] =	ssyncadd.s32 $0xFFFFE000  }
0x8a: {  	[spmem:s3] =	stream.indirect.scatter.add.f32 [tilespmem:s22], [sflag:$0x5], $0x40, s6, s21, $0xb8;
	[tilespmem:$0x19000] =	vst v63  }
0x8b: {  	_ =	swait.ge [sflag:s30], $0x2000  }
0x8c: {  	[sflag:s30] =	ssyncset.done $0x0  }
0x8d: {  	s13 =	simm.s32 $0x4E80;
	[sflag:s30] =	ssyncadd.s32 $0xFFFFE000  }
0x8e: {  	[spmem:s3] =	stream.indirect.scatter.add.f32 [tilespmem:s23], [sflag:$0x6], $0x40, s13, s21, $0xb8;
	[tilespmem:$0x19000] =	vst v63  }
0x8f: {  	_ =	swait.ge [sflag:s31], $0x2000  }
0x90: {  	[sflag:s31] =	ssyncset.done $0x0  }
0x91: {  	s12 =	simm.s32 $0x4F00;
	[sflag:s31] =	ssyncadd.s32 $0xFFFFE000  }
0x92: {  	[spmem:s3] =	stream.indirect.scatter.add.f32 [tilespmem:s25], [sflag:$0x7], $0x40, s12, s21, $0xb8;
	[tilespmem:$0x19000] =	vst v63  }
0x93: {  	_ =	swait.ge [sflag:s1], $0x2000  }
0x94: {  	[sflag:s1] =	ssyncset.done $0x0  }
0x95: {  	s13 =	simm.s32 $0x4F80;
	[sflag:s1] =	ssyncadd.s32 $0xFFFFE000  }
0x96: {  	[spmem:s3] =	stream.indirect.scatter.add.f32 [tilespmem:s28], [sflag:$0x8], $0x40, s13, s21, $0xb8;
	[tilespmem:$0x19000] =	vst v63  }
0x97: {  	_ =	swait.ge [sflag:s2], $0x2000  }
0x98: {  	[sflag:s2] =	ssyncset.done $0x0  }
0x99: {  	[sflag:s2] =	ssyncadd.s32 $0xFFFFE000  }
0x9a: {  	_ =	swait.ge [sflag:s19], $0x2000  }
0x9b: {  	[sflag:s19] =	ssyncset.done $0x0  }
0x9c: {  	[sflag:s19] =	ssyncadd.s32 $0xFFFFE000  }
0x9d: {  	_ =	swait.ge [sflag:s24], $0x2000  }
0x9e: {  	[sflag:s24] =	ssyncset.done $0x0  }
0x9f: {  	[sflag:s24] =	ssyncadd.s32 $0xFFFFE000  }
0xa0: {  	_ =	swait.ge [sflag:s26], $0x2000  }
0xa1: {  	[sflag:s26] =	ssyncset.done $0x0  }
0xa2: {  	[sflag:s26] =	ssyncadd.s32 $0xFFFFE000  }
0xa3: {  	[bflag:$0x0] =	sbarrier.arrive $0xFFFF  }
0xa4: {  	[tilespmem:s20], [sflag:$0x9] =	stream.linear.gather [spmem:s7], $0x2000, $0x38;
	[tilespmem:$0x19000] =	vst v63  }
0xa5: {  	_ =	swait.ge [sflag:s18], $0x2000  }
0xa6: {  	[sflag:s18] =	ssyncset.done $0x0  }
0xa7: {  	s12 =	rddreg [dreg:$0x6];
	[sflag:s18] =	ssyncadd.s32 $0xFFFFE000  }
0xa8: {  	[hbm4b:s12+s4] =	stream.linear.scatter [tilespmem:s20], [sflag:$0x9], $0x2000, $0x38;
	[tilespmem:$0x19000] =	vst v63  }
0xa9: {  	_ =	swait.ge [sflag:s18], $0x2000  }
0xaa: {  	[sflag:s18] =	ssyncset.done $0x0  }
0xab: {  	[sflag:s18] =	ssyncadd.s32 $0xFFFFE000  }
0xac: {  	[tilespmem:s20], [sflag:$0x9] =	stream.linear.gather [spmem:s8], $0x2000, $0x38;
	[tilespmem:$0x19000] =	vst v63  }
0xad: {  	_ =	swait.ge [sflag:s18], $0x2000  }
0xae: {  	[sflag:s18] =	ssyncset.done $0x0  }
0xaf: {  	s13 =	rddreg [dreg:$0x7];
	[sflag:s18] =	ssyncadd.s32 $0xFFFFE000  }
0xb0: {  	[hbm4b:s13+s4] =	stream.linear.scatter [tilespmem:s20], [sflag:$0x9], $0x2000, $0x38;
	[tilespmem:$0x19000] =	vst v63  }
0xb1: {  	_ =	swait.ge [sflag:s18], $0x2000  }
0xb2: {  	[sflag:s18] =	ssyncset.done $0x0  }
0xb3: {  	[sflag:s18] =	ssyncadd.s32 $0xFFFFE000  }
0xb4: {  	[tilespmem:s20], [sflag:$0x9] =	stream.linear.gather [spmem:s9], $0x2000, $0x38;
	[tilespmem:$0x19000] =	vst v63  }
0xb5: {  	_ =	swait.ge [sflag:s18], $0x2000  }
0xb6: {  	[sflag:s18] =	ssyncset.done $0x0  }
0xb7: {  	[sflag:s18] =	ssyncadd.s32 $0xFFFFE000  }
0xb8: {  	[hbm4b:s14+s4] =	stream.linear.scatter [tilespmem:s20], [sflag:$0x9], $0x2000, $0x38;
	[tilespmem:$0x19000] =	vst v63  }
0xb9: {  	_ =	swait.ge [sflag:s18], $0x2000  }
0xba: {  	[sflag:s18] =	ssyncset.done $0x0  }
0xbb: {  	[sflag:s18] =	ssyncadd.s32 $0xFFFFE000  }
0xbc: {  	[tilespmem:s20], [sflag:$0x9] =	stream.linear.gather [spmem:s10], $0x2000, $0x38;
	[tilespmem:$0x19000] =	vst v63  }
0xbd: {  	_ =	swait.ge [sflag:s18], $0x2000  }
0xbe: {  	[sflag:s18] =	ssyncset.done $0x0  }
0xbf: {  	[sflag:s18] =	ssyncadd.s32 $0xFFFFE000  }
0xc0: {  	[hbm4b:s15+s4] =	stream.linear.scatter [tilespmem:s20], [sflag:$0x9], $0x2000, $0x38;
	[tilespmem:$0x19000] =	vst v63  }
0xc1: {  	_ =	swait.ge [sflag:s18], $0x2000  }
0xc2: {  	[sflag:s18] =	ssyncset.done $0x0  }
0xc3: {  	[sflag:s18] =	ssyncadd.s32 $0xFFFFE000  }
0xc4: {  	[tilespmem:s20], [sflag:$0x9] =	stream.linear.gather [spmem:s11], $0x2000, $0x38;
	[tilespmem:$0x19000] =	vst v63  }
0xc5: {  	s5 =	sadd.s32 $0x1, s5;
	_ =	swait.ge [sflag:s18], $0x2000  }
0xc6: {  	p0 =	sne.s32 s5, s17;
	[sflag:s18] =	ssyncset.done $0x0  }
.Ltmp2:
0xc7: {  	[sflag:s18] =	ssyncadd.s32 $0xFFFFE000;
	(pc) =	sbr.rel @p0 .LBB2_1-.Ltmp2, $4  }
0xc8: {  	[hbm4b:s16+s4] =	stream.linear.scatter [tilespmem:s20], [sflag:$0x9], $0x2000, $0x38;
	[tilespmem:$0x19000] =	vst v63  }
0xc9: {  	_ =	swait.ge [sflag:s18], $0x2000  }
0xca: {  	[sflag:s18] =	ssyncset.done $0x0  }
0xcb: {  	[sflag:s18] =	ssyncadd.s32 $0xFFFFE000  }
0xcc: {  	_ =	sfence.sel $0x180000  }
0xcd: {  	[bflag:$0x0] =	sbarrier.arrive $0xFFFF  }
0xce: {  	_ =	strace $0x90000050  }
0xcf: {  	s0 =	stileid.u32;
	[bflag:$0x2] =	sbarrier.arrive $0xFFFF  }
0xd0: {  	p0 =	sne.s32 s0, $0x0;
	s0 =	rddreg [dreg:$0x3]  }
0xd1: {  	s0 =	sadd.s32 @!p0 $0x100000, s0  }
0xd2: {  	[sflag:s0] =	ssyncadd.tile.s32 @!p0 $0x1;
	_ =	shalt  }
.Lfunc_end2:
_tile_overlayer_lowered:
.L_overlay_start_2:
0xd3: {  	(tag) =	ssettag $0x2  }
0xd4: {  	s0 =	rddreg [dreg:$0x0];
	s2 =	stileid.u32  }
0xd5: {  	s1 =	rddreg [dreg:$0x1];
	p0 =	sne.s32 s2, $0x0  }
0xd6: {  	s3 =	rddreg [dreg:$0x2];
	[bflag:$0x3] =	sbarrier.arrive $0xFFFF;
	s2 =	simm.s32 @!p0 $0x1C09  }
0xd7: {  	[timem:s3], [sflag:s2] =	dma.local @!p0 [hbm:s0], s1  }
0xd8: {  	s0 =	simm.s32 @!p0 $0x9  }
0xd9: {  	_ =	swait.ge @!p0 [sflag:s0], s1  }
0xda: {  	s1 =	ssub.s32 @!p0 $0x0, s1;
	[sflag:s0] =	ssyncset.done @!p0 $0x0  }
0xdb: {  	[sflag:s0] =	ssyncadd.s32 @!p0 s1  }
0xdc: {  	[bflag:$0x3] =	sbarrier.arrive $0xFFFF  }
0xdd: {  	_ =	shalt  }

// kernel: kernel.24.cloned.1.call-start
scs
__scs_entry_jumppad:
0x0: {  	(pc) =	sbr.rel $0x88, $3  }
0x1: {  	(tag) =	ssettag $0x0;
	lr =	simm.s32 $0x1  }
0x2: {  	[smem:$0x3F8E] =	sst lr;
	_ =	strace $0xD0000000  }
0x3: {  	_ = 	snop  }
0x4: {  	_ = 	snop  }
0x5: {  	_ = 	snop  }
0x6: {  	_ = 	snop  }
0x7: {  	_ = 	snop  }
__scs_overlays_trampoline_lowered:
0x8: {  	[smem:$0x3F9D] =	sst s0  }
0x9: {  	[smem:$0x3F9E] =	sst s1  }
0xa: {  	[smem:$0x3F9F] =	sst s2  }
0xb: {  	[smem:$0x3FA0] =	sst s3  }
0xc: {  	[smem:$0x3FA1] =	sst s4  }
0xd: {  	[smem:$0x3FA2] =	sst s5  }
0xe: {  	[smem:$0x3FA3] =	sst s6  }
0xf: {  	[smem:$0x3FA4] =	sst s7  }
0x10: {  	[smem:$0x3FA5] =	sst s8  }
0x11: {  	[smem:$0x3FA6] =	sst s9;
	s0 =	simm.s32 @!p0 $0x0  }
0x12: {  	s1 =	sld [smem:$0x3F8C];
	s0 =	simm.s32 @p0 $0x1  }
0x13: {  	[smem:$0x3FA7] =	sst s0;
	s0 =	simm.s32 @!p1 $0x0  }
0x14: {  	s2 =	sld [smem:$0x3F8B];
	s0 =	simm.s32 @p1 $0x1  }
0x15: {  	[smem:$0x3FA8] =	sst s0;
	s0 =	simm.s32 @!p2 $0x0  }
0x16: {  	s3 =	sld [smem:$0x3FDB];
	s0 =	simm.s32 @p2 $0x1  }
0x17: {  	s4 =	simm.s32 $0x1BF5;
	[smem:$0x3FAA] =	sst s0  }
0x18: {  	s0 =	sld [smem:$0x3F8D];
	_ =	swait.ge [sflag:s4], $0x0  }
0x19: {  	s7 =	sld [smem:$0x3F8E]  }
0x1a: {  	s8 =	sadd.s32 $0xFFFFE003, lr  }
0x1b: {  	s9 =	sadd.s32 $0xFFFFFEF7, lr;
	s5 =	simm.s32 $0xFFFFFFFF;
	p2 =	slt.u32 s8, $0xFFFFF086  }
0x1c: {  	p1 =	slt.u32 s9, $0xF7A;
	s5 =	simm.s32 @!p2 $0x0  }
0x1d: {  	s5 =	simm.s32 @p1 $0x1;
	p0 =	seq.s32 s7, s2  }
0x1e: {  	s7 =	smul.u32 @!p0 $0xF7A, s2;
	p2 =	seq.s32 @!p0 s5, $0x0  }
0x1f: {  	s9 =	smul.u32 $0xF7A, s1;
	s8 =	simm.s32 @!p0 $0x1BF5;
	p2 =	por !p2, p0  }
0x20: {  	[sflag:s8] =	ssyncset.s32 @!p0 $0xFFFFF086;
	s6 =	sadd.s32 @!p0 s3, s7;
	s7 =	simm.s32 @!p0 $0x108  }
0x21: {  	s3 =	sadd.s32 s3, s9;
	s6 =	sadd.s32 @!p0 $0x88, s6;
	s7 =	simm.s32 @p2 $0x1082  }
0x22: {  	[simem:s7], [sflag:s8] =	dma.local @!p0 [hbm:s6], $0xF7A  }
0x23: {  	s9 =	sor.u32 $0xD0000000, s2;
	s6 =	simm.s32 $0x108;
	_ =	swait.ge @!p0 [sflag:s8], $0x0  }
0x24: {  	s3 =	sadd.s32 $0x88, s3;
	s6 =	simm.s32 @!p1 $0x1082;
	[sflag:s4] =	ssyncset.s32 $0xFFFFF086  }
0x25: {  	[simem:s6], [sflag:s4] =	dma.local [hbm:s3], $0xF7A  }
0x26: {  	[smem:$0x3F8E] =	sst s1;
	(tag) =	ssettag s2;
	_ =	strace s9  }
0x27: {  	s1 =	sld [smem:$0x3F9E]  }
0x28: {  	s2 =	sld [smem:$0x3F9F]  }
0x29: {  	s4 =	sld [smem:$0x3FA1]  }
0x2a: {  	p0 =	seq.s32 s5, $0x0;
	s5 =	sld [smem:$0x3FA2]  }
0x2b: {  	s6 =	sld [smem:$0x3FA3]  }
0x2c: {  	s7 =	sld [smem:$0x3FA4]  }
0x2d: {  	s3 =	simm.s32 $0x108;
	s8 =	sld [smem:$0x3FA5]  }
0x2e: {  	s3 =	simm.s32 @!p0 $0x1082;
	s9 =	sld [smem:$0x3FA6]  }
0x2f: {  	lr =	sadd.s32 s0, s3;
	s0 =	sld [smem:$0x3F9D]  }
0x30: {  	s3 =	sld [smem:$0x3FA0]  }
0x31: {  	[smem:$0x3FA9] =	sst s10  }
0x32: {  	s10 =	sld [smem:$0x3FA7];
	_ =	sdelay $0x3  }
0x33: {  	p0 =	seq.s32 s10, $0x1;
	s10 =	sld [smem:$0x3FA9];
	_ =	sdelay $0x3  }
0x34: {  	[smem:$0x3FA9] =	sst s10  }
0x35: {  	s10 =	sld [smem:$0x3FA8];
	_ =	sdelay $0x3  }
0x36: {  	p1 =	seq.s32 s10, $0x1;
	s10 =	sld [smem:$0x3FA9];
	_ =	sdelay $0x3  }
0x37: {  	[smem:$0x3FA9] =	sst s10  }
0x38: {  	s10 =	sld [smem:$0x3FAA]  }
0x39: {  	_ = 	snop;
	(pc) =	sbr.ind lr, $3  }
0x3a: {  	_ = 	snop  }
0x3b: {  	_ = 	snop  }
0x3c: {  	p2 =	seq.s32 s10, $0x1;
	s10 =	sld [smem:$0x3FA9]  }
0x3d: {  	_ =	shalt  }
0x3e: {  	_ =	shalt  }
0x3f: {  	_ =	shalt  }
0x40: {  	_ =	shalt  }
0x41: {  	_ =	shalt  }
0x42: {  	_ =	shalt  }
0x43: {  	_ =	shalt  }
0x44: {  	_ =	shalt  }
0x45: {  	_ =	shalt  }
0x46: {  	_ =	shalt  }
0x47: {  	_ =	shalt  }
0x48: {  	_ =	shalt  }
0x49: {  	_ =	shalt  }
0x4a: {  	_ =	shalt  }
0x4b: {  	_ =	shalt  }
0x4c: {  	_ =	shalt  }
0x4d: {  	_ =	shalt  }
0x4e: {  	_ =	shalt  }
0x4f: {  	_ =	shalt  }
0x50: {  	_ =	shalt  }
0x51: {  	_ =	shalt  }
0x52: {  	_ =	shalt  }
0x53: {  	_ =	shalt  }
0x54: {  	_ =	shalt  }
0x55: {  	_ =	shalt  }
0x56: {  	_ =	shalt  }
0x57: {  	_ =	shalt  }
0x58: {  	_ =	shalt  }
0x59: {  	_ =	shalt  }
0x5a: {  	_ =	shalt  }
0x5b: {  	_ =	shalt  }
0x5c: {  	_ =	shalt  }
0x5d: {  	_ =	shalt  }
0x5e: {  	_ =	shalt  }
0x5f: {  	_ =	shalt  }
0x60: {  	_ =	shalt  }
0x61: {  	_ =	shalt  }
0x62: {  	_ =	shalt  }
0x63: {  	_ =	shalt  }
0x64: {  	_ =	shalt  }
0x65: {  	_ =	shalt  }
0x66: {  	_ =	shalt  }
0x67: {  	_ =	shalt  }
0x68: {  	_ =	shalt  }
0x69: {  	_ =	shalt  }
0x6a: {  	_ =	shalt  }
0x6b: {  	_ =	shalt  }
0x6c: {  	_ =	shalt  }
0x6d: {  	_ =	shalt  }
0x6e: {  	_ =	shalt  }
0x6f: {  	_ =	shalt  }
0x70: {  	_ =	shalt  }
0x71: {  	_ =	shalt  }
0x72: {  	_ =	shalt  }
0x73: {  	_ =	shalt  }
0x74: {  	_ =	shalt  }
0x75: {  	_ =	shalt  }
0x76: {  	_ =	shalt  }
0x77: {  	_ =	shalt  }
0x78: {  	_ =	shalt  }
0x79: {  	_ =	shalt  }
0x7a: {  	_ =	shalt  }
0x7b: {  	_ =	shalt  }
0x7c: {  	_ =	shalt  }
0x7d: {  	_ =	shalt  }
0x7e: {  	_ =	shalt  }
0x7f: {  	_ =	shalt  }
0x80: {  	_ =	shalt  }
0x81: {  	_ =	shalt  }
0x82: {  	_ =	shalt  }
0x83: {  	_ =	shalt  }
0x84: {  	_ =	shalt  }
0x85: {  	_ =	shalt  }
0x86: {  	_ =	shalt  }
0x87: {  	_ =	shalt  }
.Lfunc_end0:
.L_simem_size_0:
called_computation.4_lowered:
.L_overlay_start_0:
0x88: {  	s2 =	sld [smem:$0x3FD9]  }
0x89: {  	s3 =	sld [smem:$0x3FFE];
	_ =	sdelay $0x1  }
0x8a: {  	s1 =	srdreg.scid  }
0x8b: {  	s0 =	sand.u32 $0x1, s1  }
0x8c: {  	s17 =	sshll.u32 s0, $0xA;
	s2 =	sadd.s32 s3, s2  }
0x8d: {  	s2 =	sadd.s32 s2, s17  }
0x8e: {  	[smem:$0x3FB5] =	sst s2  }
0x8f: {  	_ = 	snop  }
0x90: {  	s2 =	sld [smem:$0x3FD0];
	(tm) =	ssettm $0x1  }
0x91: {  	s18 =	sld [smem:$0x3FFB];
	_ =	sdelay $0x3  }
0x92: {  	_ =	strace s18  }
0x93: {  	s3 =	sld [smem:$0x3FFC];
	_ =	sdelay $0x3  }
0x94: {  	_ =	strace s3  }
0x95: {  	s3 =	sld [smem:$0x3FFD];
	_ =	sdelay $0x3  }
0x96: {  	_ =	strace s3  }
0x97: {  	_ =	strace $0x8FFFFFFF  }
0x98: {  	s19 =	sld [smem:$0x3FDB];
	_ =	sdelay $0x1  }
0x99: {  	s4 =	simm.s32 $_scs_section_size  }
0x9a: {  	s5 =	simm.s32 $_size__tile_overlayer_lowered;
	s6 =	simm.s32 $_tile_overlayer_lowered  }
0x9b: {  	s22 =	simm.s32 $0x1BFF;
	s21 =	sshll.u32 s6, $0x1;
	s3 =	sadd.s32 s4, s19  }
0x9c: {  	s7 =	simm.s32 $0x0;
	s20 =	sshll.u32 s5, $0x1;
	s5 =	sadd.s32 s21, s3  }
0x9d: {  	[timem:s7], [sflag:s22] =	dma.local [hbm:s5], s20  }
0x9e: {  	_ =	swait.ge [sflag:s22], s20  }
0x9f: {  	s4 =	ssub.s32 $0x0, s20;
	[sflag:s22] =	ssyncset.done $0x0  }
0xa0: {  	[sflag:s22] =	ssyncadd.s32 s4;
	_ =	sdelay $0x1  }
0xa1: {  	s23 =	simm.s32 $0x1B8B  }
0xa2: {  	_ =	swait.ge [sflag:s23], $0x1  }
0xa3: {  	[sflag:s23] =	ssyncset.done $0x0  }
0xa4: {  	s25 =	simm.s32 $0x1B8E;
	s24 =	sld [smem:$0x3FFE];
	[sflag:s23] =	ssyncadd.s32 $0xFFFFFFFF  }
0xa5: {  	s26 =	simm.s32 $execute0_lowered;
	[smem:$0x3FD2] =	sst s25  }
0xa6: {  	s5 =	sshll.u32 s26, $0x1;
	_ =	strace $0x80000052;
	[dreg:$0x1] =	wrdreg $0xFFFFFFFF  }
0xa7: {  	s28 =	simm.s32 $_size_execute0_lowered;
	s3 =	sadd.s32 s3, s5;
	[dreg:$0x0] =	wrdreg $0x0  }
0xa8: {  	s5 =	sshll.u32 s28, $0x1;
	[dreg:$0x2] =	wrdreg s3  }
0xa9: {  	[dreg:$0x3] =	wrdreg s5  }
0xaa: {  	[dreg:$0x4] =	wrdreg $0xC0  }
0xab: {  	_ =	task [dreg:s7], $0x5FFFF  }
0xac: {  	[dreg:$0x1] =	wrdreg $0xFFFFFFFF  }
0xad: {  	[dreg:$0x0] =	wrdreg $0x60  }
0xae: {  	[dreg:$0x2] =	wrdreg s2  }
0xaf: {  	[dreg:$0x3] =	wrdreg s24  }
0xb0: {  	[dreg:$0x4] =	wrdreg $0x9  }
0xb1: {  	_ =	task.clear_ibuf [dreg:s7], $0x5FFFF;
	_ =	strace $0x90000052  }
0xb2: {  	s29 =	simm.s32 $0x9;
	_ =	strace $0x80000054  }
0xb3: {  	_ =	swait.ge [sflag:s29], $0x1  }
0xb4: {  	[sflag:s29] =	ssyncadd.s32 $0xFFFFFFFF  }
0xb5: {  	_ =	strace $0x90000054  }
0xb6: {  	_ =	sfence  }
0xb7: {  	s30 =	sld [smem:$0x0];
	_ =	sdelay $0x2  }
0xb8: {  	s31 =	sshll.u32 s1, $0xD;
	s1 =	sshrl.u32 s1, $0x2  }
0xb9: {  	s3 =	sand.u32 $0x4000, s31;
	s1 =	sadd.s32 s1, s30  }
0xba: {  	s0 =	sor.u32 s3, s0;
	s1 =	sshll.u32 s1, $0x11  }
0xbb: {  	s0 =	sor.u32 s1, s0  }
0xbc: {  	s0 =	sadd.s32 $0x8F2B, s0  }
0xbd: {  	[sflag:s0] =	ssyncadd.remote.s32 $0x1  }
0xbe: {  	_ =	sfence.sel $0xFFFF  }
0xbf: {  	[dreg:$0x0] =	wrdreg $0xFFFFFFFF;
	(pc) =	sbr.abs _section_cstart, $3  }
0xc0: {  	[dreg:$0x1] =	wrdreg $0xFFFFFFFF  }
0xc1: {  	_ =	task.clear_ibuf [dreg:s7], $0x2FFFF;
	_ =	strace $0x9FFFFFFF  }
0xc2: {  	(tm) =	ssettm $0x7FFFFFFF  }
0xc3: {  	_ =	shalt  }
tec
execute0_lowered:
.L_overlay_start_1:
0x0: {  	(tag) =	ssettag $0x1  }
0x1: {  	s0 =	srdreg.scid  }
0x2: {  	s2 =	rddreg [dreg:$0x0];
	s3 =	stileid.u32  }
0x3: {  	s6 =	rddreg [dreg:$0x1];
	s12 =	simm.s32 $0x7;
	s13 =	simm.s32 $0x2800  }
0x4: {  	s14 =	simm.s32 $0x80;
	s17 =	simm.s32 $0x7000;
	s19 =	simm.s32 $0xB000  }
0x5: {  	s20 =	simm.s32 $0x1;
	s21 =	simm.s32 $0x3;
	s22 =	simm.s32 $0xD000  }
0x6: {  	s23 =	simm.s32 $0x2;
	s24 =	simm.s32 $0x4;
	s0 =	sand.u32 $0x1, s0  }
0x7: {  	s25 =	simm.s32 $0x11000;
	s26 =	simm.s32 $0x5;
	s1 =	sshll.u32 s0, $0x4  }
0x8: {  	s28 =	simm.s32 $0x6;
	s29 =	simm.s32 $0x0;
	s1 =	sor.u32 s3, s1  }
0x9: {  	s5 =	sadd.s32 $0x22C00, s6;
	s0 =	ssub.s32 $0x2, s0;
	s4 =	smul.u32 $0x2800, s1  }
.Ltmp0:
0xa: {  	s3 =	simm.s32 $0x0;
	s30 =	sshrl.u32 s0, $0x1;
	(pc) =	sbr.rel .LBB2_1-.Ltmp0, $4  }
0xb: {  	[smem:$0x7FF] =	sst s3;
	s0 =	ssub.s32 s0, s30;
	s7 =	sshrl.u32 s4, $0x3  }
0xc: {  	s9 =	smul.u32 $0x140000, s1;
	_ =	strace $0x80000053;
	s8 =	sadd.s32 s7, s6  }
0xd: {  	s11 =	smax.u32 s0, $0x1;
	s10 =	sadd.s32 $0x2780, s4;
	s31 =	sadd.s32 $0x18C00, s8  }
0xe: {  	s6 =	sadd.s32 $0x99400, s6;
	s8 =	sadd.s32 $0xEC00, s8;
	[dreg:$0x3] =	wrdreg s31  }
.LBB2_10:
0xf: {  	s29 =	sadd.s32 $0x1, s29  }
0x10: {  	_ =	swait.ge [sflag:s26], $0x4000;
	p0 =	sne.s32 s29, s11  }
.Ltmp1:
0x11: {  	[sflag:s26] =	ssyncset.done $0x0;
	(pc) =	sbr.rel @!p0 .LBB2_11-.Ltmp1, $4  }
0x12: {  	[sflag:s26] =	ssyncadd.s32 $0xFFFFC000  }
0x13: {  	_ =	swait.ge [sflag:s28], $0x4000  }
0x14: {  	[sflag:s28] =	ssyncset.done $0x0  }
0x15: {  	[sflag:s28] =	ssyncadd.s32 $0xFFFFC000  }
.LBB2_1:
0x16: {  	s0 =	rddreg [dreg:$0x3]  }
0x17: {  	[tilespmem:s3], [sflag:$0x7] =	stream.linear.gather [hbm4b:s0+s3], $0x2800, $0x38;
	[tilespmem:$0x15000] =	vst v63  }
0x18: {  	_ =	swait.ge [sflag:s12], $0x2800  }
0x19: {  	[sflag:s12] =	ssyncset.done $0x0  }
0x1a: {  	[sflag:s12] =	ssyncadd.s32 $0xFFFFD800  }
0x1b: {  	[tilespmem:s13], [sflag:$0x7] =	stream.linear.gather [hbm4b:s8+s3], $0x2800, $0x38;
	[tilespmem:$0x15000] =	vst v63  }
0x1c: {  	_ =	swait.ge [sflag:s12], $0x2800  }
0x1d: {  	[sflag:s12] =	ssyncset.done $0x0  }
0x1e: {  	s16 =	simm.s32 $0x5000;
	[sflag:s12] =	ssyncadd.s32 $0xFFFFD800  }
0x1f: {  	[tilespmem:s16], [sflag:$0x1] =	stream.indirect.gather [hbm4b:s2+s14], $0x40, s3, s14, $0xb8;
	[tilespmem:$0x15000] =	vst v63  }
0x20: {  	s18 =	simm.s32 $0x9000  }
0x21: {  	[tilespmem:s18], [sflag:$0x3] =	stream.indirect.gather [hbm4b:s5+s14], $0x40, s13, s14, $0xb8;
	[tilespmem:$0x15000] =	vst v63  }
0x22: {  	_ = 	snop  }
0x23: {  	[tilespmem:s17], [sflag:$0x2] =	stream.indirect.gather [hbm4b:s2+s14], $0x40, s14, s14, $0xb8;
	[tilespmem:$0x15000] =	vst v63  }
0x24: {  	s31 =	simm.s32 $0x2880;
	s30 =	simm.s32 $0x0  }
0x25: {  	[tilespmem:s19], [sflag:$0x4] =	stream.indirect.gather [hbm4b:s5+s14], $0x40, s31, s14, $0xb8;
	[tilespmem:$0x15000] =	vst v63  }
.LBB2_2:
0x26: {  	p0 =	seq.s32 s30, $0x0  }
0x27: {  	s0 =	simm.s32 @!p0 $0x5  }
0x28: {  	_ =	swait.ge @!p0 [sflag:s0], $0x4000  }
0x29: {  	[sflag:s0] =	ssyncset.done @!p0 $0x0  }
0x2a: {  	[sflag:s0] =	ssyncadd.s32 @!p0 $0xFFFFC000  }
0x2b: {  	_ =	swait.ge [sflag:s20], $0x2000  }
0x2c: {  	[sflag:s20] =	ssyncset.done $0x0  }
0x2d: {  	[sflag:s20] =	ssyncadd.s32 $0xFFFFE000  }
0x2e: {  	_ =	swait.ge [sflag:s21], $0x2000  }
0x2f: {  	[sflag:s21] =	ssyncset.done $0x0  }
0x30: {  	s1 =	simm.s32 $0x0;
	[sflag:s21] =	ssyncadd.s32 $0xFFFFE000  }
0x31: {  	v0 =	vld [tilespmem:s1+$0x5000];
	_ =	sdelay $0x3  }
0x32: {  	s0 =	simm.s32 $0xD040  }
0x33: {  	[tilespmem:s0+$0xFFFFFFC0] =	vst v0  }
0x34: {  	v0 =	vld [tilespmem:s1+$0x9000];
	_ =	sdelay $0x4  }
0x35: {  	[tilespmem:s0+$0x0] =	vst v0  }
0x36: {  	v0 =	vld [tilespmem:s1+$0x5010];
	_ =	sdelay $0x4  }
0x37: {  	[tilespmem:s0+$0xFFFFFFD0] =	vst v0  }
0x38: {  	v0 =	vld [tilespmem:s1+$0x9010];
	_ =	sdelay $0x4  }
0x39: {  	[tilespmem:s0+$0x10] =	vst v0  }
0x3a: {  	v0 =	vld [tilespmem:s1+$0x5020];
	_ =	sdelay $0x4  }
0x3b: {  	[tilespmem:s0+$0xFFFFFFE0] =	vst v0  }
0x3c: {  	v0 =	vld [tilespmem:s1+$0x9020];
	_ =	sdelay $0x4  }
0x3d: {  	[tilespmem:s0+$0x20] =	vst v0  }
0x3e: {  	v0 =	vld [tilespmem:s1+$0x5030];
	_ =	sdelay $0x4  }
0x3f: {  	[tilespmem:s0+$0xFFFFFFF0] =	vst v0  }
0x40: {  	v0 =	vld [tilespmem:s1+$0x9030];
	_ =	sdelay $0x4  }
0x41: {  	s31 =	sshll.u32 s30, $0x8;
	s15 =	simm.s32 $0x200;
	s1 =	simm.s32 $0x40;
	[tilespmem:s0+$0x30] =	vst v0  }
.LBB2_3:
0x42: {  	p0 =	sne.s32 s15, $0x7F00;
	v0 =	vld [tilespmem:s1+$0x5000];
	_ =	sdelay $0x3  }
0x43: {  	s0 =	sadd.s32 $0x80, s0  }
0x44: {  	[tilespmem:s0+$0xFFFFFFC0] =	vst v0  }
0x45: {  	v0 =	vld [tilespmem:s1+$0x9000];
	_ =	sdelay $0x4  }
0x46: {  	[tilespmem:s0+$0x0] =	vst v0  }
0x47: {  	v0 =	vld [tilespmem:s1+$0x5010];
	_ =	sdelay $0x4  }
0x48: {  	[tilespmem:s0+$0xFFFFFFD0] =	vst v0  }
0x49: {  	v0 =	vld [tilespmem:s1+$0x9010];
	_ =	sdelay $0x4  }
0x4a: {  	[tilespmem:s0+$0x10] =	vst v0  }
0x4b: {  	v0 =	vld [tilespmem:s1+$0x5020];
	_ =	sdelay $0x4  }
0x4c: {  	[tilespmem:s0+$0xFFFFFFE0] =	vst v0  }
0x4d: {  	v0 =	vld [tilespmem:s1+$0x9020];
	_ =	sdelay $0x4  }
0x4e: {  	[tilespmem:s0+$0x20] =	vst v0  }
0x4f: {  	v0 =	vld [tilespmem:s1+$0x5030];
	_ =	sdelay $0x4  }
0x50: {  	[tilespmem:s0+$0xFFFFFFF0] =	vst v0  }
0x51: {  	v0 =	vld [tilespmem:s1+$0x9030]  }
.Ltmp2:
0x52: {  	(pc) =	sbr.rel @p0 .LBB2_3-.Ltmp2, $2  }
0x53: {  	_ =	sdelay $0x2  }
0x54: {  	s1 =	sshra.s32 s15, $0x2;
	s15 =	sadd.s32 $0x100, s15;
	[tilespmem:s0+$0x30] =	vst v0  }
0x55: {  	v0 =	vld [tilespmem:s1+$0x5000];
	_ =	sdelay $0x3  }
0x56: {  	s0 =	sadd.s32 $0x80, s0  }
0x57: {  	[tilespmem:s0+$0xFFFFFFC0] =	vst v0  }
0x58: {  	v0 =	vld [tilespmem:s1+$0x9000];
	_ =	sdelay $0x4  }
0x59: {  	[tilespmem:s0+$0x0] =	vst v0  }
0x5a: {  	v0 =	vld [tilespmem:s1+$0x5010];
	_ =	sdelay $0x4  }
0x5b: {  	[tilespmem:s0+$0xFFFFFFD0] =	vst v0  }
0x5c: {  	v0 =	vld [tilespmem:s1+$0x9010];
	_ =	sdelay $0x4  }
0x5d: {  	[tilespmem:s0+$0x10] =	vst v0  }
0x5e: {  	v0 =	vld [tilespmem:s1+$0x5020];
	_ =	sdelay $0x4  }
0x5f: {  	[tilespmem:s0+$0xFFFFFFE0] =	vst v0  }
0x60: {  	v0 =	vld [tilespmem:s1+$0x9020];
	_ =	sdelay $0x4  }
0x61: {  	[tilespmem:s0+$0x20] =	vst v0  }
0x62: {  	v0 =	vld [tilespmem:s1+$0x5030];
	_ =	sdelay $0x4  }
0x63: {  	[tilespmem:s0+$0xFFFFFFF0] =	vst v0  }
0x64: {  	v0 =	vld [tilespmem:s1+$0x9030];
	_ =	sdelay $0x1  }
0x65: {  	s16 =	sshll.u32 s30, $0xF  }
0x66: {  	s1 =	sadd.s32 s9, s16  }
0x67: {  	p0 =	seq.s32 s30, $0x27;
	s1 =	sshrl.u32 s1, $0x3  }
0x68: {  	s15 =	simm.s32 @!p0 $0x5000;
	p1 =	seq.s32 @!p0 s30, $0x0;
	s18 =	sadd.s32 s6, s1;
	[tilespmem:s0+$0x30] =	vst v0  }
0x69: {  	[hbm4b:s18+s3] =	stream.linear.scatter [tilespmem:s22], [sflag:$0x5], $0x4000, $0x38;
	[tilespmem:$0x15000] =	vst v63  }
0x6a: {  	p1 =	por p0, !p1;
	s1 =	simm.s32 @!p0 $0x80;
	s0 =	sadd.s32 @!p0 $0x100, s31  }
0x6b: {  	[tilespmem:s15], [sflag:$0x1] =	stream.indirect.gather @!p0 [hbm4b:s2+s1], $0x40, s0, s1, $0xb8;
	[tilespmem:$0x15000] =	vst v63  }
.Ltmp3:
0x6c: {  	_ = 	snop;
	(pc) =	sbr.rel @!p1 .LBB2_6-.Ltmp3, $4  }
0x6d: {  	s0 =	sadd.s32 @!p0 $0x2900, s31;
	s15 =	simm.s32 @!p0 $0x9000  }
0x6e: {  	[tilespmem:s15], [sflag:$0x3] =	stream.indirect.gather @!p0 [hbm4b:s5+s1], $0x40, s0, s1, $0xb8;
	[tilespmem:$0x15000] =	vst v63  }
0x6f: {  	s0 =	sadd.s32 @!p0 s31, s4  }
0x70: {  	s1 =	sadd.s32 @!p0 $0x80, s0  }
0x71: {  	_ =	swait.ge [sflag:s28], $0x4000  }
0x72: {  	[sflag:s28] =	ssyncset.done $0x0  }
0x73: {  	s1 =	smov.u32 @p0 s10;
	[sflag:s28] =	ssyncadd.s32 $0xFFFFC000  }
.LBB2_6:
0x74: {  	_ =	swait.ge [sflag:s23], $0x2000  }
0x75: {  	[sflag:s23] =	ssyncset.done $0x0  }
0x76: {  	[sflag:s23] =	ssyncadd.s32 $0xFFFFE000  }
0x77: {  	_ =	swait.ge [sflag:s24], $0x2000  }
0x78: {  	[sflag:s24] =	ssyncset.done $0x0  }
0x79: {  	s15 =	simm.s32 $0x7030;
	[sflag:s24] =	ssyncadd.s32 $0xFFFFE000  }
0x7a: {  	v0 =	vld [tilespmem:s15+$0xFFFFFFD0];
	_ =	sdelay $0x3  }
0x7b: {  	s16 =	simm.s32 $0x0  }
0x7c: {  	s0 =	simm.s32 $0xB030;
	[tilespmem:s16+$0x11000] =	vst v0  }
0x7d: {  	v0 =	vld [tilespmem:s0+$0xFFFFFFD0];
	_ =	sdelay $0x4  }
0x7e: {  	[tilespmem:s16+$0x11040] =	vst v0  }
0x7f: {  	v0 =	vld [tilespmem:s15+$0xFFFFFFE0];
	_ =	sdelay $0x4  }
0x80: {  	[tilespmem:s16+$0x11010] =	vst v0  }
0x81: {  	v0 =	vld [tilespmem:s0+$0xFFFFFFE0];
	_ =	sdelay $0x4  }
0x82: {  	[tilespmem:s16+$0x11050] =	vst v0  }
0x83: {  	v0 =	vld [tilespmem:s15+$0xFFFFFFF0];
	_ =	sdelay $0x4  }
0x84: {  	[tilespmem:s16+$0x11020] =	vst v0  }
0x85: {  	v0 =	vld [tilespmem:s0+$0xFFFFFFF0];
	_ =	sdelay $0x4  }
0x86: {  	[tilespmem:s16+$0x11060] =	vst v0  }
0x87: {  	v0 =	vld [tilespmem:s15+$0x0];
	_ =	sdelay $0x4  }
0x88: {  	[tilespmem:s16+$0x11030] =	vst v0  }
0x89: {  	v0 =	vld [tilespmem:s0+$0x0];
	_ =	sdelay $0x4  }
0x8a: {  	s15 =	simm.s32 $0x7070;
	[tilespmem:s16+$0x11070] =	vst v0  }
0x8b: {  	s18 =	simm.s32 $0x400;
	s16 =	simm.s32 $0x200;
	v0 =	vld [tilespmem:s15+$0xFFFFFFD0]  }
.LBB2_7:
0x8c: {  	p1 =	sne.s32 s18, $0xFE00;
	_ =	sdelay $0x2  }
0x8d: {  	s7 =	sshra.s32 s16, $0x2;
	s16 =	smov.u32 s18  }
0x8e: {  	s0 =	sadd.s32 $0x40, s0;
	[tilespmem:s7+$0x11000] =	vst v0  }
0x8f: {  	v0 =	vld [tilespmem:s0+$0xFFFFFFD0];
	_ =	sdelay $0x4  }
0x90: {  	[tilespmem:s7+$0x11040] =	vst v0  }
0x91: {  	v0 =	vld [tilespmem:s15+$0xFFFFFFE0];
	_ =	sdelay $0x4  }
0x92: {  	[tilespmem:s7+$0x11010] =	vst v0  }
0x93: {  	v0 =	vld [tilespmem:s0+$0xFFFFFFE0];
	_ =	sdelay $0x4  }
0x94: {  	[tilespmem:s7+$0x11050] =	vst v0  }
0x95: {  	v0 =	vld [tilespmem:s15+$0xFFFFFFF0];
	_ =	sdelay $0x4  }
0x96: {  	[tilespmem:s7+$0x11020] =	vst v0  }
0x97: {  	v0 =	vld [tilespmem:s0+$0xFFFFFFF0];
	_ =	sdelay $0x4  }
0x98: {  	[tilespmem:s7+$0x11060] =	vst v0  }
0x99: {  	v0 =	vld [tilespmem:s15+$0x0];
	_ =	sdelay $0x4  }
0x9a: {  	[tilespmem:s7+$0x11030] =	vst v0  }
0x9b: {  	v0 =	vld [tilespmem:s0+$0x0];
	_ =	sdelay $0x1  }
.Ltmp4:
0x9c: {  	(pc) =	sbr.rel @p1 .LBB2_7-.Ltmp4, $3  }
0x9d: {  	_ =	sdelay $0x1  }
0x9e: {  	s15 =	sadd.s32 $0x40, s15;
	[tilespmem:s7+$0x11070] =	vst v0  }
0x9f: {  	s18 =	sadd.s32 $0x200, s18;
	v0 =	vld [tilespmem:s15+$0xFFFFFFD0]  }
0xa0: {  	_ =	sdelay $0x2  }
0xa1: {  	s7 =	sshra.s32 s16, $0x2  }
0xa2: {  	s0 =	sadd.s32 $0x40, s0;
	[tilespmem:s7+$0x11000] =	vst v0  }
0xa3: {  	v0 =	vld [tilespmem:s0+$0xFFFFFFD0];
	_ =	sdelay $0x4  }
0xa4: {  	[tilespmem:s7+$0x11040] =	vst v0  }
0xa5: {  	v0 =	vld [tilespmem:s15+$0xFFFFFFE0];
	_ =	sdelay $0x4  }
0xa6: {  	[tilespmem:s7+$0x11010] =	vst v0  }
0xa7: {  	v0 =	vld [tilespmem:s0+$0xFFFFFFE0];
	_ =	sdelay $0x4  }
0xa8: {  	[tilespmem:s7+$0x11050] =	vst v0  }
0xa9: {  	v0 =	vld [tilespmem:s15+$0xFFFFFFF0];
	_ =	sdelay $0x4  }
0xaa: {  	[tilespmem:s7+$0x11020] =	vst v0  }
0xab: {  	v0 =	vld [tilespmem:s0+$0xFFFFFFF0];
	_ =	sdelay $0x4  }
0xac: {  	[tilespmem:s7+$0x11060] =	vst v0  }
0xad: {  	v0 =	vld [tilespmem:s15+$0x0];
	_ =	sdelay $0x4  }
0xae: {  	[tilespmem:s7+$0x11030] =	vst v0  }
0xaf: {  	v0 =	vld [tilespmem:s0+$0x0];
	_ =	sdelay $0x1  }
.Ltmp5:
0xb0: {  	_ = 	snop;
	(pc) =	sbr.rel @p0 .LBB2_10-.Ltmp5, $4  }
0xb1: {  	s18 =	sshll.u32 s1, $0x4  }
0xb2: {  	s0 =	sand.u32 $0x1FFFF800, s18  }
0xb3: {  	s0 =	sadd.s32 s6, s0;
	[tilespmem:s7+$0x11070] =	vst v0  }
0xb4: {  	[hbm4b:s0+s3] =	stream.linear.scatter [tilespmem:s25], [sflag:$0x6], $0x4000, $0x38;
	[tilespmem:$0x15000] =	vst v63  }
.Ltmp6:
0xb5: {  	(pc) =	sbr.rel .LBB2_2-.Ltmp6, $4  }
0xb6: {  	s0 =	sadd.s32 $0x180, s31  }
0xb7: {  	[tilespmem:s17], [sflag:$0x2] =	stream.indirect.gather [hbm4b:s2+s14], $0x40, s0, s14, $0xb8;
	[tilespmem:$0x15000] =	vst v63  }
0xb8: {  	s31 =	sadd.s32 $0x2980, s31;
	s30 =	sadd.s32 $0x1, s30  }
0xb9: {  	[tilespmem:s19], [sflag:$0x4] =	stream.indirect.gather [hbm4b:s5+s14], $0x40, s31, s14, $0xb8;
	[tilespmem:$0x15000] =	vst v63  }
.LBB2_11:
0xba: {  	_ =	sfence.sel $0x180000  }
0xbb: {  	[bflag:$0x0] =	sbarrier.arrive $0xFFFF  }
0xbc: {  	_ =	strace $0x90000053  }
0xbd: {  	s0 =	stileid.u32;
	[bflag:$0x2] =	sbarrier.arrive $0xFFFF  }
0xbe: {  	p0 =	sne.s32 s0, $0x0;
	s0 =	rddreg [dreg:$0x2]  }
0xbf: {  	s0 =	sadd.s32 @!p0 $0x100000, s0  }
0xc0: {  	[sflag:s0] =	ssyncadd.tile.s32 @!p0 $0x1;
	_ =	shalt  }
.Lfunc_end2:
_tile_overlayer_lowered:
.L_overlay_start_2:
0xc1: {  	(tag) =	ssettag $0x2  }
0xc2: {  	s0 =	rddreg [dreg:$0x0];
	s2 =	stileid.u32  }
0xc3: {  	s1 =	rddreg [dreg:$0x1];
	p0 =	sne.s32 s2, $0x0  }
0xc4: {  	s3 =	rddreg [dreg:$0x2];
	[bflag:$0x3] =	sbarrier.arrive $0xFFFF;
	s2 =	simm.s32 @!p0 $0x1C07  }
0xc5: {  	[timem:s3], [sflag:s2] =	dma.local @!p0 [hbm:s0], s1  }
0xc6: {  	s0 =	simm.s32 @!p0 $0x7  }
0xc7: {  	_ =	swait.ge @!p0 [sflag:s0], s1  }
0xc8: {  	s1 =	ssub.s32 @!p0 $0x0, s1;
	[sflag:s0] =	ssyncset.done @!p0 $0x0  }
0xc9: {  	[sflag:s0] =	ssyncadd.s32 @!p0 s1  }
0xca: {  	[bflag:$0x3] =	sbarrier.arrive $0xFFFF  }
0xcb: {  	_ =	shalt  }

</sc_bundles>
